<compile_context>
chip_gen: v7x
topology: tpu7x:2x2x1
jax: 0.10.2.dev20260603
libtpu: 0.0.44.dev20260713+nightly
codegen_flags: <defaults>
</compile_context>

<pallas_src>
import functools
import jax
import jax.numpy as jnp
from jax import lax
from jax.experimental import pallas as pl
from jax.experimental.pallas import tpu as pltpu
from jax.experimental.pallas import tpu_sc as plsc

_NW = 32
_LANE = 16


def _make_detile(vocab, emb):
    n_vt = vocab // 128
    tail = vocab - n_vt * 128
    n_g = n_vt // 4
    per_w = (n_g + _NW - 1) // _NW
    mesh = plsc.VectorSubcoreMesh(core_axis_name="c", subcore_axis_name="s")

    @functools.partial(
        pl.kernel,
        mesh=mesh,
        out_type=jax.ShapeDtypeStruct((vocab * emb,), jnp.float32),
        scratch_types=[
            pltpu.VMEM((64, 521), jnp.float32),
            pltpu.VMEM((2 * 16384,), jnp.float32),
            pltpu.VMEM((tail * emb,), jnp.float32),
            pltpu.SemaphoreType.DMA((2,)),
            pltpu.SemaphoreType.DMA((2,)),
        ],
        compiler_params=pltpu.CompilerParams(
            use_tc_tiling_on_sc=True, needs_layout_passes=False
        ),
    )
    def detile_kernel(table_t, tail_rm, tr_out, vin, vout, vtail, lsem, osem):
        wid = lax.axis_index("s") * 2 + lax.axis_index("c")
        lanes = lax.iota(jnp.int32, _LANE)

        def fire_loads(gi, p):
            for eh in range(4):
                pltpu.async_copy(
                    table_t.at[pl.ds(eh * 8, 8), pl.ds(gi * 512, 512)],
                    vin.at[pl.ds(p * 32 + eh * 8, 8), pl.ds(0, 512)],
                    lsem.at[p],
                )

        def wait_loads(p):
            pltpu.make_async_copy(
                table_t.at[pl.ds(0, 32), pl.ds(0, 512)],
                vin.at[pl.ds(p * 32, 32), pl.ds(0, 512)],
                lsem.at[p],
            ).wait()

        def wait_out(s):
            pltpu.make_async_copy(
                vout.at[pl.ds(s * 16384, 16384)],
                tr_out.at[pl.ds(0, 16384)],
                osem.at[s],
            ).wait()

        def transpose_and_write(gi, p, s):
            row0 = lanes + p * 32
            row1 = row0 + 16
            for k in range(4):
                so = s * 16384 + k * 4096

                @plsc.parallel_loop(0, 128, unroll=8)
                def _(vl):
                    vlv = lanes * 0 + (k * 128 + vl)
                    vout[pl.ds(so + vl * 32, _LANE)] = plsc.load_gather(
                        vin, [row0, vlv]
                    )
                    vout[pl.ds(so + vl * 32 + 16, _LANE)] = plsc.load_gather(
                        vin, [row1, vlv]
                    )

            pltpu.async_copy(
                vout.at[pl.ds(s * 16384, 16384)],
                tr_out.at[pl.ds(gi * 16384, 16384)],
                osem.at[s],
            )

        fire_loads(wid, 0)

        @pl.loop(0, per_w)
        def _(i):
            gi = i * _NW + wid
            gi_next = gi + _NW
            p = lax.rem(i, 2)

            @pl.when(gi_next < n_g)
            def _():
                fire_loads(gi_next, 1 - p)

            @pl.when(gi < n_g)
            def _():
                wait_loads(p)

                @pl.when(i >= 2)
                def _():
                    wait_out(p)

                transpose_and_write(gi, p, p)

        for d in range(max(0, per_w - 3), per_w):
            gi_d = d * _NW + wid

            @pl.when((gi_d < n_g) & (gi_d + 2 * _NW >= n_g))
            def _():
                wait_out(d % 2)

        @pl.when(wid == 0)
        def _():
            pltpu.sync_copy(tail_rm, vtail)
            pltpu.sync_copy(vtail, tr_out.at[pl.ds(n_vt * 4096, tail * emb)])

    return detile_kernel


def _make_gather(n_rows, vocab, emb):
    rows_per_w = n_rows // _NW
    chunk = 8
    n_chunks = rows_per_w // chunk
    mesh = plsc.VectorSubcoreMesh(core_axis_name="c", subcore_axis_name="s")

    @functools.partial(
        pl.kernel,
        mesh=mesh,
        out_type=jax.ShapeDtypeStruct((200 * 131072,), jnp.float32),
        scratch_types=[
            pltpu.VMEM((2 * chunk, 128), jnp.int32),
            pltpu.VMEM((2 * chunk * 128, emb), jnp.float32),
            pltpu.VMEM((chunk * 128 * emb,), jnp.float32),
            pltpu.SemaphoreType.DMA((2,)),
            pltpu.SemaphoreType.DMA,
        ],
        compiler_params=pltpu.CompilerParams(
            use_tc_tiling_on_sc=False, needs_layout_passes=False
        ),
    )
    def gather_kernel(idx_hbm, table_rm, out_hbm, idx_v, rows_v, stg, gsem, osem):
        wid = lax.axis_index("s") * 2 + lax.axis_index("c")
        base_row = wid * rows_per_w
        lanes = lax.iota(jnp.int32, _LANE)

        def fire_chunk(c, p):
            r = base_row + c * chunk
            pltpu.sync_copy(
                idx_hbm.at[pl.ds(r, chunk)], idx_v.at[pl.ds(p * chunk, chunk)]
            )
            for j in range(chunk):
                pltpu.async_copy(
                    table_rm.at[idx_v.at[p * chunk + j]],
                    rows_v.at[pl.ds((p * chunk + j) * 128, 128)],
                    gsem.at[p],
                )

        def wait_gathers(p):
            pltpu.make_async_copy(
                table_rm.at[pl.ds(0, chunk * 128)],
                rows_v.at[pl.ds(p * chunk * 128, chunk * 128)],
                gsem.at[p],
            ).wait()

        def wait_outs():
            pltpu.make_async_copy(
                stg, out_hbm.at[pl.ds(0, chunk * 128 * emb)], osem
            ).wait()

        def emit_chunk(ec, p):
            r = base_row + ec * chunk
            l = lax.div(r, 32)
            bj0 = lax.rem(r, 32)

            @pl.when(ec >= 1)
            def _():
                wait_outs()

            @pl.loop(0, chunk)
            def _(j):
                src0 = (p * chunk + j) * 128
                dst0 = j * 1024
                rowv = [lanes + (src0 + b0) for b0 in range(0, 128, _LANE)]

                @plsc.parallel_loop(0, emb, unroll=4)
                def _(e):
                    ev = lanes * 0 + e
                    do = lax.div(e, 8) * 8192 + dst0 + lax.rem(e, 8) * 128
                    for bi in range(8):
                        vals = plsc.load_gather(rows_v, [rowv[bi], ev])
                        stg[pl.ds(do + bi * _LANE, _LANE)] = vals

            for eh in range(4):
                pltpu.async_copy(
                    stg.at[pl.ds(eh * 8192, 8192)],
                    out_hbm.at[
                        pl.ds(l * 131072 + eh * 32 * 1024 + bj0 * 1024, 8192)
                    ],
                    osem,
                )

        fire_chunk(0, 0)

        @pl.loop(0, (n_chunks - 1) // 2)
        def _(g):
            for t in range(2):
                c = 1 + g * 2 + t
                p = (1 + t) % 2
                fire_chunk(c, p)
                wait_gathers(1 - p)
                emit_chunk(c - 1, 1 - p)

        p_last = (n_chunks - 1) % 2
        wait_gathers(p_last)
        emit_chunk(n_chunks - 1, p_last)
        wait_outs()

    return gather_kernel


def kernel(x, table):
    b, l = x.shape
    vocab, emb = table.shape
    n = b * l

    table_t = table.T
    n_vt = vocab // 128
    tail_rm = table[n_vt * 128:, :].reshape(-1)
    tr = _make_detile(vocab, emb)(table_t, tail_rm)
    table_rm = tr.reshape(vocab, emb)

    idx = x.T.reshape(n // 128, 128)
    out5 = _make_gather(n // 128, vocab, emb)(idx, table_rm)

    out = (
        out5.reshape(l, 4, 32, 8, 128)
        .transpose(2, 4, 0, 1, 3)
        .reshape(b, l, emb)
    )
    return out

# --- scband reference (transcript-rebuilt; emitter-appended) ---
"""Pipeline reference for scband-token-embeddings-62234076119397 (READ-ONLY COPY).

The authoritative reference and input builder live on the scoring server;
editing this copy changes nothing except your own understanding.
"""

import jax, jax.numpy as jnp
import numpy as np

VOCAB = 1000000
EMB = 32
B = 4096
L = 200

def setup_inputs(seed: int = 0) -> dict:
    key = jax.random.key(seed)
    k_idx, k_tab = jax.random.split(key)
    x = jax.random.randint(k_idx, (B, L), 0, VOCAB, dtype=jnp.int64) if jax.config.jax_enable_x64 else jax.random.randint(k_idx, (B, L), 0, VOCAB, dtype=jnp.int32)
    table = jax.random.normal(k_tab, (VOCAB, EMB), dtype=jnp.float32)
    return {"x": x, "table": table}

def reference(x, table):
    # torch.nn.Embedding forward: row gather from embedding table
    return jnp.take(table, x, axis=0)

if __name__ == "__main__":
    import jax
    _d = setup_inputs()
    print(jax.jit(kernel)(*tuple(_d.values())))

</pallas_src>

<mosaic_0001>
#map = affine_map<(d0, d1) -> (0, 0)>
#map1 = affine_map<(d0, d1) -> (0)>
module attributes {stable_mosaic.version = 14 : i64} {
  func.func @detile_kernel(%arg0: i32, %arg1: i32, %arg2: memref<32x1000000xf32, #tpu.memory_space<hbm>>, %arg3: memref<2048xf32, #tpu.memory_space<hbm>>, %arg4: memref<32000000xf32, #tpu.memory_space<hbm>>, %arg5: memref<64x521xf32, #tpu.memory_space<vmem>>, %arg6: memref<32768xf32, #tpu.memory_space<vmem>>, %arg7: memref<2048xf32, #tpu.memory_space<vmem>>, %arg8: memref<2x!tpu.dma_semaphore, #tpu.memory_space<semaphore_mem>>, %arg9: memref<2x!tpu.dma_semaphore, #tpu.memory_space<semaphore_mem>>) attributes {dimension_semantics = [#tpu.dimension_semantics<core_parallel>, #tpu.dimension_semantics<subcore_parallel>], iteration_bounds = array<i64: 2, 16>, scalar_prefetch = 0 : i64, scratch_operands = 5 : i64, tpu.core_type = #tpu.core_type<sc_vector_subcore>, window_params = [{transform_indices = #map}, {transform_indices = #map1}, {transform_indices = #map1}]} {
    %mul3A = arith.constant 2 : i32
    %mul3A_0 = arith.muli %arg1, %mul3A : i32
    %add3A = arith.addi %mul3A_0, %arg0 : i32
    %iota3A = tpu.iota {dimensions = array<i32: 0>} : vector<16xi32>
    %mul3A_1 = arith.constant 512 : i32
    %mul3A_2 = arith.muli %add3A, %mul3A_1 : i32
    %dma_start3A = arith.constant 0 : i32
    %dma_start3A_3 = arith.constant 0 : i32
    %dma_start3A_4 = arith.constant 0 : i32
    %dma_start3A_5 = tpu.memref_slice %arg5[%dma_start3A_3, %dma_start3A_4] : memref<64x521xf32, #tpu.memory_space<vmem>> -> memref<8x512xf32, #tpu.memory_space<vmem>>
    %dma_start3A_6 = arith.constant 0 : i32
    %dma_start3A_7 = tpu.memref_slice %arg2[%dma_start3A_6, %mul3A_2] : memref<32x1000000xf32, #tpu.memory_space<hbm>> -> memref<8x512xf32, #tpu.memory_space<hbm>>
    %dma_start3A_8 = tpu.memref_slice %arg8[%dma_start3A] : memref<2x!tpu.dma_semaphore, #tpu.memory_space<semaphore_mem>> -> memref<1x!tpu.dma_semaphore, #tpu.memory_space<semaphore_mem>>
    %dma_start3A_9 = tpu.memref_squeeze %dma_start3A_8 : memref<1x!tpu.dma_semaphore, #tpu.memory_space<semaphore_mem>> -> memref<!tpu.dma_semaphore, #tpu.memory_space<semaphore_mem>>
    %dma_start3A_10 = arith.constant 0 : i32
    %dma_start3A_11 = arith.constant 0 : i32
    %dma_start3A_12 = tpu.memref_slice %arg5[%dma_start3A_10, %dma_start3A_11] : memref<64x521xf32, #tpu.memory_space<vmem>> -> memref<8x512xf32, #tpu.memory_space<vmem>>
    %dma_start3A_13 = arith.constant 0 : i32
    %dma_start3A_14 = tpu.memref_slice %arg2[%dma_start3A_13, %mul3A_2] : memref<32x1000000xf32, #tpu.memory_space<hbm>> -> memref<8x512xf32, #tpu.memory_space<hbm>>
    tpu.enqueue_dma source(%dma_start3A_14 : memref<8x512xf32, #tpu.memory_space<hbm>>) target(%dma_start3A_12 : memref<8x512xf32, #tpu.memory_space<vmem>>) target_semaphore(%dma_start3A_9 : memref<!tpu.dma_semaphore, #tpu.memory_space<semaphore_mem>>)
    %mul3A_15 = arith.constant 512 : i32
    %mul3A_16 = arith.muli %add3A, %mul3A_15 : i32
    %dma_start3A_17 = arith.constant 0 : i32
    %dma_start3A_18 = arith.constant 8 : i32
    %dma_start3A_19 = arith.constant 0 : i32
    %dma_start3A_20 = tpu.memref_slice %arg5[%dma_start3A_18, %dma_start3A_19] : memref<64x521xf32, #tpu.memory_space<vmem>> -> memref<8x512xf32, #tpu.memory_space<vmem>>
    %dma_start3A_21 = arith.constant 8 : i32
    %dma_start3A_22 = tpu.memref_slice %arg2[%dma_start3A_21, %mul3A_16] : memref<32x1000000xf32, #tpu.memory_space<hbm>> -> memref<8x512xf32, #tpu.memory_space<hbm>>
    %dma_start3A_23 = tpu.memref_slice %arg8[%dma_start3A_17] : memref<2x!tpu.dma_semaphore, #tpu.memory_space<semaphore_mem>> -> memref<1x!tpu.dma_semaphore, #tpu.memory_space<semaphore_mem>>
    %dma_start3A_24 = tpu.memref_squeeze %dma_start3A_23 : memref<1x!tpu.dma_semaphore, #tpu.memory_space<semaphore_mem>> -> memref<!tpu.dma_semaphore, #tpu.memory_space<semaphore_mem>>
    %dma_start3A_25 = arith.constant 8 : i32
    %dma_start3A_26 = arith.constant 0 : i32
    %dma_start3A_27 = tpu.memref_slice %arg5[%dma_start3A_25, %dma_start3A_26] : memref<64x521xf32, #tpu.memory_space<vmem>> -> memref<8x512xf32, #tpu.memory_space<vmem>>
    %dma_start3A_28 = arith.constant 8 : i32
    %dma_start3A_29 = tpu.memref_slice %arg2[%dma_start3A_28, %mul3A_16] : memref<32x1000000xf32, #tpu.memory_space<hbm>> -> memref<8x512xf32, #tpu.memory_space<hbm>>
    tpu.enqueue_dma source(%dma_start3A_29 : memref<8x512xf32, #tpu.memory_space<hbm>>) target(%dma_start3A_27 : memref<8x512xf32, #tpu.memory_space<vmem>>) target_semaphore(%dma_start3A_24 : memref<!tpu.dma_semaphore, #tpu.memory_space<semaphore_mem>>)
    %mul3A_30 = arith.constant 512 : i32
    %mul3A_31 = arith.muli %add3A, %mul3A_30 : i32
    %dma_start3A_32 = arith.constant 0 : i32
    %dma_start3A_33 = arith.constant 16 : i32
    %dma_start3A_34 = arith.constant 0 : i32
    %dma_start3A_35 = tpu.memref_slice %arg5[%dma_start3A_33, %dma_start3A_34] : memref<64x521xf32, #tpu.memory_space<vmem>> -> memref<8x512xf32, #tpu.memory_space<vmem>>
    %dma_start3A_36 = arith.constant 16 : i32
    %dma_start3A_37 = tpu.memref_slice %arg2[%dma_start3A_36, %mul3A_31] : memref<32x1000000xf32, #tpu.memory_space<hbm>> -> memref<8x512xf32, #tpu.memory_space<hbm>>
    %dma_start3A_38 = tpu.memref_slice %arg8[%dma_start3A_32] : memref<2x!tpu.dma_semaphore, #tpu.memory_space<semaphore_mem>> -> memref<1x!tpu.dma_semaphore, #tpu.memory_space<semaphore_mem>>
    %dma_start3A_39 = tpu.memref_squeeze %dma_start3A_38 : memref<1x!tpu.dma_semaphore, #tpu.memory_space<semaphore_mem>> -> memref<!tpu.dma_semaphore, #tpu.memory_space<semaphore_mem>>
    %dma_start3A_40 = arith.constant 16 : i32
    %dma_start3A_41 = arith.constant 0 : i32
    %dma_start3A_42 = tpu.memref_slice %arg5[%dma_start3A_40, %dma_start3A_41] : memref<64x521xf32, #tpu.memory_space<vmem>> -> memref<8x512xf32, #tpu.memory_space<vmem>>
    %dma_start3A_43 = arith.constant 16 : i32
    %dma_start3A_44 = tpu.memref_slice %arg2[%dma_start3A_43, %mul3A_31] : memref<32x1000000xf32, #tpu.memory_space<hbm>> -> memref<8x512xf32, #tpu.memory_space<hbm>>
    tpu.enqueue_dma source(%dma_start3A_44 : memref<8x512xf32, #tpu.memory_space<hbm>>) target(%dma_start3A_42 : memref<8x512xf32, #tpu.memory_space<vmem>>) target_semaphore(%dma_start3A_39 : memref<!tpu.dma_semaphore, #tpu.memory_space<semaphore_mem>>)
    %mul3A_45 = arith.constant 512 : i32
    %mul3A_46 = arith.muli %add3A, %mul3A_45 : i32
    %dma_start3A_47 = arith.constant 0 : i32
    %dma_start3A_48 = arith.constant 24 : i32
    %dma_start3A_49 = arith.constant 0 : i32
    %dma_start3A_50 = tpu.memref_slice %arg5[%dma_start3A_48, %dma_start3A_49] : memref<64x521xf32, #tpu.memory_space<vmem>> -> memref<8x512xf32, #tpu.memory_space<vmem>>
    %dma_start3A_51 = arith.constant 24 : i32
    %dma_start3A_52 = tpu.memref_slice %arg2[%dma_start3A_51, %mul3A_46] : memref<32x1000000xf32, #tpu.memory_space<hbm>> -> memref<8x512xf32, #tpu.memory_space<hbm>>
    %dma_start3A_53 = tpu.memref_slice %arg8[%dma_start3A_47] : memref<2x!tpu.dma_semaphore, #tpu.memory_space<semaphore_mem>> -> memref<1x!tpu.dma_semaphore, #tpu.memory_space<semaphore_mem>>
    %dma_start3A_54 = tpu.memref_squeeze %dma_start3A_53 : memref<1x!tpu.dma_semaphore, #tpu.memory_space<semaphore_mem>> -> memref<!tpu.dma_semaphore, #tpu.memory_space<semaphore_mem>>
    %dma_start3A_55 = arith.constant 24 : i32
    %dma_start3A_56 = arith.constant 0 : i32
    %dma_start3A_57 = tpu.memref_slice %arg5[%dma_start3A_55, %dma_start3A_56] : memref<64x521xf32, #tpu.memory_space<vmem>> -> memref<8x512xf32, #tpu.memory_space<vmem>>
    %dma_start3A_58 = arith.constant 24 : i32
    %dma_start3A_59 = tpu.memref_slice %arg2[%dma_start3A_58, %mul3A_46] : memref<32x1000000xf32, #tpu.memory_space<hbm>> -> memref<8x512xf32, #tpu.memory_space<hbm>>
    tpu.enqueue_dma source(%dma_start3A_59 : memref<8x512xf32, #tpu.memory_space<hbm>>) target(%dma_start3A_57 : memref<8x512xf32, #tpu.memory_space<vmem>>) target_semaphore(%dma_start3A_54 : memref<!tpu.dma_semaphore, #tpu.memory_space<semaphore_mem>>)
    %scan3A = arith.constant 0 : i32
    %scan3A_60 = arith.constant 62 : i32
    %scan3A_61 = arith.addi %scan3A, %scan3A_60 : i32
    %scan3A_62 = arith.constant 1 : i32
    scf.for %scan3A_99 = %scan3A to %scan3A_61 step %scan3A_62  : i32 {
      %mul3A_100 = arith.constant 1 : i32
      %mul3A_101 = arith.muli %scan3A_99, %mul3A_100 : i32
      %add3A_102 = arith.constant 0 : i32
      %add3A_103 = arith.addi %add3A_102, %mul3A_101 : i32
      %mul3A_104 = arith.constant 32 : i32
      %mul3A_105 = arith.muli %add3A_103, %mul3A_104 : i32
      %add3A_106 = arith.addi %mul3A_105, %add3A : i32
      %add3A_107 = arith.constant 32 : i32
      %add3A_108 = arith.addi %add3A_106, %add3A_107 : i32
      %rem3A = arith.constant 2 : i32
      %rem3A_109 = arith.remsi %add3A_103, %rem3A : i32
      %lt3A_110 = arith.constant 1953 : i32
      %lt3A_111 = arith.cmpi slt, %add3A_108, %lt3A_110 : i32
      %convert_element_type3A_112 = arith.extui %lt3A_111 : i1 to i32
      %cond3A_113 = arith.constant 0 : i32
      %cond3A_114 = arith.cmpi ne, %convert_element_type3A_112, %cond3A_113 : i32
      scf.if %cond3A_114 {
        %sub3A = arith.constant 1 : i32
        %sub3A_120 = arith.subi %sub3A, %rem3A_109 : i32
        %mul3A_121 = arith.constant 512 : i32
        %mul3A_122 = arith.muli %add3A_108, %mul3A_121 : i32
        %mul3A_123 = arith.constant 32 : i32
        %mul3A_124 = arith.muli %sub3A_120, %mul3A_123 : i32
        %add3A_125 = arith.constant 0 : i32
        %add3A_126 = arith.addi %mul3A_124, %add3A_125 : i32
        %dma_start3A_127 = arith.constant 0 : i32
        %dma_start3A_128 = tpu.memref_slice %arg5[%add3A_126, %dma_start3A_127] : memref<64x521xf32, #tpu.memory_space<vmem>> -> memref<8x512xf32, #tpu.memory_space<vmem>>
        %dma_start3A_129 = arith.constant 0 : i32
        %dma_start3A_130 = tpu.memref_slice %arg2[%dma_start3A_129, %mul3A_122] : memref<32x1000000xf32, #tpu.memory_space<hbm>> -> memref<8x512xf32, #tpu.memory_space<hbm>>
        %dma_start3A_131 = tpu.memref_slice %arg8[%sub3A_120] : memref<2x!tpu.dma_semaphore, #tpu.memory_space<semaphore_mem>> -> memref<1x!tpu.dma_semaphore, #tpu.memory_space<semaphore_mem>>
        %dma_start3A_132 = tpu.memref_squeeze %dma_start3A_131 : memref<1x!tpu.dma_semaphore, #tpu.memory_space<semaphore_mem>> -> memref<!tpu.dma_semaphore, #tpu.memory_space<semaphore_mem>>
        %dma_start3A_133 = arith.constant 0 : i32
        %dma_start3A_134 = tpu.memref_slice %arg5[%add3A_126, %dma_start3A_133] : memref<64x521xf32, #tpu.memory_space<vmem>> -> memref<8x512xf32, #tpu.memory_space<vmem>>
        %dma_start3A_135 = arith.constant 0 : i32
        %dma_start3A_136 = tpu.memref_slice %arg2[%dma_start3A_135, %mul3A_122] : memref<32x1000000xf32, #tpu.memory_space<hbm>> -> memref<8x512xf32, #tpu.memory_space<hbm>>
        tpu.enqueue_dma source(%dma_start3A_136 : memref<8x512xf32, #tpu.memory_space<hbm>>) target(%dma_start3A_134 : memref<8x512xf32, #tpu.memory_space<vmem>>) target_semaphore(%dma_start3A_132 : memref<!tpu.dma_semaphore, #tpu.memory_space<semaphore_mem>>)
        %mul3A_137 = arith.constant 512 : i32
        %mul3A_138 = arith.muli %add3A_108, %mul3A_137 : i32
        %mul3A_139 = arith.constant 32 : i32
        %mul3A_140 = arith.muli %sub3A_120, %mul3A_139 : i32
        %add3A_141 = arith.constant 8 : i32
        %add3A_142 = arith.addi %mul3A_140, %add3A_141 : i32
        %dma_start3A_143 = arith.constant 0 : i32
        %dma_start3A_144 = tpu.memref_slice %arg5[%add3A_142, %dma_start3A_143] : memref<64x521xf32, #tpu.memory_space<vmem>> -> memref<8x512xf32, #tpu.memory_space<vmem>>
        %dma_start3A_145 = arith.constant 8 : i32
        %dma_start3A_146 = tpu.memref_slice %arg2[%dma_start3A_145, %mul3A_138] : memref<32x1000000xf32, #tpu.memory_space<hbm>> -> memref<8x512xf32, #tpu.memory_space<hbm>>
        %dma_start3A_147 = tpu.memref_slice %arg8[%sub3A_120] : memref<2x!tpu.dma_semaphore, #tpu.memory_space<semaphore_mem>> -> memref<1x!tpu.dma_semaphore, #tpu.memory_space<semaphore_mem>>
        %dma_start3A_148 = tpu.memref_squeeze %dma_start3A_147 : memref<1x!tpu.dma_semaphore, #tpu.memory_space<semaphore_mem>> -> memref<!tpu.dma_semaphore, #tpu.memory_space<semaphore_mem>>
        %dma_start3A_149 = arith.constant 0 : i32
        %dma_start3A_150 = tpu.memref_slice %arg5[%add3A_142, %dma_start3A_149] : memref<64x521xf32, #tpu.memory_space<vmem>> -> memref<8x512xf32, #tpu.memory_space<vmem>>
        %dma_start3A_151 = arith.constant 8 : i32
        %dma_start3A_152 = tpu.memref_slice %arg2[%dma_start3A_151, %mul3A_138] : memref<32x1000000xf32, #tpu.memory_space<hbm>> -> memref<8x512xf32, #tpu.memory_space<hbm>>
        tpu.enqueue_dma source(%dma_start3A_152 : memref<8x512xf32, #tpu.memory_space<hbm>>) target(%dma_start3A_150 : memref<8x512xf32, #tpu.memory_space<vmem>>) target_semaphore(%dma_start3A_148 : memref<!tpu.dma_semaphore, #tpu.memory_space<semaphore_mem>>)
        %mul3A_153 = arith.constant 512 : i32
        %mul3A_154 = arith.muli %add3A_108, %mul3A_153 : i32
        %mul3A_155 = arith.constant 32 : i32
        %mul3A_156 = arith.muli %sub3A_120, %mul3A_155 : i32
        %add3A_157 = arith.constant 16 : i32
        %add3A_158 = arith.addi %mul3A_156, %add3A_157 : i32
        %dma_start3A_159 = arith.constant 0 : i32
        %dma_start3A_160 = tpu.memref_slice %arg5[%add3A_158, %dma_start3A_159] : memref<64x521xf32, #tpu.memory_space<vmem>> -> memref<8x512xf32, #tpu.memory_space<vmem>>
        %dma_start3A_161 = arith.constant 16 : i32
        %dma_start3A_162 = tpu.memref_slice %arg2[%dma_start3A_161, %mul3A_154] : memref<32x1000000xf32, #tpu.memory_space<hbm>> -> memref<8x512xf32, #tpu.memory_space<hbm>>
        %dma_start3A_163 = tpu.memref_slice %arg8[%sub3A_120] : memref<2x!tpu.dma_semaphore, #tpu.memory_space<semaphore_mem>> -> memref<1x!tpu.dma_semaphore, #tpu.memory_space<semaphore_mem>>
        %dma_start3A_164 = tpu.memref_squeeze %dma_start3A_163 : memref<1x!tpu.dma_semaphore, #tpu.memory_space<semaphore_mem>> -> memref<!tpu.dma_semaphore, #tpu.memory_space<semaphore_mem>>
        %dma_start3A_165 = arith.constant 0 : i32
        %dma_start3A_166 = tpu.memref_slice %arg5[%add3A_158, %dma_start3A_165] : memref<64x521xf32, #tpu.memory_space<vmem>> -> memref<8x512xf32, #tpu.memory_space<vmem>>
        %dma_start3A_167 = arith.constant 16 : i32
        %dma_start3A_168 = tpu.memref_slice %arg2[%dma_start3A_167, %mul3A_154] : memref<32x1000000xf32, #tpu.memory_space<hbm>> -> memref<8x512xf32, #tpu.memory_space<hbm>>
        tpu.enqueue_dma source(%dma_start3A_168 : memref<8x512xf32, #tpu.memory_space<hbm>>) target(%dma_start3A_166 : memref<8x512xf32, #tpu.memory_space<vmem>>) target_semaphore(%dma_start3A_164 : memref<!tpu.dma_semaphore, #tpu.memory_space<semaphore_mem>>)
        %mul3A_169 = arith.constant 512 : i32
        %mul3A_170 = arith.muli %add3A_108, %mul3A_169 : i32
        %mul3A_171 = arith.constant 32 : i32
        %mul3A_172 = arith.muli %sub3A_120, %mul3A_171 : i32
        %add3A_173 = arith.constant 24 : i32
        %add3A_174 = arith.addi %mul3A_172, %add3A_173 : i32
        %dma_start3A_175 = arith.constant 0 : i32
        %dma_start3A_176 = tpu.memref_slice %arg5[%add3A_174, %dma_start3A_175] : memref<64x521xf32, #tpu.memory_space<vmem>> -> memref<8x512xf32, #tpu.memory_space<vmem>>
        %dma_start3A_177 = arith.constant 24 : i32
        %dma_start3A_178 = tpu.memref_slice %arg2[%dma_start3A_177, %mul3A_170] : memref<32x1000000xf32, #tpu.memory_space<hbm>> -> memref<8x512xf32, #tpu.memory_space<hbm>>
        %dma_start3A_179 = tpu.memref_slice %arg8[%sub3A_120] : memref<2x!tpu.dma_semaphore, #tpu.memory_space<semaphore_mem>> -> memref<1x!tpu.dma_semaphore, #tpu.memory_space<semaphore_mem>>
        %dma_start3A_180 = tpu.memref_squeeze %dma_start3A_179 : memref<1x!tpu.dma_semaphore, #tpu.memory_space<semaphore_mem>> -> memref<!tpu.dma_semaphore, #tpu.memory_space<semaphore_mem>>
        %dma_start3A_181 = arith.constant 0 : i32
        %dma_start3A_182 = tpu.memref_slice %arg5[%add3A_174, %dma_start3A_181] : memref<64x521xf32, #tpu.memory_space<vmem>> -> memref<8x512xf32, #tpu.memory_space<vmem>>
        %dma_start3A_183 = arith.constant 24 : i32
        %dma_start3A_184 = tpu.memref_slice %arg2[%dma_start3A_183, %mul3A_170] : memref<32x1000000xf32, #tpu.memory_space<hbm>> -> memref<8x512xf32, #tpu.memory_space<hbm>>
        tpu.enqueue_dma source(%dma_start3A_184 : memref<8x512xf32, #tpu.memory_space<hbm>>) target(%dma_start3A_182 : memref<8x512xf32, #tpu.memory_space<vmem>>) target_semaphore(%dma_start3A_180 : memref<!tpu.dma_semaphore, #tpu.memory_space<semaphore_mem>>)
      } else {
      }
      %lt3A_115 = arith.constant 1953 : i32
      %lt3A_116 = arith.cmpi slt, %add3A_106, %lt3A_115 : i32
      %convert_element_type3A_117 = arith.extui %lt3A_116 : i1 to i32
      %cond3A_118 = arith.constant 0 : i32
      %cond3A_119 = arith.cmpi ne, %convert_element_type3A_117, %cond3A_118 : i32
      scf.if %cond3A_119 {
        %mul3A_120 = arith.constant 32 : i32
        %mul3A_121 = arith.muli %rem3A_109, %mul3A_120 : i32
        %dma_wait3A = arith.constant 0 : i32
        %dma_wait3A_122 = tpu.memref_slice %arg5[%mul3A_121, %dma_wait3A] : memref<64x521xf32, #tpu.memory_space<vmem>> -> memref<32x512xf32, #tpu.memory_space<vmem>>
        %dma_wait3A_123 = arith.constant 0 : i32
        %dma_wait3A_124 = arith.constant 0 : i32
        %dma_wait3A_125 = tpu.memref_slice %arg2[%dma_wait3A_123, %dma_wait3A_124] : memref<32x1000000xf32, #tpu.memory_space<hbm>> -> memref<32x512xf32, #tpu.memory_space<hbm>>
        %dma_wait3A_126 = tpu.memref_slice %arg8[%rem3A_109] : memref<2x!tpu.dma_semaphore, #tpu.memory_space<semaphore_mem>> -> memref<1x!tpu.dma_semaphore, #tpu.memory_space<semaphore_mem>>
        %dma_wait3A_127 = tpu.memref_squeeze %dma_wait3A_126 : memref<1x!tpu.dma_semaphore, #tpu.memory_space<semaphore_mem>> -> memref<!tpu.dma_semaphore, #tpu.memory_space<semaphore_mem>>
        %dma_wait3A_128 = arith.constant 0 : i32
        %dma_wait3A_129 = tpu.memref_slice %arg5[%mul3A_121, %dma_wait3A_128] : memref<64x521xf32, #tpu.memory_space<vmem>> -> memref<32x512xf32, #tpu.memory_space<vmem>>
        %dma_wait3A_130 = arith.constant 0 : i32
        %dma_wait3A_131 = arith.constant 0 : i32
        %dma_wait3A_132 = tpu.memref_slice %arg2[%dma_wait3A_130, %dma_wait3A_131] : memref<32x1000000xf32, #tpu.memory_space<hbm>> -> memref<32x512xf32, #tpu.memory_space<hbm>>
        tpu.wait_dma2 semaphore(%dma_wait3A_127 : memref<!tpu.dma_semaphore, #tpu.memory_space<semaphore_mem>>) src(%dma_wait3A_132 : memref<32x512xf32, #tpu.memory_space<hbm>>) dst(%dma_wait3A_129 : memref<32x512xf32, #tpu.memory_space<vmem>>)
        %ge3A_133 = arith.constant 2 : i32
        %ge3A_134 = arith.cmpi sge, %add3A_103, %ge3A_133 : i32
        %convert_element_type3A_135 = arith.extui %ge3A_134 : i1 to i32
        %cond3A_136 = arith.constant 0 : i32
        %cond3A_137 = arith.cmpi ne, %convert_element_type3A_135, %cond3A_136 : i32
        scf.if %cond3A_137 {
          %mul3A_182 = arith.constant 16384 : i32
          %mul3A_183 = arith.muli %rem3A_109, %mul3A_182 : i32
          %dma_wait3A_184 = tpu.memref_slice %arg6[%mul3A_183] : memref<32768xf32, #tpu.memory_space<vmem>> -> memref<16384xf32, #tpu.memory_space<vmem>>
          %dma_wait3A_185 = arith.constant 0 : i32
          %dma_wait3A_186 = tpu.memref_slice %arg4[%dma_wait3A_185] : memref<32000000xf32, #tpu.memory_space<hbm>> -> memref<16384xf32, #tpu.memory_space<hbm>>
          %dma_wait3A_187 = tpu.memref_slice %arg9[%rem3A_109] : memref<2x!tpu.dma_semaphore, #tpu.memory_space<semaphore_mem>> -> memref<1x!tpu.dma_semaphore, #tpu.memory_space<semaphore_mem>>
          %dma_wait3A_188 = tpu.memref_squeeze %dma_wait3A_187 : memref<1x!tpu.dma_semaphore, #tpu.memory_space<semaphore_mem>> -> memref<!tpu.dma_semaphore, #tpu.memory_space<semaphore_mem>>
          %dma_wait3A_189 = arith.constant 0 : i32
          %dma_wait3A_190 = tpu.memref_slice %arg4[%dma_wait3A_189] : memref<32000000xf32, #tpu.memory_space<hbm>> -> memref<16384xf32, #tpu.memory_space<hbm>>
          %dma_wait3A_191 = tpu.memref_slice %arg6[%mul3A_183] : memref<32768xf32, #tpu.memory_space<vmem>> -> memref<16384xf32, #tpu.memory_space<vmem>>
          tpu.wait_dma2 semaphore(%dma_wait3A_188 : memref<!tpu.dma_semaphore, #tpu.memory_space<semaphore_mem>>) src(%dma_wait3A_191 : memref<16384xf32, #tpu.memory_space<vmem>>) dst(%dma_wait3A_190 : memref<16384xf32, #tpu.memory_space<hbm>>)
        } else {
        }
        %mul3A_138 = arith.constant 32 : i32
        %mul3A_139 = arith.muli %rem3A_109, %mul3A_138 : i32
        %add3A_140 = vector.broadcast %mul3A_139 : i32 to vector<16xi32>
        %add3A_141 = arith.addi %iota3A, %add3A_140 : vector<16xi32>
        %add3A_142 = arith.constant 16 : i32
        %add3A_143 = vector.broadcast %add3A_142 : i32 to vector<16xi32>
        %add3A_144 = arith.addi %add3A_141, %add3A_143 : vector<16xi32>
        %mul3A_145 = arith.constant 16384 : i32
        %mul3A_146 = arith.muli %rem3A_109, %mul3A_145 : i32
        %add3A_147 = arith.constant 0 : i32
        %add3A_148 = arith.addi %mul3A_146, %add3A_147 : i32
        %parallel_loop3A = arith.constant 0 : i32
        %parallel_loop3A_149 = arith.constant 128 : i32
        %parallel_loop3A_150 = arith.constant 1 : i32
        scf.for %parallel_loop3A_182 = %parallel_loop3A to %parallel_loop3A_149 step %parallel_loop3A_150  : i32 {
          %parallel_loop3A_183 = arith.constant 0 : i32
          %parallel_loop3A_184 = vector.broadcast %parallel_loop3A_183 : i32 to vector<16xi32>
          %parallel_loop3A_185 = arith.muli %iota3A, %parallel_loop3A_184 : vector<16xi32>
          %parallel_loop3A_186 = arith.constant 0 : i32
          %parallel_loop3A_187 = arith.addi %parallel_loop3A_186, %parallel_loop3A_182 : i32
          %parallel_loop3A_188 = vector.broadcast %parallel_loop3A_187 : i32 to vector<16xi32>
          %parallel_loop3A_189 = arith.addi %parallel_loop3A_185, %parallel_loop3A_188 : vector<16xi32>
          %parallel_loop3A_190 = tpu.vector_load_idx %arg5[%add3A_141, %parallel_loop3A_189] : memref<64x521xf32, #tpu.memory_space<vmem>>[vector<16xi32>, vector<16xi32>], vector<16xf32>,
          %parallel_loop3A_191 = arith.constant 32 : i32
          %parallel_loop3A_192 = arith.muli %parallel_loop3A_182, %parallel_loop3A_191 : i32
          %parallel_loop3A_193 = arith.addi %add3A_148, %parallel_loop3A_192 : i32
          %parallel_loop3A_194 = arith.index_cast %parallel_loop3A_193 : i32 to index
          %parallel_loop3A_195 = tpu.vector_load %arg6[%parallel_loop3A_194] {strides = array<i32>} : memref<32768xf32, #tpu.memory_space<vmem>>, vector<16xf32>,
          tpu.vector_store %arg6[%parallel_loop3A_194], %parallel_loop3A_190 {strides = array<i32>} : memref<32768xf32, #tpu.memory_space<vmem>>, vector<16xf32>,
          %parallel_loop3A_196 = tpu.vector_load_idx %arg5[%add3A_144, %parallel_loop3A_189] : memref<64x521xf32, #tpu.memory_space<vmem>>[vector<16xi32>, vector<16xi32>], vector<16xf32>,
          %parallel_loop3A_197 = arith.constant 32 : i32
          %parallel_loop3A_198 = arith.muli %parallel_loop3A_182, %parallel_loop3A_197 : i32
          %parallel_loop3A_199 = arith.addi %add3A_148, %parallel_loop3A_198 : i32
          %parallel_loop3A_200 = arith.constant 16 : i32
          %parallel_loop3A_201 = arith.addi %parallel_loop3A_199, %parallel_loop3A_200 : i32
          %parallel_loop3A_202 = arith.index_cast %parallel_loop3A_201 : i32 to index
          %parallel_loop3A_203 = tpu.vector_load %arg6[%parallel_loop3A_202] {strides = array<i32>} : memref<32768xf32, #tpu.memory_space<vmem>>, vector<16xf32>,
          tpu.vector_store %arg6[%parallel_loop3A_202], %parallel_loop3A_196 {strides = array<i32>} : memref<32768xf32, #tpu.memory_space<vmem>>, vector<16xf32>,
        } {sc.loop_unroll_factor = 8 : i64, sc.parallel_access}
        %mul3A_151 = arith.constant 16384 : i32
        %mul3A_152 = arith.muli %rem3A_109, %mul3A_151 : i32
        %add3A_153 = arith.constant 4096 : i32
        %add3A_154 = arith.addi %mul3A_152, %add3A_153 : i32
        %parallel_loop3A_155 = arith.constant 0 : i32
        %parallel_loop3A_156 = arith.constant 128 : i32
        %parallel_loop3A_157 = arith.constant 1 : i32
        scf.for %parallel_loop3A_182 = %parallel_loop3A_155 to %parallel_loop3A_156 step %parallel_loop3A_157  : i32 {
          %parallel_loop3A_183 = arith.constant 0 : i32
          %parallel_loop3A_184 = vector.broadcast %parallel_loop3A_183 : i32 to vector<16xi32>
          %parallel_loop3A_185 = arith.muli %iota3A, %parallel_loop3A_184 : vector<16xi32>
          %parallel_loop3A_186 = arith.constant 128 : i32
          %parallel_loop3A_187 = arith.addi %parallel_loop3A_186, %parallel_loop3A_182 : i32
          %parallel_loop3A_188 = vector.broadcast %parallel_loop3A_187 : i32 to vector<16xi32>
          %parallel_loop3A_189 = arith.addi %parallel_loop3A_185, %parallel_loop3A_188 : vector<16xi32>
          %parallel_loop3A_190 = tpu.vector_load_idx %arg5[%add3A_141, %parallel_loop3A_189] : memref<64x521xf32, #tpu.memory_space<vmem>>[vector<16xi32>, vector<16xi32>], vector<16xf32>,
          %parallel_loop3A_191 = arith.constant 32 : i32
          %parallel_loop3A_192 = arith.muli %parallel_loop3A_182, %parallel_loop3A_191 : i32
          %parallel_loop3A_193 = arith.addi %add3A_154, %parallel_loop3A_192 : i32
          %parallel_loop3A_194 = arith.index_cast %parallel_loop3A_193 : i32 to index
          %parallel_loop3A_195 = tpu.vector_load %arg6[%parallel_loop3A_194] {strides = array<i32>} : memref<32768xf32, #tpu.memory_space<vmem>>, vector<16xf32>,
          tpu.vector_store %arg6[%parallel_loop3A_194], %parallel_loop3A_190 {strides = array<i32>} : memref<32768xf32, #tpu.memory_space<vmem>>, vector<16xf32>,
          %parallel_loop3A_196 = tpu.vector_load_idx %arg5[%add3A_144, %parallel_loop3A_189] : memref<64x521xf32, #tpu.memory_space<vmem>>[vector<16xi32>, vector<16xi32>], vector<16xf32>,
          %parallel_loop3A_197 = arith.constant 32 : i32
          %parallel_loop3A_198 = arith.muli %parallel_loop3A_182, %parallel_loop3A_197 : i32
          %parallel_loop3A_199 = arith.addi %add3A_154, %parallel_loop3A_198 : i32
          %parallel_loop3A_200 = arith.constant 16 : i32
          %parallel_loop3A_201 = arith.addi %parallel_loop3A_199, %parallel_loop3A_200 : i32
          %parallel_loop3A_202 = arith.index_cast %parallel_loop3A_201 : i32 to index
          %parallel_loop3A_203 = tpu.vector_load %arg6[%parallel_loop3A_202] {strides = array<i32>} : memref<32768xf32, #tpu.memory_space<vmem>>, vector<16xf32>,
          tpu.vector_store %arg6[%parallel_loop3A_202], %parallel_loop3A_196 {strides = array<i32>} : memref<32768xf32, #tpu.memory_space<vmem>>, vector<16xf32>,
        } {sc.loop_unroll_factor = 8 : i64, sc.parallel_access}
        %mul3A_158 = arith.constant 16384 : i32
        %mul3A_159 = arith.muli %rem3A_109, %mul3A_158 : i32
        %add3A_160 = arith.constant 8192 : i32
        %add3A_161 = arith.addi %mul3A_159, %add3A_160 : i32
        %parallel_loop3A_162 = arith.constant 0 : i32
        %parallel_loop3A_163 = arith.constant 128 : i32
        %parallel_loop3A_164 = arith.constant 1 : i32
        scf.for %parallel_loop3A_182 = %parallel_loop3A_162 to %parallel_loop3A_163 step %parallel_loop3A_164  : i32 {
          %parallel_loop3A_183 = arith.constant 0 : i32
          %parallel_loop3A_184 = vector.broadcast %parallel_loop3A_183 : i32 to vector<16xi32>
          %parallel_loop3A_185 = arith.muli %iota3A, %parallel_loop3A_184 : vector<16xi32>
          %parallel_loop3A_186 = arith.constant 256 : i32
          %parallel_loop3A_187 = arith.addi %parallel_loop3A_186, %parallel_loop3A_182 : i32
          %parallel_loop3A_188 = vector.broadcast %parallel_loop3A_187 : i32 to vector<16xi32>
          %parallel_loop3A_189 = arith.addi %parallel_loop3A_185, %parallel_loop3A_188 : vector<16xi32>
          %parallel_loop3A_190 = tpu.vector_load_idx %arg5[%add3A_141, %parallel_loop3A_189] : memref<64x521xf32, #tpu.memory_space<vmem>>[vector<16xi32>, vector<16xi32>], vector<16xf32>,
          %parallel_loop3A_191 = arith.constant 32 : i32
          %parallel_loop3A_192 = arith.muli %parallel_loop3A_182, %parallel_loop3A_191 : i32
          %parallel_loop3A_193 = arith.addi %add3A_161, %parallel_loop3A_192 : i32
          %parallel_loop3A_194 = arith.index_cast %parallel_loop3A_193 : i32 to index
          %parallel_loop3A_195 = tpu.vector_load %arg6[%parallel_loop3A_194] {strides = array<i32>} : memref<32768xf32, #tpu.memory_space<vmem>>, vector<16xf32>,
          tpu.vector_store %arg6[%parallel_loop3A_194], %parallel_loop3A_190 {strides = array<i32>} : memref<32768xf32, #tpu.memory_space<vmem>>, vector<16xf32>,
          %parallel_loop3A_196 = tpu.vector_load_idx %arg5[%add3A_144, %parallel_loop3A_189] : memref<64x521xf32, #tpu.memory_space<vmem>>[vector<16xi32>, vector<16xi32>], vector<16xf32>,
          %parallel_loop3A_197 = arith.constant 32 : i32
          %parallel_loop3A_198 = arith.muli %parallel_loop3A_182, %parallel_loop3A_197 : i32
          %parallel_loop3A_199 = arith.addi %add3A_161, %parallel_loop3A_198 : i32
          %parallel_loop3A_200 = arith.constant 16 : i32
          %parallel_loop3A_201 = arith.addi %parallel_loop3A_199, %parallel_loop3A_200 : i32
          %parallel_loop3A_202 = arith.index_cast %parallel_loop3A_201 : i32 to index
          %parallel_loop3A_203 = tpu.vector_load %arg6[%parallel_loop3A_202] {strides = array<i32>} : memref<32768xf32, #tpu.memory_space<vmem>>, vector<16xf32>,
          tpu.vector_store %arg6[%parallel_loop3A_202], %parallel_loop3A_196 {strides = array<i32>} : memref<32768xf32, #tpu.memory_space<vmem>>, vector<16xf32>,
        } {sc.loop_unroll_factor = 8 : i64, sc.parallel_access}
        %mul3A_165 = arith.constant 16384 : i32
        %mul3A_166 = arith.muli %rem3A_109, %mul3A_165 : i32
        %add3A_167 = arith.constant 12288 : i32
        %add3A_168 = arith.addi %mul3A_166, %add3A_167 : i32
        %parallel_loop3A_169 = arith.constant 0 : i32
        %parallel_loop3A_170 = arith.constant 128 : i32
        %parallel_loop3A_171 = arith.constant 1 : i32
        scf.for %parallel_loop3A_182 = %parallel_loop3A_169 to %parallel_loop3A_170 step %parallel_loop3A_171  : i32 {
          %parallel_loop3A_183 = arith.constant 0 : i32
          %parallel_loop3A_184 = vector.broadcast %parallel_loop3A_183 : i32 to vector<16xi32>
          %parallel_loop3A_185 = arith.muli %iota3A, %parallel_loop3A_184 : vector<16xi32>
          %parallel_loop3A_186 = arith.constant 384 : i32
          %parallel_loop3A_187 = arith.addi %parallel_loop3A_186, %parallel_loop3A_182 : i32
          %parallel_loop3A_188 = vector.broadcast %parallel_loop3A_187 : i32 to vector<16xi32>
          %parallel_loop3A_189 = arith.addi %parallel_loop3A_185, %parallel_loop3A_188 : vector<16xi32>
          %parallel_loop3A_190 = tpu.vector_load_idx %arg5[%add3A_141, %parallel_loop3A_189] : memref<64x521xf32, #tpu.memory_space<vmem>>[vector<16xi32>, vector<16xi32>], vector<16xf32>,
          %parallel_loop3A_191 = arith.constant 32 : i32
          %parallel_loop3A_192 = arith.muli %parallel_loop3A_182, %parallel_loop3A_191 : i32
          %parallel_loop3A_193 = arith.addi %add3A_168, %parallel_loop3A_192 : i32
          %parallel_loop3A_194 = arith.index_cast %parallel_loop3A_193 : i32 to index
          %parallel_loop3A_195 = tpu.vector_load %arg6[%parallel_loop3A_194] {strides = array<i32>} : memref<32768xf32, #tpu.memory_space<vmem>>, vector<16xf32>,
          tpu.vector_store %arg6[%parallel_loop3A_194], %parallel_loop3A_190 {strides = array<i32>} : memref<32768xf32, #tpu.memory_space<vmem>>, vector<16xf32>,
          %parallel_loop3A_196 = tpu.vector_load_idx %arg5[%add3A_144, %parallel_loop3A_189] : memref<64x521xf32, #tpu.memory_space<vmem>>[vector<16xi32>, vector<16xi32>], vector<16xf32>,
          %parallel_loop3A_197 = arith.constant 32 : i32
          %parallel_loop3A_198 = arith.muli %parallel_loop3A_182, %parallel_loop3A_197 : i32
          %parallel_loop3A_199 = arith.addi %add3A_168, %parallel_loop3A_198 : i32
          %parallel_loop3A_200 = arith.constant 16 : i32
          %parallel_loop3A_201 = arith.addi %parallel_loop3A_199, %parallel_loop3A_200 : i32
          %parallel_loop3A_202 = arith.index_cast %parallel_loop3A_201 : i32 to index
          %parallel_loop3A_203 = tpu.vector_load %arg6[%parallel_loop3A_202] {strides = array<i32>} : memref<32768xf32, #tpu.memory_space<vmem>>, vector<16xf32>,
          tpu.vector_store %arg6[%parallel_loop3A_202], %parallel_loop3A_196 {strides = array<i32>} : memref<32768xf32, #tpu.memory_space<vmem>>, vector<16xf32>,
        } {sc.loop_unroll_factor = 8 : i64, sc.parallel_access}
        %mul3A_172 = arith.constant 16384 : i32
        %mul3A_173 = arith.muli %rem3A_109, %mul3A_172 : i32
        %mul3A_174 = arith.constant 16384 : i32
        %mul3A_175 = arith.muli %add3A_106, %mul3A_174 : i32
        %dma_start3A_176 = tpu.memref_slice %arg6[%mul3A_173] : memref<32768xf32, #tpu.memory_space<vmem>> -> memref<16384xf32, #tpu.memory_space<vmem>>
        %dma_start3A_177 = tpu.memref_slice %arg4[%mul3A_175] : memref<32000000xf32, #tpu.memory_space<hbm>> -> memref<16384xf32, #tpu.memory_space<hbm>>
        %dma_start3A_178 = tpu.memref_slice %arg9[%rem3A_109] : memref<2x!tpu.dma_semaphore, #tpu.memory_space<semaphore_mem>> -> memref<1x!tpu.dma_semaphore, #tpu.memory_space<semaphore_mem>>
        %dma_start3A_179 = tpu.memref_squeeze %dma_start3A_178 : memref<1x!tpu.dma_semaphore, #tpu.memory_space<semaphore_mem>> -> memref<!tpu.dma_semaphore, #tpu.memory_space<semaphore_mem>>
        %dma_start3A_180 = tpu.memref_slice %arg4[%mul3A_175] : memref<32000000xf32, #tpu.memory_space<hbm>> -> memref<16384xf32, #tpu.memory_space<hbm>>
        %dma_start3A_181 = tpu.memref_slice %arg6[%mul3A_173] : memref<32768xf32, #tpu.memory_space<vmem>> -> memref<16384xf32, #tpu.memory_space<vmem>>
        tpu.enqueue_dma source(%dma_start3A_181 : memref<16384xf32, #tpu.memory_space<vmem>>) target(%dma_start3A_180 : memref<16384xf32, #tpu.memory_space<hbm>>) target_semaphore(%dma_start3A_179 : memref<!tpu.dma_semaphore, #tpu.memory_space<semaphore_mem>>)
      } else {
      }
    }
    %scan3A_63 = arith.constant 62 : i32
    %add3A_64 = arith.constant 1888 : i32
    %add3A_65 = arith.addi %add3A_64, %add3A : i32
    %lt3A = arith.constant 1953 : i32
    %lt3A_66 = arith.cmpi slt, %add3A_65, %lt3A : i32
    %add3A_67 = arith.constant 64 : i32
    %add3A_68 = arith.addi %add3A_65, %add3A_67 : i32
    %ge3A = arith.constant 1953 : i32
    %ge3A_69 = arith.cmpi sge, %add3A_68, %ge3A : i32
    %and3A = arith.andi %lt3A_66, %ge3A_69 : i1
    %convert_element_type3A = arith.extui %and3A : i1 to i32
    %cond3A = arith.constant 0 : i32
    %cond3A_70 = arith.cmpi ne, %convert_element_type3A, %cond3A : i32
    scf.if %cond3A_70 {
      %dma_wait3A = arith.constant 1 : i32
      %dma_wait3A_99 = arith.constant 16384 : i32
      %dma_wait3A_100 = tpu.memref_slice %arg6[%dma_wait3A_99] : memref<32768xf32, #tpu.memory_space<vmem>> -> memref<16384xf32, #tpu.memory_space<vmem>>
      %dma_wait3A_101 = arith.constant 0 : i32
      %dma_wait3A_102 = tpu.memref_slice %arg4[%dma_wait3A_101] : memref<32000000xf32, #tpu.memory_space<hbm>> -> memref<16384xf32, #tpu.memory_space<hbm>>
      %dma_wait3A_103 = tpu.memref_slice %arg9[%dma_wait3A] : memref<2x!tpu.dma_semaphore, #tpu.memory_space<semaphore_mem>> -> memref<1x!tpu.dma_semaphore, #tpu.memory_space<semaphore_mem>>
      %dma_wait3A_104 = tpu.memref_squeeze %dma_wait3A_103 : memref<1x!tpu.dma_semaphore, #tpu.memory_space<semaphore_mem>> -> memref<!tpu.dma_semaphore, #tpu.memory_space<semaphore_mem>>
      %dma_wait3A_105 = arith.constant 0 : i32
      %dma_wait3A_106 = tpu.memref_slice %arg4[%dma_wait3A_105] : memref<32000000xf32, #tpu.memory_space<hbm>> -> memref<16384xf32, #tpu.memory_space<hbm>>
      %dma_wait3A_107 = arith.constant 16384 : i32
      %dma_wait3A_108 = tpu.memref_slice %arg6[%dma_wait3A_107] : memref<32768xf32, #tpu.memory_space<vmem>> -> memref<16384xf32, #tpu.memory_space<vmem>>
      tpu.wait_dma2 semaphore(%dma_wait3A_104 : memref<!tpu.dma_semaphore, #tpu.memory_space<semaphore_mem>>) src(%dma_wait3A_108 : memref<16384xf32, #tpu.memory_space<vmem>>) dst(%dma_wait3A_106 : memref<16384xf32, #tpu.memory_space<hbm>>)
    } else {
    }
    %add3A_71 = arith.constant 1920 : i32
    %add3A_72 = arith.addi %add3A_71, %add3A : i32
    %lt3A_73 = arith.constant 1953 : i32
    %lt3A_74 = arith.cmpi slt, %add3A_72, %lt3A_73 : i32
    %add3A_75 = arith.constant 64 : i32
    %add3A_76 = arith.addi %add3A_72, %add3A_75 : i32
    %ge3A_77 = arith.constant 1953 : i32
    %ge3A_78 = arith.cmpi sge, %add3A_76, %ge3A_77 : i32
    %and3A_79 = arith.andi %lt3A_74, %ge3A_78 : i1
    %convert_element_type3A_80 = arith.extui %and3A_79 : i1 to i32
    %cond3A_81 = arith.constant 0 : i32
    %cond3A_82 = arith.cmpi ne, %convert_element_type3A_80, %cond3A_81 : i32
    scf.if %cond3A_82 {
      %dma_wait3A = arith.constant 0 : i32
      %dma_wait3A_99 = arith.constant 0 : i32
      %dma_wait3A_100 = tpu.memref_slice %arg6[%dma_wait3A_99] : memref<32768xf32, #tpu.memory_space<vmem>> -> memref<16384xf32, #tpu.memory_space<vmem>>
      %dma_wait3A_101 = arith.constant 0 : i32
      %dma_wait3A_102 = tpu.memref_slice %arg4[%dma_wait3A_101] : memref<32000000xf32, #tpu.memory_space<hbm>> -> memref<16384xf32, #tpu.memory_space<hbm>>
      %dma_wait3A_103 = tpu.memref_slice %arg9[%dma_wait3A] : memref<2x!tpu.dma_semaphore, #tpu.memory_space<semaphore_mem>> -> memref<1x!tpu.dma_semaphore, #tpu.memory_space<semaphore_mem>>
      %dma_wait3A_104 = tpu.memref_squeeze %dma_wait3A_103 : memref<1x!tpu.dma_semaphore, #tpu.memory_space<semaphore_mem>> -> memref<!tpu.dma_semaphore, #tpu.memory_space<semaphore_mem>>
      %dma_wait3A_105 = arith.constant 0 : i32
      %dma_wait3A_106 = tpu.memref_slice %arg4[%dma_wait3A_105] : memref<32000000xf32, #tpu.memory_space<hbm>> -> memref<16384xf32, #tpu.memory_space<hbm>>
      %dma_wait3A_107 = arith.constant 0 : i32
      %dma_wait3A_108 = tpu.memref_slice %arg6[%dma_wait3A_107] : memref<32768xf32, #tpu.memory_space<vmem>> -> memref<16384xf32, #tpu.memory_space<vmem>>
      tpu.wait_dma2 semaphore(%dma_wait3A_104 : memref<!tpu.dma_semaphore, #tpu.memory_space<semaphore_mem>>) src(%dma_wait3A_108 : memref<16384xf32, #tpu.memory_space<vmem>>) dst(%dma_wait3A_106 : memref<16384xf32, #tpu.memory_space<hbm>>)
    } else {
    }
    %add3A_83 = arith.constant 1952 : i32
    %add3A_84 = arith.addi %add3A_83, %add3A : i32
    %lt3A_85 = arith.constant 1953 : i32
    %lt3A_86 = arith.cmpi slt, %add3A_84, %lt3A_85 : i32
    %add3A_87 = arith.constant 64 : i32
    %add3A_88 = arith.addi %add3A_84, %add3A_87 : i32
    %ge3A_89 = arith.constant 1953 : i32
    %ge3A_90 = arith.cmpi sge, %add3A_88, %ge3A_89 : i32
    %and3A_91 = arith.andi %lt3A_86, %ge3A_90 : i1
    %convert_element_type3A_92 = arith.extui %and3A_91 : i1 to i32
    %cond3A_93 = arith.constant 0 : i32
    %cond3A_94 = arith.cmpi ne, %convert_element_type3A_92, %cond3A_93 : i32
    scf.if %cond3A_94 {
      %dma_wait3A = arith.constant 1 : i32
      %dma_wait3A_99 = arith.constant 16384 : i32
      %dma_wait3A_100 = tpu.memref_slice %arg6[%dma_wait3A_99] : memref<32768xf32, #tpu.memory_space<vmem>> -> memref<16384xf32, #tpu.memory_space<vmem>>
      %dma_wait3A_101 = arith.constant 0 : i32
      %dma_wait3A_102 = tpu.memref_slice %arg4[%dma_wait3A_101] : memref<32000000xf32, #tpu.memory_space<hbm>> -> memref<16384xf32, #tpu.memory_space<hbm>>
      %dma_wait3A_103 = tpu.memref_slice %arg9[%dma_wait3A] : memref<2x!tpu.dma_semaphore, #tpu.memory_space<semaphore_mem>> -> memref<1x!tpu.dma_semaphore, #tpu.memory_space<semaphore_mem>>
      %dma_wait3A_104 = tpu.memref_squeeze %dma_wait3A_103 : memref<1x!tpu.dma_semaphore, #tpu.memory_space<semaphore_mem>> -> memref<!tpu.dma_semaphore, #tpu.memory_space<semaphore_mem>>
      %dma_wait3A_105 = arith.constant 0 : i32
      %dma_wait3A_106 = tpu.memref_slice %arg4[%dma_wait3A_105] : memref<32000000xf32, #tpu.memory_space<hbm>> -> memref<16384xf32, #tpu.memory_space<hbm>>
      %dma_wait3A_107 = arith.constant 16384 : i32
      %dma_wait3A_108 = tpu.memref_slice %arg6[%dma_wait3A_107] : memref<32768xf32, #tpu.memory_space<vmem>> -> memref<16384xf32, #tpu.memory_space<vmem>>
      tpu.wait_dma2 semaphore(%dma_wait3A_104 : memref<!tpu.dma_semaphore, #tpu.memory_space<semaphore_mem>>) src(%dma_wait3A_108 : memref<16384xf32, #tpu.memory_space<vmem>>) dst(%dma_wait3A_106 : memref<16384xf32, #tpu.memory_space<hbm>>)
    } else {
    }
    %eq3A = arith.constant 0 : i32
    %eq3A_95 = arith.cmpi eq, %add3A, %eq3A : i32
    %convert_element_type3A_96 = arith.extui %eq3A_95 : i1 to i32
    %cond3A_97 = arith.constant 0 : i32
    %cond3A_98 = arith.cmpi ne, %convert_element_type3A_96, %cond3A_97 : i32
    scf.if %cond3A_98 {
      "tpu.region"() ({
        %run_scoped3A = tpu.sem_alloc : memref<!tpu.dma_semaphore, #tpu.memory_space<semaphore_mem>>
        tpu.enqueue_dma source(%arg3 : memref<2048xf32, #tpu.memory_space<hbm>>) target(%arg7 : memref<2048xf32, #tpu.memory_space<vmem>>) target_semaphore(%run_scoped3A : memref<!tpu.dma_semaphore, #tpu.memory_space<semaphore_mem>>)
        tpu.wait_dma2 semaphore(%run_scoped3A : memref<!tpu.dma_semaphore, #tpu.memory_space<semaphore_mem>>) src(%arg3 : memref<2048xf32, #tpu.memory_space<hbm>>) dst(%arg7 : memref<2048xf32, #tpu.memory_space<vmem>>)
        tpu.yield
      }) : () -> ()
      "tpu.region"() ({
        %run_scoped3A = tpu.sem_alloc : memref<!tpu.dma_semaphore, #tpu.memory_space<semaphore_mem>>
        %dma_start3A_99 = arith.constant 31997952 : i32
        %dma_start3A_100 = tpu.memref_slice %arg4[%dma_start3A_99] : memref<32000000xf32, #tpu.memory_space<hbm>> -> memref<2048xf32, #tpu.memory_space<hbm>>
        %dma_start3A_101 = arith.constant 31997952 : i32
        %dma_start3A_102 = tpu.memref_slice %arg4[%dma_start3A_101] : memref<32000000xf32, #tpu.memory_space<hbm>> -> memref<2048xf32, #tpu.memory_space<hbm>>
        tpu.enqueue_dma source(%arg7 : memref<2048xf32, #tpu.memory_space<vmem>>) target(%dma_start3A_102 : memref<2048xf32, #tpu.memory_space<hbm>>) target_semaphore(%run_scoped3A : memref<!tpu.dma_semaphore, #tpu.memory_space<semaphore_mem>>)
        %dma_wait3A = arith.constant 31997952 : i32
        %dma_wait3A_103 = tpu.memref_slice %arg4[%dma_wait3A] : memref<32000000xf32, #tpu.memory_space<hbm>> -> memref<2048xf32, #tpu.memory_space<hbm>>
        %dma_wait3A_104 = arith.constant 31997952 : i32
        %dma_wait3A_105 = tpu.memref_slice %arg4[%dma_wait3A_104] : memref<32000000xf32, #tpu.memory_space<hbm>> -> memref<2048xf32, #tpu.memory_space<hbm>>
        tpu.wait_dma2 semaphore(%run_scoped3A : memref<!tpu.dma_semaphore, #tpu.memory_space<semaphore_mem>>) src(%arg7 : memref<2048xf32, #tpu.memory_space<vmem>>) dst(%dma_wait3A_105 : memref<2048xf32, #tpu.memory_space<hbm>>)
        tpu.yield
      }) : () -> ()
    } else {
    }
    return
  }
}

#map = affine_map<(d0, d1) -> (0, 0)>
#map1 = affine_map<(d0, d1) -> (0)>
module attributes {stable_mosaic.version = 14 : i64} {
  func.func @gather_kernel(%arg0: i32, %arg1: i32, %arg2: memref<6400x128xi32, #tpu.memory_space<hbm>>, %arg3: memref<1000000x32xf32, #tpu.memory_space<hbm>>, %arg4: memref<26214400xf32, #tpu.memory_space<hbm>>, %arg5: memref<16x128xi32, #tpu.memory_space<vmem>>, %arg6: memref<2048x32xf32, #tpu.memory_space<vmem>>, %arg7: memref<32768xf32, #tpu.memory_space<vmem>>, %arg8: memref<2x!tpu.dma_semaphore, #tpu.memory_space<semaphore_mem>>, %arg9: memref<!tpu.dma_semaphore, #tpu.memory_space<semaphore_mem>>) attributes {dimension_semantics = [#tpu.dimension_semantics<core_parallel>, #tpu.dimension_semantics<subcore_parallel>], iteration_bounds = array<i64: 2, 16>, scalar_prefetch = 0 : i64, scratch_operands = 5 : i64, tpu.core_type = #tpu.core_type<sc_vector_subcore>, window_params = [{transform_indices = #map}, {transform_indices = #map}, {transform_indices = #map1}]} {
    %mul3A = arith.constant 2 : i32
    %mul3A_0 = arith.muli %arg1, %mul3A : i32
    %add3A = arith.addi %mul3A_0, %arg0 : i32
    %mul3A_1 = arith.constant 200 : i32
    %mul3A_2 = arith.muli %add3A, %mul3A_1 : i32
    %iota3A = tpu.iota {dimensions = array<i32: 0>} : vector<16xi32>
    %add3A_3 = arith.constant 0 : i32
    %add3A_4 = arith.addi %mul3A_2, %add3A_3 : i32
    "tpu.region"() ({
      %run_scoped3A = tpu.sem_alloc : memref<!tpu.dma_semaphore, #tpu.memory_space<semaphore_mem>>
      %dma_start3A_195 = arith.constant 0 : i32
      %dma_start3A_196 = arith.constant 0 : i32
      %dma_start3A_197 = tpu.memref_slice %arg5[%dma_start3A_195, %dma_start3A_196] : memref<16x128xi32, #tpu.memory_space<vmem>> -> memref<8x128xi32, #tpu.memory_space<vmem>>
      %dma_start3A_198 = arith.constant 0 : i32
      %dma_start3A_199 = tpu.memref_slice %arg2[%add3A_4, %dma_start3A_198] : memref<6400x128xi32, #tpu.memory_space<hbm>> -> memref<8x128xi32, #tpu.memory_space<hbm>>
      %dma_start3A_200 = arith.constant 0 : i32
      %dma_start3A_201 = arith.constant 0 : i32
      %dma_start3A_202 = tpu.memref_slice %arg5[%dma_start3A_200, %dma_start3A_201] : memref<16x128xi32, #tpu.memory_space<vmem>> -> memref<8x128xi32, #tpu.memory_space<vmem>>
      %dma_start3A_203 = arith.constant 0 : i32
      %dma_start3A_204 = tpu.memref_slice %arg2[%add3A_4, %dma_start3A_203] : memref<6400x128xi32, #tpu.memory_space<hbm>> -> memref<8x128xi32, #tpu.memory_space<hbm>>
      tpu.enqueue_dma source(%dma_start3A_204 : memref<8x128xi32, #tpu.memory_space<hbm>>) target(%dma_start3A_202 : memref<8x128xi32, #tpu.memory_space<vmem>>) target_semaphore(%run_scoped3A : memref<!tpu.dma_semaphore, #tpu.memory_space<semaphore_mem>>)
      %dma_wait3A_205 = arith.constant 0 : i32
      %dma_wait3A_206 = arith.constant 0 : i32
      %dma_wait3A_207 = tpu.memref_slice %arg5[%dma_wait3A_205, %dma_wait3A_206] : memref<16x128xi32, #tpu.memory_space<vmem>> -> memref<8x128xi32, #tpu.memory_space<vmem>>
      %dma_wait3A_208 = arith.constant 0 : i32
      %dma_wait3A_209 = tpu.memref_slice %arg2[%add3A_4, %dma_wait3A_208] : memref<6400x128xi32, #tpu.memory_space<hbm>> -> memref<8x128xi32, #tpu.memory_space<hbm>>
      %dma_wait3A_210 = arith.constant 0 : i32
      %dma_wait3A_211 = arith.constant 0 : i32
      %dma_wait3A_212 = tpu.memref_slice %arg5[%dma_wait3A_210, %dma_wait3A_211] : memref<16x128xi32, #tpu.memory_space<vmem>> -> memref<8x128xi32, #tpu.memory_space<vmem>>
      %dma_wait3A_213 = arith.constant 0 : i32
      %dma_wait3A_214 = tpu.memref_slice %arg2[%add3A_4, %dma_wait3A_213] : memref<6400x128xi32, #tpu.memory_space<hbm>> -> memref<8x128xi32, #tpu.memory_space<hbm>>
      tpu.wait_dma2 semaphore(%run_scoped3A : memref<!tpu.dma_semaphore, #tpu.memory_space<semaphore_mem>>) src(%dma_wait3A_214 : memref<8x128xi32, #tpu.memory_space<hbm>>) dst(%dma_wait3A_212 : memref<8x128xi32, #tpu.memory_space<vmem>>)
      tpu.yield
    }) : () -> ()
    %dma_start3A = arith.constant 0 : i32
    %dma_start3A_5 = arith.constant 0 : i32
    %dma_start3A_6 = arith.constant 0 : i32
    %dma_start3A_7 = arith.constant 0 : i32
    %dma_start3A_8 = tpu.memref_slice %arg6[%dma_start3A_6, %dma_start3A_7] : memref<2048x32xf32, #tpu.memory_space<vmem>> -> memref<128x32xf32, #tpu.memory_space<vmem>>
    %dma_start3A_9 = arith.constant 0 : i32
    %dma_start3A_10 = tpu.memref_slice %arg5[%dma_start3A, %dma_start3A_9] : memref<16x128xi32, #tpu.memory_space<vmem>> -> memref<1x128xi32, #tpu.memory_space<vmem>>
    %dma_start3A_11 = tpu.memref_squeeze %dma_start3A_10 : memref<1x128xi32, #tpu.memory_space<vmem>> -> memref<128xi32, #tpu.memory_space<vmem>>
    %dma_start3A_12 = arith.constant 0 : i32
    %dma_start3A_13 = arith.constant 0 : i32
    %dma_start3A_14 = tpu.memref_slice %arg3[%dma_start3A_12, %dma_start3A_13] : memref<1000000x32xf32, #tpu.memory_space<hbm>> -> memref<1000000x32xf32, #tpu.memory_space<hbm>>
    %dma_start3A_15 = tpu.memref_slice %arg8[%dma_start3A_5] : memref<2x!tpu.dma_semaphore, #tpu.memory_space<semaphore_mem>> -> memref<1x!tpu.dma_semaphore, #tpu.memory_space<semaphore_mem>>
    %dma_start3A_16 = tpu.memref_squeeze %dma_start3A_15 : memref<1x!tpu.dma_semaphore, #tpu.memory_space<semaphore_mem>> -> memref<!tpu.dma_semaphore, #tpu.memory_space<semaphore_mem>>
    tpu.enqueue_indirect_dma source(%dma_start3A_14 : memref<1000000x32xf32, #tpu.memory_space<hbm>>) target(%dma_start3A_8 : memref<128x32xf32, #tpu.memory_space<vmem>>) offsets(%dma_start3A_11 : memref<128xi32, #tpu.memory_space<vmem>>) semaphore(%dma_start3A_16 : memref<!tpu.dma_semaphore, #tpu.memory_space<semaphore_mem>>)
    %dma_start3A_17 = arith.constant 1 : i32
    %dma_start3A_18 = arith.constant 0 : i32
    %dma_start3A_19 = arith.constant 128 : i32
    %dma_start3A_20 = arith.constant 0 : i32
    %dma_start3A_21 = tpu.memref_slice %arg6[%dma_start3A_19, %dma_start3A_20] : memref<2048x32xf32, #tpu.memory_space<vmem>> -> memref<128x32xf32, #tpu.memory_space<vmem>>
    %dma_start3A_22 = arith.constant 0 : i32
    %dma_start3A_23 = tpu.memref_slice %arg5[%dma_start3A_17, %dma_start3A_22] : memref<16x128xi32, #tpu.memory_space<vmem>> -> memref<1x128xi32, #tpu.memory_space<vmem>>
    %dma_start3A_24 = tpu.memref_squeeze %dma_start3A_23 : memref<1x128xi32, #tpu.memory_space<vmem>> -> memref<128xi32, #tpu.memory_space<vmem>>
    %dma_start3A_25 = arith.constant 0 : i32
    %dma_start3A_26 = arith.constant 0 : i32
    %dma_start3A_27 = tpu.memref_slice %arg3[%dma_start3A_25, %dma_start3A_26] : memref<1000000x32xf32, #tpu.memory_space<hbm>> -> memref<1000000x32xf32, #tpu.memory_space<hbm>>
    %dma_start3A_28 = tpu.memref_slice %arg8[%dma_start3A_18] : memref<2x!tpu.dma_semaphore, #tpu.memory_space<semaphore_mem>> -> memref<1x!tpu.dma_semaphore, #tpu.memory_space<semaphore_mem>>
    %dma_start3A_29 = tpu.memref_squeeze %dma_start3A_28 : memref<1x!tpu.dma_semaphore, #tpu.memory_space<semaphore_mem>> -> memref<!tpu.dma_semaphore, #tpu.memory_space<semaphore_mem>>
    tpu.enqueue_indirect_dma source(%dma_start3A_27 : memref<1000000x32xf32, #tpu.memory_space<hbm>>) target(%dma_start3A_21 : memref<128x32xf32, #tpu.memory_space<vmem>>) offsets(%dma_start3A_24 : memref<128xi32, #tpu.memory_space<vmem>>) semaphore(%dma_start3A_29 : memref<!tpu.dma_semaphore, #tpu.memory_space<semaphore_mem>>)
    %dma_start3A_30 = arith.constant 2 : i32
    %dma_start3A_31 = arith.constant 0 : i32
    %dma_start3A_32 = arith.constant 256 : i32
    %dma_start3A_33 = arith.constant 0 : i32
    %dma_start3A_34 = tpu.memref_slice %arg6[%dma_start3A_32, %dma_start3A_33] : memref<2048x32xf32, #tpu.memory_space<vmem>> -> memref<128x32xf32, #tpu.memory_space<vmem>>
    %dma_start3A_35 = arith.constant 0 : i32
    %dma_start3A_36 = tpu.memref_slice %arg5[%dma_start3A_30, %dma_start3A_35] : memref<16x128xi32, #tpu.memory_space<vmem>> -> memref<1x128xi32, #tpu.memory_space<vmem>>
    %dma_start3A_37 = tpu.memref_squeeze %dma_start3A_36 : memref<1x128xi32, #tpu.memory_space<vmem>> -> memref<128xi32, #tpu.memory_space<vmem>>
    %dma_start3A_38 = arith.constant 0 : i32
    %dma_start3A_39 = arith.constant 0 : i32
    %dma_start3A_40 = tpu.memref_slice %arg3[%dma_start3A_38, %dma_start3A_39] : memref<1000000x32xf32, #tpu.memory_space<hbm>> -> memref<1000000x32xf32, #tpu.memory_space<hbm>>
    %dma_start3A_41 = tpu.memref_slice %arg8[%dma_start3A_31] : memref<2x!tpu.dma_semaphore, #tpu.memory_space<semaphore_mem>> -> memref<1x!tpu.dma_semaphore, #tpu.memory_space<semaphore_mem>>
    %dma_start3A_42 = tpu.memref_squeeze %dma_start3A_41 : memref<1x!tpu.dma_semaphore, #tpu.memory_space<semaphore_mem>> -> memref<!tpu.dma_semaphore, #tpu.memory_space<semaphore_mem>>
    tpu.enqueue_indirect_dma source(%dma_start3A_40 : memref<1000000x32xf32, #tpu.memory_space<hbm>>) target(%dma_start3A_34 : memref<128x32xf32, #tpu.memory_space<vmem>>) offsets(%dma_start3A_37 : memref<128xi32, #tpu.memory_space<vmem>>) semaphore(%dma_start3A_42 : memref<!tpu.dma_semaphore, #tpu.memory_space<semaphore_mem>>)
    %dma_start3A_43 = arith.constant 3 : i32
    %dma_start3A_44 = arith.constant 0 : i32
    %dma_start3A_45 = arith.constant 384 : i32
    %dma_start3A_46 = arith.constant 0 : i32
    %dma_start3A_47 = tpu.memref_slice %arg6[%dma_start3A_45, %dma_start3A_46] : memref<2048x32xf32, #tpu.memory_space<vmem>> -> memref<128x32xf32, #tpu.memory_space<vmem>>
    %dma_start3A_48 = arith.constant 0 : i32
    %dma_start3A_49 = tpu.memref_slice %arg5[%dma_start3A_43, %dma_start3A_48] : memref<16x128xi32, #tpu.memory_space<vmem>> -> memref<1x128xi32, #tpu.memory_space<vmem>>
    %dma_start3A_50 = tpu.memref_squeeze %dma_start3A_49 : memref<1x128xi32, #tpu.memory_space<vmem>> -> memref<128xi32, #tpu.memory_space<vmem>>
    %dma_start3A_51 = arith.constant 0 : i32
    %dma_start3A_52 = arith.constant 0 : i32
    %dma_start3A_53 = tpu.memref_slice %arg3[%dma_start3A_51, %dma_start3A_52] : memref<1000000x32xf32, #tpu.memory_space<hbm>> -> memref<1000000x32xf32, #tpu.memory_space<hbm>>
    %dma_start3A_54 = tpu.memref_slice %arg8[%dma_start3A_44] : memref<2x!tpu.dma_semaphore, #tpu.memory_space<semaphore_mem>> -> memref<1x!tpu.dma_semaphore, #tpu.memory_space<semaphore_mem>>
    %dma_start3A_55 = tpu.memref_squeeze %dma_start3A_54 : memref<1x!tpu.dma_semaphore, #tpu.memory_space<semaphore_mem>> -> memref<!tpu.dma_semaphore, #tpu.memory_space<semaphore_mem>>
    tpu.enqueue_indirect_dma source(%dma_start3A_53 : memref<1000000x32xf32, #tpu.memory_space<hbm>>) target(%dma_start3A_47 : memref<128x32xf32, #tpu.memory_space<vmem>>) offsets(%dma_start3A_50 : memref<128xi32, #tpu.memory_space<vmem>>) semaphore(%dma_start3A_55 : memref<!tpu.dma_semaphore, #tpu.memory_space<semaphore_mem>>)
    %dma_start3A_56 = arith.constant 4 : i32
    %dma_start3A_57 = arith.constant 0 : i32
    %dma_start3A_58 = arith.constant 512 : i32
    %dma_start3A_59 = arith.constant 0 : i32
    %dma_start3A_60 = tpu.memref_slice %arg6[%dma_start3A_58, %dma_start3A_59] : memref<2048x32xf32, #tpu.memory_space<vmem>> -> memref<128x32xf32, #tpu.memory_space<vmem>>
    %dma_start3A_61 = arith.constant 0 : i32
    %dma_start3A_62 = tpu.memref_slice %arg5[%dma_start3A_56, %dma_start3A_61] : memref<16x128xi32, #tpu.memory_space<vmem>> -> memref<1x128xi32, #tpu.memory_space<vmem>>
    %dma_start3A_63 = tpu.memref_squeeze %dma_start3A_62 : memref<1x128xi32, #tpu.memory_space<vmem>> -> memref<128xi32, #tpu.memory_space<vmem>>
    %dma_start3A_64 = arith.constant 0 : i32
    %dma_start3A_65 = arith.constant 0 : i32
    %dma_start3A_66 = tpu.memref_slice %arg3[%dma_start3A_64, %dma_start3A_65] : memref<1000000x32xf32, #tpu.memory_space<hbm>> -> memref<1000000x32xf32, #tpu.memory_space<hbm>>
    %dma_start3A_67 = tpu.memref_slice %arg8[%dma_start3A_57] : memref<2x!tpu.dma_semaphore, #tpu.memory_space<semaphore_mem>> -> memref<1x!tpu.dma_semaphore, #tpu.memory_space<semaphore_mem>>
    %dma_start3A_68 = tpu.memref_squeeze %dma_start3A_67 : memref<1x!tpu.dma_semaphore, #tpu.memory_space<semaphore_mem>> -> memref<!tpu.dma_semaphore, #tpu.memory_space<semaphore_mem>>
    tpu.enqueue_indirect_dma source(%dma_start3A_66 : memref<1000000x32xf32, #tpu.memory_space<hbm>>) target(%dma_start3A_60 : memref<128x32xf32, #tpu.memory_space<vmem>>) offsets(%dma_start3A_63 : memref<128xi32, #tpu.memory_space<vmem>>) semaphore(%dma_start3A_68 : memref<!tpu.dma_semaphore, #tpu.memory_space<semaphore_mem>>)
    %dma_start3A_69 = arith.constant 5 : i32
    %dma_start3A_70 = arith.constant 0 : i32
    %dma_start3A_71 = arith.constant 640 : i32
    %dma_start3A_72 = arith.constant 0 : i32
    %dma_start3A_73 = tpu.memref_slice %arg6[%dma_start3A_71, %dma_start3A_72] : memref<2048x32xf32, #tpu.memory_space<vmem>> -> memref<128x32xf32, #tpu.memory_space<vmem>>
    %dma_start3A_74 = arith.constant 0 : i32
    %dma_start3A_75 = tpu.memref_slice %arg5[%dma_start3A_69, %dma_start3A_74] : memref<16x128xi32, #tpu.memory_space<vmem>> -> memref<1x128xi32, #tpu.memory_space<vmem>>
    %dma_start3A_76 = tpu.memref_squeeze %dma_start3A_75 : memref<1x128xi32, #tpu.memory_space<vmem>> -> memref<128xi32, #tpu.memory_space<vmem>>
    %dma_start3A_77 = arith.constant 0 : i32
    %dma_start3A_78 = arith.constant 0 : i32
    %dma_start3A_79 = tpu.memref_slice %arg3[%dma_start3A_77, %dma_start3A_78] : memref<1000000x32xf32, #tpu.memory_space<hbm>> -> memref<1000000x32xf32, #tpu.memory_space<hbm>>
    %dma_start3A_80 = tpu.memref_slice %arg8[%dma_start3A_70] : memref<2x!tpu.dma_semaphore, #tpu.memory_space<semaphore_mem>> -> memref<1x!tpu.dma_semaphore, #tpu.memory_space<semaphore_mem>>
    %dma_start3A_81 = tpu.memref_squeeze %dma_start3A_80 : memref<1x!tpu.dma_semaphore, #tpu.memory_space<semaphore_mem>> -> memref<!tpu.dma_semaphore, #tpu.memory_space<semaphore_mem>>
    tpu.enqueue_indirect_dma source(%dma_start3A_79 : memref<1000000x32xf32, #tpu.memory_space<hbm>>) target(%dma_start3A_73 : memref<128x32xf32, #tpu.memory_space<vmem>>) offsets(%dma_start3A_76 : memref<128xi32, #tpu.memory_space<vmem>>) semaphore(%dma_start3A_81 : memref<!tpu.dma_semaphore, #tpu.memory_space<semaphore_mem>>)
    %dma_start3A_82 = arith.constant 6 : i32
    %dma_start3A_83 = arith.constant 0 : i32
    %dma_start3A_84 = arith.constant 768 : i32
    %dma_start3A_85 = arith.constant 0 : i32
    %dma_start3A_86 = tpu.memref_slice %arg6[%dma_start3A_84, %dma_start3A_85] : memref<2048x32xf32, #tpu.memory_space<vmem>> -> memref<128x32xf32, #tpu.memory_space<vmem>>
    %dma_start3A_87 = arith.constant 0 : i32
    %dma_start3A_88 = tpu.memref_slice %arg5[%dma_start3A_82, %dma_start3A_87] : memref<16x128xi32, #tpu.memory_space<vmem>> -> memref<1x128xi32, #tpu.memory_space<vmem>>
    %dma_start3A_89 = tpu.memref_squeeze %dma_start3A_88 : memref<1x128xi32, #tpu.memory_space<vmem>> -> memref<128xi32, #tpu.memory_space<vmem>>
    %dma_start3A_90 = arith.constant 0 : i32
    %dma_start3A_91 = arith.constant 0 : i32
    %dma_start3A_92 = tpu.memref_slice %arg3[%dma_start3A_90, %dma_start3A_91] : memref<1000000x32xf32, #tpu.memory_space<hbm>> -> memref<1000000x32xf32, #tpu.memory_space<hbm>>
    %dma_start3A_93 = tpu.memref_slice %arg8[%dma_start3A_83] : memref<2x!tpu.dma_semaphore, #tpu.memory_space<semaphore_mem>> -> memref<1x!tpu.dma_semaphore, #tpu.memory_space<semaphore_mem>>
    %dma_start3A_94 = tpu.memref_squeeze %dma_start3A_93 : memref<1x!tpu.dma_semaphore, #tpu.memory_space<semaphore_mem>> -> memref<!tpu.dma_semaphore, #tpu.memory_space<semaphore_mem>>
    tpu.enqueue_indirect_dma source(%dma_start3A_92 : memref<1000000x32xf32, #tpu.memory_space<hbm>>) target(%dma_start3A_86 : memref<128x32xf32, #tpu.memory_space<vmem>>) offsets(%dma_start3A_89 : memref<128xi32, #tpu.memory_space<vmem>>) semaphore(%dma_start3A_94 : memref<!tpu.dma_semaphore, #tpu.memory_space<semaphore_mem>>)
    %dma_start3A_95 = arith.constant 7 : i32
    %dma_start3A_96 = arith.constant 0 : i32
    %dma_start3A_97 = arith.constant 896 : i32
    %dma_start3A_98 = arith.constant 0 : i32
    %dma_start3A_99 = tpu.memref_slice %arg6[%dma_start3A_97, %dma_start3A_98] : memref<2048x32xf32, #tpu.memory_space<vmem>> -> memref<128x32xf32, #tpu.memory_space<vmem>>
    %dma_start3A_100 = arith.constant 0 : i32
    %dma_start3A_101 = tpu.memref_slice %arg5[%dma_start3A_95, %dma_start3A_100] : memref<16x128xi32, #tpu.memory_space<vmem>> -> memref<1x128xi32, #tpu.memory_space<vmem>>
    %dma_start3A_102 = tpu.memref_squeeze %dma_start3A_101 : memref<1x128xi32, #tpu.memory_space<vmem>> -> memref<128xi32, #tpu.memory_space<vmem>>
    %dma_start3A_103 = arith.constant 0 : i32
    %dma_start3A_104 = arith.constant 0 : i32
    %dma_start3A_105 = tpu.memref_slice %arg3[%dma_start3A_103, %dma_start3A_104] : memref<1000000x32xf32, #tpu.memory_space<hbm>> -> memref<1000000x32xf32, #tpu.memory_space<hbm>>
    %dma_start3A_106 = tpu.memref_slice %arg8[%dma_start3A_96] : memref<2x!tpu.dma_semaphore, #tpu.memory_space<semaphore_mem>> -> memref<1x!tpu.dma_semaphore, #tpu.memory_space<semaphore_mem>>
    %dma_start3A_107 = tpu.memref_squeeze %dma_start3A_106 : memref<1x!tpu.dma_semaphore, #tpu.memory_space<semaphore_mem>> -> memref<!tpu.dma_semaphore, #tpu.memory_space<semaphore_mem>>
    tpu.enqueue_indirect_dma source(%dma_start3A_105 : memref<1000000x32xf32, #tpu.memory_space<hbm>>) target(%dma_start3A_99 : memref<128x32xf32, #tpu.memory_space<vmem>>) offsets(%dma_start3A_102 : memref<128xi32, #tpu.memory_space<vmem>>) semaphore(%dma_start3A_107 : memref<!tpu.dma_semaphore, #tpu.memory_space<semaphore_mem>>)
    %scan3A = arith.constant 0 : i32
    %scan3A_108 = arith.constant 12 : i32
    %scan3A_109 = arith.addi %scan3A, %scan3A_108 : i32
    %scan3A_110 = arith.constant 1 : i32
    scf.for %scan3A_195 = %scan3A to %scan3A_109 step %scan3A_110  : i32 {
      %mul3A_196 = arith.constant 1 : i32
      %mul3A_197 = arith.muli %scan3A_195, %mul3A_196 : i32
      %add3A_198 = arith.constant 0 : i32
      %add3A_199 = arith.addi %add3A_198, %mul3A_197 : i32
      %mul3A_200 = arith.constant 2 : i32
      %mul3A_201 = arith.muli %add3A_199, %mul3A_200 : i32
      %add3A_202 = arith.constant 1 : i32
      %add3A_203 = arith.addi %add3A_202, %mul3A_201 : i32
      %add3A_204 = arith.constant 0 : i32
      %add3A_205 = arith.addi %add3A_203, %add3A_204 : i32
      %mul3A_206 = arith.constant 8 : i32
      %mul3A_207 = arith.muli %add3A_205, %mul3A_206 : i32
      %add3A_208 = arith.addi %mul3A_2, %mul3A_207 : i32
      "tpu.region"() ({
        %run_scoped3A = tpu.sem_alloc : memref<!tpu.dma_semaphore, #tpu.memory_space<semaphore_mem>>
        %dma_start3A_594 = arith.constant 8 : i32
        %dma_start3A_595 = arith.constant 0 : i32
        %dma_start3A_596 = tpu.memref_slice %arg5[%dma_start3A_594, %dma_start3A_595] : memref<16x128xi32, #tpu.memory_space<vmem>> -> memref<8x128xi32, #tpu.memory_space<vmem>>
        %dma_start3A_597 = arith.constant 0 : i32
        %dma_start3A_598 = tpu.memref_slice %arg2[%add3A_208, %dma_start3A_597] : memref<6400x128xi32, #tpu.memory_space<hbm>> -> memref<8x128xi32, #tpu.memory_space<hbm>>
        %dma_start3A_599 = arith.constant 8 : i32
        %dma_start3A_600 = arith.constant 0 : i32
        %dma_start3A_601 = tpu.memref_slice %arg5[%dma_start3A_599, %dma_start3A_600] : memref<16x128xi32, #tpu.memory_space<vmem>> -> memref<8x128xi32, #tpu.memory_space<vmem>>
        %dma_start3A_602 = arith.constant 0 : i32
        %dma_start3A_603 = tpu.memref_slice %arg2[%add3A_208, %dma_start3A_602] : memref<6400x128xi32, #tpu.memory_space<hbm>> -> memref<8x128xi32, #tpu.memory_space<hbm>>
        tpu.enqueue_dma source(%dma_start3A_603 : memref<8x128xi32, #tpu.memory_space<hbm>>) target(%dma_start3A_601 : memref<8x128xi32, #tpu.memory_space<vmem>>) target_semaphore(%run_scoped3A : memref<!tpu.dma_semaphore, #tpu.memory_space<semaphore_mem>>)
        %dma_wait3A_604 = arith.constant 8 : i32
        %dma_wait3A_605 = arith.constant 0 : i32
        %dma_wait3A_606 = tpu.memref_slice %arg5[%dma_wait3A_604, %dma_wait3A_605] : memref<16x128xi32, #tpu.memory_space<vmem>> -> memref<8x128xi32, #tpu.memory_space<vmem>>
        %dma_wait3A_607 = arith.constant 0 : i32
        %dma_wait3A_608 = tpu.memref_slice %arg2[%add3A_208, %dma_wait3A_607] : memref<6400x128xi32, #tpu.memory_space<hbm>> -> memref<8x128xi32, #tpu.memory_space<hbm>>
        %dma_wait3A_609 = arith.constant 8 : i32
        %dma_wait3A_610 = arith.constant 0 : i32
        %dma_wait3A_611 = tpu.memref_slice %arg5[%dma_wait3A_609, %dma_wait3A_610] : memref<16x128xi32, #tpu.memory_space<vmem>> -> memref<8x128xi32, #tpu.memory_space<vmem>>
        %dma_wait3A_612 = arith.constant 0 : i32
        %dma_wait3A_613 = tpu.memref_slice %arg2[%add3A_208, %dma_wait3A_612] : memref<6400x128xi32, #tpu.memory_space<hbm>> -> memref<8x128xi32, #tpu.memory_space<hbm>>
        tpu.wait_dma2 semaphore(%run_scoped3A : memref<!tpu.dma_semaphore, #tpu.memory_space<semaphore_mem>>) src(%dma_wait3A_613 : memref<8x128xi32, #tpu.memory_space<hbm>>) dst(%dma_wait3A_611 : memref<8x128xi32, #tpu.memory_space<vmem>>)
        tpu.yield
      }) : () -> ()
      %dma_start3A_209 = arith.constant 8 : i32
      %dma_start3A_210 = arith.constant 1 : i32
      %dma_start3A_211 = arith.constant 1024 : i32
      %dma_start3A_212 = arith.constant 0 : i32
      %dma_start3A_213 = tpu.memref_slice %arg6[%dma_start3A_211, %dma_start3A_212] : memref<2048x32xf32, #tpu.memory_space<vmem>> -> memref<128x32xf32, #tpu.memory_space<vmem>>
      %dma_start3A_214 = arith.constant 0 : i32
      %dma_start3A_215 = tpu.memref_slice %arg5[%dma_start3A_209, %dma_start3A_214] : memref<16x128xi32, #tpu.memory_space<vmem>> -> memref<1x128xi32, #tpu.memory_space<vmem>>
      %dma_start3A_216 = tpu.memref_squeeze %dma_start3A_215 : memref<1x128xi32, #tpu.memory_space<vmem>> -> memref<128xi32, #tpu.memory_space<vmem>>
      %dma_start3A_217 = arith.constant 0 : i32
      %dma_start3A_218 = arith.constant 0 : i32
      %dma_start3A_219 = tpu.memref_slice %arg3[%dma_start3A_217, %dma_start3A_218] : memref<1000000x32xf32, #tpu.memory_space<hbm>> -> memref<1000000x32xf32, #tpu.memory_space<hbm>>
      %dma_start3A_220 = tpu.memref_slice %arg8[%dma_start3A_210] : memref<2x!tpu.dma_semaphore, #tpu.memory_space<semaphore_mem>> -> memref<1x!tpu.dma_semaphore, #tpu.memory_space<semaphore_mem>>
      %dma_start3A_221 = tpu.memref_squeeze %dma_start3A_220 : memref<1x!tpu.dma_semaphore, #tpu.memory_space<semaphore_mem>> -> memref<!tpu.dma_semaphore, #tpu.memory_space<semaphore_mem>>
      tpu.enqueue_indirect_dma source(%dma_start3A_219 : memref<1000000x32xf32, #tpu.memory_space<hbm>>) target(%dma_start3A_213 : memref<128x32xf32, #tpu.memory_space<vmem>>) offsets(%dma_start3A_216 : memref<128xi32, #tpu.memory_space<vmem>>) semaphore(%dma_start3A_221 : memref<!tpu.dma_semaphore, #tpu.memory_space<semaphore_mem>>)
      %dma_start3A_222 = arith.constant 9 : i32
      %dma_start3A_223 = arith.constant 1 : i32
      %dma_start3A_224 = arith.constant 1152 : i32
      %dma_start3A_225 = arith.constant 0 : i32
      %dma_start3A_226 = tpu.memref_slice %arg6[%dma_start3A_224, %dma_start3A_225] : memref<2048x32xf32, #tpu.memory_space<vmem>> -> memref<128x32xf32, #tpu.memory_space<vmem>>
      %dma_start3A_227 = arith.constant 0 : i32
      %dma_start3A_228 = tpu.memref_slice %arg5[%dma_start3A_222, %dma_start3A_227] : memref<16x128xi32, #tpu.memory_space<vmem>> -> memref<1x128xi32, #tpu.memory_space<vmem>>
      %dma_start3A_229 = tpu.memref_squeeze %dma_start3A_228 : memref<1x128xi32, #tpu.memory_space<vmem>> -> memref<128xi32, #tpu.memory_space<vmem>>
      %dma_start3A_230 = arith.constant 0 : i32
      %dma_start3A_231 = arith.constant 0 : i32
      %dma_start3A_232 = tpu.memref_slice %arg3[%dma_start3A_230, %dma_start3A_231] : memref<1000000x32xf32, #tpu.memory_space<hbm>> -> memref<1000000x32xf32, #tpu.memory_space<hbm>>
      %dma_start3A_233 = tpu.memref_slice %arg8[%dma_start3A_223] : memref<2x!tpu.dma_semaphore, #tpu.memory_space<semaphore_mem>> -> memref<1x!tpu.dma_semaphore, #tpu.memory_space<semaphore_mem>>
      %dma_start3A_234 = tpu.memref_squeeze %dma_start3A_233 : memref<1x!tpu.dma_semaphore, #tpu.memory_space<semaphore_mem>> -> memref<!tpu.dma_semaphore, #tpu.memory_space<semaphore_mem>>
      tpu.enqueue_indirect_dma source(%dma_start3A_232 : memref<1000000x32xf32, #tpu.memory_space<hbm>>) target(%dma_start3A_226 : memref<128x32xf32, #tpu.memory_space<vmem>>) offsets(%dma_start3A_229 : memref<128xi32, #tpu.memory_space<vmem>>) semaphore(%dma_start3A_234 : memref<!tpu.dma_semaphore, #tpu.memory_space<semaphore_mem>>)
      %dma_start3A_235 = arith.constant 10 : i32
      %dma_start3A_236 = arith.constant 1 : i32
      %dma_start3A_237 = arith.constant 1280 : i32
      %dma_start3A_238 = arith.constant 0 : i32
      %dma_start3A_239 = tpu.memref_slice %arg6[%dma_start3A_237, %dma_start3A_238] : memref<2048x32xf32, #tpu.memory_space<vmem>> -> memref<128x32xf32, #tpu.memory_space<vmem>>
      %dma_start3A_240 = arith.constant 0 : i32
      %dma_start3A_241 = tpu.memref_slice %arg5[%dma_start3A_235, %dma_start3A_240] : memref<16x128xi32, #tpu.memory_space<vmem>> -> memref<1x128xi32, #tpu.memory_space<vmem>>
      %dma_start3A_242 = tpu.memref_squeeze %dma_start3A_241 : memref<1x128xi32, #tpu.memory_space<vmem>> -> memref<128xi32, #tpu.memory_space<vmem>>
      %dma_start3A_243 = arith.constant 0 : i32
      %dma_start3A_244 = arith.constant 0 : i32
      %dma_start3A_245 = tpu.memref_slice %arg3[%dma_start3A_243, %dma_start3A_244] : memref<1000000x32xf32, #tpu.memory_space<hbm>> -> memref<1000000x32xf32, #tpu.memory_space<hbm>>
      %dma_start3A_246 = tpu.memref_slice %arg8[%dma_start3A_236] : memref<2x!tpu.dma_semaphore, #tpu.memory_space<semaphore_mem>> -> memref<1x!tpu.dma_semaphore, #tpu.memory_space<semaphore_mem>>
      %dma_start3A_247 = tpu.memref_squeeze %dma_start3A_246 : memref<1x!tpu.dma_semaphore, #tpu.memory_space<semaphore_mem>> -> memref<!tpu.dma_semaphore, #tpu.memory_space<semaphore_mem>>
      tpu.enqueue_indirect_dma source(%dma_start3A_245 : memref<1000000x32xf32, #tpu.memory_space<hbm>>) target(%dma_start3A_239 : memref<128x32xf32, #tpu.memory_space<vmem>>) offsets(%dma_start3A_242 : memref<128xi32, #tpu.memory_space<vmem>>) semaphore(%dma_start3A_247 : memref<!tpu.dma_semaphore, #tpu.memory_space<semaphore_mem>>)
      %dma_start3A_248 = arith.constant 11 : i32
      %dma_start3A_249 = arith.constant 1 : i32
      %dma_start3A_250 = arith.constant 1408 : i32
      %dma_start3A_251 = arith.constant 0 : i32
      %dma_start3A_252 = tpu.memref_slice %arg6[%dma_start3A_250, %dma_start3A_251] : memref<2048x32xf32, #tpu.memory_space<vmem>> -> memref<128x32xf32, #tpu.memory_space<vmem>>
      %dma_start3A_253 = arith.constant 0 : i32
      %dma_start3A_254 = tpu.memref_slice %arg5[%dma_start3A_248, %dma_start3A_253] : memref<16x128xi32, #tpu.memory_space<vmem>> -> memref<1x128xi32, #tpu.memory_space<vmem>>
      %dma_start3A_255 = tpu.memref_squeeze %dma_start3A_254 : memref<1x128xi32, #tpu.memory_space<vmem>> -> memref<128xi32, #tpu.memory_space<vmem>>
      %dma_start3A_256 = arith.constant 0 : i32
      %dma_start3A_257 = arith.constant 0 : i32
      %dma_start3A_258 = tpu.memref_slice %arg3[%dma_start3A_256, %dma_start3A_257] : memref<1000000x32xf32, #tpu.memory_space<hbm>> -> memref<1000000x32xf32, #tpu.memory_space<hbm>>
      %dma_start3A_259 = tpu.memref_slice %arg8[%dma_start3A_249] : memref<2x!tpu.dma_semaphore, #tpu.memory_space<semaphore_mem>> -> memref<1x!tpu.dma_semaphore, #tpu.memory_space<semaphore_mem>>
      %dma_start3A_260 = tpu.memref_squeeze %dma_start3A_259 : memref<1x!tpu.dma_semaphore, #tpu.memory_space<semaphore_mem>> -> memref<!tpu.dma_semaphore, #tpu.memory_space<semaphore_mem>>
      tpu.enqueue_indirect_dma source(%dma_start3A_258 : memref<1000000x32xf32, #tpu.memory_space<hbm>>) target(%dma_start3A_252 : memref<128x32xf32, #tpu.memory_space<vmem>>) offsets(%dma_start3A_255 : memref<128xi32, #tpu.memory_space<vmem>>) semaphore(%dma_start3A_260 : memref<!tpu.dma_semaphore, #tpu.memory_space<semaphore_mem>>)
      %dma_start3A_261 = arith.constant 12 : i32
      %dma_start3A_262 = arith.constant 1 : i32
      %dma_start3A_263 = arith.constant 1536 : i32
      %dma_start3A_264 = arith.constant 0 : i32
      %dma_start3A_265 = tpu.memref_slice %arg6[%dma_start3A_263, %dma_start3A_264] : memref<2048x32xf32, #tpu.memory_space<vmem>> -> memref<128x32xf32, #tpu.memory_space<vmem>>
      %dma_start3A_266 = arith.constant 0 : i32
      %dma_start3A_267 = tpu.memref_slice %arg5[%dma_start3A_261, %dma_start3A_266] : memref<16x128xi32, #tpu.memory_space<vmem>> -> memref<1x128xi32, #tpu.memory_space<vmem>>
      %dma_start3A_268 = tpu.memref_squeeze %dma_start3A_267 : memref<1x128xi32, #tpu.memory_space<vmem>> -> memref<128xi32, #tpu.memory_space<vmem>>
      %dma_start3A_269 = arith.constant 0 : i32
      %dma_start3A_270 = arith.constant 0 : i32
      %dma_start3A_271 = tpu.memref_slice %arg3[%dma_start3A_269, %dma_start3A_270] : memref<1000000x32xf32, #tpu.memory_space<hbm>> -> memref<1000000x32xf32, #tpu.memory_space<hbm>>
      %dma_start3A_272 = tpu.memref_slice %arg8[%dma_start3A_262] : memref<2x!tpu.dma_semaphore, #tpu.memory_space<semaphore_mem>> -> memref<1x!tpu.dma_semaphore, #tpu.memory_space<semaphore_mem>>
      %dma_start3A_273 = tpu.memref_squeeze %dma_start3A_272 : memref<1x!tpu.dma_semaphore, #tpu.memory_space<semaphore_mem>> -> memref<!tpu.dma_semaphore, #tpu.memory_space<semaphore_mem>>
      tpu.enqueue_indirect_dma source(%dma_start3A_271 : memref<1000000x32xf32, #tpu.memory_space<hbm>>) target(%dma_start3A_265 : memref<128x32xf32, #tpu.memory_space<vmem>>) offsets(%dma_start3A_268 : memref<128xi32, #tpu.memory_space<vmem>>) semaphore(%dma_start3A_273 : memref<!tpu.dma_semaphore, #tpu.memory_space<semaphore_mem>>)
      %dma_start3A_274 = arith.constant 13 : i32
      %dma_start3A_275 = arith.constant 1 : i32
      %dma_start3A_276 = arith.constant 1664 : i32
      %dma_start3A_277 = arith.constant 0 : i32
      %dma_start3A_278 = tpu.memref_slice %arg6[%dma_start3A_276, %dma_start3A_277] : memref<2048x32xf32, #tpu.memory_space<vmem>> -> memref<128x32xf32, #tpu.memory_space<vmem>>
      %dma_start3A_279 = arith.constant 0 : i32
      %dma_start3A_280 = tpu.memref_slice %arg5[%dma_start3A_274, %dma_start3A_279] : memref<16x128xi32, #tpu.memory_space<vmem>> -> memref<1x128xi32, #tpu.memory_space<vmem>>
      %dma_start3A_281 = tpu.memref_squeeze %dma_start3A_280 : memref<1x128xi32, #tpu.memory_space<vmem>> -> memref<128xi32, #tpu.memory_space<vmem>>
      %dma_start3A_282 = arith.constant 0 : i32
      %dma_start3A_283 = arith.constant 0 : i32
      %dma_start3A_284 = tpu.memref_slice %arg3[%dma_start3A_282, %dma_start3A_283] : memref<1000000x32xf32, #tpu.memory_space<hbm>> -> memref<1000000x32xf32, #tpu.memory_space<hbm>>
      %dma_start3A_285 = tpu.memref_slice %arg8[%dma_start3A_275] : memref<2x!tpu.dma_semaphore, #tpu.memory_space<semaphore_mem>> -> memref<1x!tpu.dma_semaphore, #tpu.memory_space<semaphore_mem>>
      %dma_start3A_286 = tpu.memref_squeeze %dma_start3A_285 : memref<1x!tpu.dma_semaphore, #tpu.memory_space<semaphore_mem>> -> memref<!tpu.dma_semaphore, #tpu.memory_space<semaphore_mem>>
      tpu.enqueue_indirect_dma source(%dma_start3A_284 : memref<1000000x32xf32, #tpu.memory_space<hbm>>) target(%dma_start3A_278 : memref<128x32xf32, #tpu.memory_space<vmem>>) offsets(%dma_start3A_281 : memref<128xi32, #tpu.memory_space<vmem>>) semaphore(%dma_start3A_286 : memref<!tpu.dma_semaphore, #tpu.memory_space<semaphore_mem>>)
      %dma_start3A_287 = arith.constant 14 : i32
      %dma_start3A_288 = arith.constant 1 : i32
      %dma_start3A_289 = arith.constant 1792 : i32
      %dma_start3A_290 = arith.constant 0 : i32
      %dma_start3A_291 = tpu.memref_slice %arg6[%dma_start3A_289, %dma_start3A_290] : memref<2048x32xf32, #tpu.memory_space<vmem>> -> memref<128x32xf32, #tpu.memory_space<vmem>>
      %dma_start3A_292 = arith.constant 0 : i32
      %dma_start3A_293 = tpu.memref_slice %arg5[%dma_start3A_287, %dma_start3A_292] : memref<16x128xi32, #tpu.memory_space<vmem>> -> memref<1x128xi32, #tpu.memory_space<vmem>>
      %dma_start3A_294 = tpu.memref_squeeze %dma_start3A_293 : memref<1x128xi32, #tpu.memory_space<vmem>> -> memref<128xi32, #tpu.memory_space<vmem>>
      %dma_start3A_295 = arith.constant 0 : i32
      %dma_start3A_296 = arith.constant 0 : i32
      %dma_start3A_297 = tpu.memref_slice %arg3[%dma_start3A_295, %dma_start3A_296] : memref<1000000x32xf32, #tpu.memory_space<hbm>> -> memref<1000000x32xf32, #tpu.memory_space<hbm>>
      %dma_start3A_298 = tpu.memref_slice %arg8[%dma_start3A_288] : memref<2x!tpu.dma_semaphore, #tpu.memory_space<semaphore_mem>> -> memref<1x!tpu.dma_semaphore, #tpu.memory_space<semaphore_mem>>
      %dma_start3A_299 = tpu.memref_squeeze %dma_start3A_298 : memref<1x!tpu.dma_semaphore, #tpu.memory_space<semaphore_mem>> -> memref<!tpu.dma_semaphore, #tpu.memory_space<semaphore_mem>>
      tpu.enqueue_indirect_dma source(%dma_start3A_297 : memref<1000000x32xf32, #tpu.memory_space<hbm>>) target(%dma_start3A_291 : memref<128x32xf32, #tpu.memory_space<vmem>>) offsets(%dma_start3A_294 : memref<128xi32, #tpu.memory_space<vmem>>) semaphore(%dma_start3A_299 : memref<!tpu.dma_semaphore, #tpu.memory_space<semaphore_mem>>)
      %dma_start3A_300 = arith.constant 15 : i32
      %dma_start3A_301 = arith.constant 1 : i32
      %dma_start3A_302 = arith.constant 1920 : i32
      %dma_start3A_303 = arith.constant 0 : i32
      %dma_start3A_304 = tpu.memref_slice %arg6[%dma_start3A_302, %dma_start3A_303] : memref<2048x32xf32, #tpu.memory_space<vmem>> -> memref<128x32xf32, #tpu.memory_space<vmem>>
      %dma_start3A_305 = arith.constant 0 : i32
      %dma_start3A_306 = tpu.memref_slice %arg5[%dma_start3A_300, %dma_start3A_305] : memref<16x128xi32, #tpu.memory_space<vmem>> -> memref<1x128xi32, #tpu.memory_space<vmem>>
      %dma_start3A_307 = tpu.memref_squeeze %dma_start3A_306 : memref<1x128xi32, #tpu.memory_space<vmem>> -> memref<128xi32, #tpu.memory_space<vmem>>
      %dma_start3A_308 = arith.constant 0 : i32
      %dma_start3A_309 = arith.constant 0 : i32
      %dma_start3A_310 = tpu.memref_slice %arg3[%dma_start3A_308, %dma_start3A_309] : memref<1000000x32xf32, #tpu.memory_space<hbm>> -> memref<1000000x32xf32, #tpu.memory_space<hbm>>
      %dma_start3A_311 = tpu.memref_slice %arg8[%dma_start3A_301] : memref<2x!tpu.dma_semaphore, #tpu.memory_space<semaphore_mem>> -> memref<1x!tpu.dma_semaphore, #tpu.memory_space<semaphore_mem>>
      %dma_start3A_312 = tpu.memref_squeeze %dma_start3A_311 : memref<1x!tpu.dma_semaphore, #tpu.memory_space<semaphore_mem>> -> memref<!tpu.dma_semaphore, #tpu.memory_space<semaphore_mem>>
      tpu.enqueue_indirect_dma source(%dma_start3A_310 : memref<1000000x32xf32, #tpu.memory_space<hbm>>) target(%dma_start3A_304 : memref<128x32xf32, #tpu.memory_space<vmem>>) offsets(%dma_start3A_307 : memref<128xi32, #tpu.memory_space<vmem>>) semaphore(%dma_start3A_312 : memref<!tpu.dma_semaphore, #tpu.memory_space<semaphore_mem>>)
      %dma_wait3A_313 = arith.constant 0 : i32
      %dma_wait3A_314 = arith.constant 0 : i32
      %dma_wait3A_315 = arith.constant 0 : i32
      %dma_wait3A_316 = tpu.memref_slice %arg6[%dma_wait3A_314, %dma_wait3A_315] : memref<2048x32xf32, #tpu.memory_space<vmem>> -> memref<1024x32xf32, #tpu.memory_space<vmem>>
      %dma_wait3A_317 = arith.constant 0 : i32
      %dma_wait3A_318 = arith.constant 0 : i32
      %dma_wait3A_319 = tpu.memref_slice %arg3[%dma_wait3A_317, %dma_wait3A_318] : memref<1000000x32xf32, #tpu.memory_space<hbm>> -> memref<1024x32xf32, #tpu.memory_space<hbm>>
      %dma_wait3A_320 = tpu.memref_slice %arg8[%dma_wait3A_313] : memref<2x!tpu.dma_semaphore, #tpu.memory_space<semaphore_mem>> -> memref<1x!tpu.dma_semaphore, #tpu.memory_space<semaphore_mem>>
      %dma_wait3A_321 = tpu.memref_squeeze %dma_wait3A_320 : memref<1x!tpu.dma_semaphore, #tpu.memory_space<semaphore_mem>> -> memref<!tpu.dma_semaphore, #tpu.memory_space<semaphore_mem>>
      %dma_wait3A_322 = arith.constant 0 : i32
      %dma_wait3A_323 = arith.constant 0 : i32
      %dma_wait3A_324 = tpu.memref_slice %arg6[%dma_wait3A_322, %dma_wait3A_323] : memref<2048x32xf32, #tpu.memory_space<vmem>> -> memref<1024x32xf32, #tpu.memory_space<vmem>>
      %dma_wait3A_325 = arith.constant 0 : i32
      %dma_wait3A_326 = arith.constant 0 : i32
      %dma_wait3A_327 = tpu.memref_slice %arg3[%dma_wait3A_325, %dma_wait3A_326] : memref<1000000x32xf32, #tpu.memory_space<hbm>> -> memref<1024x32xf32, #tpu.memory_space<hbm>>
      tpu.wait_dma2 semaphore(%dma_wait3A_321 : memref<!tpu.dma_semaphore, #tpu.memory_space<semaphore_mem>>) src(%dma_wait3A_327 : memref<1024x32xf32, #tpu.memory_space<hbm>>) dst(%dma_wait3A_324 : memref<1024x32xf32, #tpu.memory_space<vmem>>)
      %sub3A = arith.constant 1 : i32
      %sub3A_328 = arith.subi %add3A_205, %sub3A : i32
      %mul3A_329 = arith.constant 8 : i32
      %mul3A_330 = arith.muli %sub3A_328, %mul3A_329 : i32
      %add3A_331 = arith.addi %mul3A_2, %mul3A_330 : i32
      %div3A_332 = arith.constant 32 : i32
      %div3A_333 = arith.divsi %add3A_331, %div3A_332 : i32
      %rem3A_334 = arith.constant 32 : i32
      %rem3A_335 = arith.remsi %add3A_331, %rem3A_334 : i32
      %ge3A = arith.constant 1 : i32
      %ge3A_336 = arith.cmpi sge, %sub3A_328, %ge3A : i32
      %convert_element_type3A = arith.extui %ge3A_336 : i1 to i32
      %cond3A = arith.constant 0 : i32
      %cond3A_337 = arith.cmpi ne, %convert_element_type3A, %cond3A : i32
      scf.if %cond3A_337 {
        %dma_wait3A_594 = arith.constant 0 : i32
        %dma_wait3A_595 = tpu.memref_slice %arg4[%dma_wait3A_594] : memref<26214400xf32, #tpu.memory_space<hbm>> -> memref<32768xf32, #tpu.memory_space<hbm>>
        %dma_wait3A_596 = arith.constant 0 : i32
        %dma_wait3A_597 = tpu.memref_slice %arg4[%dma_wait3A_596] : memref<26214400xf32, #tpu.memory_space<hbm>> -> memref<32768xf32, #tpu.memory_space<hbm>>
        tpu.wait_dma2 semaphore(%arg9 : memref<!tpu.dma_semaphore, #tpu.memory_space<semaphore_mem>>) src(%arg7 : memref<32768xf32, #tpu.memory_space<vmem>>) dst(%dma_wait3A_597 : memref<32768xf32, #tpu.memory_space<hbm>>)
      } else {
      }
      %scan3A_338 = arith.constant 0 : i32
      %scan3A_339 = arith.constant 8 : i32
      %scan3A_340 = arith.addi %scan3A_338, %scan3A_339 : i32
      %scan3A_341 = arith.constant 1 : i32
      scf.for %scan3A_594 = %scan3A_338 to %scan3A_340 step %scan3A_341  : i32 {
        %mul3A_595 = arith.constant 1 : i32
        %mul3A_596 = arith.muli %scan3A_594, %mul3A_595 : i32
        %add3A_597 = arith.constant 0 : i32
        %add3A_598 = arith.addi %add3A_597, %mul3A_596 : i32
        %add3A_599 = arith.constant 0 : i32
        %add3A_600 = arith.addi %add3A_599, %add3A_598 : i32
        %mul3A_601 = arith.constant 128 : i32
        %mul3A_602 = arith.muli %add3A_600, %mul3A_601 : i32
        %mul3A_603 = arith.constant 1024 : i32
        %mul3A_604 = arith.muli %add3A_598, %mul3A_603 : i32
        %add3A_605 = arith.constant 0 : i32
        %add3A_606 = arith.addi %mul3A_602, %add3A_605 : i32
        %add3A_607 = vector.broadcast %add3A_606 : i32 to vector<16xi32>
        %add3A_608 = arith.addi %iota3A, %add3A_607 : vector<16xi32>
        %add3A_609 = arith.constant 16 : i32
        %add3A_610 = arith.addi %mul3A_602, %add3A_609 : i32
        %add3A_611 = vector.broadcast %add3A_610 : i32 to vector<16xi32>
        %add3A_612 = arith.addi %iota3A, %add3A_611 : vector<16xi32>
        %add3A_613 = arith.constant 32 : i32
        %add3A_614 = arith.addi %mul3A_602, %add3A_613 : i32
        %add3A_615 = vector.broadcast %add3A_614 : i32 to vector<16xi32>
        %add3A_616 = arith.addi %iota3A, %add3A_615 : vector<16xi32>
        %add3A_617 = arith.constant 48 : i32
        %add3A_618 = arith.addi %mul3A_602, %add3A_617 : i32
        %add3A_619 = vector.broadcast %add3A_618 : i32 to vector<16xi32>
        %add3A_620 = arith.addi %iota3A, %add3A_619 : vector<16xi32>
        %add3A_621 = arith.constant 64 : i32
        %add3A_622 = arith.addi %mul3A_602, %add3A_621 : i32
        %add3A_623 = vector.broadcast %add3A_622 : i32 to vector<16xi32>
        %add3A_624 = arith.addi %iota3A, %add3A_623 : vector<16xi32>
        %add3A_625 = arith.constant 80 : i32
        %add3A_626 = arith.addi %mul3A_602, %add3A_625 : i32
        %add3A_627 = vector.broadcast %add3A_626 : i32 to vector<16xi32>
        %add3A_628 = arith.addi %iota3A, %add3A_627 : vector<16xi32>
        %add3A_629 = arith.constant 96 : i32
        %add3A_630 = arith.addi %mul3A_602, %add3A_629 : i32
        %add3A_631 = vector.broadcast %add3A_630 : i32 to vector<16xi32>
        %add3A_632 = arith.addi %iota3A, %add3A_631 : vector<16xi32>
        %add3A_633 = arith.constant 112 : i32
        %add3A_634 = arith.addi %mul3A_602, %add3A_633 : i32
        %add3A_635 = vector.broadcast %add3A_634 : i32 to vector<16xi32>
        %add3A_636 = arith.addi %iota3A, %add3A_635 : vector<16xi32>
        %parallel_loop3A = arith.constant 0 : i32
        %parallel_loop3A_637 = arith.constant 32 : i32
        %parallel_loop3A_638 = arith.constant 1 : i32
        scf.for %parallel_loop3A_639 = %parallel_loop3A to %parallel_loop3A_637 step %parallel_loop3A_638  : i32 {
          %parallel_loop3A_640 = arith.constant 0 : i32
          %parallel_loop3A_641 = vector.broadcast %parallel_loop3A_640 : i32 to vector<16xi32>
          %parallel_loop3A_642 = arith.muli %iota3A, %parallel_loop3A_641 : vector<16xi32>
          %parallel_loop3A_643 = vector.broadcast %parallel_loop3A_639 : i32 to vector<16xi32>
          %parallel_loop3A_644 = arith.addi %parallel_loop3A_642, %parallel_loop3A_643 : vector<16xi32>
          %parallel_loop3A_645 = arith.constant 8 : i32
          %parallel_loop3A_646 = arith.divsi %parallel_loop3A_639, %parallel_loop3A_645 : i32
          %parallel_loop3A_647 = arith.constant 8192 : i32
          %parallel_loop3A_648 = arith.muli %parallel_loop3A_646, %parallel_loop3A_647 : i32
          %parallel_loop3A_649 = arith.addi %parallel_loop3A_648, %mul3A_604 : i32
          %parallel_loop3A_650 = arith.constant 8 : i32
          %parallel_loop3A_651 = arith.remsi %parallel_loop3A_639, %parallel_loop3A_650 : i32
          %parallel_loop3A_652 = arith.constant 128 : i32
          %parallel_loop3A_653 = arith.muli %parallel_loop3A_651, %parallel_loop3A_652 : i32
          %parallel_loop3A_654 = arith.addi %parallel_loop3A_649, %parallel_loop3A_653 : i32
          %parallel_loop3A_655 = tpu.vector_load_idx %arg6[%add3A_608, %parallel_loop3A_644] : memref<2048x32xf32, #tpu.memory_space<vmem>>[vector<16xi32>, vector<16xi32>], vector<16xf32>,
          %parallel_loop3A_656 = arith.constant 0 : i32
          %parallel_loop3A_657 = arith.addi %parallel_loop3A_654, %parallel_loop3A_656 : i32
          %parallel_loop3A_658 = arith.index_cast %parallel_loop3A_657 : i32 to index
          %parallel_loop3A_659 = tpu.vector_load %arg7[%parallel_loop3A_658] {strides = array<i32>} : memref<32768xf32, #tpu.memory_space<vmem>>, vector<16xf32>,
          tpu.vector_store %arg7[%parallel_loop3A_658], %parallel_loop3A_655 {strides = array<i32>} : memref<32768xf32, #tpu.memory_space<vmem>>, vector<16xf32>,
          %parallel_loop3A_660 = tpu.vector_load_idx %arg6[%add3A_612, %parallel_loop3A_644] : memref<2048x32xf32, #tpu.memory_space<vmem>>[vector<16xi32>, vector<16xi32>], vector<16xf32>,
          %parallel_loop3A_661 = arith.constant 16 : i32
          %parallel_loop3A_662 = arith.addi %parallel_loop3A_654, %parallel_loop3A_661 : i32
          %parallel_loop3A_663 = arith.index_cast %parallel_loop3A_662 : i32 to index
          %parallel_loop3A_664 = tpu.vector_load %arg7[%parallel_loop3A_663] {strides = array<i32>} : memref<32768xf32, #tpu.memory_space<vmem>>, vector<16xf32>,
          tpu.vector_store %arg7[%parallel_loop3A_663], %parallel_loop3A_660 {strides = array<i32>} : memref<32768xf32, #tpu.memory_space<vmem>>, vector<16xf32>,
          %parallel_loop3A_665 = tpu.vector_load_idx %arg6[%add3A_616, %parallel_loop3A_644] : memref<2048x32xf32, #tpu.memory_space<vmem>>[vector<16xi32>, vector<16xi32>], vector<16xf32>,
          %parallel_loop3A_666 = arith.constant 32 : i32
          %parallel_loop3A_667 = arith.addi %parallel_loop3A_654, %parallel_loop3A_666 : i32
          %parallel_loop3A_668 = arith.index_cast %parallel_loop3A_667 : i32 to index
          %parallel_loop3A_669 = tpu.vector_load %arg7[%parallel_loop3A_668] {strides = array<i32>} : memref<32768xf32, #tpu.memory_space<vmem>>, vector<16xf32>,
          tpu.vector_store %arg7[%parallel_loop3A_668], %parallel_loop3A_665 {strides = array<i32>} : memref<32768xf32, #tpu.memory_space<vmem>>, vector<16xf32>,
          %parallel_loop3A_670 = tpu.vector_load_idx %arg6[%add3A_620, %parallel_loop3A_644] : memref<2048x32xf32, #tpu.memory_space<vmem>>[vector<16xi32>, vector<16xi32>], vector<16xf32>,
          %parallel_loop3A_671 = arith.constant 48 : i32
          %parallel_loop3A_672 = arith.addi %parallel_loop3A_654, %parallel_loop3A_671 : i32
          %parallel_loop3A_673 = arith.index_cast %parallel_loop3A_672 : i32 to index
          %parallel_loop3A_674 = tpu.vector_load %arg7[%parallel_loop3A_673] {strides = array<i32>} : memref<32768xf32, #tpu.memory_space<vmem>>, vector<16xf32>,
          tpu.vector_store %arg7[%parallel_loop3A_673], %parallel_loop3A_670 {strides = array<i32>} : memref<32768xf32, #tpu.memory_space<vmem>>, vector<16xf32>,
          %parallel_loop3A_675 = tpu.vector_load_idx %arg6[%add3A_624, %parallel_loop3A_644] : memref<2048x32xf32, #tpu.memory_space<vmem>>[vector<16xi32>, vector<16xi32>], vector<16xf32>,
          %parallel_loop3A_676 = arith.constant 64 : i32
          %parallel_loop3A_677 = arith.addi %parallel_loop3A_654, %parallel_loop3A_676 : i32
          %parallel_loop3A_678 = arith.index_cast %parallel_loop3A_677 : i32 to index
          %parallel_loop3A_679 = tpu.vector_load %arg7[%parallel_loop3A_678] {strides = array<i32>} : memref<32768xf32, #tpu.memory_space<vmem>>, vector<16xf32>,
          tpu.vector_store %arg7[%parallel_loop3A_678], %parallel_loop3A_675 {strides = array<i32>} : memref<32768xf32, #tpu.memory_space<vmem>>, vector<16xf32>,
          %parallel_loop3A_680 = tpu.vector_load_idx %arg6[%add3A_628, %parallel_loop3A_644] : memref<2048x32xf32, #tpu.memory_space<vmem>>[vector<16xi32>, vector<16xi32>], vector<16xf32>,
          %parallel_loop3A_681 = arith.constant 80 : i32
          %parallel_loop3A_682 = arith.addi %parallel_loop3A_654, %parallel_loop3A_681 : i32
          %parallel_loop3A_683 = arith.index_cast %parallel_loop3A_682 : i32 to index
          %parallel_loop3A_684 = tpu.vector_load %arg7[%parallel_loop3A_683] {strides = array<i32>} : memref<32768xf32, #tpu.memory_space<vmem>>, vector<16xf32>,
          tpu.vector_store %arg7[%parallel_loop3A_683], %parallel_loop3A_680 {strides = array<i32>} : memref<32768xf32, #tpu.memory_space<vmem>>, vector<16xf32>,
          %parallel_loop3A_685 = tpu.vector_load_idx %arg6[%add3A_632, %parallel_loop3A_644] : memref<2048x32xf32, #tpu.memory_space<vmem>>[vector<16xi32>, vector<16xi32>], vector<16xf32>,
          %parallel_loop3A_686 = arith.constant 96 : i32
          %parallel_loop3A_687 = arith.addi %parallel_loop3A_654, %parallel_loop3A_686 : i32
          %parallel_loop3A_688 = arith.index_cast %parallel_loop3A_687 : i32 to index
          %parallel_loop3A_689 = tpu.vector_load %arg7[%parallel_loop3A_688] {strides = array<i32>} : memref<32768xf32, #tpu.memory_space<vmem>>, vector<16xf32>,
          tpu.vector_store %arg7[%parallel_loop3A_688], %parallel_loop3A_685 {strides = array<i32>} : memref<32768xf32, #tpu.memory_space<vmem>>, vector<16xf32>,
          %parallel_loop3A_690 = tpu.vector_load_idx %arg6[%add3A_636, %parallel_loop3A_644] : memref<2048x32xf32, #tpu.memory_space<vmem>>[vector<16xi32>, vector<16xi32>], vector<16xf32>,
          %parallel_loop3A_691 = arith.constant 112 : i32
          %parallel_loop3A_692 = arith.addi %parallel_loop3A_654, %parallel_loop3A_691 : i32
          %parallel_loop3A_693 = arith.index_cast %parallel_loop3A_692 : i32 to index
          %parallel_loop3A_694 = tpu.vector_load %arg7[%parallel_loop3A_693] {strides = array<i32>} : memref<32768xf32, #tpu.memory_space<vmem>>, vector<16xf32>,
          tpu.vector_store %arg7[%parallel_loop3A_693], %parallel_loop3A_690 {strides = array<i32>} : memref<32768xf32, #tpu.memory_space<vmem>>, vector<16xf32>,
        } {sc.loop_unroll_factor = 4 : i64, sc.parallel_access}
      }
      %scan3A_342 = arith.constant 8 : i32
      %mul3A_343 = arith.constant 131072 : i32
      %mul3A_344 = arith.muli %div3A_333, %mul3A_343 : i32
      %add3A_345 = arith.constant 0 : i32
      %add3A_346 = arith.addi %mul3A_344, %add3A_345 : i32
      %mul3A_347 = arith.constant 1024 : i32
      %mul3A_348 = arith.muli %rem3A_335, %mul3A_347 : i32
      %add3A_349 = arith.addi %add3A_346, %mul3A_348 : i32
      %dma_start3A_350 = arith.constant 0 : i32
      %dma_start3A_351 = tpu.memref_slice %arg7[%dma_start3A_350] : memref<32768xf32, #tpu.memory_space<vmem>> -> memref<8192xf32, #tpu.memory_space<vmem>>
      %dma_start3A_352 = tpu.memref_slice %arg4[%add3A_349] : memref<26214400xf32, #tpu.memory_space<hbm>> -> memref<8192xf32, #tpu.memory_space<hbm>>
      %dma_start3A_353 = tpu.memref_slice %arg4[%add3A_349] : memref<26214400xf32, #tpu.memory_space<hbm>> -> memref<8192xf32, #tpu.memory_space<hbm>>
      %dma_start3A_354 = arith.constant 0 : i32
      %dma_start3A_355 = tpu.memref_slice %arg7[%dma_start3A_354] : memref<32768xf32, #tpu.memory_space<vmem>> -> memref<8192xf32, #tpu.memory_space<vmem>>
      tpu.enqueue_dma source(%dma_start3A_355 : memref<8192xf32, #tpu.memory_space<vmem>>) target(%dma_start3A_353 : memref<8192xf32, #tpu.memory_space<hbm>>) target_semaphore(%arg9 : memref<!tpu.dma_semaphore, #tpu.memory_space<semaphore_mem>>)
      %mul3A_356 = arith.constant 131072 : i32
      %mul3A_357 = arith.muli %div3A_333, %mul3A_356 : i32
      %add3A_358 = arith.constant 32768 : i32
      %add3A_359 = arith.addi %mul3A_357, %add3A_358 : i32
      %mul3A_360 = arith.constant 1024 : i32
      %mul3A_361 = arith.muli %rem3A_335, %mul3A_360 : i32
      %add3A_362 = arith.addi %add3A_359, %mul3A_361 : i32
      %dma_start3A_363 = arith.constant 8192 : i32
      %dma_start3A_364 = tpu.memref_slice %arg7[%dma_start3A_363] : memref<32768xf32, #tpu.memory_space<vmem>> -> memref<8192xf32, #tpu.memory_space<vmem>>
      %dma_start3A_365 = tpu.memref_slice %arg4[%add3A_362] : memref<26214400xf32, #tpu.memory_space<hbm>> -> memref<8192xf32, #tpu.memory_space<hbm>>
      %dma_start3A_366 = tpu.memref_slice %arg4[%add3A_362] : memref<26214400xf32, #tpu.memory_space<hbm>> -> memref<8192xf32, #tpu.memory_space<hbm>>
      %dma_start3A_367 = arith.constant 8192 : i32
      %dma_start3A_368 = tpu.memref_slice %arg7[%dma_start3A_367] : memref<32768xf32, #tpu.memory_space<vmem>> -> memref<8192xf32, #tpu.memory_space<vmem>>
      tpu.enqueue_dma source(%dma_start3A_368 : memref<8192xf32, #tpu.memory_space<vmem>>) target(%dma_start3A_366 : memref<8192xf32, #tpu.memory_space<hbm>>) target_semaphore(%arg9 : memref<!tpu.dma_semaphore, #tpu.memory_space<semaphore_mem>>)
      %mul3A_369 = arith.constant 131072 : i32
      %mul3A_370 = arith.muli %div3A_333, %mul3A_369 : i32
      %add3A_371 = arith.constant 65536 : i32
      %add3A_372 = arith.addi %mul3A_370, %add3A_371 : i32
      %mul3A_373 = arith.constant 1024 : i32
      %mul3A_374 = arith.muli %rem3A_335, %mul3A_373 : i32
      %add3A_375 = arith.addi %add3A_372, %mul3A_374 : i32
      %dma_start3A_376 = arith.constant 16384 : i32
      %dma_start3A_377 = tpu.memref_slice %arg7[%dma_start3A_376] : memref<32768xf32, #tpu.memory_space<vmem>> -> memref<8192xf32, #tpu.memory_space<vmem>>
      %dma_start3A_378 = tpu.memref_slice %arg4[%add3A_375] : memref<26214400xf32, #tpu.memory_space<hbm>> -> memref<8192xf32, #tpu.memory_space<hbm>>
      %dma_start3A_379 = tpu.memref_slice %arg4[%add3A_375] : memref<26214400xf32, #tpu.memory_space<hbm>> -> memref<8192xf32, #tpu.memory_space<hbm>>
      %dma_start3A_380 = arith.constant 16384 : i32
      %dma_start3A_381 = tpu.memref_slice %arg7[%dma_start3A_380] : memref<32768xf32, #tpu.memory_space<vmem>> -> memref<8192xf32, #tpu.memory_space<vmem>>
      tpu.enqueue_dma source(%dma_start3A_381 : memref<8192xf32, #tpu.memory_space<vmem>>) target(%dma_start3A_379 : memref<8192xf32, #tpu.memory_space<hbm>>) target_semaphore(%arg9 : memref<!tpu.dma_semaphore, #tpu.memory_space<semaphore_mem>>)
      %mul3A_382 = arith.constant 131072 : i32
      %mul3A_383 = arith.muli %div3A_333, %mul3A_382 : i32
      %add3A_384 = arith.constant 98304 : i32
      %add3A_385 = arith.addi %mul3A_383, %add3A_384 : i32
      %mul3A_386 = arith.constant 1024 : i32
      %mul3A_387 = arith.muli %rem3A_335, %mul3A_386 : i32
      %add3A_388 = arith.addi %add3A_385, %mul3A_387 : i32
      %dma_start3A_389 = arith.constant 24576 : i32
      %dma_start3A_390 = tpu.memref_slice %arg7[%dma_start3A_389] : memref<32768xf32, #tpu.memory_space<vmem>> -> memref<8192xf32, #tpu.memory_space<vmem>>
      %dma_start3A_391 = tpu.memref_slice %arg4[%add3A_388] : memref<26214400xf32, #tpu.memory_space<hbm>> -> memref<8192xf32, #tpu.memory_space<hbm>>
      %dma_start3A_392 = tpu.memref_slice %arg4[%add3A_388] : memref<26214400xf32, #tpu.memory_space<hbm>> -> memref<8192xf32, #tpu.memory_space<hbm>>
      %dma_start3A_393 = arith.constant 24576 : i32
      %dma_start3A_394 = tpu.memref_slice %arg7[%dma_start3A_393] : memref<32768xf32, #tpu.memory_space<vmem>> -> memref<8192xf32, #tpu.memory_space<vmem>>
      tpu.enqueue_dma source(%dma_start3A_394 : memref<8192xf32, #tpu.memory_space<vmem>>) target(%dma_start3A_392 : memref<8192xf32, #tpu.memory_space<hbm>>) target_semaphore(%arg9 : memref<!tpu.dma_semaphore, #tpu.memory_space<semaphore_mem>>)
      %mul3A_395 = arith.constant 2 : i32
      %mul3A_396 = arith.muli %add3A_199, %mul3A_395 : i32
      %add3A_397 = arith.constant 1 : i32
      %add3A_398 = arith.addi %add3A_397, %mul3A_396 : i32
      %add3A_399 = arith.constant 1 : i32
      %add3A_400 = arith.addi %add3A_398, %add3A_399 : i32
      %mul3A_401 = arith.constant 8 : i32
      %mul3A_402 = arith.muli %add3A_400, %mul3A_401 : i32
      %add3A_403 = arith.addi %mul3A_2, %mul3A_402 : i32
      "tpu.region"() ({
        %run_scoped3A = tpu.sem_alloc : memref<!tpu.dma_semaphore, #tpu.memory_space<semaphore_mem>>
        %dma_start3A_594 = arith.constant 0 : i32
        %dma_start3A_595 = arith.constant 0 : i32
        %dma_start3A_596 = tpu.memref_slice %arg5[%dma_start3A_594, %dma_start3A_595] : memref<16x128xi32, #tpu.memory_space<vmem>> -> memref<8x128xi32, #tpu.memory_space<vmem>>
        %dma_start3A_597 = arith.constant 0 : i32
        %dma_start3A_598 = tpu.memref_slice %arg2[%add3A_403, %dma_start3A_597] : memref<6400x128xi32, #tpu.memory_space<hbm>> -> memref<8x128xi32, #tpu.memory_space<hbm>>
        %dma_start3A_599 = arith.constant 0 : i32
        %dma_start3A_600 = arith.constant 0 : i32
        %dma_start3A_601 = tpu.memref_slice %arg5[%dma_start3A_599, %dma_start3A_600] : memref<16x128xi32, #tpu.memory_space<vmem>> -> memref<8x128xi32, #tpu.memory_space<vmem>>
        %dma_start3A_602 = arith.constant 0 : i32
        %dma_start3A_603 = tpu.memref_slice %arg2[%add3A_403, %dma_start3A_602] : memref<6400x128xi32, #tpu.memory_space<hbm>> -> memref<8x128xi32, #tpu.memory_space<hbm>>
        tpu.enqueue_dma source(%dma_start3A_603 : memref<8x128xi32, #tpu.memory_space<hbm>>) target(%dma_start3A_601 : memref<8x128xi32, #tpu.memory_space<vmem>>) target_semaphore(%run_scoped3A : memref<!tpu.dma_semaphore, #tpu.memory_space<semaphore_mem>>)
        %dma_wait3A_604 = arith.constant 0 : i32
        %dma_wait3A_605 = arith.constant 0 : i32
        %dma_wait3A_606 = tpu.memref_slice %arg5[%dma_wait3A_604, %dma_wait3A_605] : memref<16x128xi32, #tpu.memory_space<vmem>> -> memref<8x128xi32, #tpu.memory_space<vmem>>
        %dma_wait3A_607 = arith.constant 0 : i32
        %dma_wait3A_608 = tpu.memref_slice %arg2[%add3A_403, %dma_wait3A_607] : memref<6400x128xi32, #tpu.memory_space<hbm>> -> memref<8x128xi32, #tpu.memory_space<hbm>>
        %dma_wait3A_609 = arith.constant 0 : i32
        %dma_wait3A_610 = arith.constant 0 : i32
        %dma_wait3A_611 = tpu.memref_slice %arg5[%dma_wait3A_609, %dma_wait3A_610] : memref<16x128xi32, #tpu.memory_space<vmem>> -> memref<8x128xi32, #tpu.memory_space<vmem>>
        %dma_wait3A_612 = arith.constant 0 : i32
        %dma_wait3A_613 = tpu.memref_slice %arg2[%add3A_403, %dma_wait3A_612] : memref<6400x128xi32, #tpu.memory_space<hbm>> -> memref<8x128xi32, #tpu.memory_space<hbm>>
        tpu.wait_dma2 semaphore(%run_scoped3A : memref<!tpu.dma_semaphore, #tpu.memory_space<semaphore_mem>>) src(%dma_wait3A_613 : memref<8x128xi32, #tpu.memory_space<hbm>>) dst(%dma_wait3A_611 : memref<8x128xi32, #tpu.memory_space<vmem>>)
        tpu.yield
      }) : () -> ()
      %dma_start3A_404 = arith.constant 0 : i32
      %dma_start3A_405 = arith.constant 0 : i32
      %dma_start3A_406 = arith.constant 0 : i32
      %dma_start3A_407 = arith.constant 0 : i32
      %dma_start3A_408 = tpu.memref_slice %arg6[%dma_start3A_406, %dma_start3A_407] : memref<2048x32xf32, #tpu.memory_space<vmem>> -> memref<128x32xf32, #tpu.memory_space<vmem>>
      %dma_start3A_409 = arith.constant 0 : i32
      %dma_start3A_410 = tpu.memref_slice %arg5[%dma_start3A_404, %dma_start3A_409] : memref<16x128xi32, #tpu.memory_space<vmem>> -> memref<1x128xi32, #tpu.memory_space<vmem>>
      %dma_start3A_411 = tpu.memref_squeeze %dma_start3A_410 : memref<1x128xi32, #tpu.memory_space<vmem>> -> memref<128xi32, #tpu.memory_space<vmem>>
      %dma_start3A_412 = arith.constant 0 : i32
      %dma_start3A_413 = arith.constant 0 : i32
      %dma_start3A_414 = tpu.memref_slice %arg3[%dma_start3A_412, %dma_start3A_413] : memref<1000000x32xf32, #tpu.memory_space<hbm>> -> memref<1000000x32xf32, #tpu.memory_space<hbm>>
      %dma_start3A_415 = tpu.memref_slice %arg8[%dma_start3A_405] : memref<2x!tpu.dma_semaphore, #tpu.memory_space<semaphore_mem>> -> memref<1x!tpu.dma_semaphore, #tpu.memory_space<semaphore_mem>>
      %dma_start3A_416 = tpu.memref_squeeze %dma_start3A_415 : memref<1x!tpu.dma_semaphore, #tpu.memory_space<semaphore_mem>> -> memref<!tpu.dma_semaphore, #tpu.memory_space<semaphore_mem>>
      tpu.enqueue_indirect_dma source(%dma_start3A_414 : memref<1000000x32xf32, #tpu.memory_space<hbm>>) target(%dma_start3A_408 : memref<128x32xf32, #tpu.memory_space<vmem>>) offsets(%dma_start3A_411 : memref<128xi32, #tpu.memory_space<vmem>>) semaphore(%dma_start3A_416 : memref<!tpu.dma_semaphore, #tpu.memory_space<semaphore_mem>>)
      %dma_start3A_417 = arith.constant 1 : i32
      %dma_start3A_418 = arith.constant 0 : i32
      %dma_start3A_419 = arith.constant 128 : i32
      %dma_start3A_420 = arith.constant 0 : i32
      %dma_start3A_421 = tpu.memref_slice %arg6[%dma_start3A_419, %dma_start3A_420] : memref<2048x32xf32, #tpu.memory_space<vmem>> -> memref<128x32xf32, #tpu.memory_space<vmem>>
      %dma_start3A_422 = arith.constant 0 : i32
      %dma_start3A_423 = tpu.memref_slice %arg5[%dma_start3A_417, %dma_start3A_422] : memref<16x128xi32, #tpu.memory_space<vmem>> -> memref<1x128xi32, #tpu.memory_space<vmem>>
      %dma_start3A_424 = tpu.memref_squeeze %dma_start3A_423 : memref<1x128xi32, #tpu.memory_space<vmem>> -> memref<128xi32, #tpu.memory_space<vmem>>
      %dma_start3A_425 = arith.constant 0 : i32
      %dma_start3A_426 = arith.constant 0 : i32
      %dma_start3A_427 = tpu.memref_slice %arg3[%dma_start3A_425, %dma_start3A_426] : memref<1000000x32xf32, #tpu.memory_space<hbm>> -> memref<1000000x32xf32, #tpu.memory_space<hbm>>
      %dma_start3A_428 = tpu.memref_slice %arg8[%dma_start3A_418] : memref<2x!tpu.dma_semaphore, #tpu.memory_space<semaphore_mem>> -> memref<1x!tpu.dma_semaphore, #tpu.memory_space<semaphore_mem>>
      %dma_start3A_429 = tpu.memref_squeeze %dma_start3A_428 : memref<1x!tpu.dma_semaphore, #tpu.memory_space<semaphore_mem>> -> memref<!tpu.dma_semaphore, #tpu.memory_space<semaphore_mem>>
      tpu.enqueue_indirect_dma source(%dma_start3A_427 : memref<1000000x32xf32, #tpu.memory_space<hbm>>) target(%dma_start3A_421 : memref<128x32xf32, #tpu.memory_space<vmem>>) offsets(%dma_start3A_424 : memref<128xi32, #tpu.memory_space<vmem>>) semaphore(%dma_start3A_429 : memref<!tpu.dma_semaphore, #tpu.memory_space<semaphore_mem>>)
      %dma_start3A_430 = arith.constant 2 : i32
      %dma_start3A_431 = arith.constant 0 : i32
      %dma_start3A_432 = arith.constant 256 : i32
      %dma_start3A_433 = arith.constant 0 : i32
      %dma_start3A_434 = tpu.memref_slice %arg6[%dma_start3A_432, %dma_start3A_433] : memref<2048x32xf32, #tpu.memory_space<vmem>> -> memref<128x32xf32, #tpu.memory_space<vmem>>
      %dma_start3A_435 = arith.constant 0 : i32
      %dma_start3A_436 = tpu.memref_slice %arg5[%dma_start3A_430, %dma_start3A_435] : memref<16x128xi32, #tpu.memory_space<vmem>> -> memref<1x128xi32, #tpu.memory_space<vmem>>
      %dma_start3A_437 = tpu.memref_squeeze %dma_start3A_436 : memref<1x128xi32, #tpu.memory_space<vmem>> -> memref<128xi32, #tpu.memory_space<vmem>>
      %dma_start3A_438 = arith.constant 0 : i32
      %dma_start3A_439 = arith.constant 0 : i32
      %dma_start3A_440 = tpu.memref_slice %arg3[%dma_start3A_438, %dma_start3A_439] : memref<1000000x32xf32, #tpu.memory_space<hbm>> -> memref<1000000x32xf32, #tpu.memory_space<hbm>>
      %dma_start3A_441 = tpu.memref_slice %arg8[%dma_start3A_431] : memref<2x!tpu.dma_semaphore, #tpu.memory_space<semaphore_mem>> -> memref<1x!tpu.dma_semaphore, #tpu.memory_space<semaphore_mem>>
      %dma_start3A_442 = tpu.memref_squeeze %dma_start3A_441 : memref<1x!tpu.dma_semaphore, #tpu.memory_space<semaphore_mem>> -> memref<!tpu.dma_semaphore, #tpu.memory_space<semaphore_mem>>
      tpu.enqueue_indirect_dma source(%dma_start3A_440 : memref<1000000x32xf32, #tpu.memory_space<hbm>>) target(%dma_start3A_434 : memref<128x32xf32, #tpu.memory_space<vmem>>) offsets(%dma_start3A_437 : memref<128xi32, #tpu.memory_space<vmem>>) semaphore(%dma_start3A_442 : memref<!tpu.dma_semaphore, #tpu.memory_space<semaphore_mem>>)
      %dma_start3A_443 = arith.constant 3 : i32
      %dma_start3A_444 = arith.constant 0 : i32
      %dma_start3A_445 = arith.constant 384 : i32
      %dma_start3A_446 = arith.constant 0 : i32
      %dma_start3A_447 = tpu.memref_slice %arg6[%dma_start3A_445, %dma_start3A_446] : memref<2048x32xf32, #tpu.memory_space<vmem>> -> memref<128x32xf32, #tpu.memory_space<vmem>>
      %dma_start3A_448 = arith.constant 0 : i32
      %dma_start3A_449 = tpu.memref_slice %arg5[%dma_start3A_443, %dma_start3A_448] : memref<16x128xi32, #tpu.memory_space<vmem>> -> memref<1x128xi32, #tpu.memory_space<vmem>>
      %dma_start3A_450 = tpu.memref_squeeze %dma_start3A_449 : memref<1x128xi32, #tpu.memory_space<vmem>> -> memref<128xi32, #tpu.memory_space<vmem>>
      %dma_start3A_451 = arith.constant 0 : i32
      %dma_start3A_452 = arith.constant 0 : i32
      %dma_start3A_453 = tpu.memref_slice %arg3[%dma_start3A_451, %dma_start3A_452] : memref<1000000x32xf32, #tpu.memory_space<hbm>> -> memref<1000000x32xf32, #tpu.memory_space<hbm>>
      %dma_start3A_454 = tpu.memref_slice %arg8[%dma_start3A_444] : memref<2x!tpu.dma_semaphore, #tpu.memory_space<semaphore_mem>> -> memref<1x!tpu.dma_semaphore, #tpu.memory_space<semaphore_mem>>
      %dma_start3A_455 = tpu.memref_squeeze %dma_start3A_454 : memref<1x!tpu.dma_semaphore, #tpu.memory_space<semaphore_mem>> -> memref<!tpu.dma_semaphore, #tpu.memory_space<semaphore_mem>>
      tpu.enqueue_indirect_dma source(%dma_start3A_453 : memref<1000000x32xf32, #tpu.memory_space<hbm>>) target(%dma_start3A_447 : memref<128x32xf32, #tpu.memory_space<vmem>>) offsets(%dma_start3A_450 : memref<128xi32, #tpu.memory_space<vmem>>) semaphore(%dma_start3A_455 : memref<!tpu.dma_semaphore, #tpu.memory_space<semaphore_mem>>)
      %dma_start3A_456 = arith.constant 4 : i32
      %dma_start3A_457 = arith.constant 0 : i32
      %dma_start3A_458 = arith.constant 512 : i32
      %dma_start3A_459 = arith.constant 0 : i32
      %dma_start3A_460 = tpu.memref_slice %arg6[%dma_start3A_458, %dma_start3A_459] : memref<2048x32xf32, #tpu.memory_space<vmem>> -> memref<128x32xf32, #tpu.memory_space<vmem>>
      %dma_start3A_461 = arith.constant 0 : i32
      %dma_start3A_462 = tpu.memref_slice %arg5[%dma_start3A_456, %dma_start3A_461] : memref<16x128xi32, #tpu.memory_space<vmem>> -> memref<1x128xi32, #tpu.memory_space<vmem>>
      %dma_start3A_463 = tpu.memref_squeeze %dma_start3A_462 : memref<1x128xi32, #tpu.memory_space<vmem>> -> memref<128xi32, #tpu.memory_space<vmem>>
      %dma_start3A_464 = arith.constant 0 : i32
      %dma_start3A_465 = arith.constant 0 : i32
      %dma_start3A_466 = tpu.memref_slice %arg3[%dma_start3A_464, %dma_start3A_465] : memref<1000000x32xf32, #tpu.memory_space<hbm>> -> memref<1000000x32xf32, #tpu.memory_space<hbm>>
      %dma_start3A_467 = tpu.memref_slice %arg8[%dma_start3A_457] : memref<2x!tpu.dma_semaphore, #tpu.memory_space<semaphore_mem>> -> memref<1x!tpu.dma_semaphore, #tpu.memory_space<semaphore_mem>>
      %dma_start3A_468 = tpu.memref_squeeze %dma_start3A_467 : memref<1x!tpu.dma_semaphore, #tpu.memory_space<semaphore_mem>> -> memref<!tpu.dma_semaphore, #tpu.memory_space<semaphore_mem>>
      tpu.enqueue_indirect_dma source(%dma_start3A_466 : memref<1000000x32xf32, #tpu.memory_space<hbm>>) target(%dma_start3A_460 : memref<128x32xf32, #tpu.memory_space<vmem>>) offsets(%dma_start3A_463 : memref<128xi32, #tpu.memory_space<vmem>>) semaphore(%dma_start3A_468 : memref<!tpu.dma_semaphore, #tpu.memory_space<semaphore_mem>>)
      %dma_start3A_469 = arith.constant 5 : i32
      %dma_start3A_470 = arith.constant 0 : i32
      %dma_start3A_471 = arith.constant 640 : i32
      %dma_start3A_472 = arith.constant 0 : i32
      %dma_start3A_473 = tpu.memref_slice %arg6[%dma_start3A_471, %dma_start3A_472] : memref<2048x32xf32, #tpu.memory_space<vmem>> -> memref<128x32xf32, #tpu.memory_space<vmem>>
      %dma_start3A_474 = arith.constant 0 : i32
      %dma_start3A_475 = tpu.memref_slice %arg5[%dma_start3A_469, %dma_start3A_474] : memref<16x128xi32, #tpu.memory_space<vmem>> -> memref<1x128xi32, #tpu.memory_space<vmem>>
      %dma_start3A_476 = tpu.memref_squeeze %dma_start3A_475 : memref<1x128xi32, #tpu.memory_space<vmem>> -> memref<128xi32, #tpu.memory_space<vmem>>
      %dma_start3A_477 = arith.constant 0 : i32
      %dma_start3A_478 = arith.constant 0 : i32
      %dma_start3A_479 = tpu.memref_slice %arg3[%dma_start3A_477, %dma_start3A_478] : memref<1000000x32xf32, #tpu.memory_space<hbm>> -> memref<1000000x32xf32, #tpu.memory_space<hbm>>
      %dma_start3A_480 = tpu.memref_slice %arg8[%dma_start3A_470] : memref<2x!tpu.dma_semaphore, #tpu.memory_space<semaphore_mem>> -> memref<1x!tpu.dma_semaphore, #tpu.memory_space<semaphore_mem>>
      %dma_start3A_481 = tpu.memref_squeeze %dma_start3A_480 : memref<1x!tpu.dma_semaphore, #tpu.memory_space<semaphore_mem>> -> memref<!tpu.dma_semaphore, #tpu.memory_space<semaphore_mem>>
      tpu.enqueue_indirect_dma source(%dma_start3A_479 : memref<1000000x32xf32, #tpu.memory_space<hbm>>) target(%dma_start3A_473 : memref<128x32xf32, #tpu.memory_space<vmem>>) offsets(%dma_start3A_476 : memref<128xi32, #tpu.memory_space<vmem>>) semaphore(%dma_start3A_481 : memref<!tpu.dma_semaphore, #tpu.memory_space<semaphore_mem>>)
      %dma_start3A_482 = arith.constant 6 : i32
      %dma_start3A_483 = arith.constant 0 : i32
      %dma_start3A_484 = arith.constant 768 : i32
      %dma_start3A_485 = arith.constant 0 : i32
      %dma_start3A_486 = tpu.memref_slice %arg6[%dma_start3A_484, %dma_start3A_485] : memref<2048x32xf32, #tpu.memory_space<vmem>> -> memref<128x32xf32, #tpu.memory_space<vmem>>
      %dma_start3A_487 = arith.constant 0 : i32
      %dma_start3A_488 = tpu.memref_slice %arg5[%dma_start3A_482, %dma_start3A_487] : memref<16x128xi32, #tpu.memory_space<vmem>> -> memref<1x128xi32, #tpu.memory_space<vmem>>
      %dma_start3A_489 = tpu.memref_squeeze %dma_start3A_488 : memref<1x128xi32, #tpu.memory_space<vmem>> -> memref<128xi32, #tpu.memory_space<vmem>>
      %dma_start3A_490 = arith.constant 0 : i32
      %dma_start3A_491 = arith.constant 0 : i32
      %dma_start3A_492 = tpu.memref_slice %arg3[%dma_start3A_490, %dma_start3A_491] : memref<1000000x32xf32, #tpu.memory_space<hbm>> -> memref<1000000x32xf32, #tpu.memory_space<hbm>>
      %dma_start3A_493 = tpu.memref_slice %arg8[%dma_start3A_483] : memref<2x!tpu.dma_semaphore, #tpu.memory_space<semaphore_mem>> -> memref<1x!tpu.dma_semaphore, #tpu.memory_space<semaphore_mem>>
      %dma_start3A_494 = tpu.memref_squeeze %dma_start3A_493 : memref<1x!tpu.dma_semaphore, #tpu.memory_space<semaphore_mem>> -> memref<!tpu.dma_semaphore, #tpu.memory_space<semaphore_mem>>
      tpu.enqueue_indirect_dma source(%dma_start3A_492 : memref<1000000x32xf32, #tpu.memory_space<hbm>>) target(%dma_start3A_486 : memref<128x32xf32, #tpu.memory_space<vmem>>) offsets(%dma_start3A_489 : memref<128xi32, #tpu.memory_space<vmem>>) semaphore(%dma_start3A_494 : memref<!tpu.dma_semaphore, #tpu.memory_space<semaphore_mem>>)
      %dma_start3A_495 = arith.constant 7 : i32
      %dma_start3A_496 = arith.constant 0 : i32
      %dma_start3A_497 = arith.constant 896 : i32
      %dma_start3A_498 = arith.constant 0 : i32
      %dma_start3A_499 = tpu.memref_slice %arg6[%dma_start3A_497, %dma_start3A_498] : memref<2048x32xf32, #tpu.memory_space<vmem>> -> memref<128x32xf32, #tpu.memory_space<vmem>>
      %dma_start3A_500 = arith.constant 0 : i32
      %dma_start3A_501 = tpu.memref_slice %arg5[%dma_start3A_495, %dma_start3A_500] : memref<16x128xi32, #tpu.memory_space<vmem>> -> memref<1x128xi32, #tpu.memory_space<vmem>>
      %dma_start3A_502 = tpu.memref_squeeze %dma_start3A_501 : memref<1x128xi32, #tpu.memory_space<vmem>> -> memref<128xi32, #tpu.memory_space<vmem>>
      %dma_start3A_503 = arith.constant 0 : i32
      %dma_start3A_504 = arith.constant 0 : i32
      %dma_start3A_505 = tpu.memref_slice %arg3[%dma_start3A_503, %dma_start3A_504] : memref<1000000x32xf32, #tpu.memory_space<hbm>> -> memref<1000000x32xf32, #tpu.memory_space<hbm>>
      %dma_start3A_506 = tpu.memref_slice %arg8[%dma_start3A_496] : memref<2x!tpu.dma_semaphore, #tpu.memory_space<semaphore_mem>> -> memref<1x!tpu.dma_semaphore, #tpu.memory_space<semaphore_mem>>
      %dma_start3A_507 = tpu.memref_squeeze %dma_start3A_506 : memref<1x!tpu.dma_semaphore, #tpu.memory_space<semaphore_mem>> -> memref<!tpu.dma_semaphore, #tpu.memory_space<semaphore_mem>>
      tpu.enqueue_indirect_dma source(%dma_start3A_505 : memref<1000000x32xf32, #tpu.memory_space<hbm>>) target(%dma_start3A_499 : memref<128x32xf32, #tpu.memory_space<vmem>>) offsets(%dma_start3A_502 : memref<128xi32, #tpu.memory_space<vmem>>) semaphore(%dma_start3A_507 : memref<!tpu.dma_semaphore, #tpu.memory_space<semaphore_mem>>)
      %dma_wait3A_508 = arith.constant 1 : i32
      %dma_wait3A_509 = arith.constant 1024 : i32
      %dma_wait3A_510 = arith.constant 0 : i32
      %dma_wait3A_511 = tpu.memref_slice %arg6[%dma_wait3A_509, %dma_wait3A_510] : memref<2048x32xf32, #tpu.memory_space<vmem>> -> memref<1024x32xf32, #tpu.memory_space<vmem>>
      %dma_wait3A_512 = arith.constant 0 : i32
      %dma_wait3A_513 = arith.constant 0 : i32
      %dma_wait3A_514 = tpu.memref_slice %arg3[%dma_wait3A_512, %dma_wait3A_513] : memref<1000000x32xf32, #tpu.memory_space<hbm>> -> memref<1024x32xf32, #tpu.memory_space<hbm>>
      %dma_wait3A_515 = tpu.memref_slice %arg8[%dma_wait3A_508] : memref<2x!tpu.dma_semaphore, #tpu.memory_space<semaphore_mem>> -> memref<1x!tpu.dma_semaphore, #tpu.memory_space<semaphore_mem>>
      %dma_wait3A_516 = tpu.memref_squeeze %dma_wait3A_515 : memref<1x!tpu.dma_semaphore, #tpu.memory_space<semaphore_mem>> -> memref<!tpu.dma_semaphore, #tpu.memory_space<semaphore_mem>>
      %dma_wait3A_517 = arith.constant 1024 : i32
      %dma_wait3A_518 = arith.constant 0 : i32
      %dma_wait3A_519 = tpu.memref_slice %arg6[%dma_wait3A_517, %dma_wait3A_518] : memref<2048x32xf32, #tpu.memory_space<vmem>> -> memref<1024x32xf32, #tpu.memory_space<vmem>>
      %dma_wait3A_520 = arith.constant 0 : i32
      %dma_wait3A_521 = arith.constant 0 : i32
      %dma_wait3A_522 = tpu.memref_slice %arg3[%dma_wait3A_520, %dma_wait3A_521] : memref<1000000x32xf32, #tpu.memory_space<hbm>> -> memref<1024x32xf32, #tpu.memory_space<hbm>>
      tpu.wait_dma2 semaphore(%dma_wait3A_516 : memref<!tpu.dma_semaphore, #tpu.memory_space<semaphore_mem>>) src(%dma_wait3A_522 : memref<1024x32xf32, #tpu.memory_space<hbm>>) dst(%dma_wait3A_519 : memref<1024x32xf32, #tpu.memory_space<vmem>>)
      %sub3A_523 = arith.constant 1 : i32
      %sub3A_524 = arith.subi %add3A_400, %sub3A_523 : i32
      %mul3A_525 = arith.constant 8 : i32
      %mul3A_526 = arith.muli %sub3A_524, %mul3A_525 : i32
      %add3A_527 = arith.addi %mul3A_2, %mul3A_526 : i32
      %div3A_528 = arith.constant 32 : i32
      %div3A_529 = arith.divsi %add3A_527, %div3A_528 : i32
      %rem3A_530 = arith.constant 32 : i32
      %rem3A_531 = arith.remsi %add3A_527, %rem3A_530 : i32
      %ge3A_532 = arith.constant 1 : i32
      %ge3A_533 = arith.cmpi sge, %sub3A_524, %ge3A_532 : i32
      %convert_element_type3A_534 = arith.extui %ge3A_533 : i1 to i32
      %cond3A_535 = arith.constant 0 : i32
      %cond3A_536 = arith.cmpi ne, %convert_element_type3A_534, %cond3A_535 : i32
      scf.if %cond3A_536 {
        %dma_wait3A_594 = arith.constant 0 : i32
        %dma_wait3A_595 = tpu.memref_slice %arg4[%dma_wait3A_594] : memref<26214400xf32, #tpu.memory_space<hbm>> -> memref<32768xf32, #tpu.memory_space<hbm>>
        %dma_wait3A_596 = arith.constant 0 : i32
        %dma_wait3A_597 = tpu.memref_slice %arg4[%dma_wait3A_596] : memref<26214400xf32, #tpu.memory_space<hbm>> -> memref<32768xf32, #tpu.memory_space<hbm>>
        tpu.wait_dma2 semaphore(%arg9 : memref<!tpu.dma_semaphore, #tpu.memory_space<semaphore_mem>>) src(%arg7 : memref<32768xf32, #tpu.memory_space<vmem>>) dst(%dma_wait3A_597 : memref<32768xf32, #tpu.memory_space<hbm>>)
      } else {
      }
      %scan3A_537 = arith.constant 0 : i32
      %scan3A_538 = arith.constant 8 : i32
      %scan3A_539 = arith.addi %scan3A_537, %scan3A_538 : i32
      %scan3A_540 = arith.constant 1 : i32
      scf.for %scan3A_594 = %scan3A_537 to %scan3A_539 step %scan3A_540  : i32 {
        %mul3A_595 = arith.constant 1 : i32
        %mul3A_596 = arith.muli %scan3A_594, %mul3A_595 : i32
        %add3A_597 = arith.constant 0 : i32
        %add3A_598 = arith.addi %add3A_597, %mul3A_596 : i32
        %add3A_599 = arith.constant 8 : i32
        %add3A_600 = arith.addi %add3A_599, %add3A_598 : i32
        %mul3A_601 = arith.constant 128 : i32
        %mul3A_602 = arith.muli %add3A_600, %mul3A_601 : i32
        %mul3A_603 = arith.constant 1024 : i32
        %mul3A_604 = arith.muli %add3A_598, %mul3A_603 : i32
        %add3A_605 = arith.constant 0 : i32
        %add3A_606 = arith.addi %mul3A_602, %add3A_605 : i32
        %add3A_607 = vector.broadcast %add3A_606 : i32 to vector<16xi32>
        %add3A_608 = arith.addi %iota3A, %add3A_607 : vector<16xi32>
        %add3A_609 = arith.constant 16 : i32
        %add3A_610 = arith.addi %mul3A_602, %add3A_609 : i32
        %add3A_611 = vector.broadcast %add3A_610 : i32 to vector<16xi32>
        %add3A_612 = arith.addi %iota3A, %add3A_611 : vector<16xi32>
        %add3A_613 = arith.constant 32 : i32
        %add3A_614 = arith.addi %mul3A_602, %add3A_613 : i32
        %add3A_615 = vector.broadcast %add3A_614 : i32 to vector<16xi32>
        %add3A_616 = arith.addi %iota3A, %add3A_615 : vector<16xi32>
        %add3A_617 = arith.constant 48 : i32
        %add3A_618 = arith.addi %mul3A_602, %add3A_617 : i32
        %add3A_619 = vector.broadcast %add3A_618 : i32 to vector<16xi32>
        %add3A_620 = arith.addi %iota3A, %add3A_619 : vector<16xi32>
        %add3A_621 = arith.constant 64 : i32
        %add3A_622 = arith.addi %mul3A_602, %add3A_621 : i32
        %add3A_623 = vector.broadcast %add3A_622 : i32 to vector<16xi32>
        %add3A_624 = arith.addi %iota3A, %add3A_623 : vector<16xi32>
        %add3A_625 = arith.constant 80 : i32
        %add3A_626 = arith.addi %mul3A_602, %add3A_625 : i32
        %add3A_627 = vector.broadcast %add3A_626 : i32 to vector<16xi32>
        %add3A_628 = arith.addi %iota3A, %add3A_627 : vector<16xi32>
        %add3A_629 = arith.constant 96 : i32
        %add3A_630 = arith.addi %mul3A_602, %add3A_629 : i32
        %add3A_631 = vector.broadcast %add3A_630 : i32 to vector<16xi32>
        %add3A_632 = arith.addi %iota3A, %add3A_631 : vector<16xi32>
        %add3A_633 = arith.constant 112 : i32
        %add3A_634 = arith.addi %mul3A_602, %add3A_633 : i32
        %add3A_635 = vector.broadcast %add3A_634 : i32 to vector<16xi32>
        %add3A_636 = arith.addi %iota3A, %add3A_635 : vector<16xi32>
        %parallel_loop3A = arith.constant 0 : i32
        %parallel_loop3A_637 = arith.constant 32 : i32
        %parallel_loop3A_638 = arith.constant 1 : i32
        scf.for %parallel_loop3A_639 = %parallel_loop3A to %parallel_loop3A_637 step %parallel_loop3A_638  : i32 {
          %parallel_loop3A_640 = arith.constant 0 : i32
          %parallel_loop3A_641 = vector.broadcast %parallel_loop3A_640 : i32 to vector<16xi32>
          %parallel_loop3A_642 = arith.muli %iota3A, %parallel_loop3A_641 : vector<16xi32>
          %parallel_loop3A_643 = vector.broadcast %parallel_loop3A_639 : i32 to vector<16xi32>
          %parallel_loop3A_644 = arith.addi %parallel_loop3A_642, %parallel_loop3A_643 : vector<16xi32>
          %parallel_loop3A_645 = arith.constant 8 : i32
          %parallel_loop3A_646 = arith.divsi %parallel_loop3A_639, %parallel_loop3A_645 : i32
          %parallel_loop3A_647 = arith.constant 8192 : i32
          %parallel_loop3A_648 = arith.muli %parallel_loop3A_646, %parallel_loop3A_647 : i32
          %parallel_loop3A_649 = arith.addi %parallel_loop3A_648, %mul3A_604 : i32
          %parallel_loop3A_650 = arith.constant 8 : i32
          %parallel_loop3A_651 = arith.remsi %parallel_loop3A_639, %parallel_loop3A_650 : i32
          %parallel_loop3A_652 = arith.constant 128 : i32
          %parallel_loop3A_653 = arith.muli %parallel_loop3A_651, %parallel_loop3A_652 : i32
          %parallel_loop3A_654 = arith.addi %parallel_loop3A_649, %parallel_loop3A_653 : i32
          %parallel_loop3A_655 = tpu.vector_load_idx %arg6[%add3A_608, %parallel_loop3A_644] : memref<2048x32xf32, #tpu.memory_space<vmem>>[vector<16xi32>, vector<16xi32>], vector<16xf32>,
          %parallel_loop3A_656 = arith.constant 0 : i32
          %parallel_loop3A_657 = arith.addi %parallel_loop3A_654, %parallel_loop3A_656 : i32
          %parallel_loop3A_658 = arith.index_cast %parallel_loop3A_657 : i32 to index
          %parallel_loop3A_659 = tpu.vector_load %arg7[%parallel_loop3A_658] {strides = array<i32>} : memref<32768xf32, #tpu.memory_space<vmem>>, vector<16xf32>,
          tpu.vector_store %arg7[%parallel_loop3A_658], %parallel_loop3A_655 {strides = array<i32>} : memref<32768xf32, #tpu.memory_space<vmem>>, vector<16xf32>,
          %parallel_loop3A_660 = tpu.vector_load_idx %arg6[%add3A_612, %parallel_loop3A_644] : memref<2048x32xf32, #tpu.memory_space<vmem>>[vector<16xi32>, vector<16xi32>], vector<16xf32>,
          %parallel_loop3A_661 = arith.constant 16 : i32
          %parallel_loop3A_662 = arith.addi %parallel_loop3A_654, %parallel_loop3A_661 : i32
          %parallel_loop3A_663 = arith.index_cast %parallel_loop3A_662 : i32 to index
          %parallel_loop3A_664 = tpu.vector_load %arg7[%parallel_loop3A_663] {strides = array<i32>} : memref<32768xf32, #tpu.memory_space<vmem>>, vector<16xf32>,
          tpu.vector_store %arg7[%parallel_loop3A_663], %parallel_loop3A_660 {strides = array<i32>} : memref<32768xf32, #tpu.memory_space<vmem>>, vector<16xf32>,
          %parallel_loop3A_665 = tpu.vector_load_idx %arg6[%add3A_616, %parallel_loop3A_644] : memref<2048x32xf32, #tpu.memory_space<vmem>>[vector<16xi32>, vector<16xi32>], vector<16xf32>,
          %parallel_loop3A_666 = arith.constant 32 : i32
          %parallel_loop3A_667 = arith.addi %parallel_loop3A_654, %parallel_loop3A_666 : i32
          %parallel_loop3A_668 = arith.index_cast %parallel_loop3A_667 : i32 to index
          %parallel_loop3A_669 = tpu.vector_load %arg7[%parallel_loop3A_668] {strides = array<i32>} : memref<32768xf32, #tpu.memory_space<vmem>>, vector<16xf32>,
          tpu.vector_store %arg7[%parallel_loop3A_668], %parallel_loop3A_665 {strides = array<i32>} : memref<32768xf32, #tpu.memory_space<vmem>>, vector<16xf32>,
          %parallel_loop3A_670 = tpu.vector_load_idx %arg6[%add3A_620, %parallel_loop3A_644] : memref<2048x32xf32, #tpu.memory_space<vmem>>[vector<16xi32>, vector<16xi32>], vector<16xf32>,
          %parallel_loop3A_671 = arith.constant 48 : i32
          %parallel_loop3A_672 = arith.addi %parallel_loop3A_654, %parallel_loop3A_671 : i32
          %parallel_loop3A_673 = arith.index_cast %parallel_loop3A_672 : i32 to index
          %parallel_loop3A_674 = tpu.vector_load %arg7[%parallel_loop3A_673] {strides = array<i32>} : memref<32768xf32, #tpu.memory_space<vmem>>, vector<16xf32>,
          tpu.vector_store %arg7[%parallel_loop3A_673], %parallel_loop3A_670 {strides = array<i32>} : memref<32768xf32, #tpu.memory_space<vmem>>, vector<16xf32>,
          %parallel_loop3A_675 = tpu.vector_load_idx %arg6[%add3A_624, %parallel_loop3A_644] : memref<2048x32xf32, #tpu.memory_space<vmem>>[vector<16xi32>, vector<16xi32>], vector<16xf32>,
          %parallel_loop3A_676 = arith.constant 64 : i32
          %parallel_loop3A_677 = arith.addi %parallel_loop3A_654, %parallel_loop3A_676 : i32
          %parallel_loop3A_678 = arith.index_cast %parallel_loop3A_677 : i32 to index
          %parallel_loop3A_679 = tpu.vector_load %arg7[%parallel_loop3A_678] {strides = array<i32>} : memref<32768xf32, #tpu.memory_space<vmem>>, vector<16xf32>,
          tpu.vector_store %arg7[%parallel_loop3A_678], %parallel_loop3A_675 {strides = array<i32>} : memref<32768xf32, #tpu.memory_space<vmem>>, vector<16xf32>,
          %parallel_loop3A_680 = tpu.vector_load_idx %arg6[%add3A_628, %parallel_loop3A_644] : memref<2048x32xf32, #tpu.memory_space<vmem>>[vector<16xi32>, vector<16xi32>], vector<16xf32>,
          %parallel_loop3A_681 = arith.constant 80 : i32
          %parallel_loop3A_682 = arith.addi %parallel_loop3A_654, %parallel_loop3A_681 : i32
          %parallel_loop3A_683 = arith.index_cast %parallel_loop3A_682 : i32 to index
          %parallel_loop3A_684 = tpu.vector_load %arg7[%parallel_loop3A_683] {strides = array<i32>} : memref<32768xf32, #tpu.memory_space<vmem>>, vector<16xf32>,
          tpu.vector_store %arg7[%parallel_loop3A_683], %parallel_loop3A_680 {strides = array<i32>} : memref<32768xf32, #tpu.memory_space<vmem>>, vector<16xf32>,
          %parallel_loop3A_685 = tpu.vector_load_idx %arg6[%add3A_632, %parallel_loop3A_644] : memref<2048x32xf32, #tpu.memory_space<vmem>>[vector<16xi32>, vector<16xi32>], vector<16xf32>,
          %parallel_loop3A_686 = arith.constant 96 : i32
          %parallel_loop3A_687 = arith.addi %parallel_loop3A_654, %parallel_loop3A_686 : i32
          %parallel_loop3A_688 = arith.index_cast %parallel_loop3A_687 : i32 to index
          %parallel_loop3A_689 = tpu.vector_load %arg7[%parallel_loop3A_688] {strides = array<i32>} : memref<32768xf32, #tpu.memory_space<vmem>>, vector<16xf32>,
          tpu.vector_store %arg7[%parallel_loop3A_688], %parallel_loop3A_685 {strides = array<i32>} : memref<32768xf32, #tpu.memory_space<vmem>>, vector<16xf32>,
          %parallel_loop3A_690 = tpu.vector_load_idx %arg6[%add3A_636, %parallel_loop3A_644] : memref<2048x32xf32, #tpu.memory_space<vmem>>[vector<16xi32>, vector<16xi32>], vector<16xf32>,
          %parallel_loop3A_691 = arith.constant 112 : i32
          %parallel_loop3A_692 = arith.addi %parallel_loop3A_654, %parallel_loop3A_691 : i32
          %parallel_loop3A_693 = arith.index_cast %parallel_loop3A_692 : i32 to index
          %parallel_loop3A_694 = tpu.vector_load %arg7[%parallel_loop3A_693] {strides = array<i32>} : memref<32768xf32, #tpu.memory_space<vmem>>, vector<16xf32>,
          tpu.vector_store %arg7[%parallel_loop3A_693], %parallel_loop3A_690 {strides = array<i32>} : memref<32768xf32, #tpu.memory_space<vmem>>, vector<16xf32>,
        } {sc.loop_unroll_factor = 4 : i64, sc.parallel_access}
      }
      %scan3A_541 = arith.constant 8 : i32
      %mul3A_542 = arith.constant 131072 : i32
      %mul3A_543 = arith.muli %div3A_529, %mul3A_542 : i32
      %add3A_544 = arith.constant 0 : i32
      %add3A_545 = arith.addi %mul3A_543, %add3A_544 : i32
      %mul3A_546 = arith.constant 1024 : i32
      %mul3A_547 = arith.muli %rem3A_531, %mul3A_546 : i32
      %add3A_548 = arith.addi %add3A_545, %mul3A_547 : i32
      %dma_start3A_549 = arith.constant 0 : i32
      %dma_start3A_550 = tpu.memref_slice %arg7[%dma_start3A_549] : memref<32768xf32, #tpu.memory_space<vmem>> -> memref<8192xf32, #tpu.memory_space<vmem>>
      %dma_start3A_551 = tpu.memref_slice %arg4[%add3A_548] : memref<26214400xf32, #tpu.memory_space<hbm>> -> memref<8192xf32, #tpu.memory_space<hbm>>
      %dma_start3A_552 = tpu.memref_slice %arg4[%add3A_548] : memref<26214400xf32, #tpu.memory_space<hbm>> -> memref<8192xf32, #tpu.memory_space<hbm>>
      %dma_start3A_553 = arith.constant 0 : i32
      %dma_start3A_554 = tpu.memref_slice %arg7[%dma_start3A_553] : memref<32768xf32, #tpu.memory_space<vmem>> -> memref<8192xf32, #tpu.memory_space<vmem>>
      tpu.enqueue_dma source(%dma_start3A_554 : memref<8192xf32, #tpu.memory_space<vmem>>) target(%dma_start3A_552 : memref<8192xf32, #tpu.memory_space<hbm>>) target_semaphore(%arg9 : memref<!tpu.dma_semaphore, #tpu.memory_space<semaphore_mem>>)
      %mul3A_555 = arith.constant 131072 : i32
      %mul3A_556 = arith.muli %div3A_529, %mul3A_555 : i32
      %add3A_557 = arith.constant 32768 : i32
      %add3A_558 = arith.addi %mul3A_556, %add3A_557 : i32
      %mul3A_559 = arith.constant 1024 : i32
      %mul3A_560 = arith.muli %rem3A_531, %mul3A_559 : i32
      %add3A_561 = arith.addi %add3A_558, %mul3A_560 : i32
      %dma_start3A_562 = arith.constant 8192 : i32
      %dma_start3A_563 = tpu.memref_slice %arg7[%dma_start3A_562] : memref<32768xf32, #tpu.memory_space<vmem>> -> memref<8192xf32, #tpu.memory_space<vmem>>
      %dma_start3A_564 = tpu.memref_slice %arg4[%add3A_561] : memref<26214400xf32, #tpu.memory_space<hbm>> -> memref<8192xf32, #tpu.memory_space<hbm>>
      %dma_start3A_565 = tpu.memref_slice %arg4[%add3A_561] : memref<26214400xf32, #tpu.memory_space<hbm>> -> memref<8192xf32, #tpu.memory_space<hbm>>
      %dma_start3A_566 = arith.constant 8192 : i32
      %dma_start3A_567 = tpu.memref_slice %arg7[%dma_start3A_566] : memref<32768xf32, #tpu.memory_space<vmem>> -> memref<8192xf32, #tpu.memory_space<vmem>>
      tpu.enqueue_dma source(%dma_start3A_567 : memref<8192xf32, #tpu.memory_space<vmem>>) target(%dma_start3A_565 : memref<8192xf32, #tpu.memory_space<hbm>>) target_semaphore(%arg9 : memref<!tpu.dma_semaphore, #tpu.memory_space<semaphore_mem>>)
      %mul3A_568 = arith.constant 131072 : i32
      %mul3A_569 = arith.muli %div3A_529, %mul3A_568 : i32
      %add3A_570 = arith.constant 65536 : i32
      %add3A_571 = arith.addi %mul3A_569, %add3A_570 : i32
      %mul3A_572 = arith.constant 1024 : i32
      %mul3A_573 = arith.muli %rem3A_531, %mul3A_572 : i32
      %add3A_574 = arith.addi %add3A_571, %mul3A_573 : i32
      %dma_start3A_575 = arith.constant 16384 : i32
      %dma_start3A_576 = tpu.memref_slice %arg7[%dma_start3A_575] : memref<32768xf32, #tpu.memory_space<vmem>> -> memref<8192xf32, #tpu.memory_space<vmem>>
      %dma_start3A_577 = tpu.memref_slice %arg4[%add3A_574] : memref<26214400xf32, #tpu.memory_space<hbm>> -> memref<8192xf32, #tpu.memory_space<hbm>>
      %dma_start3A_578 = tpu.memref_slice %arg4[%add3A_574] : memref<26214400xf32, #tpu.memory_space<hbm>> -> memref<8192xf32, #tpu.memory_space<hbm>>
      %dma_start3A_579 = arith.constant 16384 : i32
      %dma_start3A_580 = tpu.memref_slice %arg7[%dma_start3A_579] : memref<32768xf32, #tpu.memory_space<vmem>> -> memref<8192xf32, #tpu.memory_space<vmem>>
      tpu.enqueue_dma source(%dma_start3A_580 : memref<8192xf32, #tpu.memory_space<vmem>>) target(%dma_start3A_578 : memref<8192xf32, #tpu.memory_space<hbm>>) target_semaphore(%arg9 : memref<!tpu.dma_semaphore, #tpu.memory_space<semaphore_mem>>)
      %mul3A_581 = arith.constant 131072 : i32
      %mul3A_582 = arith.muli %div3A_529, %mul3A_581 : i32
      %add3A_583 = arith.constant 98304 : i32
      %add3A_584 = arith.addi %mul3A_582, %add3A_583 : i32
      %mul3A_585 = arith.constant 1024 : i32
      %mul3A_586 = arith.muli %rem3A_531, %mul3A_585 : i32
      %add3A_587 = arith.addi %add3A_584, %mul3A_586 : i32
      %dma_start3A_588 = arith.constant 24576 : i32
      %dma_start3A_589 = tpu.memref_slice %arg7[%dma_start3A_588] : memref<32768xf32, #tpu.memory_space<vmem>> -> memref<8192xf32, #tpu.memory_space<vmem>>
      %dma_start3A_590 = tpu.memref_slice %arg4[%add3A_587] : memref<26214400xf32, #tpu.memory_space<hbm>> -> memref<8192xf32, #tpu.memory_space<hbm>>
      %dma_start3A_591 = tpu.memref_slice %arg4[%add3A_587] : memref<26214400xf32, #tpu.memory_space<hbm>> -> memref<8192xf32, #tpu.memory_space<hbm>>
      %dma_start3A_592 = arith.constant 24576 : i32
      %dma_start3A_593 = tpu.memref_slice %arg7[%dma_start3A_592] : memref<32768xf32, #tpu.memory_space<vmem>> -> memref<8192xf32, #tpu.memory_space<vmem>>
      tpu.enqueue_dma source(%dma_start3A_593 : memref<8192xf32, #tpu.memory_space<vmem>>) target(%dma_start3A_591 : memref<8192xf32, #tpu.memory_space<hbm>>) target_semaphore(%arg9 : memref<!tpu.dma_semaphore, #tpu.memory_space<semaphore_mem>>)
    }
    %scan3A_111 = arith.constant 12 : i32
    %dma_wait3A = arith.constant 0 : i32
    %dma_wait3A_112 = arith.constant 0 : i32
    %dma_wait3A_113 = arith.constant 0 : i32
    %dma_wait3A_114 = tpu.memref_slice %arg6[%dma_wait3A_112, %dma_wait3A_113] : memref<2048x32xf32, #tpu.memory_space<vmem>> -> memref<1024x32xf32, #tpu.memory_space<vmem>>
    %dma_wait3A_115 = arith.constant 0 : i32
    %dma_wait3A_116 = arith.constant 0 : i32
    %dma_wait3A_117 = tpu.memref_slice %arg3[%dma_wait3A_115, %dma_wait3A_116] : memref<1000000x32xf32, #tpu.memory_space<hbm>> -> memref<1024x32xf32, #tpu.memory_space<hbm>>
    %dma_wait3A_118 = tpu.memref_slice %arg8[%dma_wait3A] : memref<2x!tpu.dma_semaphore, #tpu.memory_space<semaphore_mem>> -> memref<1x!tpu.dma_semaphore, #tpu.memory_space<semaphore_mem>>
    %dma_wait3A_119 = tpu.memref_squeeze %dma_wait3A_118 : memref<1x!tpu.dma_semaphore, #tpu.memory_space<semaphore_mem>> -> memref<!tpu.dma_semaphore, #tpu.memory_space<semaphore_mem>>
    %dma_wait3A_120 = arith.constant 0 : i32
    %dma_wait3A_121 = arith.constant 0 : i32
    %dma_wait3A_122 = tpu.memref_slice %arg6[%dma_wait3A_120, %dma_wait3A_121] : memref<2048x32xf32, #tpu.memory_space<vmem>> -> memref<1024x32xf32, #tpu.memory_space<vmem>>
    %dma_wait3A_123 = arith.constant 0 : i32
    %dma_wait3A_124 = arith.constant 0 : i32
    %dma_wait3A_125 = tpu.memref_slice %arg3[%dma_wait3A_123, %dma_wait3A_124] : memref<1000000x32xf32, #tpu.memory_space<hbm>> -> memref<1024x32xf32, #tpu.memory_space<hbm>>
    tpu.wait_dma2 semaphore(%dma_wait3A_119 : memref<!tpu.dma_semaphore, #tpu.memory_space<semaphore_mem>>) src(%dma_wait3A_125 : memref<1024x32xf32, #tpu.memory_space<hbm>>) dst(%dma_wait3A_122 : memref<1024x32xf32, #tpu.memory_space<vmem>>)
    %add3A_126 = arith.constant 192 : i32
    %add3A_127 = arith.addi %mul3A_2, %add3A_126 : i32
    %div3A = arith.constant 32 : i32
    %div3A_128 = arith.divsi %add3A_127, %div3A : i32
    %rem3A = arith.constant 32 : i32
    %rem3A_129 = arith.remsi %add3A_127, %rem3A : i32
    %dma_wait3A_130 = arith.constant 0 : i32
    %dma_wait3A_131 = tpu.memref_slice %arg4[%dma_wait3A_130] : memref<26214400xf32, #tpu.memory_space<hbm>> -> memref<32768xf32, #tpu.memory_space<hbm>>
    %dma_wait3A_132 = arith.constant 0 : i32
    %dma_wait3A_133 = tpu.memref_slice %arg4[%dma_wait3A_132] : memref<26214400xf32, #tpu.memory_space<hbm>> -> memref<32768xf32, #tpu.memory_space<hbm>>
    tpu.wait_dma2 semaphore(%arg9 : memref<!tpu.dma_semaphore, #tpu.memory_space<semaphore_mem>>) src(%arg7 : memref<32768xf32, #tpu.memory_space<vmem>>) dst(%dma_wait3A_133 : memref<32768xf32, #tpu.memory_space<hbm>>)
    %scan3A_134 = arith.constant 0 : i32
    %scan3A_135 = arith.constant 8 : i32
    %scan3A_136 = arith.addi %scan3A_134, %scan3A_135 : i32
    %scan3A_137 = arith.constant 1 : i32
    scf.for %scan3A_195 = %scan3A_134 to %scan3A_136 step %scan3A_137  : i32 {
      %mul3A_196 = arith.constant 1 : i32
      %mul3A_197 = arith.muli %scan3A_195, %mul3A_196 : i32
      %add3A_198 = arith.constant 0 : i32
      %add3A_199 = arith.addi %add3A_198, %mul3A_197 : i32
      %add3A_200 = arith.constant 0 : i32
      %add3A_201 = arith.addi %add3A_200, %add3A_199 : i32
      %mul3A_202 = arith.constant 128 : i32
      %mul3A_203 = arith.muli %add3A_201, %mul3A_202 : i32
      %mul3A_204 = arith.constant 1024 : i32
      %mul3A_205 = arith.muli %add3A_199, %mul3A_204 : i32
      %add3A_206 = arith.constant 0 : i32
      %add3A_207 = arith.addi %mul3A_203, %add3A_206 : i32
      %add3A_208 = vector.broadcast %add3A_207 : i32 to vector<16xi32>
      %add3A_209 = arith.addi %iota3A, %add3A_208 : vector<16xi32>
      %add3A_210 = arith.constant 16 : i32
      %add3A_211 = arith.addi %mul3A_203, %add3A_210 : i32
      %add3A_212 = vector.broadcast %add3A_211 : i32 to vector<16xi32>
      %add3A_213 = arith.addi %iota3A, %add3A_212 : vector<16xi32>
      %add3A_214 = arith.constant 32 : i32
      %add3A_215 = arith.addi %mul3A_203, %add3A_214 : i32
      %add3A_216 = vector.broadcast %add3A_215 : i32 to vector<16xi32>
      %add3A_217 = arith.addi %iota3A, %add3A_216 : vector<16xi32>
      %add3A_218 = arith.constant 48 : i32
      %add3A_219 = arith.addi %mul3A_203, %add3A_218 : i32
      %add3A_220 = vector.broadcast %add3A_219 : i32 to vector<16xi32>
      %add3A_221 = arith.addi %iota3A, %add3A_220 : vector<16xi32>
      %add3A_222 = arith.constant 64 : i32
      %add3A_223 = arith.addi %mul3A_203, %add3A_222 : i32
      %add3A_224 = vector.broadcast %add3A_223 : i32 to vector<16xi32>
      %add3A_225 = arith.addi %iota3A, %add3A_224 : vector<16xi32>
      %add3A_226 = arith.constant 80 : i32
      %add3A_227 = arith.addi %mul3A_203, %add3A_226 : i32
      %add3A_228 = vector.broadcast %add3A_227 : i32 to vector<16xi32>
      %add3A_229 = arith.addi %iota3A, %add3A_228 : vector<16xi32>
      %add3A_230 = arith.constant 96 : i32
      %add3A_231 = arith.addi %mul3A_203, %add3A_230 : i32
      %add3A_232 = vector.broadcast %add3A_231 : i32 to vector<16xi32>
      %add3A_233 = arith.addi %iota3A, %add3A_232 : vector<16xi32>
      %add3A_234 = arith.constant 112 : i32
      %add3A_235 = arith.addi %mul3A_203, %add3A_234 : i32
      %add3A_236 = vector.broadcast %add3A_235 : i32 to vector<16xi32>
      %add3A_237 = arith.addi %iota3A, %add3A_236 : vector<16xi32>
      %parallel_loop3A = arith.constant 0 : i32
      %parallel_loop3A_238 = arith.constant 32 : i32
      %parallel_loop3A_239 = arith.constant 1 : i32
      scf.for %parallel_loop3A_240 = %parallel_loop3A to %parallel_loop3A_238 step %parallel_loop3A_239  : i32 {
        %parallel_loop3A_241 = arith.constant 0 : i32
        %parallel_loop3A_242 = vector.broadcast %parallel_loop3A_241 : i32 to vector<16xi32>
        %parallel_loop3A_243 = arith.muli %iota3A, %parallel_loop3A_242 : vector<16xi32>
        %parallel_loop3A_244 = vector.broadcast %parallel_loop3A_240 : i32 to vector<16xi32>
        %parallel_loop3A_245 = arith.addi %parallel_loop3A_243, %parallel_loop3A_244 : vector<16xi32>
        %parallel_loop3A_246 = arith.constant 8 : i32
        %parallel_loop3A_247 = arith.divsi %parallel_loop3A_240, %parallel_loop3A_246 : i32
        %parallel_loop3A_248 = arith.constant 8192 : i32
        %parallel_loop3A_249 = arith.muli %parallel_loop3A_247, %parallel_loop3A_248 : i32
        %parallel_loop3A_250 = arith.addi %parallel_loop3A_249, %mul3A_205 : i32
        %parallel_loop3A_251 = arith.constant 8 : i32
        %parallel_loop3A_252 = arith.remsi %parallel_loop3A_240, %parallel_loop3A_251 : i32
        %parallel_loop3A_253 = arith.constant 128 : i32
        %parallel_loop3A_254 = arith.muli %parallel_loop3A_252, %parallel_loop3A_253 : i32
        %parallel_loop3A_255 = arith.addi %parallel_loop3A_250, %parallel_loop3A_254 : i32
        %parallel_loop3A_256 = tpu.vector_load_idx %arg6[%add3A_209, %parallel_loop3A_245] : memref<2048x32xf32, #tpu.memory_space<vmem>>[vector<16xi32>, vector<16xi32>], vector<16xf32>,
        %parallel_loop3A_257 = arith.constant 0 : i32
        %parallel_loop3A_258 = arith.addi %parallel_loop3A_255, %parallel_loop3A_257 : i32
        %parallel_loop3A_259 = arith.index_cast %parallel_loop3A_258 : i32 to index
        %parallel_loop3A_260 = tpu.vector_load %arg7[%parallel_loop3A_259] {strides = array<i32>} : memref<32768xf32, #tpu.memory_space<vmem>>, vector<16xf32>,
        tpu.vector_store %arg7[%parallel_loop3A_259], %parallel_loop3A_256 {strides = array<i32>} : memref<32768xf32, #tpu.memory_space<vmem>>, vector<16xf32>,
        %parallel_loop3A_261 = tpu.vector_load_idx %arg6[%add3A_213, %parallel_loop3A_245] : memref<2048x32xf32, #tpu.memory_space<vmem>>[vector<16xi32>, vector<16xi32>], vector<16xf32>,
        %parallel_loop3A_262 = arith.constant 16 : i32
        %parallel_loop3A_263 = arith.addi %parallel_loop3A_255, %parallel_loop3A_262 : i32
        %parallel_loop3A_264 = arith.index_cast %parallel_loop3A_263 : i32 to index
        %parallel_loop3A_265 = tpu.vector_load %arg7[%parallel_loop3A_264] {strides = array<i32>} : memref<32768xf32, #tpu.memory_space<vmem>>, vector<16xf32>,
        tpu.vector_store %arg7[%parallel_loop3A_264], %parallel_loop3A_261 {strides = array<i32>} : memref<32768xf32, #tpu.memory_space<vmem>>, vector<16xf32>,
        %parallel_loop3A_266 = tpu.vector_load_idx %arg6[%add3A_217, %parallel_loop3A_245] : memref<2048x32xf32, #tpu.memory_space<vmem>>[vector<16xi32>, vector<16xi32>], vector<16xf32>,
        %parallel_loop3A_267 = arith.constant 32 : i32
        %parallel_loop3A_268 = arith.addi %parallel_loop3A_255, %parallel_loop3A_267 : i32
        %parallel_loop3A_269 = arith.index_cast %parallel_loop3A_268 : i32 to index
        %parallel_loop3A_270 = tpu.vector_load %arg7[%parallel_loop3A_269] {strides = array<i32>} : memref<32768xf32, #tpu.memory_space<vmem>>, vector<16xf32>,
        tpu.vector_store %arg7[%parallel_loop3A_269], %parallel_loop3A_266 {strides = array<i32>} : memref<32768xf32, #tpu.memory_space<vmem>>, vector<16xf32>,
        %parallel_loop3A_271 = tpu.vector_load_idx %arg6[%add3A_221, %parallel_loop3A_245] : memref<2048x32xf32, #tpu.memory_space<vmem>>[vector<16xi32>, vector<16xi32>], vector<16xf32>,
        %parallel_loop3A_272 = arith.constant 48 : i32
        %parallel_loop3A_273 = arith.addi %parallel_loop3A_255, %parallel_loop3A_272 : i32
        %parallel_loop3A_274 = arith.index_cast %parallel_loop3A_273 : i32 to index
        %parallel_loop3A_275 = tpu.vector_load %arg7[%parallel_loop3A_274] {strides = array<i32>} : memref<32768xf32, #tpu.memory_space<vmem>>, vector<16xf32>,
        tpu.vector_store %arg7[%parallel_loop3A_274], %parallel_loop3A_271 {strides = array<i32>} : memref<32768xf32, #tpu.memory_space<vmem>>, vector<16xf32>,
        %parallel_loop3A_276 = tpu.vector_load_idx %arg6[%add3A_225, %parallel_loop3A_245] : memref<2048x32xf32, #tpu.memory_space<vmem>>[vector<16xi32>, vector<16xi32>], vector<16xf32>,
        %parallel_loop3A_277 = arith.constant 64 : i32
        %parallel_loop3A_278 = arith.addi %parallel_loop3A_255, %parallel_loop3A_277 : i32
        %parallel_loop3A_279 = arith.index_cast %parallel_loop3A_278 : i32 to index
        %parallel_loop3A_280 = tpu.vector_load %arg7[%parallel_loop3A_279] {strides = array<i32>} : memref<32768xf32, #tpu.memory_space<vmem>>, vector<16xf32>,
        tpu.vector_store %arg7[%parallel_loop3A_279], %parallel_loop3A_276 {strides = array<i32>} : memref<32768xf32, #tpu.memory_space<vmem>>, vector<16xf32>,
        %parallel_loop3A_281 = tpu.vector_load_idx %arg6[%add3A_229, %parallel_loop3A_245] : memref<2048x32xf32, #tpu.memory_space<vmem>>[vector<16xi32>, vector<16xi32>], vector<16xf32>,
        %parallel_loop3A_282 = arith.constant 80 : i32
        %parallel_loop3A_283 = arith.addi %parallel_loop3A_255, %parallel_loop3A_282 : i32
        %parallel_loop3A_284 = arith.index_cast %parallel_loop3A_283 : i32 to index
        %parallel_loop3A_285 = tpu.vector_load %arg7[%parallel_loop3A_284] {strides = array<i32>} : memref<32768xf32, #tpu.memory_space<vmem>>, vector<16xf32>,
        tpu.vector_store %arg7[%parallel_loop3A_284], %parallel_loop3A_281 {strides = array<i32>} : memref<32768xf32, #tpu.memory_space<vmem>>, vector<16xf32>,
        %parallel_loop3A_286 = tpu.vector_load_idx %arg6[%add3A_233, %parallel_loop3A_245] : memref<2048x32xf32, #tpu.memory_space<vmem>>[vector<16xi32>, vector<16xi32>], vector<16xf32>,
        %parallel_loop3A_287 = arith.constant 96 : i32
        %parallel_loop3A_288 = arith.addi %parallel_loop3A_255, %parallel_loop3A_287 : i32
        %parallel_loop3A_289 = arith.index_cast %parallel_loop3A_288 : i32 to index
        %parallel_loop3A_290 = tpu.vector_load %arg7[%parallel_loop3A_289] {strides = array<i32>} : memref<32768xf32, #tpu.memory_space<vmem>>, vector<16xf32>,
        tpu.vector_store %arg7[%parallel_loop3A_289], %parallel_loop3A_286 {strides = array<i32>} : memref<32768xf32, #tpu.memory_space<vmem>>, vector<16xf32>,
        %parallel_loop3A_291 = tpu.vector_load_idx %arg6[%add3A_237, %parallel_loop3A_245] : memref<2048x32xf32, #tpu.memory_space<vmem>>[vector<16xi32>, vector<16xi32>], vector<16xf32>,
        %parallel_loop3A_292 = arith.constant 112 : i32
        %parallel_loop3A_293 = arith.addi %parallel_loop3A_255, %parallel_loop3A_292 : i32
        %parallel_loop3A_294 = arith.index_cast %parallel_loop3A_293 : i32 to index
        %parallel_loop3A_295 = tpu.vector_load %arg7[%parallel_loop3A_294] {strides = array<i32>} : memref<32768xf32, #tpu.memory_space<vmem>>, vector<16xf32>,
        tpu.vector_store %arg7[%parallel_loop3A_294], %parallel_loop3A_291 {strides = array<i32>} : memref<32768xf32, #tpu.memory_space<vmem>>, vector<16xf32>,
      } {sc.loop_unroll_factor = 4 : i64, sc.parallel_access}
    }
    %scan3A_138 = arith.constant 8 : i32
    %mul3A_139 = arith.constant 131072 : i32
    %mul3A_140 = arith.muli %div3A_128, %mul3A_139 : i32
    %add3A_141 = arith.constant 0 : i32
    %add3A_142 = arith.addi %mul3A_140, %add3A_141 : i32
    %mul3A_143 = arith.constant 1024 : i32
    %mul3A_144 = arith.muli %rem3A_129, %mul3A_143 : i32
    %add3A_145 = arith.addi %add3A_142, %mul3A_144 : i32
    %dma_start3A_146 = arith.constant 0 : i32
    %dma_start3A_147 = tpu.memref_slice %arg7[%dma_start3A_146] : memref<32768xf32, #tpu.memory_space<vmem>> -> memref<8192xf32, #tpu.memory_space<vmem>>
    %dma_start3A_148 = tpu.memref_slice %arg4[%add3A_145] : memref<26214400xf32, #tpu.memory_space<hbm>> -> memref<8192xf32, #tpu.memory_space<hbm>>
    %dma_start3A_149 = tpu.memref_slice %arg4[%add3A_145] : memref<26214400xf32, #tpu.memory_space<hbm>> -> memref<8192xf32, #tpu.memory_space<hbm>>
    %dma_start3A_150 = arith.constant 0 : i32
    %dma_start3A_151 = tpu.memref_slice %arg7[%dma_start3A_150] : memref<32768xf32, #tpu.memory_space<vmem>> -> memref<8192xf32, #tpu.memory_space<vmem>>
    tpu.enqueue_dma source(%dma_start3A_151 : memref<8192xf32, #tpu.memory_space<vmem>>) target(%dma_start3A_149 : memref<8192xf32, #tpu.memory_space<hbm>>) target_semaphore(%arg9 : memref<!tpu.dma_semaphore, #tpu.memory_space<semaphore_mem>>)
    %mul3A_152 = arith.constant 131072 : i32
    %mul3A_153 = arith.muli %div3A_128, %mul3A_152 : i32
    %add3A_154 = arith.constant 32768 : i32
    %add3A_155 = arith.addi %mul3A_153, %add3A_154 : i32
    %mul3A_156 = arith.constant 1024 : i32
    %mul3A_157 = arith.muli %rem3A_129, %mul3A_156 : i32
    %add3A_158 = arith.addi %add3A_155, %mul3A_157 : i32
    %dma_start3A_159 = arith.constant 8192 : i32
    %dma_start3A_160 = tpu.memref_slice %arg7[%dma_start3A_159] : memref<32768xf32, #tpu.memory_space<vmem>> -> memref<8192xf32, #tpu.memory_space<vmem>>
    %dma_start3A_161 = tpu.memref_slice %arg4[%add3A_158] : memref<26214400xf32, #tpu.memory_space<hbm>> -> memref<8192xf32, #tpu.memory_space<hbm>>
    %dma_start3A_162 = tpu.memref_slice %arg4[%add3A_158] : memref<26214400xf32, #tpu.memory_space<hbm>> -> memref<8192xf32, #tpu.memory_space<hbm>>
    %dma_start3A_163 = arith.constant 8192 : i32
    %dma_start3A_164 = tpu.memref_slice %arg7[%dma_start3A_163] : memref<32768xf32, #tpu.memory_space<vmem>> -> memref<8192xf32, #tpu.memory_space<vmem>>
    tpu.enqueue_dma source(%dma_start3A_164 : memref<8192xf32, #tpu.memory_space<vmem>>) target(%dma_start3A_162 : memref<8192xf32, #tpu.memory_space<hbm>>) target_semaphore(%arg9 : memref<!tpu.dma_semaphore, #tpu.memory_space<semaphore_mem>>)
    %mul3A_165 = arith.constant 131072 : i32
    %mul3A_166 = arith.muli %div3A_128, %mul3A_165 : i32
    %add3A_167 = arith.constant 65536 : i32
    %add3A_168 = arith.addi %mul3A_166, %add3A_167 : i32
    %mul3A_169 = arith.constant 1024 : i32
    %mul3A_170 = arith.muli %rem3A_129, %mul3A_169 : i32
    %add3A_171 = arith.addi %add3A_168, %mul3A_170 : i32
    %dma_start3A_172 = arith.constant 16384 : i32
    %dma_start3A_173 = tpu.memref_slice %arg7[%dma_start3A_172] : memref<32768xf32, #tpu.memory_space<vmem>> -> memref<8192xf32, #tpu.memory_space<vmem>>
    %dma_start3A_174 = tpu.memref_slice %arg4[%add3A_171] : memref<26214400xf32, #tpu.memory_space<hbm>> -> memref<8192xf32, #tpu.memory_space<hbm>>
    %dma_start3A_175 = tpu.memref_slice %arg4[%add3A_171] : memref<26214400xf32, #tpu.memory_space<hbm>> -> memref<8192xf32, #tpu.memory_space<hbm>>
    %dma_start3A_176 = arith.constant 16384 : i32
    %dma_start3A_177 = tpu.memref_slice %arg7[%dma_start3A_176] : memref<32768xf32, #tpu.memory_space<vmem>> -> memref<8192xf32, #tpu.memory_space<vmem>>
    tpu.enqueue_dma source(%dma_start3A_177 : memref<8192xf32, #tpu.memory_space<vmem>>) target(%dma_start3A_175 : memref<8192xf32, #tpu.memory_space<hbm>>) target_semaphore(%arg9 : memref<!tpu.dma_semaphore, #tpu.memory_space<semaphore_mem>>)
    %mul3A_178 = arith.constant 131072 : i32
    %mul3A_179 = arith.muli %div3A_128, %mul3A_178 : i32
    %add3A_180 = arith.constant 98304 : i32
    %add3A_181 = arith.addi %mul3A_179, %add3A_180 : i32
    %mul3A_182 = arith.constant 1024 : i32
    %mul3A_183 = arith.muli %rem3A_129, %mul3A_182 : i32
    %add3A_184 = arith.addi %add3A_181, %mul3A_183 : i32
    %dma_start3A_185 = arith.constant 24576 : i32
    %dma_start3A_186 = tpu.memref_slice %arg7[%dma_start3A_185] : memref<32768xf32, #tpu.memory_space<vmem>> -> memref<8192xf32, #tpu.memory_space<vmem>>
    %dma_start3A_187 = tpu.memref_slice %arg4[%add3A_184] : memref<26214400xf32, #tpu.memory_space<hbm>> -> memref<8192xf32, #tpu.memory_space<hbm>>
    %dma_start3A_188 = tpu.memref_slice %arg4[%add3A_184] : memref<26214400xf32, #tpu.memory_space<hbm>> -> memref<8192xf32, #tpu.memory_space<hbm>>
    %dma_start3A_189 = arith.constant 24576 : i32
    %dma_start3A_190 = tpu.memref_slice %arg7[%dma_start3A_189] : memref<32768xf32, #tpu.memory_space<vmem>> -> memref<8192xf32, #tpu.memory_space<vmem>>
    tpu.enqueue_dma source(%dma_start3A_190 : memref<8192xf32, #tpu.memory_space<vmem>>) target(%dma_start3A_188 : memref<8192xf32, #tpu.memory_space<hbm>>) target_semaphore(%arg9 : memref<!tpu.dma_semaphore, #tpu.memory_space<semaphore_mem>>)
    %dma_wait3A_191 = arith.constant 0 : i32
    %dma_wait3A_192 = tpu.memref_slice %arg4[%dma_wait3A_191] : memref<26214400xf32, #tpu.memory_space<hbm>> -> memref<32768xf32, #tpu.memory_space<hbm>>
    %dma_wait3A_193 = arith.constant 0 : i32
    %dma_wait3A_194 = tpu.memref_slice %arg4[%dma_wait3A_193] : memref<26214400xf32, #tpu.memory_space<hbm>> -> memref<32768xf32, #tpu.memory_space<hbm>>
    tpu.wait_dma2 semaphore(%arg9 : memref<!tpu.dma_semaphore, #tpu.memory_space<semaphore_mem>>) src(%arg7 : memref<32768xf32, #tpu.memory_space<vmem>>) dst(%dma_wait3A_194 : memref<32768xf32, #tpu.memory_space<hbm>>)
    return
  }
}

</mosaic_0001>

<sc_bundles>
// kernel: kernel.4.cloned.1.call-start
scs
__scs_entry_jumppad:
0x0: {  	(pc) =	sbr.rel $0x88, $3  }
0x1: {  	(tag) =	ssettag $0x0;
	lr =	simm.s32 $0x1  }
0x2: {  	[smem:$0x3F9F] =	sst lr;
	_ =	strace $0xD0000000  }
0x3: {  	_ = 	snop  }
0x4: {  	_ = 	snop  }
0x5: {  	_ = 	snop  }
0x6: {  	_ = 	snop  }
0x7: {  	_ = 	snop  }
__scs_overlays_trampoline_lowered:
0x8: {  	[smem:$0x3FAE] =	sst s0  }
0x9: {  	[smem:$0x3FAF] =	sst s1  }
0xa: {  	[smem:$0x3FB0] =	sst s2  }
0xb: {  	[smem:$0x3FB1] =	sst s3  }
0xc: {  	[smem:$0x3FB2] =	sst s4  }
0xd: {  	[smem:$0x3FB3] =	sst s5  }
0xe: {  	[smem:$0x3FB4] =	sst s6  }
0xf: {  	[smem:$0x3FB5] =	sst s7  }
0x10: {  	[smem:$0x3FB6] =	sst s8  }
0x11: {  	[smem:$0x3FB7] =	sst s9;
	s0 =	simm.s32 @!p0 $0x0  }
0x12: {  	s1 =	sld [smem:$0x3F9D];
	s0 =	simm.s32 @p0 $0x1  }
0x13: {  	[smem:$0x3FB8] =	sst s0;
	s0 =	simm.s32 @!p1 $0x0  }
0x14: {  	s2 =	sld [smem:$0x3F9C];
	s0 =	simm.s32 @p1 $0x1  }
0x15: {  	[smem:$0x3FB9] =	sst s0;
	s0 =	simm.s32 @!p2 $0x0  }
0x16: {  	s3 =	sld [smem:$0x3FDB];
	s0 =	simm.s32 @p2 $0x1  }
0x17: {  	s4 =	simm.s32 $0x1BF5;
	[smem:$0x3FBB] =	sst s0  }
0x18: {  	s0 =	sld [smem:$0x3F9E];
	_ =	swait.ge [sflag:s4], $0x0  }
0x19: {  	s7 =	sld [smem:$0x3F9F]  }
0x1a: {  	s8 =	sadd.s32 $0xFFFFE003, lr  }
0x1b: {  	s9 =	sadd.s32 $0xFFFFFEF7, lr;
	s5 =	simm.s32 $0xFFFFFFFF;
	p2 =	slt.u32 s8, $0xFFFFF086  }
0x1c: {  	p1 =	slt.u32 s9, $0xF7A;
	s5 =	simm.s32 @!p2 $0x0  }
0x1d: {  	s5 =	simm.s32 @p1 $0x1;
	p0 =	seq.s32 s7, s2  }
0x1e: {  	s7 =	smul.u32 @!p0 $0xF7A, s2;
	p2 =	seq.s32 @!p0 s5, $0x0  }
0x1f: {  	s9 =	smul.u32 $0xF7A, s1;
	s8 =	simm.s32 @!p0 $0x1BF5;
	p2 =	por !p2, p0  }
0x20: {  	[sflag:s8] =	ssyncset.s32 @!p0 $0xFFFFF086;
	s6 =	sadd.s32 @!p0 s3, s7;
	s7 =	simm.s32 @!p0 $0x108  }
0x21: {  	s3 =	sadd.s32 s3, s9;
	s6 =	sadd.s32 @!p0 $0x88, s6;
	s7 =	simm.s32 @p2 $0x1082  }
0x22: {  	[simem:s7], [sflag:s8] =	dma.local @!p0 [hbm:s6], $0xF7A  }
0x23: {  	s9 =	sor.u32 $0xD0000000, s2;
	s6 =	simm.s32 $0x108;
	_ =	swait.ge @!p0 [sflag:s8], $0x0  }
0x24: {  	s3 =	sadd.s32 $0x88, s3;
	s6 =	simm.s32 @!p1 $0x1082;
	[sflag:s4] =	ssyncset.s32 $0xFFFFF086  }
0x25: {  	[simem:s6], [sflag:s4] =	dma.local [hbm:s3], $0xF7A  }
0x26: {  	[smem:$0x3F9F] =	sst s1;
	(tag) =	ssettag s2;
	_ =	strace s9  }
0x27: {  	s1 =	sld [smem:$0x3FAF]  }
0x28: {  	s2 =	sld [smem:$0x3FB0]  }
0x29: {  	s4 =	sld [smem:$0x3FB2]  }
0x2a: {  	p0 =	seq.s32 s5, $0x0;
	s5 =	sld [smem:$0x3FB3]  }
0x2b: {  	s6 =	sld [smem:$0x3FB4]  }
0x2c: {  	s7 =	sld [smem:$0x3FB5]  }
0x2d: {  	s3 =	simm.s32 $0x108;
	s8 =	sld [smem:$0x3FB6]  }
0x2e: {  	s3 =	simm.s32 @!p0 $0x1082;
	s9 =	sld [smem:$0x3FB7]  }
0x2f: {  	lr =	sadd.s32 s0, s3;
	s0 =	sld [smem:$0x3FAE]  }
0x30: {  	s3 =	sld [smem:$0x3FB1]  }
0x31: {  	[smem:$0x3FBA] =	sst s10  }
0x32: {  	s10 =	sld [smem:$0x3FB8];
	_ =	sdelay $0x3  }
0x33: {  	p0 =	seq.s32 s10, $0x1;
	s10 =	sld [smem:$0x3FBA];
	_ =	sdelay $0x3  }
0x34: {  	[smem:$0x3FBA] =	sst s10  }
0x35: {  	s10 =	sld [smem:$0x3FB9];
	_ =	sdelay $0x3  }
0x36: {  	p1 =	seq.s32 s10, $0x1;
	s10 =	sld [smem:$0x3FBA];
	_ =	sdelay $0x3  }
0x37: {  	[smem:$0x3FBA] =	sst s10  }
0x38: {  	s10 =	sld [smem:$0x3FBB]  }
0x39: {  	_ = 	snop;
	(pc) =	sbr.ind lr, $3  }
0x3a: {  	_ = 	snop  }
0x3b: {  	_ = 	snop  }
0x3c: {  	p2 =	seq.s32 s10, $0x1;
	s10 =	sld [smem:$0x3FBA]  }
0x3d: {  	_ =	shalt  }
0x3e: {  	_ =	shalt  }
0x3f: {  	_ =	shalt  }
0x40: {  	_ =	shalt  }
0x41: {  	_ =	shalt  }
0x42: {  	_ =	shalt  }
0x43: {  	_ =	shalt  }
0x44: {  	_ =	shalt  }
0x45: {  	_ =	shalt  }
0x46: {  	_ =	shalt  }
0x47: {  	_ =	shalt  }
0x48: {  	_ =	shalt  }
0x49: {  	_ =	shalt  }
0x4a: {  	_ =	shalt  }
0x4b: {  	_ =	shalt  }
0x4c: {  	_ =	shalt  }
0x4d: {  	_ =	shalt  }
0x4e: {  	_ =	shalt  }
0x4f: {  	_ =	shalt  }
0x50: {  	_ =	shalt  }
0x51: {  	_ =	shalt  }
0x52: {  	_ =	shalt  }
0x53: {  	_ =	shalt  }
0x54: {  	_ =	shalt  }
0x55: {  	_ =	shalt  }
0x56: {  	_ =	shalt  }
0x57: {  	_ =	shalt  }
0x58: {  	_ =	shalt  }
0x59: {  	_ =	shalt  }
0x5a: {  	_ =	shalt  }
0x5b: {  	_ =	shalt  }
0x5c: {  	_ =	shalt  }
0x5d: {  	_ =	shalt  }
0x5e: {  	_ =	shalt  }
0x5f: {  	_ =	shalt  }
0x60: {  	_ =	shalt  }
0x61: {  	_ =	shalt  }
0x62: {  	_ =	shalt  }
0x63: {  	_ =	shalt  }
0x64: {  	_ =	shalt  }
0x65: {  	_ =	shalt  }
0x66: {  	_ =	shalt  }
0x67: {  	_ =	shalt  }
0x68: {  	_ =	shalt  }
0x69: {  	_ =	shalt  }
0x6a: {  	_ =	shalt  }
0x6b: {  	_ =	shalt  }
0x6c: {  	_ =	shalt  }
0x6d: {  	_ =	shalt  }
0x6e: {  	_ =	shalt  }
0x6f: {  	_ =	shalt  }
0x70: {  	_ =	shalt  }
0x71: {  	_ =	shalt  }
0x72: {  	_ =	shalt  }
0x73: {  	_ =	shalt  }
0x74: {  	_ =	shalt  }
0x75: {  	_ =	shalt  }
0x76: {  	_ =	shalt  }
0x77: {  	_ =	shalt  }
0x78: {  	_ =	shalt  }
0x79: {  	_ =	shalt  }
0x7a: {  	_ =	shalt  }
0x7b: {  	_ =	shalt  }
0x7c: {  	_ =	shalt  }
0x7d: {  	_ =	shalt  }
0x7e: {  	_ =	shalt  }
0x7f: {  	_ =	shalt  }
0x80: {  	_ =	shalt  }
0x81: {  	_ =	shalt  }
0x82: {  	_ =	shalt  }
0x83: {  	_ =	shalt  }
0x84: {  	_ =	shalt  }
0x85: {  	_ =	shalt  }
0x86: {  	_ =	shalt  }
0x87: {  	_ =	shalt  }
.Lfunc_end0:
.L_simem_size_0:
called_computation_lowered:
.L_overlay_start_0:
0x88: {  	s2 =	sld [smem:$0x3FD9]  }
0x89: {  	s3 =	sld [smem:$0x3FFE];
	_ =	sdelay $0x1  }
0x8a: {  	s1 =	srdreg.scid  }
0x8b: {  	s0 =	sand.u32 $0x1, s1  }
0x8c: {  	s17 =	sshll.u32 s0, $0xA;
	s2 =	sadd.s32 s3, s2  }
0x8d: {  	s2 =	sadd.s32 s2, s17  }
0x8e: {  	[smem:$0x3FC6] =	sst s2  }
0x8f: {  	_ = 	snop  }
0x90: {  	s2 =	sld [smem:$0x3FC8]  }
0x91: {  	s18 =	sld [smem:$0x3FD0];
	(tm) =	ssettm $0x1  }
0x92: {  	s4 =	sld [smem:$0x3FFB];
	_ =	sdelay $0x3  }
0x93: {  	_ =	strace s4  }
0x94: {  	s4 =	sld [smem:$0x3FFC];
	_ =	sdelay $0x3  }
0x95: {  	_ =	strace s4  }
0x96: {  	s4 =	sld [smem:$0x3FFD];
	_ =	sdelay $0x3  }
0x97: {  	_ =	strace s4  }
0x98: {  	_ =	strace $0x8FFFFFFF  }
0x99: {  	s19 =	sld [smem:$0x3FDB];
	_ =	sdelay $0x1  }
0x9a: {  	s5 =	simm.s32 $_scs_section_size  }
0x9b: {  	s6 =	simm.s32 $_size__tile_overlayer_lowered;
	s7 =	simm.s32 $_tile_overlayer_lowered  }
0x9c: {  	s22 =	simm.s32 $0x1BFF;
	s21 =	sshll.u32 s7, $0x1;
	s4 =	sadd.s32 s5, s19  }
0x9d: {  	s8 =	simm.s32 $0x0;
	s20 =	sshll.u32 s6, $0x1;
	s6 =	sadd.s32 s21, s4  }
0x9e: {  	[timem:s8], [sflag:s22] =	dma.local [hbm:s6], s20  }
0x9f: {  	_ =	swait.ge [sflag:s22], s20  }
0xa0: {  	s5 =	ssub.s32 $0x0, s20;
	[sflag:s22] =	ssyncset.done $0x0  }
0xa1: {  	[sflag:s22] =	ssyncadd.s32 s5;
	_ =	sdelay $0x1  }
0xa2: {  	s23 =	simm.s32 $0x1B8B  }
0xa3: {  	_ =	swait.ge [sflag:s23], $0x1  }
0xa4: {  	[sflag:s23] =	ssyncset.done $0x0  }
0xa5: {  	s25 =	simm.s32 $0x1B8E;
	s24 =	sld [smem:$0x3FFE];
	[sflag:s23] =	ssyncadd.s32 $0xFFFFFFFF  }
0xa6: {  	s26 =	simm.s32 $execute0_lowered;
	[smem:$0x3FD2] =	sst s25  }
0xa7: {  	s6 =	sshll.u32 s26, $0x1;
	_ =	strace $0x80000046;
	[dreg:$0x1] =	wrdreg $0xFFFFFFFF  }
0xa8: {  	s28 =	simm.s32 $_size_execute0_lowered;
	s4 =	sadd.s32 s4, s6;
	[dreg:$0x0] =	wrdreg $0x0  }
0xa9: {  	s6 =	sshll.u32 s28, $0x1;
	[dreg:$0x2] =	wrdreg s4  }
0xaa: {  	[dreg:$0x3] =	wrdreg s6  }
0xab: {  	[dreg:$0x4] =	wrdreg $0xC0  }
0xac: {  	_ =	task [dreg:s8], $0x5FFFF  }
0xad: {  	[dreg:$0x1] =	wrdreg $0xFFFFFFFF  }
0xae: {  	[dreg:$0x0] =	wrdreg $0x60  }
0xaf: {  	[dreg:$0x2] =	wrdreg s2  }
0xb0: {  	[dreg:$0x3] =	wrdreg s18  }
0xb1: {  	[dreg:$0x4] =	wrdreg s24  }
0xb2: {  	[dreg:$0x5] =	wrdreg $0x9  }
0xb3: {  	_ =	task.clear_ibuf [dreg:s8], $0x6FFFF;
	_ =	strace $0x90000046  }
0xb4: {  	s29 =	simm.s32 $0x9;
	_ =	strace $0x80000048  }
0xb5: {  	_ =	swait.ge [sflag:s29], $0x1  }
0xb6: {  	[sflag:s29] =	ssyncadd.s32 $0xFFFFFFFF  }
0xb7: {  	_ =	strace $0x90000048  }
0xb8: {  	_ =	sfence  }
0xb9: {  	s30 =	sld [smem:$0x0];
	_ =	sdelay $0x2  }
0xba: {  	s31 =	sshll.u32 s1, $0xD;
	s1 =	sshrl.u32 s1, $0x2  }
0xbb: {  	s3 =	sand.u32 $0x4000, s31;
	s1 =	sadd.s32 s1, s30  }
0xbc: {  	s0 =	sor.u32 s3, s0;
	s1 =	sshll.u32 s1, $0x11  }
0xbd: {  	s0 =	sor.u32 s1, s0  }
0xbe: {  	s0 =	sadd.s32 $0x8F2B, s0  }
0xbf: {  	[sflag:s0] =	ssyncadd.remote.s32 $0x1  }
0xc0: {  	_ =	sfence.sel $0xFFFF  }
0xc1: {  	[dreg:$0x0] =	wrdreg $0xFFFFFFFF;
	(pc) =	sbr.abs _section_cstart, $3  }
0xc2: {  	[dreg:$0x1] =	wrdreg $0xFFFFFFFF  }
0xc3: {  	_ =	task.clear_ibuf [dreg:s8], $0x2FFFF;
	_ =	strace $0x9FFFFFFF  }
0xc4: {  	(tm) =	ssettm $0x7FFFFFFF  }
0xc5: {  	_ =	shalt  }
tec
execute0_lowered:
.L_overlay_start_1:
0x0: {  	(tag) =	ssettag $0x1  }
0x1: {  	s1 =	rddreg [dreg:$0x0]  }
0x2: {  	s2 =	srdreg.scid;
	s3 =	stileid.u32  }
0x3: {  	s0 =	rddreg [dreg:$0x2];
	s2 =	sand.u32 $0x1, s2;
	s3 =	sshll.u32 s3, $0x1  }
0x4: {  	s4 =	simm.s32 $0x0;
	s16 =	simm.s32 $0x0;
	s5 =	sor.u32 s2, s3  }
0x5: {  	[smem:$0x7FF] =	sst s4;
	s6 =	sadd.s32 $0xA00, s0;
	s3 =	sshll.u32 s5, $0x9  }
.Ltmp0:
0x6: {  	v0 =	vlaneseq.u32;
	s11 =	sadd.s32 $0x3D1200, s0;
	s7 =	sadd.s32 s1, s3;
	(pc) =	sbr.rel .LBB2_1-.Ltmp0, $4  }
0x7: {  	v1 =	vand.u32 $0x7, v0;
	_ =	strace $0x80000047;
	s2 =	ssub.s32 $0x2, s2;
	s8 =	sadd.s32 $0xF4280, s7  }
0x8: {  	v1 =	vmul.u32 $0x80, v1;
	s29 =	sshrl.u32 s2, $0x1;
	s30 =	sadd.s32 $0x1E8500, s7;
	[dreg:$0x4] =	wrdreg s8  }
0x9: {  	v2 =	vor.u32 $0x10, v0;
	s2 =	ssub.s32 s2, s29;
	s31 =	sadd.s32 $0x2DC780, s7;
	[dreg:$0x5] =	wrdreg s30  }
0xa: {  	p0 =	seq.s32 s5, $0x0;
	v3 =	vor.u32 $0x400, v1;
	v4 =	vor.u32 $0x800, v1;
	v5 =	vor.u32 $0xC00, v1;
	s12 =	smax.u32 s2, $0x1;
	[dreg:$0x6] =	wrdreg s31  }
.LBB2_15:
0xb: {  	s0 =	simm.s32 @p0 $0x3  }
0xc: {  	_ =	swait.ge @p0 [sflag:s0], $0x4000  }
0xd: {  	[sflag:s0] =	ssyncset.done @p0 $0x0  }
0xe: {  	[sflag:s0] =	ssyncadd.s32 @p0 $0xFFFFC000;
	s0 =	simm.s32 @p0 $0x4  }
0xf: {  	_ =	swait.ge @p0 [sflag:s0], $0x4000  }
0x10: {  	[sflag:s0] =	ssyncset.done @p0 $0x0  }
0x11: {  	[sflag:s0] =	ssyncadd.s32 @p0 $0xFFFFC000  }
0x12: {  	s2 =	simm.s32 @p0 $0x12000;
	s0 =	simm.s32 @p0 $0x0;
	s3 =	rddreg [dreg:$0x1]  }
0x13: {  	[tilespmem:s2], [sflag:$0x5] =	stream.linear.gather @p0 [hbm4b:s3+s0], $0x800, $0x38;
	[tilespmem:$0x12800] =	vst v63  }
0x14: {  	s3 =	simm.s32 @p0 $0x5  }
0x15: {  	_ =	swait.ge @p0 [sflag:s3], $0x800  }
0x16: {  	[sflag:s3] =	ssyncset.done @p0 $0x0  }
0x17: {  	[sflag:s3] =	ssyncadd.s32 @p0 $0xFFFFF800  }
0x18: {  	[hbm4b:s11+s0] =	stream.linear.scatter @p0 [tilespmem:s2], [sflag:$0x5], $0x800, $0x38;
	[tilespmem:$0x12800] =	vst v63  }
0x19: {  	_ =	swait.ge @p0 [sflag:s3], $0x800  }
0x1a: {  	[sflag:s3] =	ssyncset.done @p0 $0x0  }
0x1b: {  	s16 =	sadd.s32 $0x1, s16;
	s0 =	simm.s32 @!p0 $0x4;
	[sflag:s3] =	ssyncadd.s32 @p0 $0xFFFFF800  }
0x1c: {  	p1 =	sne.s32 s16, s12;
	_ =	swait.ge @!p0 [sflag:s0], $0x4000  }
.Ltmp1:
0x1d: {  	[sflag:s0] =	ssyncset.done @!p0 $0x0;
	(pc) =	sbr.rel @!p1 .LBB2_16-.Ltmp1, $4  }
0x1e: {  	[sflag:s0] =	ssyncadd.s32 @!p0 $0xFFFFC000;
	s0 =	simm.s32 @!p0 $0x3  }
0x1f: {  	_ =	swait.ge @!p0 [sflag:s0], $0x4000  }
0x20: {  	[sflag:s0] =	ssyncset.done @!p0 $0x0  }
0x21: {  	[sflag:s0] =	ssyncadd.s32 @!p0 $0xFFFFC000  }
.LBB2_1:
0x22: {  	[tilespmem:s4], [sflag:$0x1] =	stream.linear.gather [hbm4b:s7+s4], $0x1000, $0x38;
	[tilespmem:$0x12800] =	vst v63  }
0x23: {  	s0 =	rddreg [dreg:$0x4];
	s2 =	simm.s32 $0x1400  }
0x24: {  	[tilespmem:s2], [sflag:$0x1] =	stream.linear.gather [hbm4b:s0+s4], $0x1000, $0x38;
	[tilespmem:$0x12800] =	vst v63  }
.Ltmp2:
0x25: {  	s28 =	rddreg [dreg:$0x5];
	(pc) =	sbr.rel .LBB2_2-.Ltmp2, $4  }
0x26: {  	s29 =	simm.s32 $0x2800;
	s30 =	rddreg [dreg:$0x6]  }
0x27: {  	[tilespmem:s29], [sflag:$0x1] =	stream.linear.gather [hbm4b:s28+s4], $0x1000, $0x38;
	[tilespmem:$0x12800] =	vst v63  }
0x28: {  	s31 =	simm.s32 $0x3C00;
	p1 =	por $0x0, $0x0;
	s17 =	simm.s32 $0x0  }
0x29: {  	[tilespmem:s31], [sflag:$0x1] =	stream.linear.gather [hbm4b:s30+s4], $0x1000, $0x38;
	[tilespmem:$0x12800] =	vst v63  }
.LBB2_14:
0x2a: {  	s17 =	sadd.s32 $0x1, s17  }
0x2b: {  	p2 =	sne.s32 s17, $0x3E  }
.Ltmp3:
0x2c: {  	_ = 	snop;
	(pc) =	sbr.rel @!p2 .LBB2_15-.Ltmp3, $2  }
0x2d: {  	_ =	sdelay $0x2  }
0x2e: {  	p1 =	por !p1, !p1  }
.LBB2_2:
0x2f: {  	s0 =	sshll.u32 s17, $0x5  }
0x30: {  	s18 =	sor.u32 s5, s0  }
0x31: {  	p2 =	sgt.u32 s18, $0x780  }
.Ltmp4:
0x32: {  	_ = 	snop;
	(pc) =	sbr.rel @p2 .LBB2_4-.Ltmp4, $2  }
0x33: {  	_ =	sdelay $0x2  }
0x34: {  	s19 =	sand.u32 $0x1, s17  }
0x35: {  	s0 =	sxor.u32 $0x1, s19;
	s2 =	sshll.u32 s18, $0x9  }
0x36: {  	s2 =	sand.u32 $0x1FFFFE00, s2;
	s3 =	smul.u32 $0x14000, s0  }
0x37: {  	s2 =	sadd.s32 s1, s2  }
0x38: {  	s0 =	sadd.s32 $0x1, s0;
	s20 =	sadd.s32 $0x4000, s2;
	s3 =	sshrl.u32 s3, $0x2  }
0x39: {  	[tilespmem:s3], [sflag:s0] =	stream.linear.gather [hbm4b:s20+s4], $0x1000, $0x38;
	[tilespmem:$0x12800] =	vst v63  }
0x3a: {  	s29 =	sadd.s32 $0xF8280, s2;
	s21 =	sadd.s32 $0x1400, s3  }
0x3b: {  	[tilespmem:s21], [sflag:s0] =	stream.linear.gather [hbm4b:s29+s4], $0x1000, $0x38;
	[tilespmem:$0x12800] =	vst v63  }
.Ltmp5:
0x3c: {  	_ = 	snop;
	(pc) =	sbr.rel .LBB2_5-.Ltmp5, $4  }
0x3d: {  	s30 =	sadd.s32 $0x1EC500, s2;
	s31 =	sadd.s32 $0x2800, s3  }
0x3e: {  	[tilespmem:s31], [sflag:s0] =	stream.linear.gather [hbm4b:s30+s4], $0x1000, $0x38;
	[tilespmem:$0x12800] =	vst v63  }
0x3f: {  	s2 =	sadd.s32 $0x2E0780, s2;
	s3 =	sadd.s32 $0x3C00, s3  }
0x40: {  	[tilespmem:s3], [sflag:s0] =	stream.linear.gather [hbm4b:s2+s4], $0x1000, $0x38;
	[tilespmem:$0x12800] =	vst v63  }
.LBB2_4:
0x41: {  	p2 =	sgt.u32 s18, $0x7A0  }
.Ltmp6:
0x42: {  	_ = 	snop;
	(pc) =	sbr.rel @p2 .LBB2_14-.Ltmp6, $1  }
0x43: {  	_ =	sdelay $0x3  }
.LBB2_5:
0x44: {  	s0 =	sshll.u32 s19, $0x5  }
0x45: {  	v6 =	vor.u32 s0, v0  }
0x46: {  	v6 =	vshrl.u32 v6, $0x3  }
0x47: {  	v7 =	vmul.u32 $0x1400, v6  }
0x48: {  	s2 =	sadd.s32 $0x1, s19  }
0x49: {  	s20 =	simm.s32 $0x0;
	_ =	swait.ge [sflag:s2], $0x4000;
	v8 =	vor.u32 v1, v7  }
0x4a: {  	p2 =	slt.u32 s17, $0x2;
	s3 =	simm.s32 $0x7;
	[sflag:s2] =	ssyncset.done $0x0;
	v9 =	vor.u32 s20, v8  }
0x4b: {  	s21 =	simm.s32 $0x1;
	[sflag:s2] =	ssyncadd.s32 $0xFFFFC000;
	s2 =	sadd.s32 @!p2 $0x3, s19;
	v10 =	vor.u32 s3, v8  }
0x4c: {  	s22 =	simm.s32 $0x2;
	_ =	swait.ge @!p2 [sflag:s2], $0x4000;
	v11 =	vor.u32 s21, v8  }
0x4d: {  	s23 =	simm.s32 $0x3;
	v6 =	vor.u32 s0, v2;
	[sflag:s2] =	ssyncset.done @!p2 $0x0;
	v12 =	vor.u32 s22, v8  }
0x4e: {  	s14 =	simm.s32 $0x4;
	v6 =	vshrl.u32 v6, $0x3;
	[sflag:s2] =	ssyncadd.s32 @!p2 $0xFFFFC000;
	v13 =	vor.u32 s23, v8  }
0x4f: {  	s24 =	simm.s32 $0x5;
	v6 =	vmul.u32 $0x1400, v6;
	v15 =	vor.u32 s14, v8;
	v14 =	vld.idx.msk [tilespmem:v9+s4+$0x0], $0xffff  }
0x50: {  	s25 =	simm.s32 $0x6;
	v16 =	vor.u32 s24, v8;
	v10 =	vld.idx.msk [tilespmem:v10+s4+$0x0], $0xffff  }
0x51: {  	v17 =	vor.u32 s25, v8;
	v9 =	vor.u32 v1, v6;
	v11 =	vld.idx.msk [tilespmem:v11+s4+$0x0], $0xffff  }
0x52: {  	s0 =	simm.s32 $0x1;
	v12 =	vld.idx.msk [tilespmem:v12+s4+$0x0], $0xffff;
	v18 =	vor.u32 s3, v9  }
0x53: {  	s0 =	simm.s32 @!p1 $0x0;
	v13 =	vld.idx.msk [tilespmem:v13+s4+$0x0], $0xffff;
	v19 =	vor.u32 s21, v9  }
0x54: {  	v15 =	vld.idx.msk [tilespmem:v15+s4+$0x0], $0xffff;
	s21 =	sshll.u32 s0, $0xE;
	v20 =	vor.u32 s22, v9  }
0x55: {  	v16 =	vld.idx.msk [tilespmem:v16+s4+$0x0], $0xffff;
	v21 =	vor.u32 s23, v9;
	s0 =	sor.u32 $0xA080, s21  }
0x56: {  	v17 =	vld.idx.msk [tilespmem:v17+s4+$0x0], $0xffff;
	v22 =	vor.u32 s14, v9;
	[tilespmem:s0+$0x60] =	vst v10  }
0x57: {  	[tilespmem:s0+$0xFFFFFFA0] =	vst v11;
	v10 =	vor.u32 s24, v9;
	v11 =	vld.idx.msk [tilespmem:v18+s4+$0x0], $0xffff  }
0x58: {  	[tilespmem:s0+$0xFFFFFFC0] =	vst v12;
	v12 =	vor.u32 s25, v9;
	v18 =	vld.idx.msk [tilespmem:v19+s4+$0x0], $0xffff  }
0x59: {  	s3 =	simm.s32 $0x8;
	[tilespmem:s0+$0xFFFFFFE0] =	vst v13;
	v13 =	vor.u32 s20, v9;
	v20 =	vld.idx.msk [tilespmem:v20+s4+$0x0], $0xffff  }
0x5a: {  	s15 =	simm.s32 $0xF;
	[tilespmem:s0+$0x0] =	vst v15;
	v19 =	vor.u32 s3, v8;
	v21 =	vld.idx.msk [tilespmem:v21+s4+$0x0], $0xffff  }
0x5b: {  	s22 =	simm.s32 $0xA;
	v15 =	vor.u32 s15, v8;
	[tilespmem:s0+$0x20] =	vst v16;
	v22 =	vld.idx.msk [tilespmem:v22+s4+$0x0], $0xffff  }
0x5c: {  	s25 =	sor.u32 $0xE0, s21;
	s20 =	simm.s32 $0x9;
	[tilespmem:s0+$0x40] =	vst v17;
	v17 =	vor.u32 s22, v8;
	v23 =	vld.idx.msk [tilespmem:v10+s4+$0x0], $0xffff  }
0x5d: {  	s29 =	simm.s32 $0xC;
	[tilespmem:s0+$0xFFFFFF80] =	vst v14;
	v16 =	vor.u32 s20, v8;
	s24 =	sor.u32 $0x70, s25;
	s26 =	sadd.s32 $0xFFFFFF40, s25;
	v12 =	vld.idx.msk [tilespmem:v12+s4+$0x0], $0xffff  }
0x5e: {  	s8 =	simm.s32 $0xB;
	v14 =	vor.u32 s29, v8;
	s9 =	sadd.s32 $0xFFFFFF60, s25;
	s26 =	sor.u32 $0x30, s26;
	v13 =	vld.idx.msk [tilespmem:v13+s4+$0x0], $0xffff;
	[tilespmem:s24+$0xA000] =	vst v11  }
0x5f: {  	s30 =	simm.s32 $0xD;
	s28 =	sadd.s32 $0xFFFFFF80, s25;
	s23 =	sor.u32 $0x50, s9;
	v10 =	vld.idx.msk [tilespmem:v19+s4+$0x0], $0xffff;
	v11 =	vor.u32 s8, v8;
	[tilespmem:s26+$0xA000] =	vst v18  }
0x60: {  	s10 =	sor.u32 $0x70, s28;
	v18 =	vor.u32 s30, v8;
	v19 =	vld.idx.msk [tilespmem:v15+s4+$0x0], $0xffff;
	[tilespmem:s23+$0xA000] =	vst v20  }
0x61: {  	s31 =	simm.s32 $0xE;
	s13 =	sadd.s32 $0xFFFFFFC0, s25;
	v17 =	vld.idx.msk [tilespmem:v17+s4+$0x0], $0xffff;
	[tilespmem:s10+$0xA000] =	vst v21;
	v21 =	vor.u32 s15, v9  }
0x62: {  	s14 =	sadd.s32 $0xFFFFFFE0, s25;
	v20 =	vld.idx.msk [tilespmem:v16+s4+$0x0], $0xffff;
	v15 =	vor.u32 s31, v8;
	s23 =	sor.u32 $0x30, s13;
	[tilespmem:s0+$0x10] =	vst v22  }
0x63: {  	v25 =	vld.idx.msk [tilespmem:v14+s4+$0x0], $0xffff;
	s15 =	sor.u32 $0x50, s14;
	v22 =	vor.u32 s20, v9;
	[tilespmem:s23+$0xA000] =	vst v23  }
0x64: {  	s28 =	sadd.s32 $0x100, s0;
	v23 =	vor.u32 s22, v9;
	[tilespmem:s15+$0xA000] =	vst v12;
	v24 =	vld.idx.msk [tilespmem:v11+s4+$0x0], $0xffff  }
0x65: {  	v26 =	vor.u32 s8, v9;
	v16 =	vld.idx.msk [tilespmem:v18+s4+$0x0], $0xffff;
	[tilespmem:s28+$0x60] =	vst v19  }
0x66: {  	[tilespmem:s0+$0xFFFFFF90] =	vst v13;
	v14 =	vld.idx.msk [tilespmem:v21+s4+$0x0], $0xffff;
	v21 =	vor.u32 s29, v9  }
0x67: {  	s2 =	simm.s32 $0x18;
	s26 =	sshll.u32 s19, $0xE;
	v15 =	vld.idx.msk [tilespmem:v15+s4+$0x0], $0xffff;
	[tilespmem:s28+$0xFFFFFFA0] =	vst v20;
	v20 =	vor.u32 s30, v9  }
0x68: {  	s24 =	sor.u32 $0xB0E0, s21;
	s20 =	sor.u32 $0xA000, s26;
	s26 =	simm.s32 $0x10;
	[tilespmem:s28+$0xFFFFFFC0] =	vst v17;
	v19 =	vor.u32 s31, v9;
	v11 =	vld.idx.msk [tilespmem:v22+s4+$0x0], $0xffff  }
0x69: {  	s22 =	sadd.s32 $0xD0E0, s21;
	s23 =	sadd.s32 $0xC0E0, s21;
	s0 =	simm.s32 $0x17;
	v18 =	vor.u32 s26, v8;
	v12 =	vld.idx.msk [tilespmem:v23+s4+$0x0], $0xffff;
	[tilespmem:s28+$0xFFFFFFE0] =	vst v24  }
0x6a: {  	v17 =	vor.u32 s3, v9;
	[tilespmem:s28+$0x0] =	vst v25;
	s31 =	simm.s32 $0x11;
	s30 =	simm.s32 $0x13;
	s29 =	simm.s32 $0x12;
	v13 =	vld.idx.msk [tilespmem:v26+s4+$0x0], $0xffff  }
.LBB2_6:
0x6b: {  	p2 =	slt.u32 s2, $0x78;
	s3 =	sadd.s32 $0x4, s26;
	v22 =	vor.u32 s0, v8;
	v21 =	vld.idx.msk [tilespmem:v21+s4+$0x0], $0xffff;
	[tilespmem:s28+$0x20] =	vst v16;
	s25 =	sadd.s32 $0x100, s25  }
0x6c: {  	v16 =	vor.u32 s31, v8;
	s13 =	sadd.s32 $0xFFFFFF40, s25;
	s14 =	sadd.s32 $0xFFFFFF60, s25;
	v20 =	vld.idx.msk [tilespmem:v20+s4+$0x0], $0xffff;
	[tilespmem:s28+$0x40] =	vst v15;
	s15 =	sor.u32 $0x70, s25  }
0x6d: {  	v15 =	vor.u32 s29, v8;
	s8 =	sadd.s32 $0xFFFFFF80, s25;
	s9 =	sadd.s32 $0xFFFFFFC0, s25;
	s10 =	sadd.s32 $0xFFFFFFE0, s25;
	v19 =	vld.idx.msk [tilespmem:v19+s4+$0x0], $0xffff;
	[tilespmem:s15+$0xA000] =	vst v14  }
0x6e: {  	v14 =	vor.u32 s30, v8;
	s13 =	sor.u32 $0x30, s13;
	s14 =	sor.u32 $0x50, s14;
	s8 =	sor.u32 $0x70, s8;
	[tilespmem:s28+$0xFFFFFF80] =	vst v10;
	v10 =	vld.idx.msk [tilespmem:v18+s4+$0x0], $0xffff  }
0x6f: {  	s15 =	sadd.s32 $0x5, s26;
	s9 =	sor.u32 $0x30, s9;
	s10 =	sor.u32 $0x50, s10;
	v18 =	vor.u32 s3, v8;
	v17 =	vld.idx.msk [tilespmem:v17+s4+$0x0], $0xffff;
	[tilespmem:s13+$0xA000] =	vst v11  }
0x70: {  	v11 =	vor.u32 s15, v8;
	s13 =	sadd.s32 $0x6, s26;
	v22 =	vld.idx.msk [tilespmem:v22+s4+$0x0], $0xffff;
	[tilespmem:s14+$0xA000] =	vst v12;
	s14 =	smov.u32 s26;
	s26 =	smov.u32 s2  }
0x71: {  	v23 =	vor.u32 s13, v8;
	v12 =	vld.idx.msk [tilespmem:v16+s4+$0x0], $0xffff;
	[tilespmem:s8+$0xA000] =	vst v13  }
0x72: {  	v24 =	vor.u32 s0, v9;
	v13 =	vld.idx.msk [tilespmem:v15+s4+$0x0], $0xffff;
	[tilespmem:s28+$0x10] =	vst v21  }
0x73: {  	v25 =	vor.u32 s31, v9;
	v26 =	vld.idx.msk [tilespmem:v14+s4+$0x0], $0xffff;
	[tilespmem:s9+$0xA000] =	vst v20  }
0x74: {  	v27 =	vor.u32 s29, v9;
	v28 =	vld.idx.msk [tilespmem:v18+s4+$0x0], $0xffff;
	[tilespmem:s10+$0xA000] =	vst v19  }
0x75: {  	v29 =	vor.u32 s30, v9;
	v16 =	vld.idx.msk [tilespmem:v11+s4+$0x0], $0xffff;
	[tilespmem:s28+$0xFFFFFF90] =	vst v17;
	s28 =	sadd.s32 $0x100, s28  }
.Ltmp7:
0x76: {  	v21 =	vor.u32 s3, v9;
	v15 =	vld.idx.msk [tilespmem:v23+s4+$0x0], $0xffff;
	[tilespmem:s28+$0x60] =	vst v22;
	(pc) =	sbr.rel @p2 .LBB2_6-.Ltmp7, $4  }
0x77: {  	v20 =	vor.u32 s15, v9;
	[tilespmem:s28+$0xFFFFFFA0] =	vst v12;
	v14 =	vld.idx.msk [tilespmem:v24+s4+$0x0], $0xffff  }
0x78: {  	v19 =	vor.u32 s13, v9;
	v11 =	vld.idx.msk [tilespmem:v25+s4+$0x0], $0xffff;
	[tilespmem:s28+$0xFFFFFFC0] =	vst v13  }
0x79: {  	s31 =	sadd.s32 $0x1, s2;
	s29 =	sadd.s32 $0x2, s2;
	v18 =	vor.u32 s2, v8;
	v12 =	vld.idx.msk [tilespmem:v27+s4+$0x0], $0xffff;
	[tilespmem:s28+$0xFFFFFFE0] =	vst v26  }
0x7a: {  	s30 =	sadd.s32 $0x3, s26;
	s0 =	sadd.s32 $0x7, s26;
	s2 =	sadd.s32 $0x8, s2;
	v17 =	vor.u32 s14, v9;
	v13 =	vld.idx.msk [tilespmem:v29+s4+$0x0], $0xffff;
	[tilespmem:s28+$0x0] =	vst v28  }
0x7b: {  	_ =	sdelay $0x2  }
0x7c: {  	[tilespmem:s28+$0x20] =	vst v16  }
0x7d: {  	s2 =	sadd.s32 $0x100, s25;
	v21 =	vld.idx.msk [tilespmem:v21+s4+$0x0], $0xffff;
	[tilespmem:s28+$0x40] =	vst v15  }
0x7e: {  	v16 =	vor.u32 s0, v8;
	[tilespmem:s28+$0xFFFFFF80] =	vst v10;
	v10 =	vld.idx.msk [tilespmem:v18+s4+$0x0], $0xffff;
	s3 =	sor.u32 $0x70, s2;
	s8 =	sadd.s32 $0xFFFFFF40, s2  }
0x7f: {  	v15 =	vor.u32 s31, v8;
	v20 =	vld.idx.msk [tilespmem:v20+s4+$0x0], $0xffff;
	s25 =	sadd.s32 $0xFFFFFF60, s2;
	[tilespmem:s3+$0xA000] =	vst v14;
	s8 =	sor.u32 $0x30, s8  }
0x80: {  	v18 =	vor.u32 s30, v8;
	v19 =	vld.idx.msk [tilespmem:v19+s4+$0x0], $0xffff;
	s10 =	sadd.s32 $0xFFFFFF80, s2;
	s3 =	sor.u32 $0x50, s25;
	[tilespmem:s8+$0xA000] =	vst v11  }
0x81: {  	s9 =	sadd.s32 $0x4, s26;
	v17 =	vld.idx.msk [tilespmem:v17+s4+$0x0], $0xffff;
	v14 =	vor.u32 s29, v8;
	s10 =	sor.u32 $0x70, s10;
	[tilespmem:s3+$0xA000] =	vst v12  }
0x82: {  	s14 =	sadd.s32 $0x5, s26;
	s15 =	sadd.s32 $0xFFFFFFC0, s2;
	v11 =	vor.u32 s9, v8;
	[tilespmem:s10+$0xA000] =	vst v13  }
0x83: {  	s13 =	sadd.s32 $0x6, s26;
	s25 =	sadd.s32 $0xFFFFFFE0, s2;
	v12 =	vor.u32 s14, v8;
	s3 =	sor.u32 $0x30, s15;
	v16 =	vld.idx.msk [tilespmem:v16+s4+$0x0], $0xffff;
	[tilespmem:s28+$0x10] =	vst v21  }
0x84: {  	v8 =	vor.u32 s13, v8;
	s8 =	sor.u32 $0x50, s25;
	v13 =	vld.idx.msk [tilespmem:v15+s4+$0x0], $0xffff;
	[tilespmem:s3+$0xA000] =	vst v20  }
0x85: {  	v15 =	vor.u32 s0, v9;
	v18 =	vld.idx.msk [tilespmem:v18+s4+$0x0], $0xffff;
	[tilespmem:s8+$0xA000] =	vst v19  }
0x86: {  	s0 =	sadd.s32 $0x100, s28;
	v20 =	vor.u32 s31, v9;
	[tilespmem:s28+$0xFFFFFF90] =	vst v17;
	v14 =	vld.idx.msk [tilespmem:v14+s4+$0x0], $0xffff  }
0x87: {  	v19 =	vor.u32 s29, v9;
	[tilespmem:s0+$0xFFFFFF80] =	vst v10;
	v11 =	vld.idx.msk [tilespmem:v11+s4+$0x0], $0xffff  }
0x88: {  	v17 =	vor.u32 s30, v9;
	v12 =	vld.idx.msk [tilespmem:v12+s4+$0x0], $0xffff;
	[tilespmem:s0+$0x60] =	vst v16  }
0x89: {  	v8 =	vld.idx.msk [tilespmem:v8+s4+$0x0], $0xffff;
	v16 =	vor.u32 s9, v9;
	[tilespmem:s0+$0xFFFFFFA0] =	vst v13  }
0x8a: {  	v13 =	vor.u32 s14, v9;
	[tilespmem:s0+$0xFFFFFFE0] =	vst v18;
	v15 =	vld.idx.msk [tilespmem:v15+s4+$0x0], $0xffff  }
0x8b: {  	s25 =	simm.s32 $0x87;
	v18 =	vor.u32 s13, v9;
	[tilespmem:s0+$0xFFFFFFC0] =	vst v14;
	v14 =	vld.idx.msk [tilespmem:v20+s4+$0x0], $0xffff  }
0x8c: {  	v21 =	vmov s25;
	v9 =	vor.u32 s26, v9;
	v19 =	vld.idx.msk [tilespmem:v19+s4+$0x0], $0xffff;
	[tilespmem:s0+$0x0] =	vst v11  }
0x8d: {  	s2 =	sadd.s32 $0x100, s2;
	s15 =	simm.s32 $0x84;
	v21 =	vand.u32 $0x7F, v21;
	s14 =	simm.s32 $0x83;
	v11 =	vld.idx.msk [tilespmem:v17+s4+$0x0], $0xffff;
	[tilespmem:s0+$0x20] =	vst v12  }
0x8e: {  	s29 =	sadd.s32 $0xFFFFFF40, s2;
	s30 =	simm.s32 $0x0;
	s31 =	sor.u32 $0x70, s2;
	v21 =	vbroadcast v21, $0x0;
	v10 =	vmov s14;
	v20 =	vmov s15;
	[tilespmem:s0+$0x40] =	vst v8;
	v12 =	vld.idx.msk [tilespmem:v16+s4+$0x0], $0xffff  }
0x8f: {  	s3 =	sor.u32 $0x30, s29;
	s13 =	simm.s32 $0x82;
	s26 =	sadd.s32 $0xFFFFFF60, s2;
	v10 =	vand.u32 $0x7B, v10;
	v8 =	vadd.s32 v3, v7;
	v16 =	vmov s30;
	v13 =	vld.idx.msk [tilespmem:v13+s4+$0x0], $0xffff;
	[tilespmem:s31+$0xA000] =	vst v15  }
0x90: {  	s10 =	simm.s32 $0x81;
	v17 =	vmov s13;
	v10 =	vbroadcast v10, $0x0;
	s30 =	sadd.s32 $0xFFFFFF80, s2;
	v18 =	vld.idx.msk [tilespmem:v18+s4+$0x0], $0xffff;
	v15 =	vand.u32 $0x78, v16;
	s31 =	sor.u32 $0x50, s26;
	[tilespmem:s3+$0xA000] =	vst v14  }
0x91: {  	s29 =	simm.s32 $0x85;
	v17 =	vand.u32 $0x7A, v17;
	v9 =	vld.idx.msk [tilespmem:v9+s4+$0x0], $0xffff;
	v16 =	vmov s10;
	s9 =	sor.u32 $0x70, s30;
	v15 =	vbroadcast v15, $0x0;
	[tilespmem:s31+$0xA000] =	vst v19  }
0x92: {  	v22 =	vor.u32 v8, v10;
	s10 =	sadd.s32 $0xFFFFFFC0, s2;
	v14 =	vmov s29;
	v16 =	vand.u32 $0x79, v16;
	[tilespmem:s9+$0xA000] =	vst v11  }
0x93: {  	s2 =	sadd.s32 $0xFFFFFFE0, s2;
	s3 =	sor.u32 $0x30, s10;
	v16 =	vbroadcast v16, $0x0;
	v14 =	vand.u32 $0x7D, v14;
	v11 =	vor.u32 v8, v15;
	[tilespmem:s0+$0x10] =	vst v12  }
0x94: {  	s8 =	simm.s32 $0x86;
	s2 =	sor.u32 $0x50, s2;
	v14 =	vbroadcast v14, $0x0;
	v12 =	vbroadcast v17, $0x0;
	v17 =	vor.u32 v8, v21;
	[tilespmem:s3+$0xA000] =	vst v13  }
0x95: {  	v20 =	vand.u32 $0x7C, v20;
	v19 =	vmov s8;
	v13 =	vor.u32 v8, v16;
	[tilespmem:s2+$0xA000] =	vst v18  }
0x96: {  	v20 =	vbroadcast v20, $0x0;
	[tilespmem:s0+$0xFFFFFF90] =	vst v9;
	v9 =	vand.u32 $0x7E, v19;
	v24 =	vor.u32 v8, v14  }
0x97: {  	v23 =	vbroadcast v9, $0x0;
	v9 =	vadd.s32 v3, v6;
	v22 =	vld.idx.msk [tilespmem:v22+s4+$0x0], $0xffff;
	v18 =	vor.u32 v8, v12  }
0x98: {  	v30 =	vor.u32 v9, v10;
	v19 =	vld.idx.msk [tilespmem:v11+s4+$0x0], $0xffff  }
0x99: {  	s13 =	simm.s32 $0x8;
	v11 =	vor.u32 v8, v20;
	v17 =	vld.idx.msk [tilespmem:v17+s4+$0x0], $0xffff  }
0x9a: {  	s14 =	simm.s32 $0x89;
	v26 =	vmov s13;
	v25 =	vor.u32 v8, v23;
	v13 =	vld.idx.msk [tilespmem:v13+s4+$0x0], $0xffff  }
0x9b: {  	v27 =	vmov s14;
	v26 =	vand.u32 $0x78, v26;
	v15 =	vor.u32 v9, v15;
	v24 =	vld.idx.msk [tilespmem:v24+s4+$0x0], $0xffff  }
0x9c: {  	v21 =	vor.u32 v9, v21;
	v10 =	vbroadcast v26, $0x0;
	v26 =	vand.u32 $0x79, v27;
	[tilespmem:s24+$0xFFFFFF80] =	vst v22;
	v18 =	vld.idx.msk [tilespmem:v18+s4+$0x0], $0xffff  }
0x9d: {  	s25 =	simm.s32 $0x8B;
	v12 =	vor.u32 v9, v12;
	v22 =	vbroadcast v26, $0x0;
	v26 =	vld.idx.msk [tilespmem:v30+s4+$0x0], $0xffff;
	[tilespmem:s24+$0xFFFFFF20] =	vst v19  }
0x9e: {  	v29 =	vmov s25;
	s15 =	simm.s32 $0x8A;
	s26 =	simm.s32 $0x8C;
	v16 =	vor.u32 v9, v16;
	v11 =	vld.idx.msk [tilespmem:v11+s4+$0x0], $0xffff;
	[tilespmem:s24+$0x0] =	vst v17  }
0x9f: {  	v28 =	vmov s15;
	s30 =	simm.s32 $0x8F;
	s29 =	simm.s32 $0x8D;
	v31 =	vmov s26;
	v20 =	vor.u32 v9, v20;
	v25 =	vld.idx.msk [tilespmem:v25+s4+$0x0], $0xffff;
	[tilespmem:s24+$0xFFFFFF40] =	vst v13  }
0xa0: {  	v32 =	vmov s29;
	s31 =	simm.s32 $0x8E;
	v17 =	vmov s30;
	v13 =	vor.u32 v9, v14;
	v34 =	vld.idx.msk [tilespmem:v15+s4+$0x0], $0xffff;
	[tilespmem:s24+$0xFFFFFFC0] =	vst v24  }
0xa1: {  	v14 =	vld.idx.msk [tilespmem:v21+s4+$0x0], $0xffff;
	v21 =	vmov s31;
	v17 =	vand.u32 $0x7F, v17;
	v24 =	vor.u32 v8, v22;
	[tilespmem:s24+$0xFFFFFF60] =	vst v18  }
0xa2: {  	v18 =	vor.u32 v9, v23;
	v17 =	vbroadcast v17, $0x0;
	v27 =	vld.idx.msk [tilespmem:v12+s4+$0x0], $0xffff;
	v12 =	vand.u32 $0x7A, v28  }
0xa3: {  	v16 =	vld.idx.msk [tilespmem:v16+s4+$0x0], $0xffff;
	v23 =	vor.u32 v8, v10;
	[tilespmem:s24+$0xFFFFFFA0] =	vst v11;
	v28 =	vbroadcast v12, $0x0;
	v11 =	vand.u32 $0x7B, v29  }
0xa4: {  	v29 =	vor.u32 v8, v17;
	v20 =	vld.idx.msk [tilespmem:v20+s4+$0x0], $0xffff;
	v33 =	vbroadcast v11, $0x0;
	v11 =	vand.u32 $0x7C, v31  }
0xa5: {  	s3 =	sor.u32 $0x10F0, s21;
	[tilespmem:s24+$0xFFFFFFE0] =	vst v25;
	v12 =	vand.u32 $0x7D, v32;
	v30 =	vld.idx.msk [tilespmem:v13+s4+$0x0], $0xffff;
	v25 =	vor.u32 v8, v28;
	v31 =	vbroadcast v11, $0x0  }
0xa6: {  	s10 =	sor.u32 $0x1070, s21;
	v13 =	vbroadcast v12, $0x0;
	v12 =	vand.u32 $0x7E, v21;
	[tilespmem:s3+$0xA000] =	vst v14;
	v19 =	vld.idx.msk [tilespmem:v24+s4+$0x0], $0xffff;
	v14 =	vor.u32 v8, v33  }
0xa7: {  	[tilespmem:s10+$0xA000] =	vst v26;
	v12 =	vbroadcast v12, $0x0;
	v63 =	vld.idx.msk [tilespmem:v18+s4+$0x0], $0xffff;
	v21 =	vor.u32 v8, v31  }
0xa8: {  	s8 =	sor.u32 $0x1030, s21;
	[tilespmem:s24+$0xFFFFFF30] =	vst v34;
	v11 =	vld.idx.msk [tilespmem:v23+s4+$0x0], $0xffff;
	v35 =	vor.u32 v8, v13  }
0xa9: {  	s9 =	sor.u32 $0x1050, s21;
	[tilespmem:s8+$0xA000] =	vst v16;
	v37 =	vor.u32 v8, v12;
	v36 =	vld.idx.msk [tilespmem:v29+s4+$0x0], $0xffff  }
0xaa: {  	s25 =	simm.s32 $0x10;
	v24 =	vor.u32 v9, v17;
	[tilespmem:s9+$0xA000] =	vst v27;
	v15 =	vld.idx.msk [tilespmem:v25+s4+$0x0], $0xffff  }
0xab: {  	s15 =	simm.s32 $0x91;
	s13 =	sor.u32 $0x10B0, s21;
	s30 =	simm.s32 $0x94;
	v22 =	vor.u32 v9, v22;
	v16 =	vmov s25;
	[tilespmem:s24+$0xFFFFFFB0] =	vst v20;
	v18 =	vld.idx.msk [tilespmem:v14+s4+$0x0], $0xffff  }
0xac: {  	s14 =	sor.u32 $0x10D0, s21;
	s26 =	simm.s32 $0x92;
	v26 =	vor.u32 v9, v28;
	v17 =	vmov s30;
	v23 =	vmov s15;
	[tilespmem:s13+$0xA000] =	vst v30;
	v20 =	vld.idx.msk [tilespmem:v21+s4+$0x0], $0xffff  }
0xad: {  	s29 =	simm.s32 $0x93;
	s31 =	simm.s32 $0x95;
	v28 =	vor.u32 v9, v33;
	v27 =	vmov s26;
	v29 =	vor.u32 v9, v31;
	s24 =	sadd.s32 $0x100, s24;
	[tilespmem:s14+$0xA000] =	vst v63;
	v21 =	vld.idx.msk [tilespmem:v35+s4+$0x0], $0xffff  }
0xae: {  	s28 =	simm.s32 $0x18;
	s0 =	simm.s32 $0x97;
	s26 =	smov.u32 s21;
	v30 =	vand.u32 $0x78, v16;
	v16 =	vmov s29;
	v14 =	vmov s31;
	v25 =	vld.idx.msk [tilespmem:v37+s4+$0x0], $0xffff;
	[tilespmem:s24+$0x0] =	vst v36  }
.LBB2_8:
0xaf: {  	p2 =	slt.u32 s28, $0x78;
	v30 =	vbroadcast v30, $0x0;
	s2 =	sadd.s32 $0x86, s25;
	v31 =	vmov s0;
	[tilespmem:s24+$0xFFFFFF40] =	vst v19;
	v13 =	vor.u32 v9, v13;
	v19 =	vld.idx.msk [tilespmem:v24+s4+$0x0], $0xffff;
	s25 =	smov.u32 s28  }
0xb0: {  	v12 =	vor.u32 v9, v12;
	v24 =	vmov s2;
	v31 =	vand.u32 $0x7F, v31;
	v22 =	vld.idx.msk [tilespmem:v22+s4+$0x0], $0xffff;
	[tilespmem:s24+$0xFFFFFF60] =	vst v15  }
0xb1: {  	v23 =	vand.u32 $0x79, v23;
	v15 =	vor.u32 v8, v30;
	v31 =	vbroadcast v31, $0x0;
	v26 =	vld.idx.msk [tilespmem:v26+s4+$0x0], $0xffff;
	[tilespmem:s24+$0xFFFFFF80] =	vst v18  }
0xb2: {  	v18 =	vbroadcast v23, $0x0;
	v23 =	vand.u32 $0x7A, v27;
	v27 =	vor.u32 v9, v10;
	v10 =	vmovc v30;
	v28 =	vld.idx.msk [tilespmem:v28+s4+$0x0], $0xffff;
	[tilespmem:s24+$0xFFFFFFA0] =	vst v20  }
0xb3: {  	v16 =	vand.u32 $0x7B, v16;
	s26 =	sadd.s32 $0x100, s26;
	v20 =	vbroadcast v23, $0x0;
	v23 =	vor.u32 v8, v31;
	v29 =	vld.idx.msk [tilespmem:v29+s4+$0x0], $0xffff;
	[tilespmem:s24+$0xFFFFFFC0] =	vst v21  }
0xb4: {  	v32 =	vbroadcast v16, $0x0;
	v16 =	vand.u32 $0x7C, v17;
	s0 =	sor.u32 $0x1030, s26;
	s2 =	sor.u32 $0x1050, s26;
	s3 =	sor.u32 $0x10F0, s26;
	v21 =	vor.u32 v8, v18;
	v17 =	vld.idx.msk [tilespmem:v13+s4+$0x0], $0xffff;
	[tilespmem:s24+$0xFFFFFFE0] =	vst v25  }
0xb5: {  	s8 =	sor.u32 $0x1070, s26;
	s9 =	sor.u32 $0x10B0, s26;
	s10 =	sor.u32 $0x10D0, s26;
	v33 =	vbroadcast v16, $0x0;
	v25 =	vor.u32 v8, v20;
	v13 =	vand.u32 $0x7D, v14;
	v14 =	vld.idx.msk [tilespmem:v12+s4+$0x0], $0xffff;
	[tilespmem:s3+$0xA000] =	vst v19  }
0xb6: {  	v16 =	vor.u32 v8, v32;
	v13 =	vbroadcast v13, $0x0;
	v12 =	vand.u32 $0x7E, v24;
	[tilespmem:s24+$0xFFFFFF20] =	vst v11;
	v11 =	vld.idx.msk [tilespmem:v15+s4+$0x0], $0xffff  }
0xb7: {  	v34 =	vor.u32 v8, v33;
	v12 =	vbroadcast v12, $0x0;
	v35 =	vld.idx.msk [tilespmem:v27+s4+$0x0], $0xffff;
	[tilespmem:s0+$0xA000] =	vst v22  }
0xb8: {  	v36 =	vor.u32 v8, v13;
	v37 =	vld.idx.msk [tilespmem:v23+s4+$0x0], $0xffff;
	[tilespmem:s2+$0xA000] =	vst v26  }
0xb9: {  	v38 =	vor.u32 v8, v12;
	v19 =	vld.idx.msk [tilespmem:v21+s4+$0x0], $0xffff;
	[tilespmem:s8+$0xA000] =	vst v28  }
.Ltmp8:
0xba: {  	v24 =	vor.u32 v9, v31;
	v15 =	vld.idx.msk [tilespmem:v25+s4+$0x0], $0xffff;
	[tilespmem:s24+$0xFFFFFFB0] =	vst v29;
	(pc) =	sbr.rel @p2 .LBB2_8-.Ltmp8, $4  }
0xbb: {  	s0 =	sadd.s32 $0x81, s28;
	v22 =	vor.u32 v9, v18;
	v21 =	vmov s28;
	v18 =	vld.idx.msk [tilespmem:v16+s4+$0x0], $0xffff;
	[tilespmem:s9+$0xA000] =	vst v17  }
0xbc: {  	v23 =	vmov s0;
	s0 =	sadd.s32 $0x82, s28;
	s2 =	sadd.s32 $0x83, s28;
	v26 =	vor.u32 v9, v20;
	v30 =	vand.u32 $0x78, v21;
	v20 =	vld.idx.msk [tilespmem:v34+s4+$0x0], $0xffff;
	[tilespmem:s10+$0xA000] =	vst v14  }
0xbd: {  	v27 =	vmov s0;
	s0 =	sadd.s32 $0x84, s28;
	v28 =	vor.u32 v9, v32;
	v16 =	vmov s2;
	s2 =	sadd.s32 $0x85, s28;
	v21 =	vld.idx.msk [tilespmem:v36+s4+$0x0], $0xffff;
	[tilespmem:s24+$0xFFFFFF30] =	vst v35;
	s24 =	sadd.s32 $0x100, s24  }
0xbe: {  	v29 =	vor.u32 v9, v33;
	v17 =	vmov s0;
	s0 =	sadd.s32 $0x87, s25;
	s28 =	sadd.s32 $0x8, s28;
	v14 =	vmov s2;
	v25 =	vld.idx.msk [tilespmem:v38+s4+$0x0], $0xffff;
	[tilespmem:s24+$0x0] =	vst v37  }
0xbf: {  	_ =	sdelay $0x1  }
0xc0: {  	[tilespmem:s24+$0xFFFFFF40] =	vst v19  }
0xc1: {  	[tilespmem:s24+$0xFFFFFF60] =	vst v15  }
0xc2: {  	v19 =	vbroadcast v30, $0x0;
	v30 =	vmov s0;
	v13 =	vor.u32 v9, v13;
	v24 =	vld.idx.msk [tilespmem:v24+s4+$0x0], $0xffff;
	[tilespmem:s24+$0xFFFFFF20] =	vst v11  }
0xc3: {  	v12 =	vor.u32 v9, v12;
	v23 =	vand.u32 $0x79, v23;
	v30 =	vand.u32 $0x7F, v30;
	v22 =	vld.idx.msk [tilespmem:v22+s4+$0x0], $0xffff;
	[tilespmem:s24+$0xFFFFFF80] =	vst v18  }
0xc4: {  	v10 =	vor.u32 v9, v10;
	v16 =	vand.u32 $0x7B, v16;
	v26 =	vld.idx.msk [tilespmem:v26+s4+$0x0], $0xffff;
	v30 =	vbroadcast v30, $0x0;
	[tilespmem:s24+$0xFFFFFFA0] =	vst v20  }
0xc5: {  	s8 =	sadd.s32 $0x100, s26;
	v18 =	vor.u32 v8, v19;
	v20 =	vbroadcast v23, $0x0;
	v23 =	vand.u32 $0x7A, v27;
	v27 =	vld.idx.msk [tilespmem:v28+s4+$0x0], $0xffff;
	[tilespmem:s24+$0xFFFFFFC0] =	vst v21  }
0xc6: {  	v17 =	vand.u32 $0x7C, v17;
	s9 =	sor.u32 $0x10F0, s8;
	v21 =	vbroadcast v23, $0x0;
	v28 =	vld.idx.msk [tilespmem:v29+s4+$0x0], $0xffff;
	v23 =	vor.u32 v8, v30;
	[tilespmem:s24+$0xFFFFFFE0] =	vst v25  }
0xc7: {  	s2 =	sadd.s32 $0x86, s25;
	v14 =	vand.u32 $0x7D, v14;
	s10 =	sor.u32 $0x1030, s8;
	v17 =	vbroadcast v17, $0x0;
	v25 =	vor.u32 v8, v20;
	v13 =	vld.idx.msk [tilespmem:v13+s4+$0x0], $0xffff;
	[tilespmem:s9+$0xA000] =	vst v24  }
0xc8: {  	v15 =	vmov s2;
	s3 =	sor.u32 $0x1050, s8;
	v14 =	vbroadcast v14, $0x0;
	v24 =	vor.u32 v8, v21;
	v12 =	vld.idx.msk [tilespmem:v12+s4+$0x0], $0xffff;
	[tilespmem:s10+$0xA000] =	vst v22  }
0xc9: {  	v16 =	vbroadcast v16, $0x0;
	s13 =	sor.u32 $0x1070, s8;
	v15 =	vand.u32 $0x7E, v15;
	v10 =	vld.idx.msk [tilespmem:v10+s4+$0x0], $0xffff;
	v22 =	vor.u32 v8, v17;
	[tilespmem:s3+$0xA000] =	vst v26  }
0xca: {  	v15 =	vbroadcast v15, $0x0;
	v26 =	vor.u32 v8, v14;
	v11 =	vld.idx.msk [tilespmem:v18+s4+$0x0], $0xffff;
	[tilespmem:s13+$0xA000] =	vst v27  }
0xcb: {  	s14 =	sor.u32 $0x10B0, s8;
	v18 =	vor.u32 v8, v16;
	[tilespmem:s24+$0xFFFFFFB0] =	vst v28;
	v23 =	vld.idx.msk [tilespmem:v23+s4+$0x0], $0xffff  }
0xcc: {  	s15 =	sor.u32 $0x10D0, s8;
	v8 =	vor.u32 v8, v15;
	v25 =	vld.idx.msk [tilespmem:v25+s4+$0x0], $0xffff;
	[tilespmem:s14+$0xA000] =	vst v13  }
0xcd: {  	v27 =	vor.u32 v9, v30;
	v24 =	vld.idx.msk [tilespmem:v24+s4+$0x0], $0xffff;
	[tilespmem:s15+$0xA000] =	vst v12  }
0xce: {  	s0 =	sadd.s32 $0x100, s24;
	v13 =	vor.u32 v9, v20;
	[tilespmem:s24+$0xFFFFFF30] =	vst v10;
	v20 =	vld.idx.msk [tilespmem:v22+s4+$0x0], $0xffff  }
0xcf: {  	v12 =	vor.u32 v9, v21;
	v10 =	vor.u32 v9, v16;
	v16 =	vld.idx.msk [tilespmem:v26+s4+$0x0], $0xffff;
	[tilespmem:s0+$0xFFFFFF20] =	vst v11  }
0xd0: {  	v17 =	vor.u32 v9, v17;
	v18 =	vld.idx.msk [tilespmem:v18+s4+$0x0], $0xffff;
	[tilespmem:s0+$0x0] =	vst v23  }
0xd1: {  	v14 =	vor.u32 v9, v14;
	v8 =	vld.idx.msk [tilespmem:v8+s4+$0x0], $0xffff;
	[tilespmem:s0+$0xFFFFFF40] =	vst v25  }
0xd2: {  	v21 =	vld.idx.msk [tilespmem:v27+s4+$0x0], $0xffff;
	[tilespmem:s0+$0xFFFFFF60] =	vst v24  }
0xd3: {  	v15 =	vor.u32 v9, v15;
	v9 =	vor.u32 v9, v19;
	v13 =	vld.idx.msk [tilespmem:v13+s4+$0x0], $0xffff;
	[tilespmem:s0+$0xFFFFFFA0] =	vst v20  }
0xd4: {  	s28 =	simm.s32 $0x103;
	s9 =	simm.s32 $0x102;
	v12 =	vld.idx.msk [tilespmem:v12+s4+$0x0], $0xffff;
	[tilespmem:s0+$0xFFFFFFC0] =	vst v16  }
0xd5: {  	s29 =	simm.s32 $0x104;
	s2 =	sadd.s32 $0x100, s8;
	v19 =	vmov s9;
	v11 =	vmov s28;
	[tilespmem:s0+$0xFFFFFF80] =	vst v18;
	v16 =	vld.idx.msk [tilespmem:v17+s4+$0x0], $0xffff  }
0xd6: {  	s25 =	simm.s32 $0x0;
	s26 =	simm.s32 $0x101;
	s8 =	sor.u32 $0x10F0, s2;
	v19 =	vand.u32 $0x7A, v19;
	v11 =	vand.u32 $0x7B, v11;
	v20 =	vmov s29;
	[tilespmem:s0+$0xFFFFFFE0] =	vst v8;
	v14 =	vld.idx.msk [tilespmem:v14+s4+$0x0], $0xffff  }
0xd7: {  	s10 =	sor.u32 $0x1030, s2;
	v11 =	vbroadcast v11, $0x0;
	v17 =	vmov s25;
	v18 =	vmov s26;
	v10 =	vld.idx.msk [tilespmem:v10+s4+$0x0], $0xffff;
	[tilespmem:s8+$0xA000] =	vst v21  }
0xd8: {  	s30 =	simm.s32 $0x107;
	s13 =	sor.u32 $0x1050, s2;
	v9 =	vld.idx.msk [tilespmem:v9+s4+$0x0], $0xffff;
	v8 =	vadd.s32 v4, v7;
	v17 =	vand.u32 $0x78, v17;
	v18 =	vand.u32 $0x79, v18;
	[tilespmem:s10+$0xA000] =	vst v13  }
0xd9: {  	s31 =	simm.s32 $0x105;
	v15 =	vld.idx.msk [tilespmem:v15+s4+$0x0], $0xffff;
	v22 =	vor.u32 v8, v11;
	v18 =	vbroadcast v18, $0x0;
	v21 =	vmov s30;
	[tilespmem:s13+$0xA000] =	vst v12  }
0xda: {  	s14 =	simm.s32 $0x106;
	s24 =	sor.u32 $0x10B0, s2;
	v17 =	vbroadcast v17, $0x0;
	v13 =	vmov s31;
	v21 =	vand.u32 $0x7F, v21;
	[tilespmem:s0+$0xFFFFFFB0] =	vst v16  }
0xdb: {  	s15 =	sor.u32 $0x1070, s2;
	v12 =	vmov s14;
	v21 =	vbroadcast v21, $0x0;
	[tilespmem:s24+$0xA000] =	vst v14;
	v14 =	vor.u32 v8, v18  }
0xdc: {  	v13 =	vand.u32 $0x7D, v13;
	v16 =	vbroadcast v19, $0x0;
	[tilespmem:s15+$0xA000] =	vst v10;
	v10 =	vor.u32 v8, v17  }
0xdd: {  	s2 =	sor.u32 $0x10D0, s2;
	[tilespmem:s0+$0xFFFFFF30] =	vst v9;
	v13 =	vbroadcast v13, $0x0;
	v9 =	vand.u32 $0x7E, v12;
	v19 =	vor.u32 v8, v21  }
0xde: {  	v20 =	vand.u32 $0x7C, v20;
	[tilespmem:s2+$0xA000] =	vst v15;
	v23 =	vbroadcast v9, $0x0;
	v15 =	vor.u32 v8, v16  }
0xdf: {  	v20 =	vbroadcast v20, $0x0;
	v24 =	vor.u32 v8, v13;
	v22 =	vld.idx.msk [tilespmem:v22+s4+$0x0], $0xffff  }
0xe0: {  	v25 =	vor.u32 v8, v23;
	v14 =	vld.idx.msk [tilespmem:v14+s4+$0x0], $0xffff  }
0xe1: {  	v9 =	vadd.s32 v4, v6;
	v12 =	vld.idx.msk [tilespmem:v10+s4+$0x0], $0xffff;
	v10 =	vor.u32 v8, v20  }
0xe2: {  	s28 =	simm.s32 $0x10A;
	s29 =	simm.s32 $0x10B;
	v18 =	vor.u32 v9, v18;
	v19 =	vld.idx.msk [tilespmem:v19+s4+$0x0], $0xffff  }
0xe3: {  	v29 =	vmov s28;
	s25 =	simm.s32 $0x8;
	s26 =	simm.s32 $0x109;
	v30 =	vmov s29;
	v11 =	vor.u32 v9, v11;
	v15 =	vld.idx.msk [tilespmem:v15+s4+$0x0], $0xffff  }
0xe4: {  	v26 =	vmov s25;
	v27 =	vmov s26;
	v17 =	vor.u32 v9, v17;
	v24 =	vld.idx.msk [tilespmem:v24+s4+$0x0], $0xffff;
	[tilespmem:s23+$0xFFFFFF80] =	vst v22  }
0xe5: {  	v26 =	vand.u32 $0x78, v26;
	s30 =	simm.s32 $0x10C;
	v21 =	vor.u32 v9, v21;
	v16 =	vor.u32 v9, v16;
	v25 =	vld.idx.msk [tilespmem:v25+s4+$0x0], $0xffff;
	[tilespmem:s23+$0xFFFFFF40] =	vst v14  }
0xe6: {  	s3 =	simm.s32 $0x10F;
	v31 =	vmov s30;
	v13 =	vor.u32 v9, v13;
	v20 =	vor.u32 v9, v20;
	v28 =	vld.idx.msk [tilespmem:v10+s4+$0x0], $0xffff;
	[tilespmem:s23+$0xFFFFFF20] =	vst v12  }
0xe7: {  	v10 =	vbroadcast v26, $0x0;
	v18 =	vld.idx.msk [tilespmem:v18+s4+$0x0], $0xffff;
	v26 =	vand.u32 $0x79, v27;
	[tilespmem:s23+$0x0] =	vst v19;
	v19 =	vmov s3  }
0xe8: {  	[tilespmem:s23+$0xFFFFFF60] =	vst v15;
	v15 =	vor.u32 v9, v23;
	v22 =	vbroadcast v26, $0x0;
	v26 =	vld.idx.msk [tilespmem:v11+s4+$0x0], $0xffff;
	v19 =	vand.u32 $0x7F, v19  }
0xe9: {  	v11 =	vand.u32 $0x7B, v30;
	v17 =	vld.idx.msk [tilespmem:v17+s4+$0x0], $0xffff;
	v23 =	vor.u32 v8, v10;
	v27 =	vbroadcast v19, $0x0  }
0xea: {  	[tilespmem:s23+$0xFFFFFFC0] =	vst v24;
	v14 =	vld.idx.msk [tilespmem:v21+s4+$0x0], $0xffff;
	v19 =	vand.u32 $0x7A, v29;
	v29 =	vbroadcast v11, $0x0;
	v11 =	vand.u32 $0x7C, v31  }
0xeb: {  	s31 =	simm.s32 $0x10D;
	s8 =	simm.s32 $0x10E;
	v30 =	vld.idx.msk [tilespmem:v13+s4+$0x0], $0xffff;
	v31 =	vbroadcast v11, $0x0;
	[tilespmem:s23+$0xFFFFFFA0] =	vst v28;
	v28 =	vbroadcast v19, $0x0;
	v19 =	vor.u32 v8, v27  }
0xec: {  	v32 =	vmov s31;
	v21 =	vmov s8;
	[tilespmem:s23+$0xFFFFFFE0] =	vst v25;
	v24 =	vor.u32 v8, v22;
	v20 =	vld.idx.msk [tilespmem:v20+s4+$0x0], $0xffff  }
0xed: {  	s10 =	sor.u32 $0x2030, s21;
	v13 =	vand.u32 $0x7D, v32;
	v63 =	vld.idx.msk [tilespmem:v15+s4+$0x0], $0xffff;
	v15 =	vand.u32 $0x7E, v21;
	v21 =	vor.u32 v8, v31  }
0xee: {  	s9 =	sor.u32 $0x20F0, s21;
	v16 =	vld.idx.msk [tilespmem:v16+s4+$0x0], $0xffff;
	v13 =	vbroadcast v13, $0x0;
	[tilespmem:s10+$0xA000] =	vst v18;
	v25 =	vor.u32 v8, v28  }
0xef: {  	s14 =	sor.u32 $0x2070, s21;
	[tilespmem:s9+$0xA000] =	vst v14;
	v11 =	vld.idx.msk [tilespmem:v23+s4+$0x0], $0xffff;
	v14 =	vor.u32 v8, v29;
	v12 =	vbroadcast v15, $0x0  }
0xf0: {  	v33 =	vor.u32 v8, v13;
	[tilespmem:s14+$0xA000] =	vst v26;
	v34 =	vld.idx.msk [tilespmem:v19+s4+$0x0], $0xffff  }
0xf1: {  	[tilespmem:s23+$0xFFFFFF30] =	vst v17;
	v35 =	vor.u32 v8, v12;
	v19 =	vld.idx.msk [tilespmem:v24+s4+$0x0], $0xffff  }
0xf2: {  	s13 =	sor.u32 $0x2050, s21;
	s30 =	simm.s32 $0x114;
	v24 =	vor.u32 v9, v27;
	[tilespmem:s23+$0xFFFFFFB0] =	vst v20;
	v20 =	vld.idx.msk [tilespmem:v21+s4+$0x0], $0xffff  }
0xf3: {  	s26 =	simm.s32 $0x111;
	s24 =	simm.s32 $0x10;
	s15 =	sor.u32 $0x20B0, s21;
	v22 =	vor.u32 v9, v22;
	v17 =	vmov s30;
	[tilespmem:s13+$0xA000] =	vst v16;
	v15 =	vld.idx.msk [tilespmem:v25+s4+$0x0], $0xffff  }
0xf4: {  	s29 =	simm.s32 $0x113;
	s25 =	sor.u32 $0x20D0, s21;
	v16 =	vmov s24;
	[tilespmem:s15+$0xA000] =	vst v30;
	v23 =	vmov s26;
	v26 =	vor.u32 v9, v28;
	v18 =	vld.idx.msk [tilespmem:v14+s4+$0x0], $0xffff  }
0xf5: {  	s28 =	simm.s32 $0x112;
	s31 =	simm.s32 $0x115;
	v28 =	vor.u32 v9, v29;
	v30 =	vand.u32 $0x78, v16;
	v16 =	vmov s29;
	[tilespmem:s25+$0xA000] =	vst v63;
	v21 =	vld.idx.msk [tilespmem:v33+s4+$0x0], $0xffff;
	s23 =	sadd.s32 $0x100, s23  }
0xf6: {  	s0 =	simm.s32 $0x117;
	s26 =	simm.s32 $0x18;
	v29 =	vor.u32 v9, v31;
	v27 =	vmov s28;
	s25 =	smov.u32 s21;
	v14 =	vmov s31;
	v25 =	vld.idx.msk [tilespmem:v35+s4+$0x0], $0xffff;
	[tilespmem:s23+$0x0] =	vst v34  }
.LBB2_10:
0xf7: {  	p2 =	slt.u32 s26, $0x78;
	v30 =	vbroadcast v30, $0x0;
	s2 =	sadd.s32 $0x106, s24;
	v31 =	vmov s0;
	[tilespmem:s23+$0xFFFFFF40] =	vst v19;
	v13 =	vor.u32 v9, v13;
	v19 =	vld.idx.msk [tilespmem:v24+s4+$0x0], $0xffff;
	s24 =	smov.u32 s26  }
0xf8: {  	v12 =	vor.u32 v9, v12;
	v24 =	vmov s2;
	v31 =	vand.u32 $0x7F, v31;
	v22 =	vld.idx.msk [tilespmem:v22+s4+$0x0], $0xffff;
	[tilespmem:s23+$0xFFFFFF60] =	vst v15  }
0xf9: {  	v23 =	vand.u32 $0x79, v23;
	v15 =	vor.u32 v8, v30;
	v31 =	vbroadcast v31, $0x0;
	v26 =	vld.idx.msk [tilespmem:v26+s4+$0x0], $0xffff;
	[tilespmem:s23+$0xFFFFFF80] =	vst v18  }
0xfa: {  	v18 =	vbroadcast v23, $0x0;
	v23 =	vand.u32 $0x7A, v27;
	v27 =	vor.u32 v9, v10;
	v10 =	vmovc v30;
	v28 =	vld.idx.msk [tilespmem:v28+s4+$0x0], $0xffff;
	[tilespmem:s23+$0xFFFFFFA0] =	vst v20  }
0xfb: {  	v16 =	vand.u32 $0x7B, v16;
	s25 =	sadd.s32 $0x100, s25;
	v20 =	vbroadcast v23, $0x0;
	v23 =	vor.u32 v8, v31;
	v29 =	vld.idx.msk [tilespmem:v29+s4+$0x0], $0xffff;
	[tilespmem:s23+$0xFFFFFFC0] =	vst v21  }
0xfc: {  	v32 =	vbroadcast v16, $0x0;
	v16 =	vand.u32 $0x7C, v17;
	s0 =	sor.u32 $0x2030, s25;
	s2 =	sor.u32 $0x2050, s25;
	s3 =	sor.u32 $0x20F0, s25;
	v21 =	vor.u32 v8, v18;
	v17 =	vld.idx.msk [tilespmem:v13+s4+$0x0], $0xffff;
	[tilespmem:s23+$0xFFFFFFE0] =	vst v25  }
0xfd: {  	s8 =	sor.u32 $0x2070, s25;
	s9 =	sor.u32 $0x20B0, s25;
	s10 =	sor.u32 $0x20D0, s25;
	v33 =	vbroadcast v16, $0x0;
	v25 =	vor.u32 v8, v20;
	v13 =	vand.u32 $0x7D, v14;
	v14 =	vld.idx.msk [tilespmem:v12+s4+$0x0], $0xffff;
	[tilespmem:s3+$0xA000] =	vst v19  }
0xfe: {  	v16 =	vor.u32 v8, v32;
	v13 =	vbroadcast v13, $0x0;
	v12 =	vand.u32 $0x7E, v24;
	[tilespmem:s23+$0xFFFFFF20] =	vst v11;
	v11 =	vld.idx.msk [tilespmem:v15+s4+$0x0], $0xffff  }
0xff: {  	v34 =	vor.u32 v8, v33;
	v12 =	vbroadcast v12, $0x0;
	v35 =	vld.idx.msk [tilespmem:v27+s4+$0x0], $0xffff;
	[tilespmem:s0+$0xA000] =	vst v22  }
0x100: {  	v36 =	vor.u32 v8, v13;
	v37 =	vld.idx.msk [tilespmem:v23+s4+$0x0], $0xffff;
	[tilespmem:s2+$0xA000] =	vst v26  }
0x101: {  	v38 =	vor.u32 v8, v12;
	v19 =	vld.idx.msk [tilespmem:v21+s4+$0x0], $0xffff;
	[tilespmem:s8+$0xA000] =	vst v28  }
.Ltmp9:
0x102: {  	v24 =	vor.u32 v9, v31;
	v15 =	vld.idx.msk [tilespmem:v25+s4+$0x0], $0xffff;
	[tilespmem:s23+$0xFFFFFFB0] =	vst v29;
	(pc) =	sbr.rel @p2 .LBB2_10-.Ltmp9, $4  }
0x103: {  	s0 =	sadd.s32 $0x101, s26;
	v22 =	vor.u32 v9, v18;
	v21 =	vmov s26;
	v18 =	vld.idx.msk [tilespmem:v16+s4+$0x0], $0xffff;
	[tilespmem:s9+$0xA000] =	vst v17  }
0x104: {  	v23 =	vmov s0;
	s0 =	sadd.s32 $0x102, s26;
	s2 =	sadd.s32 $0x103, s26;
	v26 =	vor.u32 v9, v20;
	v30 =	vand.u32 $0x78, v21;
	v20 =	vld.idx.msk [tilespmem:v34+s4+$0x0], $0xffff;
	[tilespmem:s10+$0xA000] =	vst v14  }
0x105: {  	v27 =	vmov s0;
	s0 =	sadd.s32 $0x104, s26;
	v28 =	vor.u32 v9, v32;
	v16 =	vmov s2;
	s2 =	sadd.s32 $0x105, s26;
	v21 =	vld.idx.msk [tilespmem:v36+s4+$0x0], $0xffff;
	[tilespmem:s23+$0xFFFFFF30] =	vst v35;
	s23 =	sadd.s32 $0x100, s23  }
0x106: {  	v29 =	vor.u32 v9, v33;
	v17 =	vmov s0;
	s0 =	sadd.s32 $0x107, s24;
	s26 =	sadd.s32 $0x8, s26;
	v14 =	vmov s2;
	v25 =	vld.idx.msk [tilespmem:v38+s4+$0x0], $0xffff;
	[tilespmem:s23+$0x0] =	vst v37  }
0x107: {  	_ =	sdelay $0x1  }
0x108: {  	[tilespmem:s23+$0xFFFFFF40] =	vst v19  }
0x109: {  	[tilespmem:s23+$0xFFFFFF60] =	vst v15  }
0x10a: {  	v19 =	vbroadcast v30, $0x0;
	v30 =	vmov s0;
	v13 =	vor.u32 v9, v13;
	v24 =	vld.idx.msk [tilespmem:v24+s4+$0x0], $0xffff;
	[tilespmem:s23+$0xFFFFFF20] =	vst v11  }
0x10b: {  	v12 =	vor.u32 v9, v12;
	v23 =	vand.u32 $0x79, v23;
	v30 =	vand.u32 $0x7F, v30;
	v22 =	vld.idx.msk [tilespmem:v22+s4+$0x0], $0xffff;
	[tilespmem:s23+$0xFFFFFF80] =	vst v18  }
0x10c: {  	v10 =	vor.u32 v9, v10;
	v16 =	vand.u32 $0x7B, v16;
	v26 =	vld.idx.msk [tilespmem:v26+s4+$0x0], $0xffff;
	v30 =	vbroadcast v30, $0x0;
	[tilespmem:s23+$0xFFFFFFA0] =	vst v20  }
0x10d: {  	s14 =	sadd.s32 $0x100, s25;
	v18 =	vor.u32 v8, v19;
	v20 =	vbroadcast v23, $0x0;
	v23 =	vand.u32 $0x7A, v27;
	v27 =	vld.idx.msk [tilespmem:v28+s4+$0x0], $0xffff;
	[tilespmem:s23+$0xFFFFFFC0] =	vst v21  }
0x10e: {  	v17 =	vand.u32 $0x7C, v17;
	s15 =	sor.u32 $0x20F0, s14;
	v21 =	vbroadcast v23, $0x0;
	v28 =	vld.idx.msk [tilespmem:v29+s4+$0x0], $0xffff;
	v23 =	vor.u32 v8, v30;
	[tilespmem:s23+$0xFFFFFFE0] =	vst v25  }
0x10f: {  	s2 =	sadd.s32 $0x106, s24;
	v14 =	vand.u32 $0x7D, v14;
	s24 =	sor.u32 $0x2030, s14;
	v17 =	vbroadcast v17, $0x0;
	v25 =	vor.u32 v8, v20;
	v13 =	vld.idx.msk [tilespmem:v13+s4+$0x0], $0xffff;
	[tilespmem:s15+$0xA000] =	vst v24  }
0x110: {  	v15 =	vmov s2;
	s3 =	sor.u32 $0x2050, s14;
	v14 =	vbroadcast v14, $0x0;
	v24 =	vor.u32 v8, v21;
	v12 =	vld.idx.msk [tilespmem:v12+s4+$0x0], $0xffff;
	[tilespmem:s24+$0xA000] =	vst v22  }
0x111: {  	v16 =	vbroadcast v16, $0x0;
	s25 =	sor.u32 $0x2070, s14;
	v15 =	vand.u32 $0x7E, v15;
	v10 =	vld.idx.msk [tilespmem:v10+s4+$0x0], $0xffff;
	v22 =	vor.u32 v8, v17;
	[tilespmem:s3+$0xA000] =	vst v26  }
0x112: {  	v15 =	vbroadcast v15, $0x0;
	v26 =	vor.u32 v8, v14;
	v11 =	vld.idx.msk [tilespmem:v18+s4+$0x0], $0xffff;
	[tilespmem:s25+$0xA000] =	vst v27  }
0x113: {  	s26 =	sor.u32 $0x20B0, s14;
	v18 =	vor.u32 v8, v16;
	[tilespmem:s23+$0xFFFFFFB0] =	vst v28;
	v23 =	vld.idx.msk [tilespmem:v23+s4+$0x0], $0xffff  }
0x114: {  	s28 =	sor.u32 $0x20D0, s14;
	v8 =	vor.u32 v8, v15;
	v25 =	vld.idx.msk [tilespmem:v25+s4+$0x0], $0xffff;
	[tilespmem:s26+$0xA000] =	vst v13  }
0x115: {  	v27 =	vor.u32 v9, v30;
	v24 =	vld.idx.msk [tilespmem:v24+s4+$0x0], $0xffff;
	[tilespmem:s28+$0xA000] =	vst v12  }
0x116: {  	s29 =	sadd.s32 $0x100, s23;
	v13 =	vor.u32 v9, v20;
	[tilespmem:s23+$0xFFFFFF30] =	vst v10;
	v20 =	vld.idx.msk [tilespmem:v22+s4+$0x0], $0xffff  }
0x117: {  	v12 =	vor.u32 v9, v21;
	v10 =	vor.u32 v9, v16;
	v16 =	vld.idx.msk [tilespmem:v26+s4+$0x0], $0xffff;
	[tilespmem:s29+$0xFFFFFF20] =	vst v11  }
0x118: {  	v17 =	vor.u32 v9, v17;
	v18 =	vld.idx.msk [tilespmem:v18+s4+$0x0], $0xffff;
	[tilespmem:s29+$0x0] =	vst v23  }
0x119: {  	v14 =	vor.u32 v9, v14;
	v8 =	vld.idx.msk [tilespmem:v8+s4+$0x0], $0xffff;
	[tilespmem:s29+$0xFFFFFF40] =	vst v25  }
0x11a: {  	v21 =	vld.idx.msk [tilespmem:v27+s4+$0x0], $0xffff;
	[tilespmem:s29+$0xFFFFFF60] =	vst v24  }
0x11b: {  	v15 =	vor.u32 v9, v15;
	v9 =	vor.u32 v9, v19;
	v13 =	vld.idx.msk [tilespmem:v13+s4+$0x0], $0xffff;
	[tilespmem:s29+$0xFFFFFFA0] =	vst v20  }
0x11c: {  	s13 =	simm.s32 $0x184;
	v12 =	vld.idx.msk [tilespmem:v12+s4+$0x0], $0xffff;
	[tilespmem:s29+$0xFFFFFFC0] =	vst v16  }
0x11d: {  	s30 =	simm.s32 $0x0;
	v7 =	vadd.s32 v5, v7;
	s2 =	sadd.s32 $0x100, s14;
	s14 =	simm.s32 $0x187;
	v19 =	vmov s13;
	[tilespmem:s29+$0xFFFFFF80] =	vst v18;
	v16 =	vld.idx.msk [tilespmem:v17+s4+$0x0], $0xffff  }
0x11e: {  	s31 =	simm.s32 $0x181;
	s9 =	simm.s32 $0x182;
	s8 =	sor.u32 $0x20F0, s2;
	v19 =	vand.u32 $0x7C, v19;
	v20 =	vmov s14;
	[tilespmem:s29+$0xFFFFFFE0] =	vst v8;
	v8 =	vmov s30;
	v14 =	vld.idx.msk [tilespmem:v14+s4+$0x0], $0xffff  }
0x11f: {  	s10 =	sor.u32 $0x2030, s2;
	v19 =	vbroadcast v19, $0x0;
	v17 =	vmov s31;
	v18 =	vmov s9;
	v10 =	vld.idx.msk [tilespmem:v10+s4+$0x0], $0xffff;
	[tilespmem:s8+$0xA000] =	vst v21  }
0x120: {  	s15 =	simm.s32 $0x185;
	s23 =	sor.u32 $0x2050, s2;
	v9 =	vld.idx.msk [tilespmem:v9+s4+$0x0], $0xffff;
	v8 =	vand.u32 $0x78, v8;
	v17 =	vand.u32 $0x79, v17;
	v18 =	vand.u32 $0x7A, v18;
	[tilespmem:s10+$0xA000] =	vst v13  }
0x121: {  	v15 =	vld.idx.msk [tilespmem:v15+s4+$0x0], $0xffff;
	v17 =	vbroadcast v17, $0x0;
	s8 =	simm.s32 $0x183;
	v13 =	vmov s15;
	v21 =	vbroadcast v8, $0x0;
	[tilespmem:s23+$0xA000] =	vst v12  }
0x122: {  	s24 =	simm.s32 $0x186;
	s26 =	sor.u32 $0x20B0, s2;
	v8 =	vand.u32 $0x7F, v20;
	v20 =	vor.u32 v7, v19;
	v11 =	vmov s8;
	[tilespmem:s29+$0xFFFFFFB0] =	vst v16  }
0x123: {  	s25 =	sor.u32 $0x2070, s2;
	v12 =	vmov s24;
	v8 =	vbroadcast v8, $0x0;
	[tilespmem:s26+$0xA000] =	vst v14;
	v14 =	vor.u32 v7, v17  }
0x124: {  	v13 =	vand.u32 $0x7D, v13;
	v16 =	vbroadcast v18, $0x0;
	[tilespmem:s25+$0xA000] =	vst v10;
	v10 =	vor.u32 v7, v21  }
0x125: {  	s2 =	sor.u32 $0x20D0, s2;
	[tilespmem:s29+$0xFFFFFF30] =	vst v9;
	v11 =	vand.u32 $0x7B, v11;
	v13 =	vbroadcast v13, $0x0;
	v18 =	vor.u32 v7, v8  }
0x126: {  	v12 =	vand.u32 $0x7E, v12;
	v11 =	vbroadcast v11, $0x0;
	[tilespmem:s2+$0xA000] =	vst v15;
	v15 =	vor.u32 v7, v16  }
0x127: {  	v12 =	vbroadcast v12, $0x0;
	v22 =	vor.u32 v7, v13;
	v20 =	vld.idx.msk [tilespmem:v20+s4+$0x0], $0xffff  }
0x128: {  	v9 =	vor.u32 v7, v11;
	v14 =	vld.idx.msk [tilespmem:v14+s4+$0x0], $0xffff  }
0x129: {  	v6 =	vadd.s32 v5, v6;
	v23 =	vor.u32 v7, v12;
	v10 =	vld.idx.msk [tilespmem:v10+s4+$0x0], $0xffff  }
0x12a: {  	s3 =	simm.s32 $0x18C;
	v19 =	vor.u32 v6, v19;
	v18 =	vld.idx.msk [tilespmem:v18+s4+$0x0], $0xffff  }
0x12b: {  	v28 =	vmov s3;
	s30 =	simm.s32 $0x18A;
	s31 =	simm.s32 $0x18B;
	v17 =	vor.u32 v6, v17;
	v15 =	vld.idx.msk [tilespmem:v15+s4+$0x0], $0xffff  }
0x12c: {  	s28 =	simm.s32 $0x8;
	v26 =	vmov s30;
	v27 =	vmov s31;
	s8 =	simm.s32 $0x18D;
	v24 =	vor.u32 v6, v8;
	v22 =	vld.idx.msk [tilespmem:v22+s4+$0x0], $0xffff  }
0x12d: {  	s29 =	simm.s32 $0x189;
	v29 =	vmov s8;
	v8 =	vmov s28;
	v21 =	vor.u32 v6, v21;
	v9 =	vld.idx.msk [tilespmem:v9+s4+$0x0], $0xffff;
	[tilespmem:s22+$0xFFFFFFA0] =	vst v20  }
0x12e: {  	v25 =	vmov s29;
	v8 =	vand.u32 $0x78, v8;
	v16 =	vor.u32 v6, v16;
	v23 =	vld.idx.msk [tilespmem:v23+s4+$0x0], $0xffff;
	[tilespmem:s22+$0xFFFFFF40] =	vst v14  }
0x12f: {  	s9 =	simm.s32 $0x18F;
	v13 =	vor.u32 v6, v13;
	v25 =	vand.u32 $0x79, v25;
	v11 =	vor.u32 v6, v11;
	v19 =	vld.idx.msk [tilespmem:v19+s4+$0x0], $0xffff;
	[tilespmem:s22+$0x0] =	vst v18  }
0x130: {  	s10 =	simm.s32 $0x18E;
	v8 =	vbroadcast v8, $0x0;
	v12 =	vor.u32 v6, v12;
	v18 =	vmov s9;
	v17 =	vld.idx.msk [tilespmem:v17+s4+$0x0], $0xffff;
	[tilespmem:s22+$0xFFFFFF20] =	vst v10  }
0x131: {  	v25 =	vbroadcast v25, $0x0;
	v14 =	vld.idx.msk [tilespmem:v24+s4+$0x0], $0xffff;
	v24 =	vmov s10;
	v18 =	vand.u32 $0x7F, v18;
	[tilespmem:s22+$0xFFFFFF60] =	vst v15  }
0x132: {  	v15 =	vor.u32 v7, v8;
	v31 =	vld.idx.msk [tilespmem:v21+s4+$0x0], $0xffff;
	v18 =	vbroadcast v18, $0x0;
	[tilespmem:s22+$0xFFFFFF80] =	vst v9;
	v9 =	vand.u32 $0x7A, v26  }
0x133: {  	[tilespmem:s22+$0xFFFFFFC0] =	vst v22;
	v22 =	vor.u32 v7, v25;
	v16 =	vld.idx.msk [tilespmem:v16+s4+$0x0], $0xffff;
	v30 =	vbroadcast v9, $0x0;
	v9 =	vand.u32 $0x7B, v27  }
0x134: {  	v26 =	vld.idx.msk [tilespmem:v11+s4+$0x0], $0xffff;
	v11 =	vand.u32 $0x7D, v29;
	v20 =	vor.u32 v7, v18;
	v27 =	vbroadcast v9, $0x0  }
0x135: {  	s13 =	sor.u32 $0x30F0, s21;
	v13 =	vld.idx.msk [tilespmem:v13+s4+$0x0], $0xffff;
	[tilespmem:s22+$0xFFFFFFE0] =	vst v23;
	v9 =	vand.u32 $0x7C, v28;
	v11 =	vbroadcast v11, $0x0;
	v23 =	vor.u32 v7, v30  }
0x136: {  	v29 =	vld.idx.msk [tilespmem:v12+s4+$0x0], $0xffff;
	v28 =	vbroadcast v9, $0x0;
	[tilespmem:s13+$0xA000] =	vst v14;
	v12 =	vor.u32 v7, v27;
	v14 =	vand.u32 $0x7E, v24  }
0x137: {  	s14 =	sor.u32 $0x3030, s21;
	[tilespmem:s22+$0xFFFFFFB0] =	vst v19;
	v9 =	vld.idx.msk [tilespmem:v15+s4+$0x0], $0xffff;
	v32 =	vor.u32 v7, v11;
	v10 =	vbroadcast v14, $0x0  }
0x138: {  	[tilespmem:s14+$0xA000] =	vst v17;
	v17 =	vld.idx.msk [tilespmem:v22+s4+$0x0], $0xffff;
	v15 =	vor.u32 v7, v28  }
0x139: {  	s15 =	sor.u32 $0x3050, s21;
	[tilespmem:s22+$0xFFFFFF30] =	vst v31;
	v33 =	vld.idx.msk [tilespmem:v20+s4+$0x0], $0xffff;
	v34 =	vor.u32 v7, v10  }
0x13a: {  	s24 =	sor.u32 $0x30B0, s21;
	s26 =	simm.s32 $0x191;
	[tilespmem:s15+$0xA000] =	vst v16;
	v14 =	vld.idx.msk [tilespmem:v23+s4+$0x0], $0xffff;
	v23 =	vor.u32 v6, v18  }
0x13b: {  	s31 =	simm.s32 $0x195;
	s23 =	sor.u32 $0x3070, s21;
	v21 =	vmov s26;
	[tilespmem:s24+$0xA000] =	vst v13;
	v20 =	vor.u32 v6, v25;
	v18 =	vld.idx.msk [tilespmem:v12+s4+$0x0], $0xffff  }
0x13c: {  	s25 =	sor.u32 $0x30D0, s21;
	s28 =	simm.s32 $0x192;
	v24 =	vor.u32 v6, v30;
	v27 =	vor.u32 v6, v27;
	v13 =	vmov s31;
	[tilespmem:s23+$0xA000] =	vst v26;
	s23 =	simm.s32 $0x10;
	v22 =	vld.idx.msk [tilespmem:v32+s4+$0x0], $0xffff  }
0x13d: {  	s30 =	simm.s32 $0x194;
	s29 =	simm.s32 $0x193;
	s22 =	sadd.s32 $0x100, s22;
	v28 =	vor.u32 v6, v28;
	[tilespmem:s25+$0xA000] =	vst v29;
	v16 =	vmov s23;
	v25 =	vmov s28;
	v19 =	vld.idx.msk [tilespmem:v15+s4+$0x0], $0xffff  }
0x13e: {  	s0 =	simm.s32 $0x197;
	s24 =	simm.s32 $0x18;
	v12 =	vand.u32 $0x78, v16;
	v16 =	vmov s30;
	v15 =	vmov s29;
	v26 =	vld.idx.msk [tilespmem:v34+s4+$0x0], $0xffff;
	[tilespmem:s22+$0x0] =	vst v33  }
.LBB2_12:
0x13f: {  	p2 =	slt.u32 s24, $0x78;
	v12 =	vbroadcast v12, $0x0;
	s2 =	sadd.s32 $0x186, s23;
	v29 =	vmov s0;
	[tilespmem:s22+$0xFFFFFF40] =	vst v17;
	v11 =	vor.u32 v6, v11;
	v17 =	vld.idx.msk [tilespmem:v23+s4+$0x0], $0xffff;
	s23 =	smov.u32 s24  }
0x140: {  	v10 =	vor.u32 v6, v10;
	v23 =	vmov s2;
	v29 =	vand.u32 $0x7F, v29;
	v20 =	vld.idx.msk [tilespmem:v20+s4+$0x0], $0xffff;
	[tilespmem:s22+$0xFFFFFF60] =	vst v14  }
0x141: {  	v21 =	vand.u32 $0x79, v21;
	v14 =	vor.u32 v7, v12;
	v29 =	vbroadcast v29, $0x0;
	v24 =	vld.idx.msk [tilespmem:v24+s4+$0x0], $0xffff;
	[tilespmem:s22+$0xFFFFFF80] =	vst v18  }
0x142: {  	v18 =	vbroadcast v21, $0x0;
	v21 =	vand.u32 $0x7A, v25;
	v25 =	vor.u32 v6, v8;
	v8 =	vmovc v12;
	v27 =	vld.idx.msk [tilespmem:v27+s4+$0x0], $0xffff;
	[tilespmem:s22+$0xFFFFFFA0] =	vst v19  }
0x143: {  	s21 =	sadd.s32 $0x100, s21;
	v12 =	vand.u32 $0x7B, v15;
	v19 =	vbroadcast v21, $0x0;
	v15 =	vor.u32 v7, v29;
	v21 =	vld.idx.msk [tilespmem:v28+s4+$0x0], $0xffff;
	[tilespmem:s22+$0xFFFFFFC0] =	vst v22  }
0x144: {  	s0 =	sor.u32 $0x3030, s21;
	s2 =	sor.u32 $0x3050, s21;
	s3 =	sor.u32 $0x30F0, s21;
	v22 =	vor.u32 v7, v18;
	v28 =	vbroadcast v12, $0x0;
	v12 =	vand.u32 $0x7C, v16;
	v16 =	vld.idx.msk [tilespmem:v11+s4+$0x0], $0xffff;
	[tilespmem:s22+$0xFFFFFFE0] =	vst v26  }
0x145: {  	s8 =	sor.u32 $0x3070, s21;
	s9 =	sor.u32 $0x30B0, s21;
	s10 =	sor.u32 $0x30D0, s21;
	v26 =	vor.u32 v7, v19;
	v30 =	vbroadcast v12, $0x0;
	v11 =	vand.u32 $0x7D, v13;
	v13 =	vld.idx.msk [tilespmem:v10+s4+$0x0], $0xffff;
	[tilespmem:s3+$0xA000] =	vst v17  }
0x146: {  	v12 =	vor.u32 v7, v28;
	v11 =	vbroadcast v11, $0x0;
	v10 =	vand.u32 $0x7E, v23;
	[tilespmem:s22+$0xFFFFFF20] =	vst v9;
	v9 =	vld.idx.msk [tilespmem:v14+s4+$0x0], $0xffff  }
0x147: {  	v31 =	vor.u32 v7, v30;
	v10 =	vbroadcast v10, $0x0;
	v32 =	vld.idx.msk [tilespmem:v25+s4+$0x0], $0xffff;
	[tilespmem:s0+$0xA000] =	vst v20  }
0x148: {  	v33 =	vor.u32 v7, v11;
	v34 =	vld.idx.msk [tilespmem:v15+s4+$0x0], $0xffff;
	[tilespmem:s2+$0xA000] =	vst v24  }
0x149: {  	v35 =	vor.u32 v7, v10;
	v17 =	vld.idx.msk [tilespmem:v22+s4+$0x0], $0xffff;
	[tilespmem:s8+$0xA000] =	vst v27  }
.Ltmp10:
0x14a: {  	v23 =	vor.u32 v6, v29;
	v14 =	vld.idx.msk [tilespmem:v26+s4+$0x0], $0xffff;
	[tilespmem:s22+$0xFFFFFFB0] =	vst v21;
	(pc) =	sbr.rel @p2 .LBB2_12-.Ltmp10, $4  }
0x14b: {  	s0 =	sadd.s32 $0x181, s24;
	v20 =	vor.u32 v6, v18;
	v15 =	vmov s24;
	v18 =	vld.idx.msk [tilespmem:v12+s4+$0x0], $0xffff;
	[tilespmem:s9+$0xA000] =	vst v16  }
0x14c: {  	s2 =	sadd.s32 $0x183, s24;
	v24 =	vor.u32 v6, v19;
	v21 =	vmov s0;
	s0 =	sadd.s32 $0x182, s24;
	v12 =	vand.u32 $0x78, v15;
	v19 =	vld.idx.msk [tilespmem:v31+s4+$0x0], $0xffff;
	[tilespmem:s10+$0xA000] =	vst v13  }
0x14d: {  	v27 =	vor.u32 v6, v28;
	v25 =	vmov s0;
	v15 =	vmov s2;
	s0 =	sadd.s32 $0x184, s24;
	s2 =	sadd.s32 $0x185, s24;
	v22 =	vld.idx.msk [tilespmem:v33+s4+$0x0], $0xffff;
	[tilespmem:s22+$0xFFFFFF30] =	vst v32;
	s22 =	sadd.s32 $0x100, s22  }
0x14e: {  	v28 =	vor.u32 v6, v30;
	s24 =	sadd.s32 $0x8, s24;
	v16 =	vmov s0;
	v13 =	vmov s2;
	s0 =	sadd.s32 $0x187, s23;
	v26 =	vld.idx.msk [tilespmem:v35+s4+$0x0], $0xffff;
	[tilespmem:s22+$0x0] =	vst v34  }
0x14f: {  	_ =	sdelay $0x1  }
0x150: {  	[tilespmem:s22+$0xFFFFFF40] =	vst v17  }
0x151: {  	v39 =	vmov s0;
	[tilespmem:s22+$0xFFFFFF60] =	vst v14  }
0x152: {  	v23 =	vld.idx.msk [tilespmem:v23+s4+$0x0], $0xffff;
	v11 =	vor.u32 v6, v11;
	v10 =	vor.u32 v6, v10;
	v42 =	vand.u32 $0x79, v21;
	[tilespmem:s22+$0xFFFFFF20] =	vst v9  }
0x153: {  	v44 =	vand.u32 $0x7A, v25;
	v8 =	vor.u32 v6, v8;
	[tilespmem:s22+$0xFFFFFF80] =	vst v18;
	v41 =	vld.idx.msk [tilespmem:v20+s4+$0x0], $0xffff;
	v20 =	vbroadcast v42, $0x0  }
0x154: {  	v15 =	vand.u32 $0x7B, v15;
	v16 =	vand.u32 $0x7C, v16;
	v43 =	vld.idx.msk [tilespmem:v24+s4+$0x0], $0xffff;
	v21 =	vbroadcast v44, $0x0;
	[tilespmem:s22+$0xFFFFFFA0] =	vst v19  }
0x155: {  	s2 =	sadd.s32 $0x186, s23;
	s10 =	sadd.s32 $0x100, s21;
	v13 =	vand.u32 $0x7D, v13;
	v15 =	vbroadcast v15, $0x0;
	v45 =	vld.idx.msk [tilespmem:v27+s4+$0x0], $0xffff;
	[tilespmem:s22+$0xFFFFFFC0] =	vst v22;
	v48 =	vor.u32 v7, v20  }
0x156: {  	v40 =	vmov s2;
	s13 =	sor.u32 $0x30F0, s10;
	v16 =	vbroadcast v16, $0x0;
	v47 =	vld.idx.msk [tilespmem:v28+s4+$0x0], $0xffff;
	v49 =	vor.u32 v7, v21;
	[tilespmem:s22+$0xFFFFFFE0] =	vst v26  }
0x157: {  	v17 =	vand.u32 $0x7F, v39;
	s14 =	sor.u32 $0x3030, s10;
	v13 =	vbroadcast v13, $0x0;
	v51 =	vor.u32 v7, v15;
	[tilespmem:s13+$0xA000] =	vst v23;
	v11 =	vld.idx.msk [tilespmem:v11+s4+$0x0], $0xffff  }
0x158: {  	s3 =	sor.u32 $0x3050, s10;
	v17 =	vbroadcast v17, $0x0;
	v14 =	vand.u32 $0x7E, v40;
	v52 =	vor.u32 v7, v16;
	v50 =	vld.idx.msk [tilespmem:v10+s4+$0x0], $0xffff;
	[tilespmem:s14+$0xA000] =	vst v41  }
0x159: {  	s15 =	sor.u32 $0x3070, s10;
	v14 =	vbroadcast v14, $0x0;
	v53 =	vor.u32 v7, v13;
	v8 =	vld.idx.msk [tilespmem:v8+s4+$0x0], $0xffff;
	[tilespmem:s3+$0xA000] =	vst v43  }
0x15a: {  	v12 =	vbroadcast v12, $0x0;
	v46 =	vor.u32 v7, v17;
	[tilespmem:s15+$0xA000] =	vst v45;
	v54 =	vld.idx.msk [tilespmem:v48+s4+$0x0], $0xffff  }
0x15b: {  	s21 =	sor.u32 $0x30B0, s10;
	v55 =	vor.u32 v7, v14;
	[tilespmem:s22+$0xFFFFFFB0] =	vst v47;
	v23 =	vld.idx.msk [tilespmem:v49+s4+$0x0], $0xffff  }
0x15c: {  	s23 =	sor.u32 $0x30D0, s10;
	v7 =	vor.u32 v7, v12;
	v10 =	vld.idx.msk [tilespmem:v51+s4+$0x0], $0xffff;
	[tilespmem:s21+$0xA000] =	vst v11  }
0x15d: {  	v56 =	vor.u32 v6, v20;
	v57 =	vld.idx.msk [tilespmem:v52+s4+$0x0], $0xffff;
	[tilespmem:s23+$0xA000] =	vst v50  }
0x15e: {  	s24 =	sadd.s32 $0x100, s22;
	v58 =	vor.u32 v6, v21;
	v59 =	vld.idx.msk [tilespmem:v53+s4+$0x0], $0xffff;
	[tilespmem:s22+$0xFFFFFF30] =	vst v8  }
0x15f: {  	v15 =	vor.u32 v6, v15;
	v24 =	vld.idx.msk [tilespmem:v46+s4+$0x0], $0xffff;
	[tilespmem:s24+$0xFFFFFF40] =	vst v54  }
0x160: {  	v16 =	vor.u32 v6, v16;
	v60 =	vld.idx.msk [tilespmem:v55+s4+$0x0], $0xffff;
	[tilespmem:s24+$0xFFFFFF60] =	vst v23  }
0x161: {  	v13 =	vor.u32 v6, v13;
	v7 =	vld.idx.msk [tilespmem:v7+s4+$0x0], $0xffff;
	[tilespmem:s24+$0xFFFFFF80] =	vst v10  }
0x162: {  	v17 =	vor.u32 v6, v17;
	[tilespmem:s24+$0xFFFFFFA0] =	vst v57;
	v9 =	vld.idx.msk [tilespmem:v56+s4+$0x0], $0xffff  }
0x163: {  	v61 =	vor.u32 v6, v14;
	[tilespmem:s24+$0xFFFFFFC0] =	vst v59;
	v8 =	vld.idx.msk [tilespmem:v58+s4+$0x0], $0xffff  }
0x164: {  	v6 =	vor.u32 v6, v12;
	[tilespmem:s24+$0x0] =	vst v24;
	v62 =	vld.idx.msk [tilespmem:v15+s4+$0x0], $0xffff  }
0x165: {  	s0 =	sadd.s32 $0x100, s10;
	v63 =	vld.idx.msk [tilespmem:v16+s4+$0x0], $0xffff;
	[tilespmem:s24+$0xFFFFFFE0] =	vst v60  }
0x166: {  	s26 =	sor.u32 $0x3030, s0;
	v13 =	vld.idx.msk [tilespmem:v13+s4+$0x0], $0xffff;
	[tilespmem:s24+$0xFFFFFF20] =	vst v7  }
0x167: {  	s8 =	sor.u32 $0x3050, s0;
	v17 =	vld.idx.msk [tilespmem:v17+s4+$0x0], $0xffff;
	[tilespmem:s26+$0xA000] =	vst v9  }
0x168: {  	s28 =	sor.u32 $0x3070, s0;
	v7 =	vld.idx.msk [tilespmem:v61+s4+$0x0], $0xffff;
	[tilespmem:s8+$0xA000] =	vst v8  }
0x169: {  	v6 =	vld.idx.msk [tilespmem:v6+s4+$0x0], $0xffff;
	[tilespmem:s28+$0xA000] =	vst v62  }
0x16a: {  	s29 =	sor.u32 $0x30B0, s0;
	[tilespmem:s24+$0xFFFFFFB0] =	vst v63  }
.Ltmp11:
0x16b: {  	s25 =	sor.u32 $0x30F0, s0;
	[tilespmem:s29+$0xA000] =	vst v13;
	(pc) =	sbr.rel .LBB2_14-.Ltmp11, $4  }
0x16c: {  	s0 =	sor.u32 $0x30D0, s0;
	[tilespmem:s25+$0xA000] =	vst v17  }
0x16d: {  	s30 =	sshll.u32 s18, $0xB;
	[tilespmem:s0+$0xA000] =	vst v7  }
0x16e: {  	s31 =	sadd.s32 $0x3, s19;
	[tilespmem:s24+$0xFFFFFF30] =	vst v6;
	s0 =	sadd.s32 s6, s30  }
0x16f: {  	[hbm4b:s0+s4] =	stream.linear.scatter [tilespmem:s20], [sflag:s31], $0x4000, $0x38;
	[tilespmem:$0x12800] =	vst v63  }
.LBB2_16:
0x170: {  	_ =	sfence.sel $0x180000  }
0x171: {  	[bflag:$0x0] =	sbarrier.arrive $0xFFFF  }
0x172: {  	_ =	strace $0x90000047  }
0x173: {  	s0 =	stileid.u32;
	[bflag:$0x2] =	sbarrier.arrive $0xFFFF  }
0x174: {  	p0 =	sne.s32 s0, $0x0;
	s0 =	rddreg [dreg:$0x3]  }
0x175: {  	s0 =	sadd.s32 @!p0 $0x100000, s0  }
0x176: {  	[sflag:s0] =	ssyncadd.tile.s32 @!p0 $0x1;
	_ =	shalt  }
.Lfunc_end2:
_tile_overlayer_lowered:
.L_overlay_start_2:
0x177: {  	(tag) =	ssettag $0x2  }
0x178: {  	s0 =	rddreg [dreg:$0x0];
	s2 =	stileid.u32  }
0x179: {  	s1 =	rddreg [dreg:$0x1];
	p0 =	sne.s32 s2, $0x0  }
0x17a: {  	s3 =	rddreg [dreg:$0x2];
	[bflag:$0x3] =	sbarrier.arrive $0xFFFF;
	s2 =	simm.s32 @!p0 $0x1C05  }
0x17b: {  	[timem:s3], [sflag:s2] =	dma.local @!p0 [hbm:s0], s1  }
0x17c: {  	s0 =	simm.s32 @!p0 $0x5  }
0x17d: {  	_ =	swait.ge @!p0 [sflag:s0], s1  }
0x17e: {  	s1 =	ssub.s32 @!p0 $0x0, s1;
	[sflag:s0] =	ssyncset.done @!p0 $0x0  }
0x17f: {  	[sflag:s0] =	ssyncadd.s32 @!p0 s1  }
0x180: {  	[bflag:$0x3] =	sbarrier.arrive $0xFFFF  }
0x181: {  	_ =	shalt  }

// kernel: kernel.7.cloned.1.call-start
scs
__scs_entry_jumppad:
0x0: {  	(pc) =	sbr.rel $0x88, $3  }
0x1: {  	(tag) =	ssettag $0x0;
	lr =	simm.s32 $0x1  }
0x2: {  	[smem:$0x3F9F] =	sst lr;
	_ =	strace $0xD0000000  }
0x3: {  	_ = 	snop  }
0x4: {  	_ = 	snop  }
0x5: {  	_ = 	snop  }
0x6: {  	_ = 	snop  }
0x7: {  	_ = 	snop  }
__scs_overlays_trampoline_lowered:
0x8: {  	[smem:$0x3FAE] =	sst s0  }
0x9: {  	[smem:$0x3FAF] =	sst s1  }
0xa: {  	[smem:$0x3FB0] =	sst s2  }
0xb: {  	[smem:$0x3FB1] =	sst s3  }
0xc: {  	[smem:$0x3FB2] =	sst s4  }
0xd: {  	[smem:$0x3FB3] =	sst s5  }
0xe: {  	[smem:$0x3FB4] =	sst s6  }
0xf: {  	[smem:$0x3FB5] =	sst s7  }
0x10: {  	[smem:$0x3FB6] =	sst s8  }
0x11: {  	[smem:$0x3FB7] =	sst s9;
	s0 =	simm.s32 @!p0 $0x0  }
0x12: {  	s1 =	sld [smem:$0x3F9D];
	s0 =	simm.s32 @p0 $0x1  }
0x13: {  	[smem:$0x3FB8] =	sst s0;
	s0 =	simm.s32 @!p1 $0x0  }
0x14: {  	s2 =	sld [smem:$0x3F9C];
	s0 =	simm.s32 @p1 $0x1  }
0x15: {  	[smem:$0x3FB9] =	sst s0;
	s0 =	simm.s32 @!p2 $0x0  }
0x16: {  	s3 =	sld [smem:$0x3FDB];
	s0 =	simm.s32 @p2 $0x1  }
0x17: {  	s4 =	simm.s32 $0x1BF5;
	[smem:$0x3FBB] =	sst s0  }
0x18: {  	s0 =	sld [smem:$0x3F9E];
	_ =	swait.ge [sflag:s4], $0x0  }
0x19: {  	s7 =	sld [smem:$0x3F9F]  }
0x1a: {  	s8 =	sadd.s32 $0xFFFFE003, lr  }
0x1b: {  	s9 =	sadd.s32 $0xFFFFFEF7, lr;
	s5 =	simm.s32 $0xFFFFFFFF;
	p2 =	slt.u32 s8, $0xFFFFF086  }
0x1c: {  	p1 =	slt.u32 s9, $0xF7A;
	s5 =	simm.s32 @!p2 $0x0  }
0x1d: {  	s5 =	simm.s32 @p1 $0x1;
	p0 =	seq.s32 s7, s2  }
0x1e: {  	s7 =	smul.u32 @!p0 $0xF7A, s2;
	p2 =	seq.s32 @!p0 s5, $0x0  }
0x1f: {  	s9 =	smul.u32 $0xF7A, s1;
	s8 =	simm.s32 @!p0 $0x1BF5;
	p2 =	por !p2, p0  }
0x20: {  	[sflag:s8] =	ssyncset.s32 @!p0 $0xFFFFF086;
	s6 =	sadd.s32 @!p0 s3, s7;
	s7 =	simm.s32 @!p0 $0x108  }
0x21: {  	s3 =	sadd.s32 s3, s9;
	s6 =	sadd.s32 @!p0 $0x88, s6;
	s7 =	simm.s32 @p2 $0x1082  }
0x22: {  	[simem:s7], [sflag:s8] =	dma.local @!p0 [hbm:s6], $0xF7A  }
0x23: {  	s9 =	sor.u32 $0xD0000000, s2;
	s6 =	simm.s32 $0x108;
	_ =	swait.ge @!p0 [sflag:s8], $0x0  }
0x24: {  	s3 =	sadd.s32 $0x88, s3;
	s6 =	simm.s32 @!p1 $0x1082;
	[sflag:s4] =	ssyncset.s32 $0xFFFFF086  }
0x25: {  	[simem:s6], [sflag:s4] =	dma.local [hbm:s3], $0xF7A  }
0x26: {  	[smem:$0x3F9F] =	sst s1;
	(tag) =	ssettag s2;
	_ =	strace s9  }
0x27: {  	s1 =	sld [smem:$0x3FAF]  }
0x28: {  	s2 =	sld [smem:$0x3FB0]  }
0x29: {  	s4 =	sld [smem:$0x3FB2]  }
0x2a: {  	p0 =	seq.s32 s5, $0x0;
	s5 =	sld [smem:$0x3FB3]  }
0x2b: {  	s6 =	sld [smem:$0x3FB4]  }
0x2c: {  	s7 =	sld [smem:$0x3FB5]  }
0x2d: {  	s3 =	simm.s32 $0x108;
	s8 =	sld [smem:$0x3FB6]  }
0x2e: {  	s3 =	simm.s32 @!p0 $0x1082;
	s9 =	sld [smem:$0x3FB7]  }
0x2f: {  	lr =	sadd.s32 s0, s3;
	s0 =	sld [smem:$0x3FAE]  }
0x30: {  	s3 =	sld [smem:$0x3FB1]  }
0x31: {  	[smem:$0x3FBA] =	sst s10  }
0x32: {  	s10 =	sld [smem:$0x3FB8];
	_ =	sdelay $0x3  }
0x33: {  	p0 =	seq.s32 s10, $0x1;
	s10 =	sld [smem:$0x3FBA];
	_ =	sdelay $0x3  }
0x34: {  	[smem:$0x3FBA] =	sst s10  }
0x35: {  	s10 =	sld [smem:$0x3FB9];
	_ =	sdelay $0x3  }
0x36: {  	p1 =	seq.s32 s10, $0x1;
	s10 =	sld [smem:$0x3FBA];
	_ =	sdelay $0x3  }
0x37: {  	[smem:$0x3FBA] =	sst s10  }
0x38: {  	s10 =	sld [smem:$0x3FBB]  }
0x39: {  	_ = 	snop;
	(pc) =	sbr.ind lr, $3  }
0x3a: {  	_ = 	snop  }
0x3b: {  	_ = 	snop  }
0x3c: {  	p2 =	seq.s32 s10, $0x1;
	s10 =	sld [smem:$0x3FBA]  }
0x3d: {  	_ =	shalt  }
0x3e: {  	_ =	shalt  }
0x3f: {  	_ =	shalt  }
0x40: {  	_ =	shalt  }
0x41: {  	_ =	shalt  }
0x42: {  	_ =	shalt  }
0x43: {  	_ =	shalt  }
0x44: {  	_ =	shalt  }
0x45: {  	_ =	shalt  }
0x46: {  	_ =	shalt  }
0x47: {  	_ =	shalt  }
0x48: {  	_ =	shalt  }
0x49: {  	_ =	shalt  }
0x4a: {  	_ =	shalt  }
0x4b: {  	_ =	shalt  }
0x4c: {  	_ =	shalt  }
0x4d: {  	_ =	shalt  }
0x4e: {  	_ =	shalt  }
0x4f: {  	_ =	shalt  }
0x50: {  	_ =	shalt  }
0x51: {  	_ =	shalt  }
0x52: {  	_ =	shalt  }
0x53: {  	_ =	shalt  }
0x54: {  	_ =	shalt  }
0x55: {  	_ =	shalt  }
0x56: {  	_ =	shalt  }
0x57: {  	_ =	shalt  }
0x58: {  	_ =	shalt  }
0x59: {  	_ =	shalt  }
0x5a: {  	_ =	shalt  }
0x5b: {  	_ =	shalt  }
0x5c: {  	_ =	shalt  }
0x5d: {  	_ =	shalt  }
0x5e: {  	_ =	shalt  }
0x5f: {  	_ =	shalt  }
0x60: {  	_ =	shalt  }
0x61: {  	_ =	shalt  }
0x62: {  	_ =	shalt  }
0x63: {  	_ =	shalt  }
0x64: {  	_ =	shalt  }
0x65: {  	_ =	shalt  }
0x66: {  	_ =	shalt  }
0x67: {  	_ =	shalt  }
0x68: {  	_ =	shalt  }
0x69: {  	_ =	shalt  }
0x6a: {  	_ =	shalt  }
0x6b: {  	_ =	shalt  }
0x6c: {  	_ =	shalt  }
0x6d: {  	_ =	shalt  }
0x6e: {  	_ =	shalt  }
0x6f: {  	_ =	shalt  }
0x70: {  	_ =	shalt  }
0x71: {  	_ =	shalt  }
0x72: {  	_ =	shalt  }
0x73: {  	_ =	shalt  }
0x74: {  	_ =	shalt  }
0x75: {  	_ =	shalt  }
0x76: {  	_ =	shalt  }
0x77: {  	_ =	shalt  }
0x78: {  	_ =	shalt  }
0x79: {  	_ =	shalt  }
0x7a: {  	_ =	shalt  }
0x7b: {  	_ =	shalt  }
0x7c: {  	_ =	shalt  }
0x7d: {  	_ =	shalt  }
0x7e: {  	_ =	shalt  }
0x7f: {  	_ =	shalt  }
0x80: {  	_ =	shalt  }
0x81: {  	_ =	shalt  }
0x82: {  	_ =	shalt  }
0x83: {  	_ =	shalt  }
0x84: {  	_ =	shalt  }
0x85: {  	_ =	shalt  }
0x86: {  	_ =	shalt  }
0x87: {  	_ =	shalt  }
.Lfunc_end0:
.L_simem_size_0:
called_computation.1_lowered:
.L_overlay_start_0:
0x88: {  	s2 =	sld [smem:$0x3FD9]  }
0x89: {  	s3 =	sld [smem:$0x3FFE];
	_ =	sdelay $0x1  }
0x8a: {  	s1 =	srdreg.scid  }
0x8b: {  	s0 =	sand.u32 $0x1, s1  }
0x8c: {  	s17 =	sshll.u32 s0, $0xA;
	s2 =	sadd.s32 s3, s2  }
0x8d: {  	s2 =	sadd.s32 s2, s17  }
0x8e: {  	[smem:$0x3FC6] =	sst s2  }
0x8f: {  	_ = 	snop  }
0x90: {  	s2 =	sld [smem:$0x3FD0];
	(tm) =	ssettm $0x1  }
0x91: {  	s18 =	sld [smem:$0x3FFB];
	_ =	sdelay $0x3  }
0x92: {  	_ =	strace s18  }
0x93: {  	s3 =	sld [smem:$0x3FFC];
	_ =	sdelay $0x3  }
0x94: {  	_ =	strace s3  }
0x95: {  	s3 =	sld [smem:$0x3FFD];
	_ =	sdelay $0x3  }
0x96: {  	_ =	strace s3  }
0x97: {  	_ =	strace $0x8FFFFFFF  }
0x98: {  	s19 =	sld [smem:$0x3FDB];
	_ =	sdelay $0x1  }
0x99: {  	s4 =	simm.s32 $_scs_section_size  }
0x9a: {  	s5 =	simm.s32 $_size__tile_overlayer_lowered;
	s6 =	simm.s32 $_tile_overlayer_lowered  }
0x9b: {  	s22 =	simm.s32 $0x1BFF;
	s21 =	sshll.u32 s6, $0x1;
	s3 =	sadd.s32 s4, s19  }
0x9c: {  	s7 =	simm.s32 $0x0;
	s20 =	sshll.u32 s5, $0x1;
	s5 =	sadd.s32 s21, s3  }
0x9d: {  	[timem:s7], [sflag:s22] =	dma.local [hbm:s5], s20  }
0x9e: {  	_ =	swait.ge [sflag:s22], s20  }
0x9f: {  	s4 =	ssub.s32 $0x0, s20;
	[sflag:s22] =	ssyncset.done $0x0  }
0xa0: {  	[sflag:s22] =	ssyncadd.s32 s4;
	_ =	sdelay $0x1  }
0xa1: {  	s23 =	simm.s32 $0x1B8B  }
0xa2: {  	_ =	swait.ge [sflag:s23], $0x1  }
0xa3: {  	[sflag:s23] =	ssyncset.done $0x0  }
0xa4: {  	s25 =	simm.s32 $0x1B8E;
	s24 =	sld [smem:$0x3FFE];
	[sflag:s23] =	ssyncadd.s32 $0xFFFFFFFF  }
0xa5: {  	s26 =	simm.s32 $execute0_lowered;
	[smem:$0x3FD2] =	sst s25  }
0xa6: {  	s5 =	sshll.u32 s26, $0x1;
	_ =	strace $0x80000049;
	[dreg:$0x1] =	wrdreg $0xFFFFFFFF  }
0xa7: {  	s28 =	simm.s32 $_size_execute0_lowered;
	s3 =	sadd.s32 s3, s5;
	[dreg:$0x0] =	wrdreg $0x0  }
0xa8: {  	s5 =	sshll.u32 s28, $0x1;
	[dreg:$0x2] =	wrdreg s3  }
0xa9: {  	[dreg:$0x3] =	wrdreg s5  }
0xaa: {  	[dreg:$0x4] =	wrdreg $0xC0  }
0xab: {  	_ =	task [dreg:s7], $0x5FFFF  }
0xac: {  	[dreg:$0x1] =	wrdreg $0xFFFFFFFF  }
0xad: {  	[dreg:$0x0] =	wrdreg $0x60  }
0xae: {  	[dreg:$0x2] =	wrdreg s24  }
0xaf: {  	[dreg:$0x3] =	wrdreg s2  }
0xb0: {  	[dreg:$0x4] =	wrdreg $0x9  }
0xb1: {  	_ =	task.clear_ibuf [dreg:s7], $0x5FFFF;
	_ =	strace $0x90000049  }
0xb2: {  	s29 =	simm.s32 $0x9;
	_ =	strace $0x8000004B  }
0xb3: {  	_ =	swait.ge [sflag:s29], $0x1  }
0xb4: {  	[sflag:s29] =	ssyncadd.s32 $0xFFFFFFFF  }
0xb5: {  	_ =	strace $0x9000004B  }
0xb6: {  	_ =	sfence  }
0xb7: {  	s30 =	sld [smem:$0x0];
	_ =	sdelay $0x2  }
0xb8: {  	s31 =	sshll.u32 s1, $0xD;
	s1 =	sshrl.u32 s1, $0x2  }
0xb9: {  	s3 =	sand.u32 $0x4000, s31;
	s1 =	sadd.s32 s1, s30  }
0xba: {  	s0 =	sor.u32 s3, s0;
	s1 =	sshll.u32 s1, $0x11  }
0xbb: {  	s0 =	sor.u32 s1, s0  }
0xbc: {  	s0 =	sadd.s32 $0x8F2B, s0  }
0xbd: {  	[sflag:s0] =	ssyncadd.remote.s32 $0x1  }
0xbe: {  	_ =	sfence.sel $0xFFFF  }
0xbf: {  	[dreg:$0x0] =	wrdreg $0xFFFFFFFF;
	(pc) =	sbr.abs _section_cstart, $3  }
0xc0: {  	[dreg:$0x1] =	wrdreg $0xFFFFFFFF  }
0xc1: {  	_ =	task.clear_ibuf [dreg:s7], $0x2FFFF;
	_ =	strace $0x9FFFFFFF  }
0xc2: {  	(tm) =	ssettm $0x7FFFFFFF  }
0xc3: {  	_ =	shalt  }
tec
execute0_lowered:
.L_overlay_start_1:
0x0: {  	(tag) =	ssettag $0x1  }
0x1: {  	s0 =	rddreg [dreg:$0x0]  }
0x2: {  	s3 =	simm.s32 $0x0;
	s1 =	srdreg.scid;
	s4 =	stileid.u32  }
0x3: {  	[smem:$0x7FF] =	sst s3;
	s1 =	sand.u32 $0x1, s1;
	s4 =	sshll.u32 s4, $0x1  }
0x4: {  	s2 =	rddreg [dreg:$0x1];
	_ =	strace $0x8000004A;
	s6 =	sor.u32 s1, s4  }
0x5: {  	s5 =	sadd.s32 $0xA00, s0;
	s4 =	sadd.s32 $0x3D1400, s0;
	s7 =	smul.u32 $0xC8000, s6  }
0x6: {  	s1 =	ssub.s32 $0x2, s1;
	s8 =	sshll.u32 s6, $0xD;
	s9 =	smul.u32 $0xC80, s6  }
0x7: {  	s25 =	sshrl.u32 s1, $0x1;
	s6 =	smul.u32 $0xC8, s6;
	s8 =	sand.u32 $0x6000, s8  }
0x8: {  	s0 =	ssub.s32 s1, s25;
	s7 =	sand.u32 $0x1FE0000, s7;
	s28 =	sadd.s32 s4, s9  }
0x9: {  	[dreg:$0x3] =	wrdreg s6;
	s6 =	sadd.s32 $0x10, s6;
	s26 =	sor.u32 s8, s7  }
0xa: {  	s0 =	smax.u32 s0, $0x1;
	[dreg:$0x4] =	wrdreg s28;
	s1 =	sadd.s32 $0xC0000, s26  }
0xb: {  	s8 =	sadd.s32 $0x1000, s2;
	[dreg:$0x5] =	wrdreg s6;
	s1 =	sshrl.u32 s1, $0x3  }
0xc: {  	s9 =	sadd.s32 $0x2000, s2;
	[dreg:$0xa] =	wrdreg s0;
	s30 =	sadd.s32 s1, s8  }
0xd: {  	s29 =	sadd.s32 s2, s1;
	s1 =	sadd.s32 s1, s9;
	[dreg:$0x7] =	wrdreg s30  }
0xe: {  	s16 =	simm.s32 $0x4;
	s17 =	simm.s32 $0x80;
	[dreg:$0x8] =	wrdreg s1  }
0xf: {  	s18 =	simm.s32 $0x800;
	v0 =	vlaneseq.u32;
	[dreg:$0x6] =	wrdreg s29;
	s31 =	sadd.s32 $0x3000, s29  }
0x10: {  	s19 =	simm.s32 $0x3;
	v0 =	vmul.u32 $0x20, v0;
	s1 =	simm.s32 $0x0;
	[dreg:$0x9] =	wrdreg s31  }
.LBB2_1:
0x11: {  	[dreg:$0xb] =	wrdreg s1  }
0x12: {  	s0 =	rddreg [dreg:$0x4]  }
0x13: {  	[tilespmem:s3], [sflag:$0x4] =	stream.linear.gather [hbm4b:s0+s3], $0x400, $0x38;
	[tilespmem:$0x18800] =	vst v63  }
0x14: {  	_ =	swait.ge [sflag:s16], $0x400  }
0x15: {  	[sflag:s16] =	ssyncset.done $0x0  }
0x16: {  	[sflag:s16] =	ssyncadd.s32 $0xFFFFFC00  }
0x17: {  	[tilespmem:s18], [sflag:$0x1] =	stream.indirect.gather [hbm4b:s5+s17], $0x20, s3, s17, $0xb8;
	[tilespmem:$0x18800] =	vst v63  }
0x18: {  	s14 =	simm.s32 $0x1800  }
0x19: {  	[tilespmem:s14], [sflag:$0x1] =	stream.indirect.gather [hbm4b:s5+s17], $0x20, s17, s17, $0xb8;
	[tilespmem:$0x18800] =	vst v63  }
0x1a: {  	s15 =	simm.s32 $0x100;
	s20 =	simm.s32 $0x2800  }
0x1b: {  	[tilespmem:s20], [sflag:$0x1] =	stream.indirect.gather [hbm4b:s5+s17], $0x20, s15, s17, $0xb8;
	[tilespmem:$0x18800] =	vst v63  }
0x1c: {  	s21 =	simm.s32 $0x180;
	s22 =	simm.s32 $0x3800  }
0x1d: {  	[tilespmem:s22], [sflag:$0x1] =	stream.indirect.gather [hbm4b:s5+s17], $0x20, s21, s17, $0xb8;
	[tilespmem:$0x18800] =	vst v63  }
0x1e: {  	s23 =	simm.s32 $0x200;
	s24 =	simm.s32 $0x4800  }
0x1f: {  	[tilespmem:s24], [sflag:$0x1] =	stream.indirect.gather [hbm4b:s5+s17], $0x20, s23, s17, $0xb8;
	[tilespmem:$0x18800] =	vst v63  }
0x20: {  	s25 =	simm.s32 $0x280;
	s26 =	simm.s32 $0x5800  }
0x21: {  	[tilespmem:s26], [sflag:$0x1] =	stream.indirect.gather [hbm4b:s5+s17], $0x20, s25, s17, $0xb8;
	[tilespmem:$0x18800] =	vst v63  }
0x22: {  	s28 =	simm.s32 $0x300;
	s29 =	simm.s32 $0x6800  }
0x23: {  	[tilespmem:s29], [sflag:$0x1] =	stream.indirect.gather [hbm4b:s5+s17], $0x20, s28, s17, $0xb8;
	[tilespmem:$0x18800] =	vst v63  }
0x24: {  	s30 =	simm.s32 $0x380;
	s31 =	simm.s32 $0x7800;
	s20 =	simm.s32 $0x0  }
0x25: {  	[tilespmem:s31], [sflag:$0x1] =	stream.indirect.gather [hbm4b:s5+s17], $0x20, s30, s17, $0xb8;
	[tilespmem:$0x18800] =	vst v63  }
.LBB2_2:
0x26: {  	s22 =	sshll.u32 s20, $0x4;
	s0 =	rddreg [dreg:$0x3]  }
0x27: {  	s23 =	sadd.s32 s0, s22  }
0x28: {  	s21 =	sadd.s32 $0x8, s23  }
0x29: {  	s30 =	sshll.u32 s21, $0x4  }
0x2a: {  	s0 =	sand.u32 $0x1FFFFF80, s30  }
0x2b: {  	s1 =	simm.s32 $0x400;
	s0 =	sadd.s32 s4, s0  }
0x2c: {  	[tilespmem:s1], [sflag:$0x4] =	stream.linear.gather [hbm4b:s0+s3], $0x400, $0x38;
	[tilespmem:$0x18800] =	vst v63  }
0x2d: {  	_ =	swait.ge [sflag:s16], $0x400  }
0x2e: {  	[sflag:s16] =	ssyncset.done $0x0  }
0x2f: {  	s31 =	simm.s32 $0x8800;
	[sflag:s16] =	ssyncadd.s32 $0xFFFFFC00  }
0x30: {  	[tilespmem:s31], [sflag:$0x2] =	stream.indirect.gather [hbm4b:s5+s17], $0x20, s1, s17, $0xb8;
	[tilespmem:$0x18800] =	vst v63  }
0x31: {  	s6 =	simm.s32 $0x480;
	s7 =	simm.s32 $0x9800  }
0x32: {  	[tilespmem:s7], [sflag:$0x2] =	stream.indirect.gather [hbm4b:s5+s17], $0x20, s6, s17, $0xb8;
	[tilespmem:$0x18800] =	vst v63  }
0x33: {  	s10 =	simm.s32 $0x500;
	s11 =	simm.s32 $0xA800  }
0x34: {  	[tilespmem:s11], [sflag:$0x2] =	stream.indirect.gather [hbm4b:s5+s17], $0x20, s10, s17, $0xb8;
	[tilespmem:$0x18800] =	vst v63  }
0x35: {  	s12 =	simm.s32 $0x580;
	s13 =	simm.s32 $0xB800  }
0x36: {  	[tilespmem:s13], [sflag:$0x2] =	stream.indirect.gather [hbm4b:s5+s17], $0x20, s12, s17, $0xb8;
	[tilespmem:$0x18800] =	vst v63  }
0x37: {  	s14 =	simm.s32 $0x600;
	s15 =	simm.s32 $0xC800  }
0x38: {  	[tilespmem:s15], [sflag:$0x2] =	stream.indirect.gather [hbm4b:s5+s17], $0x20, s14, s17, $0xb8;
	[tilespmem:$0x18800] =	vst v63  }
0x39: {  	s24 =	simm.s32 $0x680;
	s25 =	simm.s32 $0xD800  }
0x3a: {  	[tilespmem:s25], [sflag:$0x2] =	stream.indirect.gather [hbm4b:s5+s17], $0x20, s24, s17, $0xb8;
	[tilespmem:$0x18800] =	vst v63  }
0x3b: {  	s26 =	simm.s32 $0x700;
	s28 =	simm.s32 $0xE800  }
0x3c: {  	[tilespmem:s28], [sflag:$0x2] =	stream.indirect.gather [hbm4b:s5+s17], $0x20, s26, s17, $0xb8;
	[tilespmem:$0x18800] =	vst v63  }
0x3d: {  	s29 =	simm.s32 $0x780;
	s30 =	simm.s32 $0xF800;
	s31 =	simm.s32 $0x1  }
0x3e: {  	[tilespmem:s30], [sflag:$0x2] =	stream.indirect.gather [hbm4b:s5+s17], $0x20, s29, s17, $0xb8;
	[tilespmem:$0x18800] =	vst v63  }
0x3f: {  	_ =	swait.ge [sflag:s31], $0x8000  }
0x40: {  	p0 =	seq.s32 s20, $0x0;
	[sflag:s31] =	ssyncset.done $0x0  }
0x41: {  	s0 =	simm.s32 @!p0 $0x3;
	[sflag:s31] =	ssyncadd.s32 $0xFFFF8000  }
0x42: {  	_ =	swait.ge @!p0 [sflag:s0], $0x8000  }
0x43: {  	[sflag:s0] =	ssyncset.done @!p0 $0x0  }
0x44: {  	s24 =	simm.s32 $0x0;
	s25 =	simm.s32 $0x0;
	[sflag:s0] =	ssyncadd.s32 @!p0 $0xFFFF8000  }
.LBB2_3:
0x45: {  	s0 =	simm.s32 $0x3  }
0x46: {  	s7 =	sshll.u32 s25, $0x7;
	s1 =	simm.s32 $0x1;
	v1 =	vmov s0  }
0x47: {  	v2 =	vmov s7;
	v3 =	vmov s1;
	v1 =	vand.u32 $0x1F, v1  }
0x48: {  	s6 =	simm.s32 $0x2;
	v2 =	vshll.u32 v2, $0x5;
	v17 =	vbroadcast v1, $0x0;
	v1 =	vand.u32 $0x1D, v3  }
0x49: {  	v9 =	vor.u32 v0, v2;
	v19 =	vbroadcast v1, $0x0;
	v1 =	vmov s6  }
0x4a: {  	v3 =	vmov s24;
	v2 =	vor.u32 v9, v17;
	v1 =	vand.u32 $0x1E, v1  }
0x4b: {  	v3 =	vand.u32 $0x1C, v3;
	v4 =	vor.u32 v9, v19;
	v15 =	vbroadcast v1, $0x0  }
0x4c: {  	s10 =	sor.u32 $0x10, s7;
	v14 =	vbroadcast v3, $0x0  }
0x4d: {  	v1 =	vmov s10;
	v3 =	vor.u32 v9, v15  }
0x4e: {  	s11 =	sshll.u32 s25, $0xA;
	v1 =	vshll.u32 v1, $0x5;
	v6 =	vor.u32 v9, v14  }
0x4f: {  	v5 =	vor.u32 v0, v1;
	v1 =	vmov s11;
	v2 =	vld.idx.msk [tilespmem:v2+s18+$0x0], $0xffff  }
0x50: {  	s12 =	simm.s32 $0x180;
	v7 =	vor.u32 v5, v17;
	v8 =	vld.idx.msk [tilespmem:v4+s18+$0x0], $0xffff  }
0x51: {  	s1 =	sand.u32 $0x6000, s24;
	s0 =	sand.u32 $0x380, s12;
	v10 =	vor.u32 v5, v19  }
0x52: {  	s1 =	sor.u32 $0x10800, s1;
	s6 =	sor.u32 $0x20, s7;
	s10 =	simm.s32 $0x80;
	v3 =	vld.idx.msk [tilespmem:v3+s18+$0x0], $0xffff  }
0x53: {  	s13 =	sand.u32 $0x280, s10;
	v11 =	vor.u32 v5, v15;
	v4 =	vmov s6;
	s6 =	sor.u32 s0, s1;
	v6 =	vld.idx.msk [tilespmem:v6+s18+$0x0], $0xffff  }
0x54: {  	s14 =	simm.s32 $0x100;
	s28 =	sor.u32 s13, s1;
	v4 =	vshll.u32 v4, $0x5;
	[tilespmem:v1+s6+$0x0 ss:$0x1] =	vst.idx.msk $0xffff, v2;
	v2 =	vor.u32 v5, v14  }
0x55: {  	s15 =	simm.s32 $0x0;
	s10 =	sand.u32 $0x300, s14;
	v4 =	vor.u32 v0, v4;
	v7 =	vld.idx.msk [tilespmem:v7+s18+$0x0], $0xffff;
	[tilespmem:v1+s28+$0x0 ss:$0x1] =	vst.idx.msk $0xffff, v8  }
0x56: {  	s29 =	sor.u32 s10, s1;
	s0 =	sand.u32 $0x200, s15;
	v8 =	vor.u32 v4, v17;
	v10 =	vld.idx.msk [tilespmem:v10+s18+$0x0], $0xffff  }
0x57: {  	s26 =	sor.u32 $0x30, s7;
	s30 =	sor.u32 s0, s1;
	[tilespmem:v1+s29+$0x0 ss:$0x1] =	vst.idx.msk $0xffff, v3;
	v3 =	vor.u32 v4, v19  }
0x58: {  	v12 =	vmov s26;
	[tilespmem:v1+s30+$0x0 ss:$0x1] =	vst.idx.msk $0xffff, v6;
	v6 =	vld.idx.msk [tilespmem:v11+s18+$0x0], $0xffff  }
0x59: {  	s1 =	simm.s32 $0x4;
	v13 =	vor.u32 v4, v15;
	v11 =	vshll.u32 v12, $0x5;
	v12 =	vld.idx.msk [tilespmem:v2+s18+$0x0], $0xffff  }
0x5a: {  	s10 =	sor.u32 $0x40, s7;
	v2 =	vmov s1;
	[tilespmem:v1+s6+$0x10 ss:$0x1] =	vst.idx.msk $0xffff, v7;
	v7 =	vor.u32 v0, v11;
	v11 =	vor.u32 v4, v14  }
0x5b: {  	v16 =	vmov s10;
	v2 =	vand.u32 $0x1C, v2;
	v8 =	vld.idx.msk [tilespmem:v8+s18+$0x0], $0xffff;
	[tilespmem:v1+s28+$0x10 ss:$0x1] =	vst.idx.msk $0xffff, v10  }
0x5c: {  	s11 =	simm.s32 $0x5;
	v10 =	vor.u32 v7, v17;
	v2 =	vbroadcast v2, $0x0;
	v18 =	vld.idx.msk [tilespmem:v3+s18+$0x0], $0xffff;
	v3 =	vshll.u32 v16, $0x5  }
0x5d: {  	v16 =	vor.u32 v7, v19;
	[tilespmem:v1+s29+$0x10 ss:$0x1] =	vst.idx.msk $0xffff, v6;
	v6 =	vor.u32 v0, v3;
	v3 =	vmov s11  }
0x5e: {  	v20 =	vor.u32 v9, v2;
	[tilespmem:v1+s30+$0x10 ss:$0x1] =	vst.idx.msk $0xffff, v12;
	v12 =	vld.idx.msk [tilespmem:v13+s18+$0x0], $0xffff;
	v3 =	vand.u32 $0x1D, v3  }
0x5f: {  	s12 =	simm.s32 $0x7;
	v21 =	vor.u32 v7, v15;
	v11 =	vld.idx.msk [tilespmem:v11+s18+$0x0], $0xffff;
	v3 =	vbroadcast v3, $0x0  }
0x60: {  	v22 =	vor.u32 v7, v14;
	[tilespmem:v1+s6+$0x20 ss:$0x1] =	vst.idx.msk $0xffff, v8;
	v8 =	vmov s12  }
0x61: {  	v10 =	vld.idx.msk [tilespmem:v10+s18+$0x0], $0xffff;
	[tilespmem:v1+s28+$0x20 ss:$0x1] =	vst.idx.msk $0xffff, v18;
	v8 =	vand.u32 $0x1F, v8;
	v24 =	vor.u32 v9, v3  }
0x62: {  	s13 =	sor.u32 $0x50, s7;
	v18 =	vor.u32 v6, v17;
	v16 =	vld.idx.msk [tilespmem:v16+s18+$0x0], $0xffff;
	v13 =	vbroadcast v8, $0x0  }
0x63: {  	v23 =	vmov s13;
	v20 =	vld.idx.msk [tilespmem:v20+s18+$0x0], $0xffff;
	[tilespmem:v1+s29+$0x20 ss:$0x1] =	vst.idx.msk $0xffff, v12;
	v12 =	vor.u32 v6, v19  }
0x64: {  	s14 =	simm.s32 $0x6;
	v8 =	vshll.u32 v23, $0x5;
	[tilespmem:v1+s30+$0x20 ss:$0x1] =	vst.idx.msk $0xffff, v11;
	v21 =	vld.idx.msk [tilespmem:v21+s18+$0x0], $0xffff;
	v23 =	vor.u32 v9, v13  }
0x65: {  	v25 =	vor.u32 v6, v15;
	v27 =	vor.u32 v6, v14;
	v11 =	vmov s14;
	v22 =	vld.idx.msk [tilespmem:v22+s18+$0x0], $0xffff  }
0x66: {  	s1 =	simm.s32 $0x1000;
	s11 =	simm.s32 $0x8;
	v31 =	vor.u32 v5, v3;
	[tilespmem:v1+s6+$0x30 ss:$0x1] =	vst.idx.msk $0xffff, v10;
	v10 =	vand.u32 $0x1E, v11;
	v24 =	vld.idx.msk [tilespmem:v24+s18+$0x0], $0xffff  }
0x67: {  	s26 =	sand.u32 $0x6000, s1;
	v26 =	vmov s11;
	v8 =	vor.u32 v0, v8;
	v18 =	vld.idx.msk [tilespmem:v18+s18+$0x0], $0xffff;
	v11 =	vbroadcast v10, $0x0;
	[tilespmem:v1+s28+$0x30 ss:$0x1] =	vst.idx.msk $0xffff, v16  }
0x68: {  	s12 =	sor.u32 $0x10800, s26;
	s26 =	simm.s32 $0x280;
	v10 =	vand.u32 $0x1C, v26;
	v16 =	vor.u32 v8, v17;
	v26 =	vld.idx.msk [tilespmem:v12+s18+$0x0], $0xffff  }
0x69: {  	s13 =	sand.u32 $0x280, s26;
	v10 =	vbroadcast v10, $0x0;
	v28 =	vor.u32 v9, v11;
	[tilespmem:v1+s29+$0x30 ss:$0x1] =	vst.idx.msk $0xffff, v21;
	v21 =	vld.idx.msk [tilespmem:v23+s18+$0x0], $0xffff  }
0x6a: {  	s0 =	sor.u32 s13, s12;
	v23 =	vor.u32 v8, v19;
	[tilespmem:v1+s30+$0x30 ss:$0x1] =	vst.idx.msk $0xffff, v22;
	v25 =	vld.idx.msk [tilespmem:v25+s18+$0x0], $0xffff  }
0x6b: {  	s15 =	sor.u32 $0x60, s7;
	v22 =	vor.u32 v9, v10;
	v27 =	vld.idx.msk [tilespmem:v27+s18+$0x0], $0xffff;
	[tilespmem:v1+s0+$0x0 ss:$0x1] =	vst.idx.msk $0xffff, v24  }
0x6c: {  	s31 =	simm.s32 $0x200;
	v29 =	vor.u32 v5, v13;
	s14 =	simm.s32 $0x300;
	v12 =	vmov s15;
	[tilespmem:v1+s6+$0x40 ss:$0x1] =	vst.idx.msk $0xffff, v18;
	v31 =	vld.idx.msk [tilespmem:v31+s18+$0x0], $0xffff  }
0x6d: {  	s13 =	sand.u32 $0x200, s31;
	v30 =	vor.u32 v8, v15;
	s26 =	sand.u32 $0x300, s14;
	s15 =	simm.s32 $0x380;
	v12 =	vshll.u32 v12, $0x5;
	v16 =	vld.idx.msk [tilespmem:v16+s18+$0x0], $0xffff  }
0x6e: {  	s31 =	sor.u32 s26, s12;
	s26 =	sor.u32 s13, s12;
	s10 =	sand.u32 $0x380, s15;
	v12 =	vor.u32 v0, v12;
	v24 =	vor.u32 v8, v14;
	[tilespmem:v1+s28+$0x40 ss:$0x1] =	vst.idx.msk $0xffff, v26;
	v28 =	vld.idx.msk [tilespmem:v28+s18+$0x0], $0xffff  }
0x6f: {  	[tilespmem:v1+s26+$0x0 ss:$0x1] =	vst.idx.msk $0xffff, v20;
	s10 =	sor.u32 s10, s12;
	v26 =	vor.u32 v12, v17;
	v23 =	vld.idx.msk [tilespmem:v23+s18+$0x0], $0xffff  }
0x70: {  	[tilespmem:v1+s10+$0x0 ss:$0x1] =	vst.idx.msk $0xffff, v21;
	v21 =	vor.u32 v5, v2;
	v18 =	vld.idx.msk [tilespmem:v22+s18+$0x0], $0xffff  }
0x71: {  	s7 =	sor.u32 $0x70, s7;
	v22 =	vor.u32 v5, v11;
	v29 =	vld.idx.msk [tilespmem:v29+s18+$0x0], $0xffff;
	[tilespmem:v1+s29+$0x40 ss:$0x1] =	vst.idx.msk $0xffff, v25  }
0x72: {  	v32 =	vor.u32 v4, v13;
	v25 =	vmov s7;
	v30 =	vld.idx.msk [tilespmem:v30+s18+$0x0], $0xffff;
	[tilespmem:v1+s30+$0x40 ss:$0x1] =	vst.idx.msk $0xffff, v27  }
0x73: {  	v33 =	vld.idx.msk [tilespmem:v24+s18+$0x0], $0xffff;
	[tilespmem:v1+s6+$0x50 ss:$0x1] =	vst.idx.msk $0xffff, v16;
	v16 =	vshll.u32 v25, $0x5;
	v25 =	vor.u32 v12, v19  }
0x74: {  	[tilespmem:v1+s31+$0x0 ss:$0x1] =	vst.idx.msk $0xffff, v28;
	v26 =	vld.idx.msk [tilespmem:v26+s18+$0x0], $0xffff;
	v16 =	vor.u32 v0, v16;
	v28 =	vor.u32 v4, v3  }
0x75: {  	v21 =	vld.idx.msk [tilespmem:v21+s18+$0x0], $0xffff;
	v17 =	vor.u32 v16, v17  }
0x76: {  	v22 =	vld.idx.msk [tilespmem:v22+s18+$0x0], $0xffff;
	[tilespmem:v1+s10+$0x10 ss:$0x1] =	vst.idx.msk $0xffff, v29  }
0x77: {  	[tilespmem:v1+s28+$0x50 ss:$0x1] =	vst.idx.msk $0xffff, v23;
	v23 =	vor.u32 v12, v15;
	v32 =	vld.idx.msk [tilespmem:v32+s18+$0x0], $0xffff  }
0x78: {  	s14 =	simm.s32 $0x9;
	v27 =	vor.u32 v4, v11;
	[tilespmem:v1+s0+$0x10 ss:$0x1] =	vst.idx.msk $0xffff, v31;
	v20 =	vld.idx.msk [tilespmem:v25+s18+$0x0], $0xffff  }
0x79: {  	v24 =	vor.u32 v4, v2;
	v25 =	vmov s14;
	v31 =	vld.idx.msk [tilespmem:v28+s18+$0x0], $0xffff;
	[tilespmem:v1+s6+$0x60 ss:$0x1] =	vst.idx.msk $0xffff, v26  }
0x7a: {  	[tilespmem:v1+s29+$0x50 ss:$0x1] =	vst.idx.msk $0xffff, v30;
	v28 =	vor.u32 v7, v13;
	v29 =	vld.idx.msk [tilespmem:v17+s18+$0x0], $0xffff;
	v17 =	vand.u32 $0x1D, v25  }
0x7b: {  	[tilespmem:v1+s31+$0x10 ss:$0x1] =	vst.idx.msk $0xffff, v22;
	v22 =	vor.u32 v12, v14;
	v17 =	vbroadcast v17, $0x0  }
0x7c: {  	v30 =	vor.u32 v7, v3;
	[tilespmem:v1+s26+$0x10 ss:$0x1] =	vst.idx.msk $0xffff, v21;
	v21 =	vld.idx.msk [tilespmem:v23+s18+$0x0], $0xffff  }
0x7d: {  	v26 =	vld.idx.msk [tilespmem:v27+s18+$0x0], $0xffff;
	v23 =	vor.u32 v9, v17  }
0x7e: {  	v25 =	vld.idx.msk [tilespmem:v24+s18+$0x0], $0xffff;
	[tilespmem:v1+s10+$0x20 ss:$0x1] =	vst.idx.msk $0xffff, v32;
	v27 =	vor.u32 v7, v11  }
0x7f: {  	[tilespmem:v1+s30+$0x50 ss:$0x1] =	vst.idx.msk $0xffff, v33;
	v24 =	vld.idx.msk [tilespmem:v28+s18+$0x0], $0xffff;
	v28 =	vor.u32 v7, v2  }
0x80: {  	s12 =	simm.s32 $0xB;
	s7 =	simm.s32 $0xC;
	v19 =	vor.u32 v16, v19;
	[tilespmem:v1+s0+$0x20 ss:$0x1] =	vst.idx.msk $0xffff, v31;
	v22 =	vld.idx.msk [tilespmem:v22+s18+$0x0], $0xffff  }
.LBB2_4:
0x81: {  	p0 =	slt.u32 s7, $0x1C;
	v31 =	vmov s12;
	v30 =	vld.idx.msk [tilespmem:v30+s18+$0x0], $0xffff;
	v32 =	vor.u32 v6, v13;
	[tilespmem:v1+s6+$0x70 ss:$0x1] =	vst.idx.msk $0xffff, v29;
	s6 =	smov.u32 s10  }
0x82: {  	v23 =	vld.idx.msk [tilespmem:v23+s18+$0x0], $0xffff;
	v29 =	vand.u32 $0x1F, v31;
	[tilespmem:v1+s31+$0x20 ss:$0x1] =	vst.idx.msk $0xffff, v26;
	v26 =	vor.u32 v16, v15;
	v15 =	vmov v11  }
0x83: {  	v29 =	vbroadcast v29, $0x0;
	[tilespmem:v1+s26+$0x20 ss:$0x1] =	vst.idx.msk $0xffff, v25;
	v25 =	vor.u32 v6, v3;
	v27 =	vld.idx.msk [tilespmem:v27+s18+$0x0], $0xffff  }
0x84: {  	s10 =	sadd.s32 $0x2, s11;
	s11 =	smov.u32 s7;
	v31 =	vor.u32 v16, v14;
	v14 =	vmov v2;
	v2 =	vmov v10;
	v28 =	vld.idx.msk [tilespmem:v28+s18+$0x0], $0xffff;
	[tilespmem:v1+s28+$0x60 ss:$0x1] =	vst.idx.msk $0xffff, v20  }
0x85: {  	v10 =	vmov s10;
	v20 =	vor.u32 v9, v29;
	[tilespmem:v1+s6+$0x30 ss:$0x1] =	vst.idx.msk $0xffff, v24;
	v19 =	vld.idx.msk [tilespmem:v19+s18+$0x0], $0xffff  }
0x86: {  	v10 =	vand.u32 $0x1E, v10;
	v24 =	vor.u32 v6, v15;
	v32 =	vld.idx.msk [tilespmem:v32+s18+$0x0], $0xffff;
	[tilespmem:v1+s29+$0x60 ss:$0x1] =	vst.idx.msk $0xffff, v21  }
0x87: {  	v33 =	vor.u32 v6, v14;
	v11 =	vbroadcast v10, $0x0;
	v21 =	vmov s7;
	[tilespmem:v1+s0+$0x30 ss:$0x1] =	vst.idx.msk $0xffff, v30;
	v26 =	vld.idx.msk [tilespmem:v26+s18+$0x0], $0xffff  }
0x88: {  	v10 =	vand.u32 $0x1C, v21;
	v21 =	vld.idx.msk [tilespmem:v25+s18+$0x0], $0xffff;
	v25 =	vor.u32 v8, v13;
	[tilespmem:v1+s30+$0x60 ss:$0x1] =	vst.idx.msk $0xffff, v22  }
0x89: {  	v10 =	vbroadcast v10, $0x0;
	v22 =	vor.u32 v9, v11;
	[tilespmem:v1+s31+$0x30 ss:$0x1] =	vst.idx.msk $0xffff, v27;
	v27 =	vld.idx.msk [tilespmem:v31+s18+$0x0], $0xffff  }
0x8a: {  	v20 =	vld.idx.msk [tilespmem:v20+s18+$0x0], $0xffff;
	[tilespmem:v1+s26+$0x30 ss:$0x1] =	vst.idx.msk $0xffff, v28;
	v28 =	vor.u32 v8, v3  }
0x8b: {  	v30 =	vor.u32 v9, v10;
	v24 =	vld.idx.msk [tilespmem:v24+s18+$0x0], $0xffff;
	[tilespmem:v1+s28+$0x70 ss:$0x1] =	vst.idx.msk $0xffff, v19;
	s28 =	smov.u32 s0  }
0x8c: {  	s1 =	sadd.s32 $0x1000, s1;
	v19 =	vor.u32 v5, v29;
	v31 =	vld.idx.msk [tilespmem:v33+s18+$0x0], $0xffff;
	[tilespmem:v1+s6+$0x40 ss:$0x1] =	vst.idx.msk $0xffff, v32  }
0x8d: {  	s15 =	sadd.s32 $0x200, s15;
	s0 =	sand.u32 $0x6000, s1;
	v32 =	vor.u32 v8, v15;
	v25 =	vld.idx.msk [tilespmem:v25+s18+$0x0], $0xffff;
	[tilespmem:v1+s29+$0x70 ss:$0x1] =	vst.idx.msk $0xffff, v26;
	s29 =	smov.u32 s31  }
0x8e: {  	s12 =	sadd.s32 $0xFFFFFE80, s15;
	s31 =	sor.u32 $0x10800, s0;
	v26 =	vor.u32 v5, v17;
	s0 =	sand.u32 $0x380, s15;
	v22 =	vld.idx.msk [tilespmem:v22+s18+$0x0], $0xffff;
	[tilespmem:v1+s28+$0x40 ss:$0x1] =	vst.idx.msk $0xffff, v21  }
0x8f: {  	s13 =	sadd.s32 $0xFFFFFF00, s15;
	s14 =	sadd.s32 $0xFFFFFF80, s15;
	s10 =	sor.u32 s0, s31;
	v21 =	vld.idx.msk [tilespmem:v28+s18+$0x0], $0xffff;
	v28 =	vor.u32 v12, v13;
	[tilespmem:v1+s30+$0x70 ss:$0x1] =	vst.idx.msk $0xffff, v27  }
0x90: {  	s0 =	sand.u32 $0x200, s12;
	s12 =	sand.u32 $0x280, s13;
	s13 =	sand.u32 $0x300, s14;
	v27 =	vld.idx.msk [tilespmem:v30+s18+$0x0], $0xffff;
	v30 =	vor.u32 v5, v11;
	[tilespmem:v1+s10+$0x0 ss:$0x1] =	vst.idx.msk $0xffff, v20  }
0x91: {  	s14 =	sor.u32 s0, s31;
	s0 =	sor.u32 s12, s31;
	s31 =	sor.u32 s13, s31;
	v20 =	vor.u32 v5, v2;
	v19 =	vld.idx.msk [tilespmem:v19+s18+$0x0], $0xffff;
	[tilespmem:v1+s29+$0x40 ss:$0x1] =	vst.idx.msk $0xffff, v24  }
0x92: {  	s30 =	smov.u32 s26;
	s26 =	smov.u32 s14;
	[tilespmem:v1+s0+$0x0 ss:$0x1] =	vst.idx.msk $0xffff, v23;
	v23 =	vor.u32 v8, v14;
	v24 =	vld.idx.msk [tilespmem:v32+s18+$0x0], $0xffff  }
0x93: {  	v32 =	vor.u32 v4, v29;
	v26 =	vld.idx.msk [tilespmem:v26+s18+$0x0], $0xffff;
	[tilespmem:v1+s6+$0x50 ss:$0x1] =	vst.idx.msk $0xffff, v25  }
0x94: {  	[tilespmem:v1+s31+$0x0 ss:$0x1] =	vst.idx.msk $0xffff, v22;
	v22 =	vor.u32 v12, v3;
	v25 =	vld.idx.msk [tilespmem:v28+s18+$0x0], $0xffff  }
0x95: {  	v28 =	vor.u32 v4, v17;
	[tilespmem:v1+s26+$0x0 ss:$0x1] =	vst.idx.msk $0xffff, v18;
	v30 =	vld.idx.msk [tilespmem:v30+s18+$0x0], $0xffff  }
0x96: {  	v18 =	vmov v27;
	v33 =	vld.idx.msk [tilespmem:v20+s18+$0x0], $0xffff;
	[tilespmem:v1+s30+$0x40 ss:$0x1] =	vst.idx.msk $0xffff, v31;
	v31 =	vor.u32 v16, v13;
	v13 =	vmov v29  }
0x97: {  	v27 =	vor.u32 v4, v11;
	[tilespmem:v1+s10+$0x10 ss:$0x1] =	vst.idx.msk $0xffff, v19;
	v19 =	vld.idx.msk [tilespmem:v23+s18+$0x0], $0xffff  }
0x98: {  	v34 =	vor.u32 v4, v2;
	s12 =	sadd.s32 $0x1, s7;
	v32 =	vld.idx.msk [tilespmem:v32+s18+$0x0], $0xffff;
	[tilespmem:v1+s28+$0x50 ss:$0x1] =	vst.idx.msk $0xffff, v21  }
0x99: {  	v21 =	vmov s12;
	[tilespmem:v1+s0+$0x10 ss:$0x1] =	vst.idx.msk $0xffff, v26;
	v20 =	vld.idx.msk [tilespmem:v22+s18+$0x0], $0xffff;
	v22 =	vor.u32 v12, v15  }
0x9a: {  	v36 =	vor.u32 v7, v13;
	v21 =	vand.u32 $0x1D, v21;
	v35 =	vld.idx.msk [tilespmem:v28+s18+$0x0], $0xffff;
	[tilespmem:v1+s6+$0x60 ss:$0x1] =	vst.idx.msk $0xffff, v25  }
0x9b: {  	v38 =	vor.u32 v12, v14;
	v37 =	vbroadcast v21, $0x0;
	[tilespmem:v1+s31+$0x10 ss:$0x1] =	vst.idx.msk $0xffff, v30;
	v29 =	vld.idx.msk [tilespmem:v31+s18+$0x0], $0xffff  }
.Ltmp0:
0x9c: {  	v30 =	vor.u32 v7, v17;
	[tilespmem:v1+s26+$0x10 ss:$0x1] =	vst.idx.msk $0xffff, v33;
	v26 =	vld.idx.msk [tilespmem:v27+s18+$0x0], $0xffff;
	(pc) =	sbr.rel @p0 .LBB2_4-.Ltmp0, $4  }
0x9d: {  	v23 =	vor.u32 v9, v37;
	v25 =	vld.idx.msk [tilespmem:v34+s18+$0x0], $0xffff;
	[tilespmem:v1+s29+$0x50 ss:$0x1] =	vst.idx.msk $0xffff, v24  }
0x9e: {  	v27 =	vor.u32 v7, v11;
	[tilespmem:v1+s10+$0x20 ss:$0x1] =	vst.idx.msk $0xffff, v32;
	v21 =	vld.idx.msk [tilespmem:v22+s18+$0x0], $0xffff  }
0x9f: {  	v28 =	vor.u32 v7, v2;
	v24 =	vld.idx.msk [tilespmem:v36+s18+$0x0], $0xffff;
	[tilespmem:v1+s30+$0x50 ss:$0x1] =	vst.idx.msk $0xffff, v19  }
0xa0: {  	s7 =	sadd.s32 $0x4, s7;
	s12 =	sadd.s32 $0x3, s11;
	v19 =	vor.u32 v16, v3;
	v3 =	vmov v17;
	v17 =	vmov v37;
	[tilespmem:v1+s0+$0x20 ss:$0x1] =	vst.idx.msk $0xffff, v35;
	v22 =	vld.idx.msk [tilespmem:v38+s18+$0x0], $0xffff  }
0xa1: {  	_ =	sdelay $0x3  }
0xa2: {  	[tilespmem:v1+s6+$0x70 ss:$0x1] =	vst.idx.msk $0xffff, v29  }
0xa3: {  	[tilespmem:v1+s31+$0x20 ss:$0x1] =	vst.idx.msk $0xffff, v26  }
0xa4: {  	v30 =	vld.idx.msk [tilespmem:v30+s18+$0x0], $0xffff;
	v31 =	vor.u32 v6, v13;
	[tilespmem:v1+s28+$0x60 ss:$0x1] =	vst.idx.msk $0xffff, v20  }
0xa5: {  	v34 =	vmov s12;
	v36 =	vor.u32 v16, v15;
	s12 =	sadd.s32 $0x2, s11;
	[tilespmem:v1+s26+$0x20 ss:$0x1] =	vst.idx.msk $0xffff, v25;
	v19 =	vld.idx.msk [tilespmem:v19+s18+$0x0], $0xffff  }
0xa6: {  	v41 =	vor.u32 v16, v14;
	v35 =	vand.u32 $0x1F, v34;
	v38 =	vld.idx.msk [tilespmem:v27+s18+$0x0], $0xffff;
	v39 =	vmov s12;
	[tilespmem:v1+s29+$0x60 ss:$0x1] =	vst.idx.msk $0xffff, v21  }
0xa7: {  	v37 =	vor.u32 v6, v3;
	v15 =	vbroadcast v35, $0x0;
	v40 =	vld.idx.msk [tilespmem:v28+s18+$0x0], $0xffff;
	v42 =	vand.u32 $0x1E, v39;
	[tilespmem:v1+s10+$0x30 ss:$0x1] =	vst.idx.msk $0xffff, v24  }
0xa8: {  	s1 =	sadd.s32 $0x1000, s1;
	s13 =	sadd.s32 $0x200, s15;
	v14 =	vbroadcast v42, $0x0;
	[tilespmem:v1+s30+$0x60 ss:$0x1] =	vst.idx.msk $0xffff, v22  }
0xa9: {  	s1 =	sand.u32 $0x6000, s1;
	s15 =	sand.u32 $0x380, s13;
	v43 =	vor.u32 v9, v15;
	v44 =	vld.idx.msk [tilespmem:v31+s18+$0x0], $0xffff;
	[tilespmem:v1+s0+$0x30 ss:$0x1] =	vst.idx.msk $0xffff, v30  }
0xaa: {  	s7 =	sadd.s32 $0xFFFFFF00, s13;
	v45 =	vld.idx.msk [tilespmem:v36+s18+$0x0], $0xffff;
	v46 =	vor.u32 v9, v14;
	[tilespmem:v1+s28+$0x70 ss:$0x1] =	vst.idx.msk $0xffff, v19;
	s28 =	sadd.s32 $0xFFFFFF80, s13;
	s13 =	sadd.s32 $0xFFFFFE80, s13  }
0xab: {  	v48 =	vor.u32 v6, v11;
	s14 =	sor.u32 $0x10800, s1;
	v49 =	vld.idx.msk [tilespmem:v41+s18+$0x0], $0xffff;
	[tilespmem:v1+s31+$0x30 ss:$0x1] =	vst.idx.msk $0xffff, v38;
	s13 =	sand.u32 $0x200, s13  }
0xac: {  	v57 =	vor.u32 v6, v2;
	v47 =	vld.idx.msk [tilespmem:v37+s18+$0x0], $0xffff;
	[tilespmem:v1+s26+$0x30 ss:$0x1] =	vst.idx.msk $0xffff, v40;
	s11 =	sor.u32 s13, s14  }
0xad: {  	v51 =	vld.idx.msk [tilespmem:v23+s18+$0x0], $0xffff;
	v56 =	vor.u32 v5, v10;
	[tilespmem:v1+s11+$0x0 ss:$0x1] =	vst.idx.msk $0xffff, v18  }
0xae: {  	v53 =	vor.u32 v5, v17;
	v20 =	vld.idx.msk [tilespmem:v43+s18+$0x0], $0xffff;
	[tilespmem:v1+s10+$0x40 ss:$0x1] =	vst.idx.msk $0xffff, v44  }
0xaf: {  	v52 =	vor.u32 v5, v15;
	[tilespmem:v1+s29+$0x70 ss:$0x1] =	vst.idx.msk $0xffff, v45;
	v9 =	vld.idx.msk [tilespmem:v46+s18+$0x0], $0xffff  }
0xb0: {  	s7 =	sand.u32 $0x280, s7;
	v54 =	vor.u32 v5, v14;
	v55 =	vld.idx.msk [tilespmem:v48+s18+$0x0], $0xffff;
	[tilespmem:v1+s30+$0x70 ss:$0x1] =	vst.idx.msk $0xffff, v49  }
0xb1: {  	v50 =	vor.u32 v8, v13;
	v28 =	vld.idx.msk [tilespmem:v57+s18+$0x0], $0xffff;
	s29 =	sor.u32 s7, s14;
	[tilespmem:v1+s0+$0x40 ss:$0x1] =	vst.idx.msk $0xffff, v47  }
0xb2: {  	v59 =	vor.u32 v8, v3;
	s1 =	sor.u32 s15, s14;
	s12 =	sand.u32 $0x300, s28;
	v5 =	vld.idx.msk [tilespmem:v56+s18+$0x0], $0xffff;
	[tilespmem:v1+s29+$0x0 ss:$0x1] =	vst.idx.msk $0xffff, v51  }
0xb3: {  	v29 =	vor.u32 v4, v10;
	s30 =	sor.u32 s12, s14;
	v19 =	vld.idx.msk [tilespmem:v53+s18+$0x0], $0xffff;
	[tilespmem:v1+s1+$0x0 ss:$0x1] =	vst.idx.msk $0xffff, v20  }
0xb4: {  	v61 =	vor.u32 v4, v17;
	v23 =	vld.idx.msk [tilespmem:v52+s18+$0x0], $0xffff;
	[tilespmem:v1+s30+$0x0 ss:$0x1] =	vst.idx.msk $0xffff, v9  }
0xb5: {  	v60 =	vor.u32 v4, v15;
	[tilespmem:v1+s31+$0x40 ss:$0x1] =	vst.idx.msk $0xffff, v55;
	v62 =	vld.idx.msk [tilespmem:v54+s18+$0x0], $0xffff  }
0xb6: {  	v63 =	vor.u32 v4, v14;
	v58 =	vld.idx.msk [tilespmem:v50+s18+$0x0], $0xffff;
	[tilespmem:v1+s26+$0x40 ss:$0x1] =	vst.idx.msk $0xffff, v28  }
0xb7: {  	v30 =	vor.u32 v12, v13;
	v20 =	vld.idx.msk [tilespmem:v59+s18+$0x0], $0xffff;
	[tilespmem:v1+s11+$0x10 ss:$0x1] =	vst.idx.msk $0xffff, v5  }
0xb8: {  	v37 =	vor.u32 v8, v2;
	v4 =	vld.idx.msk [tilespmem:v29+s18+$0x0], $0xffff;
	[tilespmem:v1+s29+$0x10 ss:$0x1] =	vst.idx.msk $0xffff, v19  }
0xb9: {  	v36 =	vor.u32 v7, v10;
	v9 =	vld.idx.msk [tilespmem:v61+s18+$0x0], $0xffff;
	[tilespmem:v1+s1+$0x10 ss:$0x1] =	vst.idx.msk $0xffff, v23  }
0xba: {  	v33 =	vor.u32 v7, v17;
	v21 =	vld.idx.msk [tilespmem:v60+s18+$0x0], $0xffff;
	[tilespmem:v1+s30+$0x10 ss:$0x1] =	vst.idx.msk $0xffff, v62  }
0xbb: {  	v32 =	vor.u32 v7, v15;
	[tilespmem:v1+s10+$0x50 ss:$0x1] =	vst.idx.msk $0xffff, v58;
	v18 =	vld.idx.msk [tilespmem:v63+s18+$0x0], $0xffff  }
0xbc: {  	v34 =	vor.u32 v7, v14;
	v35 =	vld.idx.msk [tilespmem:v30+s18+$0x0], $0xffff;
	[tilespmem:v1+s0+$0x50 ss:$0x1] =	vst.idx.msk $0xffff, v20  }
0xbd: {  	v31 =	vor.u32 v8, v11;
	v20 =	vld.idx.msk [tilespmem:v37+s18+$0x0], $0xffff;
	[tilespmem:v1+s11+$0x20 ss:$0x1] =	vst.idx.msk $0xffff, v4  }
0xbe: {  	v43 =	vor.u32 v12, v3;
	v7 =	vld.idx.msk [tilespmem:v36+s18+$0x0], $0xffff;
	[tilespmem:v1+s29+$0x20 ss:$0x1] =	vst.idx.msk $0xffff, v9  }
0xbf: {  	v42 =	vor.u32 v6, v10;
	v5 =	vld.idx.msk [tilespmem:v33+s18+$0x0], $0xffff;
	[tilespmem:v1+s1+$0x20 ss:$0x1] =	vst.idx.msk $0xffff, v21  }
0xc0: {  	v40 =	vor.u32 v6, v17;
	v19 =	vld.idx.msk [tilespmem:v32+s18+$0x0], $0xffff;
	[tilespmem:v1+s30+$0x20 ss:$0x1] =	vst.idx.msk $0xffff, v18  }
0xc1: {  	v39 =	vor.u32 v6, v15;
	[tilespmem:v1+s10+$0x60 ss:$0x1] =	vst.idx.msk $0xffff, v35;
	v18 =	vld.idx.msk [tilespmem:v34+s18+$0x0], $0xffff  }
0xc2: {  	v41 =	vor.u32 v6, v14;
	v23 =	vld.idx.msk [tilespmem:v31+s18+$0x0], $0xffff;
	[tilespmem:v1+s26+$0x50 ss:$0x1] =	vst.idx.msk $0xffff, v20  }
0xc3: {  	v38 =	vor.u32 v16, v13;
	v48 =	vld.idx.msk [tilespmem:v43+s18+$0x0], $0xffff;
	[tilespmem:v1+s11+$0x30 ss:$0x1] =	vst.idx.msk $0xffff, v7  }
0xc4: {  	v3 =	vor.u32 v16, v3;
	v6 =	vld.idx.msk [tilespmem:v42+s18+$0x0], $0xffff;
	[tilespmem:v1+s29+$0x30 ss:$0x1] =	vst.idx.msk $0xffff, v5  }
0xc5: {  	v49 =	vor.u32 v8, v10;
	v4 =	vld.idx.msk [tilespmem:v40+s18+$0x0], $0xffff;
	[tilespmem:v1+s1+$0x30 ss:$0x1] =	vst.idx.msk $0xffff, v19  }
0xc6: {  	v46 =	vor.u32 v8, v17;
	v9 =	vld.idx.msk [tilespmem:v39+s18+$0x0], $0xffff;
	[tilespmem:v1+s30+$0x30 ss:$0x1] =	vst.idx.msk $0xffff, v18  }
0xc7: {  	v45 =	vor.u32 v8, v15;
	[tilespmem:v1+s31+$0x50 ss:$0x1] =	vst.idx.msk $0xffff, v23;
	v18 =	vld.idx.msk [tilespmem:v41+s18+$0x0], $0xffff  }
0xc8: {  	v47 =	vor.u32 v8, v14;
	v13 =	vld.idx.msk [tilespmem:v38+s18+$0x0], $0xffff;
	[tilespmem:v1+s0+$0x60 ss:$0x1] =	vst.idx.msk $0xffff, v48  }
0xc9: {  	v50 =	vor.u32 v12, v2;
	v3 =	vld.idx.msk [tilespmem:v3+s18+$0x0], $0xffff;
	[tilespmem:v1+s11+$0x40 ss:$0x1] =	vst.idx.msk $0xffff, v6  }
0xca: {  	v44 =	vor.u32 v12, v11;
	v6 =	vld.idx.msk [tilespmem:v49+s18+$0x0], $0xffff;
	[tilespmem:v1+s29+$0x40 ss:$0x1] =	vst.idx.msk $0xffff, v4  }
0xcb: {  	v55 =	vor.u32 v12, v10;
	v4 =	vld.idx.msk [tilespmem:v46+s18+$0x0], $0xffff;
	[tilespmem:v1+s1+$0x40 ss:$0x1] =	vst.idx.msk $0xffff, v9  }
0xcc: {  	v53 =	vor.u32 v12, v17;
	v5 =	vld.idx.msk [tilespmem:v45+s18+$0x0], $0xffff;
	[tilespmem:v1+s30+$0x40 ss:$0x1] =	vst.idx.msk $0xffff, v18  }
0xcd: {  	v51 =	vor.u32 v12, v15;
	[tilespmem:v1+s10+$0x70 ss:$0x1] =	vst.idx.msk $0xffff, v13;
	v52 =	vld.idx.msk [tilespmem:v47+s18+$0x0], $0xffff  }
0xce: {  	v54 =	vor.u32 v12, v14;
	v13 =	vld.idx.msk [tilespmem:v50+s18+$0x0], $0xffff;
	[tilespmem:v1+s0+$0x70 ss:$0x1] =	vst.idx.msk $0xffff, v3  }
0xcf: {  	v2 =	vor.u32 v16, v2;
	v19 =	vld.idx.msk [tilespmem:v44+s18+$0x0], $0xffff;
	[tilespmem:v1+s11+$0x50 ss:$0x1] =	vst.idx.msk $0xffff, v6  }
0xd0: {  	v56 =	vor.u32 v16, v11;
	v60 =	vld.idx.msk [tilespmem:v55+s18+$0x0], $0xffff;
	[tilespmem:v1+s29+$0x50 ss:$0x1] =	vst.idx.msk $0xffff, v4  }
0xd1: {  	v3 =	vor.u32 v16, v10;
	v58 =	vld.idx.msk [tilespmem:v53+s18+$0x0], $0xffff;
	[tilespmem:v1+s1+$0x50 ss:$0x1] =	vst.idx.msk $0xffff, v5  }
0xd2: {  	v59 =	vor.u32 v16, v17;
	v5 =	vld.idx.msk [tilespmem:v51+s18+$0x0], $0xffff;
	[tilespmem:v1+s30+$0x50 ss:$0x1] =	vst.idx.msk $0xffff, v52  }
0xd3: {  	v57 =	vor.u32 v16, v15;
	[tilespmem:v1+s26+$0x60 ss:$0x1] =	vst.idx.msk $0xffff, v13;
	v8 =	vld.idx.msk [tilespmem:v54+s18+$0x0], $0xffff  }
0xd4: {  	v61 =	vor.u32 v16, v14;
	v2 =	vld.idx.msk [tilespmem:v2+s18+$0x0], $0xffff;
	[tilespmem:v1+s31+$0x60 ss:$0x1] =	vst.idx.msk $0xffff, v19  }
0xd5: {  	v11 =	vld.idx.msk [tilespmem:v56+s18+$0x0], $0xffff;
	[tilespmem:v1+s11+$0x60 ss:$0x1] =	vst.idx.msk $0xffff, v60  }
0xd6: {  	v3 =	vld.idx.msk [tilespmem:v3+s18+$0x0], $0xffff;
	[tilespmem:v1+s29+$0x60 ss:$0x1] =	vst.idx.msk $0xffff, v58  }
0xd7: {  	v62 =	vld.idx.msk [tilespmem:v59+s18+$0x0], $0xffff;
	[tilespmem:v1+s1+$0x60 ss:$0x1] =	vst.idx.msk $0xffff, v5  }
0xd8: {  	s25 =	sadd.s32 $0x1, s25;
	v4 =	vld.idx.msk [tilespmem:v57+s18+$0x0], $0xffff;
	[tilespmem:v1+s30+$0x60 ss:$0x1] =	vst.idx.msk $0xffff, v8  }
0xd9: {  	p0 =	sne.s32 s25, $0x8;
	[tilespmem:v1+s26+$0x70 ss:$0x1] =	vst.idx.msk $0xffff, v2;
	v63 =	vld.idx.msk [tilespmem:v61+s18+$0x0], $0xffff  }
.Ltmp1:
0xda: {  	[tilespmem:v1+s31+$0x70 ss:$0x1] =	vst.idx.msk $0xffff, v11;
	(pc) =	sbr.rel @p0 .LBB2_3-.Ltmp1, $4  }
0xdb: {  	[tilespmem:v1+s11+$0x70 ss:$0x1] =	vst.idx.msk $0xffff, v3  }
0xdc: {  	[tilespmem:v1+s29+$0x70 ss:$0x1] =	vst.idx.msk $0xffff, v62  }
0xdd: {  	[tilespmem:v1+s1+$0x70 ss:$0x1] =	vst.idx.msk $0xffff, v4  }
0xde: {  	[tilespmem:v1+s30+$0x70 ss:$0x1] =	vst.idx.msk $0xffff, v63  }
0xdf: {  	s0 =	sshll.u32 s23, $0xC;
	s1 =	sshll.u32 s23, $0xA  }
0xe0: {  	s6 =	sand.u32 $0x7FFE0000, s0;
	s1 =	sand.u32 $0x6000, s1  }
0xe1: {  	s6 =	sor.u32 s1, s6  }
0xe2: {  	s23 =	simm.s32 $0x0;
	s6 =	sshrl.u32 s6, $0x3  }
0xe3: {  	s31 =	simm.s32 $0x10800;
	s0 =	sor.u32 s0, s1;
	s7 =	sadd.s32 s2, s6  }
0xe4: {  	[hbm4b:s7+s23] =	stream.linear.scatter [tilespmem:s31], [sflag:$0x3], $0x2000, $0x38;
	[tilespmem:$0x18800] =	vst v63  }
0xe5: {  	s10 =	simm.s32 $0x12800;
	s0 =	sshrl.u32 s0, $0x3;
	s28 =	sadd.s32 s6, s8  }
0xe6: {  	[hbm4b:s28+s23] =	stream.linear.scatter [tilespmem:s10], [sflag:$0x3], $0x2000, $0x38;
	[tilespmem:$0x18800] =	vst v63  }
0xe7: {  	s29 =	simm.s32 $0x14800;
	s6 =	sadd.s32 s6, s9;
	s0 =	sor.u32 $0x3000, s0  }
0xe8: {  	[hbm4b:s6+s23] =	stream.linear.scatter [tilespmem:s29], [sflag:$0x3], $0x2000, $0x38;
	[tilespmem:$0x18800] =	vst v63  }
0xe9: {  	s30 =	simm.s32 $0x16800;
	s0 =	sadd.s32 s2, s0;
	s6 =	rddreg [dreg:$0x5]  }
0xea: {  	[hbm4b:s0+s23] =	stream.linear.scatter [tilespmem:s30], [sflag:$0x3], $0x2000, $0x38;
	[tilespmem:$0x18800] =	vst v63  }
0xeb: {  	s0 =	sadd.s32 s22, s6  }
0xec: {  	s0 =	sshll.u32 s0, $0x4  }
0xed: {  	s0 =	sand.u32 $0x1FFFFF80, s0  }
0xee: {  	s0 =	sadd.s32 s4, s0  }
0xef: {  	[tilespmem:s23], [sflag:$0x4] =	stream.linear.gather [hbm4b:s0+s23], $0x400, $0x38;
	[tilespmem:$0x18800] =	vst v63  }
0xf0: {  	_ =	swait.ge [sflag:s16], $0x400  }
0xf1: {  	[sflag:s16] =	ssyncset.done $0x0  }
0xf2: {  	[sflag:s16] =	ssyncadd.s32 $0xFFFFFC00  }
0xf3: {  	[tilespmem:s18], [sflag:$0x1] =	stream.indirect.gather [hbm4b:s5+s17], $0x20, s23, s17, $0xb8;
	[tilespmem:$0x18800] =	vst v63  }
0xf4: {  	s7 =	simm.s32 $0x1800  }
0xf5: {  	[tilespmem:s7], [sflag:$0x1] =	stream.indirect.gather [hbm4b:s5+s17], $0x20, s17, s17, $0xb8;
	[tilespmem:$0x18800] =	vst v63  }
0xf6: {  	s11 =	simm.s32 $0x2800;
	s10 =	simm.s32 $0x100  }
0xf7: {  	[tilespmem:s11], [sflag:$0x1] =	stream.indirect.gather [hbm4b:s5+s17], $0x20, s10, s17, $0xb8;
	[tilespmem:$0x18800] =	vst v63  }
0xf8: {  	s12 =	simm.s32 $0x180;
	s13 =	simm.s32 $0x3800  }
0xf9: {  	[tilespmem:s13], [sflag:$0x1] =	stream.indirect.gather [hbm4b:s5+s17], $0x20, s12, s17, $0xb8;
	[tilespmem:$0x18800] =	vst v63  }
0xfa: {  	s14 =	simm.s32 $0x200;
	s15 =	simm.s32 $0x4800  }
0xfb: {  	[tilespmem:s15], [sflag:$0x1] =	stream.indirect.gather [hbm4b:s5+s17], $0x20, s14, s17, $0xb8;
	[tilespmem:$0x18800] =	vst v63  }
0xfc: {  	s24 =	simm.s32 $0x5800;
	s22 =	simm.s32 $0x280  }
0xfd: {  	[tilespmem:s24], [sflag:$0x1] =	stream.indirect.gather [hbm4b:s5+s17], $0x20, s22, s17, $0xb8;
	[tilespmem:$0x18800] =	vst v63  }
0xfe: {  	s25 =	simm.s32 $0x300;
	s26 =	simm.s32 $0x6800  }
0xff: {  	[tilespmem:s26], [sflag:$0x1] =	stream.indirect.gather [hbm4b:s5+s17], $0x20, s25, s17, $0xb8;
	[tilespmem:$0x18800] =	vst v63  }
0x100: {  	s28 =	simm.s32 $0x380;
	s29 =	simm.s32 $0x7800;
	s30 =	simm.s32 $0x2  }
0x101: {  	[tilespmem:s29], [sflag:$0x1] =	stream.indirect.gather [hbm4b:s5+s17], $0x20, s28, s17, $0xb8;
	[tilespmem:$0x18800] =	vst v63  }
0x102: {  	_ =	swait.ge [sflag:s30], $0x8000  }
0x103: {  	[sflag:s30] =	ssyncset.done $0x0  }
0x104: {  	[sflag:s30] =	ssyncadd.s32 $0xFFFF8000  }
0x105: {  	_ =	swait.ge [sflag:s19], $0x8000  }
0x106: {  	[sflag:s19] =	ssyncset.done $0x0  }
0x107: {  	s22 =	simm.s32 $0x0;
	[sflag:s19] =	ssyncadd.s32 $0xFFFF8000  }
.LBB2_7:
0x108: {  	s7 =	sshll.u32 s22, $0x7;
	s0 =	simm.s32 $0x3  }
0x109: {  	s15 =	simm.s32 $0x1;
	s1 =	sor.u32 $0x400, s7;
	v1 =	vmov s0  }
0x10a: {  	v3 =	vmov s15;
	v2 =	vmov s1;
	v1 =	vand.u32 $0x1F, v1  }
0x10b: {  	s24 =	simm.s32 $0x2;
	v2 =	vshll.u32 v2, $0x5;
	v17 =	vbroadcast v1, $0x0;
	v1 =	vand.u32 $0x1D, v3  }
0x10c: {  	v9 =	vor.u32 v0, v2;
	v19 =	vbroadcast v1, $0x0;
	v1 =	vmov s24  }
0x10d: {  	v3 =	vmov s23;
	v2 =	vor.u32 v9, v17;
	v1 =	vand.u32 $0x1E, v1  }
0x10e: {  	v3 =	vand.u32 $0x1C, v3;
	v4 =	vor.u32 v9, v19;
	v15 =	vbroadcast v1, $0x0  }
0x10f: {  	s25 =	sor.u32 $0x410, s7;
	v14 =	vbroadcast v3, $0x0  }
0x110: {  	v1 =	vmov s25;
	v3 =	vor.u32 v9, v15  }
0x111: {  	s26 =	sshll.u32 s22, $0xA;
	v1 =	vshll.u32 v1, $0x5;
	v6 =	vor.u32 v9, v14  }
0x112: {  	v5 =	vor.u32 v0, v1;
	v1 =	vmov s26;
	v2 =	vld.idx.msk [tilespmem:v2+s18+$0x0], $0xffff  }
0x113: {  	v7 =	vor.u32 v5, v17;
	v8 =	vld.idx.msk [tilespmem:v4+s18+$0x0], $0xffff  }
0x114: {  	s30 =	simm.s32 $0x180;
	s10 =	sand.u32 $0x6000, s23;
	s6 =	sor.u32 $0x420, s7;
	v10 =	vor.u32 v5, v19  }
0x115: {  	s0 =	sand.u32 $0x380, s30;
	s1 =	sor.u32 $0x10800, s10;
	s10 =	simm.s32 $0x80;
	v3 =	vld.idx.msk [tilespmem:v3+s18+$0x0], $0xffff  }
0x116: {  	s11 =	sand.u32 $0x280, s10;
	v11 =	vor.u32 v5, v15;
	v4 =	vmov s6;
	s6 =	sor.u32 s0, s1;
	v6 =	vld.idx.msk [tilespmem:v6+s18+$0x0], $0xffff  }
0x117: {  	s12 =	simm.s32 $0x100;
	s25 =	sor.u32 s11, s1;
	v4 =	vshll.u32 v4, $0x5;
	[tilespmem:v1+s6+$0x0 ss:$0x1] =	vst.idx.msk $0xffff, v2;
	v2 =	vor.u32 v5, v14  }
0x118: {  	s13 =	simm.s32 $0x0;
	s10 =	sand.u32 $0x300, s12;
	v4 =	vor.u32 v0, v4;
	v7 =	vld.idx.msk [tilespmem:v7+s18+$0x0], $0xffff;
	[tilespmem:v1+s25+$0x0 ss:$0x1] =	vst.idx.msk $0xffff, v8  }
0x119: {  	s26 =	sor.u32 s10, s1;
	s0 =	sand.u32 $0x200, s13;
	v8 =	vor.u32 v4, v17;
	v10 =	vld.idx.msk [tilespmem:v10+s18+$0x0], $0xffff  }
0x11a: {  	s14 =	sor.u32 $0x430, s7;
	s28 =	sor.u32 s0, s1;
	[tilespmem:v1+s26+$0x0 ss:$0x1] =	vst.idx.msk $0xffff, v3;
	v3 =	vor.u32 v4, v19  }
0x11b: {  	v12 =	vmov s14;
	[tilespmem:v1+s28+$0x0 ss:$0x1] =	vst.idx.msk $0xffff, v6;
	v6 =	vld.idx.msk [tilespmem:v11+s18+$0x0], $0xffff  }
0x11c: {  	s15 =	simm.s32 $0x4;
	v13 =	vor.u32 v4, v15;
	v11 =	vshll.u32 v12, $0x5;
	v12 =	vld.idx.msk [tilespmem:v2+s18+$0x0], $0xffff  }
0x11d: {  	s24 =	sor.u32 $0x440, s7;
	v2 =	vmov s15;
	[tilespmem:v1+s6+$0x10 ss:$0x1] =	vst.idx.msk $0xffff, v7;
	v7 =	vor.u32 v0, v11;
	v11 =	vor.u32 v4, v14  }
0x11e: {  	v16 =	vmov s24;
	v2 =	vand.u32 $0x1C, v2;
	v8 =	vld.idx.msk [tilespmem:v8+s18+$0x0], $0xffff;
	[tilespmem:v1+s25+$0x10 ss:$0x1] =	vst.idx.msk $0xffff, v10  }
0x11f: {  	s30 =	simm.s32 $0x5;
	v10 =	vor.u32 v7, v17;
	v2 =	vbroadcast v2, $0x0;
	v18 =	vld.idx.msk [tilespmem:v3+s18+$0x0], $0xffff;
	v3 =	vshll.u32 v16, $0x5  }
0x120: {  	v16 =	vor.u32 v7, v19;
	[tilespmem:v1+s26+$0x10 ss:$0x1] =	vst.idx.msk $0xffff, v6;
	v6 =	vor.u32 v0, v3;
	v3 =	vmov s30  }
0x121: {  	v20 =	vor.u32 v9, v2;
	[tilespmem:v1+s28+$0x10 ss:$0x1] =	vst.idx.msk $0xffff, v12;
	v12 =	vld.idx.msk [tilespmem:v13+s18+$0x0], $0xffff;
	v3 =	vand.u32 $0x1D, v3  }
0x122: {  	s1 =	simm.s32 $0x7;
	v21 =	vor.u32 v7, v15;
	v11 =	vld.idx.msk [tilespmem:v11+s18+$0x0], $0xffff;
	v3 =	vbroadcast v3, $0x0  }
0x123: {  	v22 =	vor.u32 v7, v14;
	[tilespmem:v1+s6+$0x20 ss:$0x1] =	vst.idx.msk $0xffff, v8;
	v8 =	vmov s1  }
0x124: {  	v10 =	vld.idx.msk [tilespmem:v10+s18+$0x0], $0xffff;
	[tilespmem:v1+s25+$0x20 ss:$0x1] =	vst.idx.msk $0xffff, v18;
	v8 =	vand.u32 $0x1F, v8;
	v24 =	vor.u32 v9, v3  }
0x125: {  	s10 =	sor.u32 $0x450, s7;
	v18 =	vor.u32 v6, v17;
	v16 =	vld.idx.msk [tilespmem:v16+s18+$0x0], $0xffff;
	v13 =	vbroadcast v8, $0x0  }
0x126: {  	v23 =	vmov s10;
	v20 =	vld.idx.msk [tilespmem:v20+s18+$0x0], $0xffff;
	[tilespmem:v1+s26+$0x20 ss:$0x1] =	vst.idx.msk $0xffff, v12;
	v12 =	vor.u32 v6, v19  }
0x127: {  	s11 =	simm.s32 $0x6;
	v8 =	vshll.u32 v23, $0x5;
	[tilespmem:v1+s28+$0x20 ss:$0x1] =	vst.idx.msk $0xffff, v11;
	v21 =	vld.idx.msk [tilespmem:v21+s18+$0x0], $0xffff;
	v23 =	vor.u32 v9, v13  }
0x128: {  	v25 =	vor.u32 v6, v15;
	v27 =	vor.u32 v6, v14;
	v11 =	vmov s11;
	v22 =	vld.idx.msk [tilespmem:v22+s18+$0x0], $0xffff  }
0x129: {  	s1 =	simm.s32 $0x1000;
	v31 =	vor.u32 v5, v3;
	s11 =	simm.s32 $0x8;
	[tilespmem:v1+s6+$0x30 ss:$0x1] =	vst.idx.msk $0xffff, v10;
	v10 =	vand.u32 $0x1E, v11;
	v24 =	vld.idx.msk [tilespmem:v24+s18+$0x0], $0xffff  }
0x12a: {  	s12 =	sor.u32 $0x460, s7;
	s13 =	sand.u32 $0x6000, s1;
	v8 =	vor.u32 v0, v8;
	v26 =	vmov s11;
	v18 =	vld.idx.msk [tilespmem:v18+s18+$0x0], $0xffff;
	v11 =	vbroadcast v10, $0x0;
	[tilespmem:v1+s25+$0x30 ss:$0x1] =	vst.idx.msk $0xffff, v16  }
0x12b: {  	v10 =	vand.u32 $0x1C, v26;
	v16 =	vor.u32 v8, v17;
	v26 =	vld.idx.msk [tilespmem:v12+s18+$0x0], $0xffff;
	v12 =	vmov s12;
	s12 =	sor.u32 $0x10800, s13;
	s13 =	simm.s32 $0x280  }
0x12c: {  	v10 =	vbroadcast v10, $0x0;
	v28 =	vor.u32 v9, v11;
	[tilespmem:v1+s26+$0x30 ss:$0x1] =	vst.idx.msk $0xffff, v21;
	v21 =	vld.idx.msk [tilespmem:v23+s18+$0x0], $0xffff;
	s24 =	sand.u32 $0x280, s13  }
0x12d: {  	s15 =	simm.s32 $0x380;
	v23 =	vor.u32 v8, v19;
	[tilespmem:v1+s28+$0x30 ss:$0x1] =	vst.idx.msk $0xffff, v22;
	v25 =	vld.idx.msk [tilespmem:v25+s18+$0x0], $0xffff;
	s0 =	sor.u32 s24, s12  }
0x12e: {  	s14 =	sand.u32 $0x380, s15;
	v22 =	vor.u32 v9, v10;
	v27 =	vld.idx.msk [tilespmem:v27+s18+$0x0], $0xffff;
	[tilespmem:v1+s0+$0x0 ss:$0x1] =	vst.idx.msk $0xffff, v24  }
0x12f: {  	v29 =	vor.u32 v5, v13;
	s10 =	sor.u32 s14, s12;
	s14 =	simm.s32 $0x200;
	[tilespmem:v1+s6+$0x40 ss:$0x1] =	vst.idx.msk $0xffff, v18;
	v31 =	vld.idx.msk [tilespmem:v31+s18+$0x0], $0xffff  }
0x130: {  	v30 =	vor.u32 v8, v15;
	v12 =	vshll.u32 v12, $0x5;
	s24 =	sand.u32 $0x200, s14;
	v16 =	vld.idx.msk [tilespmem:v16+s18+$0x0], $0xffff  }
0x131: {  	v12 =	vor.u32 v0, v12;
	v24 =	vor.u32 v8, v14;
	s24 =	sor.u32 s24, s12;
	[tilespmem:v1+s25+$0x40 ss:$0x1] =	vst.idx.msk $0xffff, v26;
	v28 =	vld.idx.msk [tilespmem:v28+s18+$0x0], $0xffff  }
0x132: {  	[tilespmem:v1+s24+$0x0 ss:$0x1] =	vst.idx.msk $0xffff, v20;
	v26 =	vor.u32 v12, v17;
	v23 =	vld.idx.msk [tilespmem:v23+s18+$0x0], $0xffff  }
0x133: {  	[tilespmem:v1+s10+$0x0 ss:$0x1] =	vst.idx.msk $0xffff, v21;
	v21 =	vor.u32 v5, v2;
	v18 =	vld.idx.msk [tilespmem:v22+s18+$0x0], $0xffff  }
0x134: {  	s7 =	sor.u32 $0x470, s7;
	s30 =	simm.s32 $0x300;
	v22 =	vor.u32 v5, v11;
	v29 =	vld.idx.msk [tilespmem:v29+s18+$0x0], $0xffff;
	[tilespmem:v1+s26+$0x40 ss:$0x1] =	vst.idx.msk $0xffff, v25  }
0x135: {  	v32 =	vor.u32 v4, v13;
	s13 =	sand.u32 $0x300, s30;
	v25 =	vmov s7;
	v30 =	vld.idx.msk [tilespmem:v30+s18+$0x0], $0xffff;
	[tilespmem:v1+s28+$0x40 ss:$0x1] =	vst.idx.msk $0xffff, v27  }
0x136: {  	s29 =	sor.u32 s13, s12;
	v33 =	vld.idx.msk [tilespmem:v24+s18+$0x0], $0xffff;
	[tilespmem:v1+s6+$0x50 ss:$0x1] =	vst.idx.msk $0xffff, v16;
	v16 =	vshll.u32 v25, $0x5;
	v25 =	vor.u32 v12, v19  }
0x137: {  	[tilespmem:v1+s29+$0x0 ss:$0x1] =	vst.idx.msk $0xffff, v28;
	v26 =	vld.idx.msk [tilespmem:v26+s18+$0x0], $0xffff;
	v16 =	vor.u32 v0, v16;
	v28 =	vor.u32 v4, v3  }
0x138: {  	v21 =	vld.idx.msk [tilespmem:v21+s18+$0x0], $0xffff;
	v17 =	vor.u32 v16, v17  }
0x139: {  	v22 =	vld.idx.msk [tilespmem:v22+s18+$0x0], $0xffff;
	[tilespmem:v1+s10+$0x10 ss:$0x1] =	vst.idx.msk $0xffff, v29  }
0x13a: {  	[tilespmem:v1+s25+$0x50 ss:$0x1] =	vst.idx.msk $0xffff, v23;
	v23 =	vor.u32 v12, v15;
	v32 =	vld.idx.msk [tilespmem:v32+s18+$0x0], $0xffff  }
0x13b: {  	s30 =	simm.s32 $0x9;
	v27 =	vor.u32 v4, v11;
	[tilespmem:v1+s0+$0x10 ss:$0x1] =	vst.idx.msk $0xffff, v31;
	v20 =	vld.idx.msk [tilespmem:v25+s18+$0x0], $0xffff  }
0x13c: {  	v24 =	vor.u32 v4, v2;
	v25 =	vmov s30;
	v31 =	vld.idx.msk [tilespmem:v28+s18+$0x0], $0xffff;
	[tilespmem:v1+s6+$0x60 ss:$0x1] =	vst.idx.msk $0xffff, v26  }
0x13d: {  	[tilespmem:v1+s26+$0x50 ss:$0x1] =	vst.idx.msk $0xffff, v30;
	v28 =	vor.u32 v7, v13;
	v29 =	vld.idx.msk [tilespmem:v17+s18+$0x0], $0xffff;
	v17 =	vand.u32 $0x1D, v25  }
0x13e: {  	[tilespmem:v1+s29+$0x10 ss:$0x1] =	vst.idx.msk $0xffff, v22;
	v22 =	vor.u32 v12, v14;
	v17 =	vbroadcast v17, $0x0  }
0x13f: {  	v30 =	vor.u32 v7, v3;
	[tilespmem:v1+s24+$0x10 ss:$0x1] =	vst.idx.msk $0xffff, v21;
	v21 =	vld.idx.msk [tilespmem:v23+s18+$0x0], $0xffff  }
0x140: {  	v26 =	vld.idx.msk [tilespmem:v27+s18+$0x0], $0xffff;
	v23 =	vor.u32 v9, v17  }
0x141: {  	v25 =	vld.idx.msk [tilespmem:v24+s18+$0x0], $0xffff;
	[tilespmem:v1+s10+$0x20 ss:$0x1] =	vst.idx.msk $0xffff, v32;
	v27 =	vor.u32 v7, v11  }
0x142: {  	[tilespmem:v1+s28+$0x50 ss:$0x1] =	vst.idx.msk $0xffff, v33;
	v24 =	vld.idx.msk [tilespmem:v28+s18+$0x0], $0xffff;
	v28 =	vor.u32 v7, v2  }
0x143: {  	s12 =	simm.s32 $0xB;
	s7 =	simm.s32 $0xC;
	v19 =	vor.u32 v16, v19;
	[tilespmem:v1+s0+$0x20 ss:$0x1] =	vst.idx.msk $0xffff, v31;
	v22 =	vld.idx.msk [tilespmem:v22+s18+$0x0], $0xffff  }
.LBB2_8:
0x144: {  	p0 =	slt.u32 s7, $0x1C;
	v31 =	vmov s12;
	v30 =	vld.idx.msk [tilespmem:v30+s18+$0x0], $0xffff;
	v32 =	vor.u32 v6, v13;
	[tilespmem:v1+s6+$0x70 ss:$0x1] =	vst.idx.msk $0xffff, v29;
	s6 =	smov.u32 s10  }
0x145: {  	v23 =	vld.idx.msk [tilespmem:v23+s18+$0x0], $0xffff;
	v29 =	vand.u32 $0x1F, v31;
	[tilespmem:v1+s29+$0x20 ss:$0x1] =	vst.idx.msk $0xffff, v26;
	v26 =	vor.u32 v16, v15;
	v15 =	vmov v11  }
0x146: {  	v29 =	vbroadcast v29, $0x0;
	[tilespmem:v1+s24+$0x20 ss:$0x1] =	vst.idx.msk $0xffff, v25;
	v25 =	vor.u32 v6, v3;
	v27 =	vld.idx.msk [tilespmem:v27+s18+$0x0], $0xffff  }
0x147: {  	s10 =	sadd.s32 $0x2, s11;
	s11 =	smov.u32 s7;
	v31 =	vor.u32 v16, v14;
	v14 =	vmov v2;
	v2 =	vmov v10;
	v28 =	vld.idx.msk [tilespmem:v28+s18+$0x0], $0xffff;
	[tilespmem:v1+s25+$0x60 ss:$0x1] =	vst.idx.msk $0xffff, v20  }
0x148: {  	v10 =	vmov s10;
	v20 =	vor.u32 v9, v29;
	[tilespmem:v1+s6+$0x30 ss:$0x1] =	vst.idx.msk $0xffff, v24;
	v19 =	vld.idx.msk [tilespmem:v19+s18+$0x0], $0xffff  }
0x149: {  	v10 =	vand.u32 $0x1E, v10;
	v24 =	vor.u32 v6, v15;
	v32 =	vld.idx.msk [tilespmem:v32+s18+$0x0], $0xffff;
	[tilespmem:v1+s26+$0x60 ss:$0x1] =	vst.idx.msk $0xffff, v21  }
0x14a: {  	v33 =	vor.u32 v6, v14;
	v11 =	vbroadcast v10, $0x0;
	v21 =	vmov s7;
	[tilespmem:v1+s0+$0x30 ss:$0x1] =	vst.idx.msk $0xffff, v30;
	v26 =	vld.idx.msk [tilespmem:v26+s18+$0x0], $0xffff  }
0x14b: {  	v10 =	vand.u32 $0x1C, v21;
	v21 =	vld.idx.msk [tilespmem:v25+s18+$0x0], $0xffff;
	v25 =	vor.u32 v8, v13;
	[tilespmem:v1+s28+$0x60 ss:$0x1] =	vst.idx.msk $0xffff, v22  }
0x14c: {  	v10 =	vbroadcast v10, $0x0;
	v22 =	vor.u32 v9, v11;
	[tilespmem:v1+s29+$0x30 ss:$0x1] =	vst.idx.msk $0xffff, v27;
	v27 =	vld.idx.msk [tilespmem:v31+s18+$0x0], $0xffff  }
0x14d: {  	v20 =	vld.idx.msk [tilespmem:v20+s18+$0x0], $0xffff;
	[tilespmem:v1+s24+$0x30 ss:$0x1] =	vst.idx.msk $0xffff, v28;
	v28 =	vor.u32 v8, v3  }
0x14e: {  	v30 =	vor.u32 v9, v10;
	v24 =	vld.idx.msk [tilespmem:v24+s18+$0x0], $0xffff;
	[tilespmem:v1+s25+$0x70 ss:$0x1] =	vst.idx.msk $0xffff, v19;
	s25 =	smov.u32 s0  }
0x14f: {  	s1 =	sadd.s32 $0x1000, s1;
	v19 =	vor.u32 v5, v29;
	v31 =	vld.idx.msk [tilespmem:v33+s18+$0x0], $0xffff;
	[tilespmem:v1+s6+$0x40 ss:$0x1] =	vst.idx.msk $0xffff, v32  }
0x150: {  	s15 =	sadd.s32 $0x200, s15;
	s0 =	sand.u32 $0x6000, s1;
	v32 =	vor.u32 v8, v15;
	v25 =	vld.idx.msk [tilespmem:v25+s18+$0x0], $0xffff;
	[tilespmem:v1+s26+$0x70 ss:$0x1] =	vst.idx.msk $0xffff, v26;
	s26 =	smov.u32 s29  }
0x151: {  	s12 =	sadd.s32 $0xFFFFFE80, s15;
	s13 =	sor.u32 $0x10800, s0;
	s0 =	sand.u32 $0x380, s15;
	v26 =	vor.u32 v5, v17;
	v22 =	vld.idx.msk [tilespmem:v22+s18+$0x0], $0xffff;
	[tilespmem:v1+s25+$0x40 ss:$0x1] =	vst.idx.msk $0xffff, v21  }
0x152: {  	s14 =	sadd.s32 $0xFFFFFF00, s15;
	s29 =	sadd.s32 $0xFFFFFF80, s15;
	s10 =	sor.u32 s0, s13;
	v21 =	vld.idx.msk [tilespmem:v28+s18+$0x0], $0xffff;
	v28 =	vor.u32 v12, v13;
	[tilespmem:v1+s28+$0x70 ss:$0x1] =	vst.idx.msk $0xffff, v27  }
0x153: {  	s0 =	sand.u32 $0x200, s12;
	s12 =	sand.u32 $0x280, s14;
	s14 =	sand.u32 $0x300, s29;
	v27 =	vld.idx.msk [tilespmem:v30+s18+$0x0], $0xffff;
	v30 =	vor.u32 v5, v11;
	[tilespmem:v1+s10+$0x0 ss:$0x1] =	vst.idx.msk $0xffff, v20  }
0x154: {  	s30 =	sor.u32 s0, s13;
	s0 =	sor.u32 s12, s13;
	s29 =	sor.u32 s14, s13;
	v20 =	vor.u32 v5, v2;
	v19 =	vld.idx.msk [tilespmem:v19+s18+$0x0], $0xffff;
	[tilespmem:v1+s26+$0x40 ss:$0x1] =	vst.idx.msk $0xffff, v24  }
0x155: {  	s28 =	smov.u32 s24;
	s24 =	smov.u32 s30;
	[tilespmem:v1+s0+$0x0 ss:$0x1] =	vst.idx.msk $0xffff, v23;
	v23 =	vor.u32 v8, v14;
	v24 =	vld.idx.msk [tilespmem:v32+s18+$0x0], $0xffff  }
0x156: {  	v32 =	vor.u32 v4, v29;
	v26 =	vld.idx.msk [tilespmem:v26+s18+$0x0], $0xffff;
	[tilespmem:v1+s6+$0x50 ss:$0x1] =	vst.idx.msk $0xffff, v25  }
0x157: {  	[tilespmem:v1+s29+$0x0 ss:$0x1] =	vst.idx.msk $0xffff, v22;
	v22 =	vor.u32 v12, v3;
	v25 =	vld.idx.msk [tilespmem:v28+s18+$0x0], $0xffff  }
0x158: {  	v28 =	vor.u32 v4, v17;
	[tilespmem:v1+s24+$0x0 ss:$0x1] =	vst.idx.msk $0xffff, v18;
	v30 =	vld.idx.msk [tilespmem:v30+s18+$0x0], $0xffff  }
0x159: {  	v18 =	vmov v27;
	v33 =	vld.idx.msk [tilespmem:v20+s18+$0x0], $0xffff;
	[tilespmem:v1+s28+$0x40 ss:$0x1] =	vst.idx.msk $0xffff, v31;
	v31 =	vor.u32 v16, v13;
	v13 =	vmov v29  }
0x15a: {  	v27 =	vor.u32 v4, v11;
	[tilespmem:v1+s10+$0x10 ss:$0x1] =	vst.idx.msk $0xffff, v19;
	v19 =	vld.idx.msk [tilespmem:v23+s18+$0x0], $0xffff  }
0x15b: {  	v34 =	vor.u32 v4, v2;
	s12 =	sadd.s32 $0x1, s7;
	v32 =	vld.idx.msk [tilespmem:v32+s18+$0x0], $0xffff;
	[tilespmem:v1+s25+$0x50 ss:$0x1] =	vst.idx.msk $0xffff, v21  }
0x15c: {  	v21 =	vmov s12;
	[tilespmem:v1+s0+$0x10 ss:$0x1] =	vst.idx.msk $0xffff, v26;
	v20 =	vld.idx.msk [tilespmem:v22+s18+$0x0], $0xffff;
	v22 =	vor.u32 v12, v15  }
0x15d: {  	v36 =	vor.u32 v7, v13;
	v21 =	vand.u32 $0x1D, v21;
	v35 =	vld.idx.msk [tilespmem:v28+s18+$0x0], $0xffff;
	[tilespmem:v1+s6+$0x60 ss:$0x1] =	vst.idx.msk $0xffff, v25  }
0x15e: {  	v38 =	vor.u32 v12, v14;
	v37 =	vbroadcast v21, $0x0;
	[tilespmem:v1+s29+$0x10 ss:$0x1] =	vst.idx.msk $0xffff, v30;
	v29 =	vld.idx.msk [tilespmem:v31+s18+$0x0], $0xffff  }
.Ltmp2:
0x15f: {  	v30 =	vor.u32 v7, v17;
	[tilespmem:v1+s24+$0x10 ss:$0x1] =	vst.idx.msk $0xffff, v33;
	v26 =	vld.idx.msk [tilespmem:v27+s18+$0x0], $0xffff;
	(pc) =	sbr.rel @p0 .LBB2_8-.Ltmp2, $4  }
0x160: {  	v23 =	vor.u32 v9, v37;
	v25 =	vld.idx.msk [tilespmem:v34+s18+$0x0], $0xffff;
	[tilespmem:v1+s26+$0x50 ss:$0x1] =	vst.idx.msk $0xffff, v24  }
0x161: {  	v27 =	vor.u32 v7, v11;
	[tilespmem:v1+s10+$0x20 ss:$0x1] =	vst.idx.msk $0xffff, v32;
	v21 =	vld.idx.msk [tilespmem:v22+s18+$0x0], $0xffff  }
0x162: {  	v28 =	vor.u32 v7, v2;
	v24 =	vld.idx.msk [tilespmem:v36+s18+$0x0], $0xffff;
	[tilespmem:v1+s28+$0x50 ss:$0x1] =	vst.idx.msk $0xffff, v19  }
0x163: {  	s7 =	sadd.s32 $0x4, s7;
	s12 =	sadd.s32 $0x3, s11;
	v19 =	vor.u32 v16, v3;
	v3 =	vmov v17;
	v17 =	vmov v37;
	[tilespmem:v1+s0+$0x20 ss:$0x1] =	vst.idx.msk $0xffff, v35;
	v22 =	vld.idx.msk [tilespmem:v38+s18+$0x0], $0xffff  }
0x164: {  	_ =	sdelay $0x3  }
0x165: {  	[tilespmem:v1+s6+$0x70 ss:$0x1] =	vst.idx.msk $0xffff, v29  }
0x166: {  	[tilespmem:v1+s29+$0x20 ss:$0x1] =	vst.idx.msk $0xffff, v26  }
0x167: {  	v31 =	vor.u32 v6, v13;
	[tilespmem:v1+s25+$0x60 ss:$0x1] =	vst.idx.msk $0xffff, v20  }
0x168: {  	v34 =	vmov s12;
	v30 =	vld.idx.msk [tilespmem:v30+s18+$0x0], $0xffff;
	v36 =	vor.u32 v16, v15;
	s13 =	sadd.s32 $0x2, s11;
	s1 =	sadd.s32 $0x1000, s1;
	s14 =	sadd.s32 $0x200, s15;
	[tilespmem:v1+s24+$0x20 ss:$0x1] =	vst.idx.msk $0xffff, v25  }
0x169: {  	v41 =	vor.u32 v16, v14;
	v35 =	vand.u32 $0x1F, v34;
	v38 =	vld.idx.msk [tilespmem:v27+s18+$0x0], $0xffff;
	v39 =	vmov s13;
	s1 =	sand.u32 $0x6000, s1;
	s13 =	sadd.s32 $0xFFFFFE80, s14;
	[tilespmem:v1+s26+$0x60 ss:$0x1] =	vst.idx.msk $0xffff, v21  }
0x16a: {  	v56 =	vor.u32 v5, v10;
	v19 =	vld.idx.msk [tilespmem:v19+s18+$0x0], $0xffff;
	v15 =	vbroadcast v35, $0x0;
	v42 =	vand.u32 $0x1E, v39;
	s15 =	sor.u32 $0x10800, s1;
	s13 =	sand.u32 $0x200, s13;
	[tilespmem:v1+s10+$0x30 ss:$0x1] =	vst.idx.msk $0xffff, v24  }
0x16b: {  	v40 =	vld.idx.msk [tilespmem:v28+s18+$0x0], $0xffff;
	v14 =	vbroadcast v42, $0x0;
	s11 =	sor.u32 s13, s15;
	[tilespmem:v1+s28+$0x60 ss:$0x1] =	vst.idx.msk $0xffff, v22  }
0x16c: {  	v43 =	vor.u32 v9, v15;
	[tilespmem:v1+s11+$0x0 ss:$0x1] =	vst.idx.msk $0xffff, v18;
	v44 =	vld.idx.msk [tilespmem:v31+s18+$0x0], $0xffff  }
0x16d: {  	v37 =	vor.u32 v6, v3;
	[tilespmem:v1+s0+$0x30 ss:$0x1] =	vst.idx.msk $0xffff, v30;
	v45 =	vld.idx.msk [tilespmem:v36+s18+$0x0], $0xffff;
	v46 =	vor.u32 v9, v14  }
0x16e: {  	v48 =	vor.u32 v6, v11;
	v53 =	vor.u32 v5, v17;
	v49 =	vld.idx.msk [tilespmem:v41+s18+$0x0], $0xffff;
	[tilespmem:v1+s29+$0x30 ss:$0x1] =	vst.idx.msk $0xffff, v38  }
0x16f: {  	v52 =	vor.u32 v5, v15;
	v54 =	vor.u32 v5, v14;
	v5 =	vld.idx.msk [tilespmem:v56+s18+$0x0], $0xffff;
	[tilespmem:v1+s25+$0x70 ss:$0x1] =	vst.idx.msk $0xffff, v19  }
0x170: {  	v51 =	vld.idx.msk [tilespmem:v23+s18+$0x0], $0xffff;
	v57 =	vor.u32 v6, v2;
	[tilespmem:v1+s24+$0x30 ss:$0x1] =	vst.idx.msk $0xffff, v40  }
0x171: {  	v20 =	vld.idx.msk [tilespmem:v43+s18+$0x0], $0xffff;
	[tilespmem:v1+s10+$0x40 ss:$0x1] =	vst.idx.msk $0xffff, v44  }
0x172: {  	s7 =	sadd.s32 $0xFFFFFF00, s14;
	[tilespmem:v1+s26+$0x70 ss:$0x1] =	vst.idx.msk $0xffff, v45;
	v9 =	vld.idx.msk [tilespmem:v46+s18+$0x0], $0xffff  }
0x173: {  	s7 =	sand.u32 $0x280, s7;
	v47 =	vld.idx.msk [tilespmem:v37+s18+$0x0], $0xffff;
	[tilespmem:v1+s28+$0x70 ss:$0x1] =	vst.idx.msk $0xffff, v49  }
0x174: {  	v50 =	vor.u32 v8, v13;
	s25 =	sand.u32 $0x380, s14;
	v55 =	vld.idx.msk [tilespmem:v48+s18+$0x0], $0xffff;
	s26 =	sadd.s32 $0xFFFFFF80, s14;
	s28 =	sor.u32 s7, s15;
	[tilespmem:v1+s11+$0x10 ss:$0x1] =	vst.idx.msk $0xffff, v5  }
0x175: {  	v29 =	vor.u32 v4, v10;
	s1 =	sor.u32 s25, s15;
	v28 =	vld.idx.msk [tilespmem:v57+s18+$0x0], $0xffff;
	s12 =	sand.u32 $0x300, s26;
	[tilespmem:v1+s28+$0x0 ss:$0x1] =	vst.idx.msk $0xffff, v51  }
0x176: {  	v59 =	vor.u32 v8, v3;
	s30 =	sor.u32 s12, s15;
	v19 =	vld.idx.msk [tilespmem:v53+s18+$0x0], $0xffff;
	[tilespmem:v1+s1+$0x0 ss:$0x1] =	vst.idx.msk $0xffff, v20  }
0x177: {  	v61 =	vor.u32 v4, v17;
	v23 =	vld.idx.msk [tilespmem:v52+s18+$0x0], $0xffff;
	[tilespmem:v1+s30+$0x0 ss:$0x1] =	vst.idx.msk $0xffff, v9  }
0x178: {  	v60 =	vor.u32 v4, v15;
	[tilespmem:v1+s0+$0x40 ss:$0x1] =	vst.idx.msk $0xffff, v47;
	v62 =	vld.idx.msk [tilespmem:v54+s18+$0x0], $0xffff  }
0x179: {  	v63 =	vor.u32 v4, v14;
	v58 =	vld.idx.msk [tilespmem:v50+s18+$0x0], $0xffff;
	[tilespmem:v1+s29+$0x40 ss:$0x1] =	vst.idx.msk $0xffff, v55  }
0x17a: {  	v30 =	vor.u32 v12, v13;
	v4 =	vld.idx.msk [tilespmem:v29+s18+$0x0], $0xffff;
	[tilespmem:v1+s24+$0x40 ss:$0x1] =	vst.idx.msk $0xffff, v28  }
0x17b: {  	v36 =	vor.u32 v7, v10;
	v20 =	vld.idx.msk [tilespmem:v59+s18+$0x0], $0xffff;
	[tilespmem:v1+s28+$0x10 ss:$0x1] =	vst.idx.msk $0xffff, v19  }
0x17c: {  	v37 =	vor.u32 v8, v2;
	v9 =	vld.idx.msk [tilespmem:v61+s18+$0x0], $0xffff;
	[tilespmem:v1+s1+$0x10 ss:$0x1] =	vst.idx.msk $0xffff, v23  }
0x17d: {  	v33 =	vor.u32 v7, v17;
	v21 =	vld.idx.msk [tilespmem:v60+s18+$0x0], $0xffff;
	[tilespmem:v1+s30+$0x10 ss:$0x1] =	vst.idx.msk $0xffff, v62  }
0x17e: {  	v32 =	vor.u32 v7, v15;
	[tilespmem:v1+s10+$0x50 ss:$0x1] =	vst.idx.msk $0xffff, v58;
	v18 =	vld.idx.msk [tilespmem:v63+s18+$0x0], $0xffff  }
0x17f: {  	v34 =	vor.u32 v7, v14;
	[tilespmem:v1+s11+$0x20 ss:$0x1] =	vst.idx.msk $0xffff, v4;
	v35 =	vld.idx.msk [tilespmem:v30+s18+$0x0], $0xffff  }
0x180: {  	v31 =	vor.u32 v8, v11;
	v7 =	vld.idx.msk [tilespmem:v36+s18+$0x0], $0xffff;
	[tilespmem:v1+s0+$0x50 ss:$0x1] =	vst.idx.msk $0xffff, v20  }
0x181: {  	v43 =	vor.u32 v12, v3;
	v20 =	vld.idx.msk [tilespmem:v37+s18+$0x0], $0xffff;
	[tilespmem:v1+s28+$0x20 ss:$0x1] =	vst.idx.msk $0xffff, v9  }
0x182: {  	v42 =	vor.u32 v6, v10;
	v5 =	vld.idx.msk [tilespmem:v33+s18+$0x0], $0xffff;
	[tilespmem:v1+s1+$0x20 ss:$0x1] =	vst.idx.msk $0xffff, v21  }
0x183: {  	v40 =	vor.u32 v6, v17;
	v19 =	vld.idx.msk [tilespmem:v32+s18+$0x0], $0xffff;
	[tilespmem:v1+s30+$0x20 ss:$0x1] =	vst.idx.msk $0xffff, v18  }
0x184: {  	v39 =	vor.u32 v6, v15;
	[tilespmem:v1+s10+$0x60 ss:$0x1] =	vst.idx.msk $0xffff, v35;
	v18 =	vld.idx.msk [tilespmem:v34+s18+$0x0], $0xffff  }
0x185: {  	v41 =	vor.u32 v6, v14;
	v23 =	vld.idx.msk [tilespmem:v31+s18+$0x0], $0xffff;
	[tilespmem:v1+s11+$0x30 ss:$0x1] =	vst.idx.msk $0xffff, v7  }
0x186: {  	v38 =	vor.u32 v16, v13;
	v48 =	vld.idx.msk [tilespmem:v43+s18+$0x0], $0xffff;
	[tilespmem:v1+s24+$0x50 ss:$0x1] =	vst.idx.msk $0xffff, v20  }
0x187: {  	v3 =	vor.u32 v16, v3;
	v6 =	vld.idx.msk [tilespmem:v42+s18+$0x0], $0xffff;
	[tilespmem:v1+s28+$0x30 ss:$0x1] =	vst.idx.msk $0xffff, v5  }
0x188: {  	v49 =	vor.u32 v8, v10;
	v4 =	vld.idx.msk [tilespmem:v40+s18+$0x0], $0xffff;
	[tilespmem:v1+s1+$0x30 ss:$0x1] =	vst.idx.msk $0xffff, v19  }
0x189: {  	v46 =	vor.u32 v8, v17;
	v9 =	vld.idx.msk [tilespmem:v39+s18+$0x0], $0xffff;
	[tilespmem:v1+s30+$0x30 ss:$0x1] =	vst.idx.msk $0xffff, v18  }
0x18a: {  	v45 =	vor.u32 v8, v15;
	[tilespmem:v1+s29+$0x50 ss:$0x1] =	vst.idx.msk $0xffff, v23;
	v18 =	vld.idx.msk [tilespmem:v41+s18+$0x0], $0xffff  }
0x18b: {  	v47 =	vor.u32 v8, v14;
	v13 =	vld.idx.msk [tilespmem:v38+s18+$0x0], $0xffff;
	[tilespmem:v1+s0+$0x60 ss:$0x1] =	vst.idx.msk $0xffff, v48  }
0x18c: {  	v50 =	vor.u32 v12, v2;
	v3 =	vld.idx.msk [tilespmem:v3+s18+$0x0], $0xffff;
	[tilespmem:v1+s11+$0x40 ss:$0x1] =	vst.idx.msk $0xffff, v6  }
0x18d: {  	v44 =	vor.u32 v12, v11;
	v6 =	vld.idx.msk [tilespmem:v49+s18+$0x0], $0xffff;
	[tilespmem:v1+s28+$0x40 ss:$0x1] =	vst.idx.msk $0xffff, v4  }
0x18e: {  	v55 =	vor.u32 v12, v10;
	v4 =	vld.idx.msk [tilespmem:v46+s18+$0x0], $0xffff;
	[tilespmem:v1+s1+$0x40 ss:$0x1] =	vst.idx.msk $0xffff, v9  }
0x18f: {  	v53 =	vor.u32 v12, v17;
	v5 =	vld.idx.msk [tilespmem:v45+s18+$0x0], $0xffff;
	[tilespmem:v1+s30+$0x40 ss:$0x1] =	vst.idx.msk $0xffff, v18  }
0x190: {  	v51 =	vor.u32 v12, v15;
	[tilespmem:v1+s10+$0x70 ss:$0x1] =	vst.idx.msk $0xffff, v13;
	v52 =	vld.idx.msk [tilespmem:v47+s18+$0x0], $0xffff  }
0x191: {  	v54 =	vor.u32 v12, v14;
	v13 =	vld.idx.msk [tilespmem:v50+s18+$0x0], $0xffff;
	[tilespmem:v1+s0+$0x70 ss:$0x1] =	vst.idx.msk $0xffff, v3  }
0x192: {  	v2 =	vor.u32 v16, v2;
	v19 =	vld.idx.msk [tilespmem:v44+s18+$0x0], $0xffff;
	[tilespmem:v1+s11+$0x50 ss:$0x1] =	vst.idx.msk $0xffff, v6  }
0x193: {  	v56 =	vor.u32 v16, v11;
	v60 =	vld.idx.msk [tilespmem:v55+s18+$0x0], $0xffff;
	[tilespmem:v1+s28+$0x50 ss:$0x1] =	vst.idx.msk $0xffff, v4  }
0x194: {  	v3 =	vor.u32 v16, v10;
	v58 =	vld.idx.msk [tilespmem:v53+s18+$0x0], $0xffff;
	[tilespmem:v1+s1+$0x50 ss:$0x1] =	vst.idx.msk $0xffff, v5  }
0x195: {  	v59 =	vor.u32 v16, v17;
	v5 =	vld.idx.msk [tilespmem:v51+s18+$0x0], $0xffff;
	[tilespmem:v1+s30+$0x50 ss:$0x1] =	vst.idx.msk $0xffff, v52  }
0x196: {  	v57 =	vor.u32 v16, v15;
	[tilespmem:v1+s24+$0x60 ss:$0x1] =	vst.idx.msk $0xffff, v13;
	v8 =	vld.idx.msk [tilespmem:v54+s18+$0x0], $0xffff  }
0x197: {  	v61 =	vor.u32 v16, v14;
	v2 =	vld.idx.msk [tilespmem:v2+s18+$0x0], $0xffff;
	[tilespmem:v1+s29+$0x60 ss:$0x1] =	vst.idx.msk $0xffff, v19  }
0x198: {  	v11 =	vld.idx.msk [tilespmem:v56+s18+$0x0], $0xffff;
	[tilespmem:v1+s11+$0x60 ss:$0x1] =	vst.idx.msk $0xffff, v60  }
0x199: {  	v3 =	vld.idx.msk [tilespmem:v3+s18+$0x0], $0xffff;
	[tilespmem:v1+s28+$0x60 ss:$0x1] =	vst.idx.msk $0xffff, v58  }
0x19a: {  	v62 =	vld.idx.msk [tilespmem:v59+s18+$0x0], $0xffff;
	[tilespmem:v1+s1+$0x60 ss:$0x1] =	vst.idx.msk $0xffff, v5  }
0x19b: {  	s22 =	sadd.s32 $0x1, s22;
	v4 =	vld.idx.msk [tilespmem:v57+s18+$0x0], $0xffff;
	[tilespmem:v1+s30+$0x60 ss:$0x1] =	vst.idx.msk $0xffff, v8  }
0x19c: {  	p0 =	sne.s32 s22, $0x8;
	[tilespmem:v1+s24+$0x70 ss:$0x1] =	vst.idx.msk $0xffff, v2;
	v63 =	vld.idx.msk [tilespmem:v61+s18+$0x0], $0xffff  }
.Ltmp3:
0x19d: {  	[tilespmem:v1+s29+$0x70 ss:$0x1] =	vst.idx.msk $0xffff, v11;
	(pc) =	sbr.rel @p0 .LBB2_7-.Ltmp3, $4  }
0x19e: {  	[tilespmem:v1+s11+$0x70 ss:$0x1] =	vst.idx.msk $0xffff, v3  }
0x19f: {  	[tilespmem:v1+s28+$0x70 ss:$0x1] =	vst.idx.msk $0xffff, v62  }
0x1a0: {  	[tilespmem:v1+s1+$0x70 ss:$0x1] =	vst.idx.msk $0xffff, v4  }
0x1a1: {  	[tilespmem:v1+s30+$0x70 ss:$0x1] =	vst.idx.msk $0xffff, v63  }
0x1a2: {  	s0 =	sshll.u32 s21, $0xC;
	s1 =	sshll.u32 s21, $0xA  }
0x1a3: {  	s6 =	sand.u32 $0x7FFE0000, s0;
	s1 =	sand.u32 $0x6000, s1  }
0x1a4: {  	s6 =	sor.u32 s1, s6  }
0x1a5: {  	s6 =	sshrl.u32 s6, $0x3  }
0x1a6: {  	s10 =	simm.s32 $0x12800;
	s20 =	sadd.s32 $0x1, s20;
	s7 =	sadd.s32 s2, s6  }
0x1a7: {  	[hbm4b:s7+s3] =	stream.linear.scatter [tilespmem:s31], [sflag:$0x3], $0x2000, $0x38;
	[tilespmem:$0x18800] =	vst v63  }
0x1a8: {  	p0 =	sne.s32 s20, $0xC;
	s0 =	sor.u32 s0, s1;
	s28 =	sadd.s32 s6, s8  }
0x1a9: {  	[hbm4b:s28+s3] =	stream.linear.scatter [tilespmem:s10], [sflag:$0x3], $0x2000, $0x38;
	[tilespmem:$0x18800] =	vst v63  }
.Ltmp4:
0x1aa: {  	s0 =	sshrl.u32 s0, $0x3;
	(pc) =	sbr.rel @p0 .LBB2_2-.Ltmp4, $4  }
0x1ab: {  	s29 =	simm.s32 $0x14800;
	s6 =	sadd.s32 s6, s9;
	s0 =	sor.u32 $0x3000, s0  }
0x1ac: {  	[hbm4b:s6+s3] =	stream.linear.scatter [tilespmem:s29], [sflag:$0x3], $0x2000, $0x38;
	[tilespmem:$0x18800] =	vst v63  }
0x1ad: {  	s30 =	simm.s32 $0x16800;
	s0 =	sadd.s32 s2, s0  }
0x1ae: {  	[hbm4b:s0+s3] =	stream.linear.scatter [tilespmem:s30], [sflag:$0x3], $0x2000, $0x38;
	[tilespmem:$0x18800] =	vst v63  }
0x1af: {  	s0 =	simm.s32 $0x1  }
0x1b0: {  	_ =	swait.ge [sflag:s0], $0x8000  }
0x1b1: {  	[sflag:s0] =	ssyncset.done $0x0  }
0x1b2: {  	[sflag:s0] =	ssyncadd.s32 $0xFFFF8000  }
0x1b3: {  	_ =	swait.ge [sflag:s19], $0x8000  }
0x1b4: {  	[sflag:s19] =	ssyncset.done $0x0  }
0x1b5: {  	s20 =	simm.s32 $0x0;
	s21 =	simm.s32 $0x0;
	[sflag:s19] =	ssyncadd.s32 $0xFFFF8000  }
.LBB2_12:
0x1b6: {  	s0 =	simm.s32 $0x3  }
0x1b7: {  	s7 =	sshll.u32 s21, $0x7;
	s13 =	simm.s32 $0x1;
	v1 =	vmov s0  }
0x1b8: {  	v2 =	vmov s7;
	v3 =	vmov s13;
	v1 =	vand.u32 $0x1F, v1  }
0x1b9: {  	s14 =	simm.s32 $0x2;
	v2 =	vshll.u32 v2, $0x5;
	v17 =	vbroadcast v1, $0x0;
	v1 =	vand.u32 $0x1D, v3  }
0x1ba: {  	v9 =	vor.u32 v0, v2;
	v19 =	vbroadcast v1, $0x0;
	v1 =	vmov s14  }
0x1bb: {  	v3 =	vmov s20;
	v2 =	vor.u32 v9, v17;
	v1 =	vand.u32 $0x1E, v1  }
0x1bc: {  	v3 =	vand.u32 $0x1C, v3;
	v4 =	vor.u32 v9, v19;
	v15 =	vbroadcast v1, $0x0  }
0x1bd: {  	s15 =	sor.u32 $0x10, s7;
	v14 =	vbroadcast v3, $0x0  }
0x1be: {  	v1 =	vmov s15;
	v3 =	vor.u32 v9, v15  }
0x1bf: {  	s22 =	sshll.u32 s21, $0xA;
	v1 =	vshll.u32 v1, $0x5;
	v6 =	vor.u32 v9, v14  }
0x1c0: {  	v5 =	vor.u32 v0, v1;
	v1 =	vmov s22;
	v2 =	vld.idx.msk [tilespmem:v2+s18+$0x0], $0xffff  }
0x1c1: {  	v7 =	vor.u32 v5, v17;
	v8 =	vld.idx.msk [tilespmem:v4+s18+$0x0], $0xffff  }
0x1c2: {  	s23 =	simm.s32 $0x180;
	s1 =	sand.u32 $0x6000, s20;
	s10 =	simm.s32 $0x80;
	v10 =	vor.u32 v5, v19  }
0x1c3: {  	s6 =	sor.u32 $0x20, s7;
	s1 =	sor.u32 $0x10800, s1;
	s0 =	sand.u32 $0x380, s23;
	v3 =	vld.idx.msk [tilespmem:v3+s18+$0x0], $0xffff  }
0x1c4: {  	s24 =	sand.u32 $0x280, s10;
	v11 =	vor.u32 v5, v15;
	v4 =	vmov s6;
	s6 =	sor.u32 s0, s1;
	v6 =	vld.idx.msk [tilespmem:v6+s18+$0x0], $0xffff  }
0x1c5: {  	s25 =	simm.s32 $0x100;
	s23 =	sor.u32 s24, s1;
	v4 =	vshll.u32 v4, $0x5;
	[tilespmem:v1+s6+$0x0 ss:$0x1] =	vst.idx.msk $0xffff, v2;
	v2 =	vor.u32 v5, v14  }
0x1c6: {  	s26 =	simm.s32 $0x0;
	s10 =	sand.u32 $0x300, s25;
	v4 =	vor.u32 v0, v4;
	v7 =	vld.idx.msk [tilespmem:v7+s18+$0x0], $0xffff;
	[tilespmem:v1+s23+$0x0 ss:$0x1] =	vst.idx.msk $0xffff, v8  }
0x1c7: {  	s24 =	sor.u32 s10, s1;
	s0 =	sand.u32 $0x200, s26;
	v8 =	vor.u32 v4, v17;
	v10 =	vld.idx.msk [tilespmem:v10+s18+$0x0], $0xffff  }
0x1c8: {  	s28 =	sor.u32 $0x30, s7;
	s25 =	sor.u32 s0, s1;
	[tilespmem:v1+s24+$0x0 ss:$0x1] =	vst.idx.msk $0xffff, v3;
	v3 =	vor.u32 v4, v19  }
0x1c9: {  	v12 =	vmov s28;
	[tilespmem:v1+s25+$0x0 ss:$0x1] =	vst.idx.msk $0xffff, v6;
	v6 =	vld.idx.msk [tilespmem:v11+s18+$0x0], $0xffff  }
0x1ca: {  	s29 =	simm.s32 $0x4;
	v13 =	vor.u32 v4, v15;
	v11 =	vshll.u32 v12, $0x5;
	v12 =	vld.idx.msk [tilespmem:v2+s18+$0x0], $0xffff  }
0x1cb: {  	s30 =	sor.u32 $0x40, s7;
	v2 =	vmov s29;
	[tilespmem:v1+s6+$0x10 ss:$0x1] =	vst.idx.msk $0xffff, v7;
	v7 =	vor.u32 v0, v11;
	v11 =	vor.u32 v4, v14  }
0x1cc: {  	v16 =	vmov s30;
	v2 =	vand.u32 $0x1C, v2;
	v8 =	vld.idx.msk [tilespmem:v8+s18+$0x0], $0xffff;
	[tilespmem:v1+s23+$0x10 ss:$0x1] =	vst.idx.msk $0xffff, v10  }
0x1cd: {  	s1 =	simm.s32 $0x5;
	v10 =	vor.u32 v7, v17;
	v2 =	vbroadcast v2, $0x0;
	v18 =	vld.idx.msk [tilespmem:v3+s18+$0x0], $0xffff;
	v3 =	vshll.u32 v16, $0x5  }
0x1ce: {  	v16 =	vor.u32 v7, v19;
	[tilespmem:v1+s24+$0x10 ss:$0x1] =	vst.idx.msk $0xffff, v6;
	v6 =	vor.u32 v0, v3;
	v3 =	vmov s1  }
0x1cf: {  	v20 =	vor.u32 v9, v2;
	[tilespmem:v1+s25+$0x10 ss:$0x1] =	vst.idx.msk $0xffff, v12;
	v12 =	vld.idx.msk [tilespmem:v13+s18+$0x0], $0xffff;
	v3 =	vand.u32 $0x1D, v3  }
0x1d0: {  	s10 =	simm.s32 $0x7;
	v21 =	vor.u32 v7, v15;
	v11 =	vld.idx.msk [tilespmem:v11+s18+$0x0], $0xffff;
	v3 =	vbroadcast v3, $0x0  }
0x1d1: {  	v22 =	vor.u32 v7, v14;
	[tilespmem:v1+s6+$0x20 ss:$0x1] =	vst.idx.msk $0xffff, v8;
	v8 =	vmov s10  }
0x1d2: {  	v10 =	vld.idx.msk [tilespmem:v10+s18+$0x0], $0xffff;
	[tilespmem:v1+s23+$0x20 ss:$0x1] =	vst.idx.msk $0xffff, v18;
	v8 =	vand.u32 $0x1F, v8;
	v24 =	vor.u32 v9, v3  }
0x1d3: {  	s11 =	sor.u32 $0x50, s7;
	v18 =	vor.u32 v6, v17;
	v16 =	vld.idx.msk [tilespmem:v16+s18+$0x0], $0xffff;
	v13 =	vbroadcast v8, $0x0  }
0x1d4: {  	v23 =	vmov s11;
	v20 =	vld.idx.msk [tilespmem:v20+s18+$0x0], $0xffff;
	[tilespmem:v1+s24+$0x20 ss:$0x1] =	vst.idx.msk $0xffff, v12;
	v12 =	vor.u32 v6, v19  }
0x1d5: {  	s12 =	simm.s32 $0x6;
	v8 =	vshll.u32 v23, $0x5;
	[tilespmem:v1+s25+$0x20 ss:$0x1] =	vst.idx.msk $0xffff, v11;
	v21 =	vld.idx.msk [tilespmem:v21+s18+$0x0], $0xffff;
	v23 =	vor.u32 v9, v13  }
0x1d6: {  	v25 =	vor.u32 v6, v15;
	v27 =	vor.u32 v6, v14;
	v11 =	vmov s12;
	v22 =	vld.idx.msk [tilespmem:v22+s18+$0x0], $0xffff  }
0x1d7: {  	s11 =	simm.s32 $0x8;
	v31 =	vor.u32 v5, v3;
	[tilespmem:v1+s6+$0x30 ss:$0x1] =	vst.idx.msk $0xffff, v10;
	v10 =	vand.u32 $0x1E, v11;
	v24 =	vld.idx.msk [tilespmem:v24+s18+$0x0], $0xffff  }
0x1d8: {  	s13 =	sor.u32 $0x60, s7;
	v26 =	vmov s11;
	s1 =	simm.s32 $0x1000;
	v8 =	vor.u32 v0, v8;
	v18 =	vld.idx.msk [tilespmem:v18+s18+$0x0], $0xffff;
	v11 =	vbroadcast v10, $0x0;
	[tilespmem:v1+s23+$0x30 ss:$0x1] =	vst.idx.msk $0xffff, v16  }
0x1d9: {  	s14 =	sand.u32 $0x6000, s1;
	v10 =	vand.u32 $0x1C, v26;
	v16 =	vor.u32 v8, v17;
	v26 =	vld.idx.msk [tilespmem:v12+s18+$0x0], $0xffff;
	v12 =	vmov s13;
	s13 =	simm.s32 $0x280  }
0x1da: {  	s12 =	sor.u32 $0x10800, s14;
	v10 =	vbroadcast v10, $0x0;
	v28 =	vor.u32 v9, v11;
	[tilespmem:v1+s24+$0x30 ss:$0x1] =	vst.idx.msk $0xffff, v21;
	v21 =	vld.idx.msk [tilespmem:v23+s18+$0x0], $0xffff;
	s26 =	sand.u32 $0x280, s13  }
0x1db: {  	v23 =	vor.u32 v8, v19;
	[tilespmem:v1+s25+$0x30 ss:$0x1] =	vst.idx.msk $0xffff, v22;
	v25 =	vld.idx.msk [tilespmem:v25+s18+$0x0], $0xffff;
	s0 =	sor.u32 s26, s12  }
0x1dc: {  	v22 =	vor.u32 v9, v10;
	v27 =	vld.idx.msk [tilespmem:v27+s18+$0x0], $0xffff;
	[tilespmem:v1+s0+$0x0 ss:$0x1] =	vst.idx.msk $0xffff, v24  }
0x1dd: {  	s15 =	simm.s32 $0x380;
	v29 =	vor.u32 v5, v13;
	s14 =	simm.s32 $0x200;
	[tilespmem:v1+s6+$0x40 ss:$0x1] =	vst.idx.msk $0xffff, v18;
	v31 =	vld.idx.msk [tilespmem:v31+s18+$0x0], $0xffff  }
0x1de: {  	s22 =	sand.u32 $0x380, s15;
	v30 =	vor.u32 v8, v15;
	s29 =	sand.u32 $0x200, s14;
	v12 =	vshll.u32 v12, $0x5;
	v16 =	vld.idx.msk [tilespmem:v16+s18+$0x0], $0xffff  }
0x1df: {  	s10 =	sor.u32 s22, s12;
	s22 =	sor.u32 s29, s12;
	v12 =	vor.u32 v0, v12;
	v24 =	vor.u32 v8, v14;
	[tilespmem:v1+s23+$0x40 ss:$0x1] =	vst.idx.msk $0xffff, v26;
	v28 =	vld.idx.msk [tilespmem:v28+s18+$0x0], $0xffff  }
0x1e0: {  	[tilespmem:v1+s22+$0x0 ss:$0x1] =	vst.idx.msk $0xffff, v20;
	v26 =	vor.u32 v12, v17;
	v23 =	vld.idx.msk [tilespmem:v23+s18+$0x0], $0xffff  }
0x1e1: {  	[tilespmem:v1+s10+$0x0 ss:$0x1] =	vst.idx.msk $0xffff, v21;
	v21 =	vor.u32 v5, v2;
	v18 =	vld.idx.msk [tilespmem:v22+s18+$0x0], $0xffff  }
0x1e2: {  	s7 =	sor.u32 $0x70, s7;
	s28 =	simm.s32 $0x300;
	v22 =	vor.u32 v5, v11;
	v29 =	vld.idx.msk [tilespmem:v29+s18+$0x0], $0xffff;
	[tilespmem:v1+s24+$0x40 ss:$0x1] =	vst.idx.msk $0xffff, v25  }
0x1e3: {  	v32 =	vor.u32 v4, v13;
	s13 =	sand.u32 $0x300, s28;
	v25 =	vmov s7;
	v30 =	vld.idx.msk [tilespmem:v30+s18+$0x0], $0xffff;
	[tilespmem:v1+s25+$0x40 ss:$0x1] =	vst.idx.msk $0xffff, v27  }
0x1e4: {  	s26 =	sor.u32 s13, s12;
	v33 =	vld.idx.msk [tilespmem:v24+s18+$0x0], $0xffff;
	[tilespmem:v1+s6+$0x50 ss:$0x1] =	vst.idx.msk $0xffff, v16;
	v16 =	vshll.u32 v25, $0x5;
	v25 =	vor.u32 v12, v19  }
0x1e5: {  	[tilespmem:v1+s26+$0x0 ss:$0x1] =	vst.idx.msk $0xffff, v28;
	v26 =	vld.idx.msk [tilespmem:v26+s18+$0x0], $0xffff;
	v16 =	vor.u32 v0, v16;
	v28 =	vor.u32 v4, v3  }
0x1e6: {  	v21 =	vld.idx.msk [tilespmem:v21+s18+$0x0], $0xffff;
	v17 =	vor.u32 v16, v17  }
0x1e7: {  	v22 =	vld.idx.msk [tilespmem:v22+s18+$0x0], $0xffff;
	[tilespmem:v1+s10+$0x10 ss:$0x1] =	vst.idx.msk $0xffff, v29  }
0x1e8: {  	[tilespmem:v1+s23+$0x50 ss:$0x1] =	vst.idx.msk $0xffff, v23;
	v23 =	vor.u32 v12, v15;
	v32 =	vld.idx.msk [tilespmem:v32+s18+$0x0], $0xffff  }
0x1e9: {  	s30 =	simm.s32 $0x9;
	v27 =	vor.u32 v4, v11;
	[tilespmem:v1+s0+$0x10 ss:$0x1] =	vst.idx.msk $0xffff, v31;
	v20 =	vld.idx.msk [tilespmem:v25+s18+$0x0], $0xffff  }
0x1ea: {  	v24 =	vor.u32 v4, v2;
	v25 =	vmov s30;
	v31 =	vld.idx.msk [tilespmem:v28+s18+$0x0], $0xffff;
	[tilespmem:v1+s6+$0x60 ss:$0x1] =	vst.idx.msk $0xffff, v26  }
0x1eb: {  	[tilespmem:v1+s24+$0x50 ss:$0x1] =	vst.idx.msk $0xffff, v30;
	v28 =	vor.u32 v7, v13;
	v29 =	vld.idx.msk [tilespmem:v17+s18+$0x0], $0xffff;
	v17 =	vand.u32 $0x1D, v25  }
0x1ec: {  	[tilespmem:v1+s26+$0x10 ss:$0x1] =	vst.idx.msk $0xffff, v22;
	v22 =	vor.u32 v12, v14;
	v17 =	vbroadcast v17, $0x0  }
0x1ed: {  	v30 =	vor.u32 v7, v3;
	[tilespmem:v1+s22+$0x10 ss:$0x1] =	vst.idx.msk $0xffff, v21;
	v21 =	vld.idx.msk [tilespmem:v23+s18+$0x0], $0xffff  }
0x1ee: {  	v26 =	vld.idx.msk [tilespmem:v27+s18+$0x0], $0xffff;
	v23 =	vor.u32 v9, v17  }
0x1ef: {  	v25 =	vld.idx.msk [tilespmem:v24+s18+$0x0], $0xffff;
	[tilespmem:v1+s10+$0x20 ss:$0x1] =	vst.idx.msk $0xffff, v32;
	v27 =	vor.u32 v7, v11  }
0x1f0: {  	[tilespmem:v1+s25+$0x50 ss:$0x1] =	vst.idx.msk $0xffff, v33;
	v24 =	vld.idx.msk [tilespmem:v28+s18+$0x0], $0xffff;
	v28 =	vor.u32 v7, v2  }
0x1f1: {  	s12 =	simm.s32 $0xB;
	s7 =	simm.s32 $0xC;
	v19 =	vor.u32 v16, v19;
	[tilespmem:v1+s0+$0x20 ss:$0x1] =	vst.idx.msk $0xffff, v31;
	v22 =	vld.idx.msk [tilespmem:v22+s18+$0x0], $0xffff  }
.LBB2_13:
0x1f2: {  	p0 =	slt.u32 s7, $0x1C;
	v31 =	vmov s12;
	v30 =	vld.idx.msk [tilespmem:v30+s18+$0x0], $0xffff;
	v32 =	vor.u32 v6, v13;
	[tilespmem:v1+s6+$0x70 ss:$0x1] =	vst.idx.msk $0xffff, v29;
	s6 =	smov.u32 s10  }
0x1f3: {  	v23 =	vld.idx.msk [tilespmem:v23+s18+$0x0], $0xffff;
	v29 =	vand.u32 $0x1F, v31;
	[tilespmem:v1+s26+$0x20 ss:$0x1] =	vst.idx.msk $0xffff, v26;
	v26 =	vor.u32 v16, v15;
	v15 =	vmov v11  }
0x1f4: {  	v29 =	vbroadcast v29, $0x0;
	[tilespmem:v1+s22+$0x20 ss:$0x1] =	vst.idx.msk $0xffff, v25;
	v25 =	vor.u32 v6, v3;
	v27 =	vld.idx.msk [tilespmem:v27+s18+$0x0], $0xffff  }
0x1f5: {  	s10 =	sadd.s32 $0x2, s11;
	s11 =	smov.u32 s7;
	v31 =	vor.u32 v16, v14;
	v14 =	vmov v2;
	v2 =	vmov v10;
	v28 =	vld.idx.msk [tilespmem:v28+s18+$0x0], $0xffff;
	[tilespmem:v1+s23+$0x60 ss:$0x1] =	vst.idx.msk $0xffff, v20  }
0x1f6: {  	v10 =	vmov s10;
	v20 =	vor.u32 v9, v29;
	[tilespmem:v1+s6+$0x30 ss:$0x1] =	vst.idx.msk $0xffff, v24;
	v19 =	vld.idx.msk [tilespmem:v19+s18+$0x0], $0xffff  }
0x1f7: {  	v10 =	vand.u32 $0x1E, v10;
	v24 =	vor.u32 v6, v15;
	v32 =	vld.idx.msk [tilespmem:v32+s18+$0x0], $0xffff;
	[tilespmem:v1+s24+$0x60 ss:$0x1] =	vst.idx.msk $0xffff, v21  }
0x1f8: {  	v33 =	vor.u32 v6, v14;
	v11 =	vbroadcast v10, $0x0;
	v21 =	vmov s7;
	[tilespmem:v1+s0+$0x30 ss:$0x1] =	vst.idx.msk $0xffff, v30;
	v26 =	vld.idx.msk [tilespmem:v26+s18+$0x0], $0xffff  }
0x1f9: {  	v10 =	vand.u32 $0x1C, v21;
	v21 =	vld.idx.msk [tilespmem:v25+s18+$0x0], $0xffff;
	v25 =	vor.u32 v8, v13;
	[tilespmem:v1+s25+$0x60 ss:$0x1] =	vst.idx.msk $0xffff, v22  }
0x1fa: {  	v10 =	vbroadcast v10, $0x0;
	v22 =	vor.u32 v9, v11;
	[tilespmem:v1+s26+$0x30 ss:$0x1] =	vst.idx.msk $0xffff, v27;
	v27 =	vld.idx.msk [tilespmem:v31+s18+$0x0], $0xffff  }
0x1fb: {  	v20 =	vld.idx.msk [tilespmem:v20+s18+$0x0], $0xffff;
	[tilespmem:v1+s22+$0x30 ss:$0x1] =	vst.idx.msk $0xffff, v28;
	v28 =	vor.u32 v8, v3  }
0x1fc: {  	v30 =	vor.u32 v9, v10;
	v24 =	vld.idx.msk [tilespmem:v24+s18+$0x0], $0xffff;
	[tilespmem:v1+s23+$0x70 ss:$0x1] =	vst.idx.msk $0xffff, v19;
	s23 =	smov.u32 s0  }
0x1fd: {  	s1 =	sadd.s32 $0x1000, s1;
	v19 =	vor.u32 v5, v29;
	v31 =	vld.idx.msk [tilespmem:v33+s18+$0x0], $0xffff;
	[tilespmem:v1+s6+$0x40 ss:$0x1] =	vst.idx.msk $0xffff, v32  }
0x1fe: {  	s15 =	sadd.s32 $0x200, s15;
	s0 =	sand.u32 $0x6000, s1;
	v32 =	vor.u32 v8, v15;
	v25 =	vld.idx.msk [tilespmem:v25+s18+$0x0], $0xffff;
	[tilespmem:v1+s24+$0x70 ss:$0x1] =	vst.idx.msk $0xffff, v26;
	s24 =	smov.u32 s26  }
0x1ff: {  	s12 =	sadd.s32 $0xFFFFFE80, s15;
	s13 =	sor.u32 $0x10800, s0;
	s0 =	sand.u32 $0x380, s15;
	v26 =	vor.u32 v5, v17;
	v22 =	vld.idx.msk [tilespmem:v22+s18+$0x0], $0xffff;
	[tilespmem:v1+s23+$0x40 ss:$0x1] =	vst.idx.msk $0xffff, v21  }
0x200: {  	s14 =	sadd.s32 $0xFFFFFF00, s15;
	s26 =	sadd.s32 $0xFFFFFF80, s15;
	s10 =	sor.u32 s0, s13;
	v21 =	vld.idx.msk [tilespmem:v28+s18+$0x0], $0xffff;
	v28 =	vor.u32 v12, v13;
	[tilespmem:v1+s25+$0x70 ss:$0x1] =	vst.idx.msk $0xffff, v27  }
0x201: {  	s0 =	sand.u32 $0x200, s12;
	s12 =	sand.u32 $0x280, s14;
	s14 =	sand.u32 $0x300, s26;
	v27 =	vld.idx.msk [tilespmem:v30+s18+$0x0], $0xffff;
	v30 =	vor.u32 v5, v11;
	[tilespmem:v1+s10+$0x0 ss:$0x1] =	vst.idx.msk $0xffff, v20  }
0x202: {  	s28 =	sor.u32 s0, s13;
	s0 =	sor.u32 s12, s13;
	s26 =	sor.u32 s14, s13;
	v20 =	vor.u32 v5, v2;
	v19 =	vld.idx.msk [tilespmem:v19+s18+$0x0], $0xffff;
	[tilespmem:v1+s24+$0x40 ss:$0x1] =	vst.idx.msk $0xffff, v24  }
0x203: {  	s25 =	smov.u32 s22;
	s22 =	smov.u32 s28;
	[tilespmem:v1+s0+$0x0 ss:$0x1] =	vst.idx.msk $0xffff, v23;
	v23 =	vor.u32 v8, v14;
	v24 =	vld.idx.msk [tilespmem:v32+s18+$0x0], $0xffff  }
0x204: {  	v32 =	vor.u32 v4, v29;
	v26 =	vld.idx.msk [tilespmem:v26+s18+$0x0], $0xffff;
	[tilespmem:v1+s6+$0x50 ss:$0x1] =	vst.idx.msk $0xffff, v25  }
0x205: {  	[tilespmem:v1+s26+$0x0 ss:$0x1] =	vst.idx.msk $0xffff, v22;
	v22 =	vor.u32 v12, v3;
	v25 =	vld.idx.msk [tilespmem:v28+s18+$0x0], $0xffff  }
0x206: {  	v28 =	vor.u32 v4, v17;
	[tilespmem:v1+s22+$0x0 ss:$0x1] =	vst.idx.msk $0xffff, v18;
	v30 =	vld.idx.msk [tilespmem:v30+s18+$0x0], $0xffff  }
0x207: {  	v18 =	vmov v27;
	v33 =	vld.idx.msk [tilespmem:v20+s18+$0x0], $0xffff;
	[tilespmem:v1+s25+$0x40 ss:$0x1] =	vst.idx.msk $0xffff, v31;
	v31 =	vor.u32 v16, v13;
	v13 =	vmov v29  }
0x208: {  	v27 =	vor.u32 v4, v11;
	[tilespmem:v1+s10+$0x10 ss:$0x1] =	vst.idx.msk $0xffff, v19;
	v19 =	vld.idx.msk [tilespmem:v23+s18+$0x0], $0xffff  }
0x209: {  	v34 =	vor.u32 v4, v2;
	s12 =	sadd.s32 $0x1, s7;
	v32 =	vld.idx.msk [tilespmem:v32+s18+$0x0], $0xffff;
	[tilespmem:v1+s23+$0x50 ss:$0x1] =	vst.idx.msk $0xffff, v21  }
0x20a: {  	v21 =	vmov s12;
	[tilespmem:v1+s0+$0x10 ss:$0x1] =	vst.idx.msk $0xffff, v26;
	v20 =	vld.idx.msk [tilespmem:v22+s18+$0x0], $0xffff;
	v22 =	vor.u32 v12, v15  }
0x20b: {  	v36 =	vor.u32 v7, v13;
	v21 =	vand.u32 $0x1D, v21;
	v35 =	vld.idx.msk [tilespmem:v28+s18+$0x0], $0xffff;
	[tilespmem:v1+s6+$0x60 ss:$0x1] =	vst.idx.msk $0xffff, v25  }
0x20c: {  	v38 =	vor.u32 v12, v14;
	v37 =	vbroadcast v21, $0x0;
	[tilespmem:v1+s26+$0x10 ss:$0x1] =	vst.idx.msk $0xffff, v30;
	v29 =	vld.idx.msk [tilespmem:v31+s18+$0x0], $0xffff  }
.Ltmp5:
0x20d: {  	v30 =	vor.u32 v7, v17;
	[tilespmem:v1+s22+$0x10 ss:$0x1] =	vst.idx.msk $0xffff, v33;
	v26 =	vld.idx.msk [tilespmem:v27+s18+$0x0], $0xffff;
	(pc) =	sbr.rel @p0 .LBB2_13-.Ltmp5, $4  }
0x20e: {  	v23 =	vor.u32 v9, v37;
	v25 =	vld.idx.msk [tilespmem:v34+s18+$0x0], $0xffff;
	[tilespmem:v1+s24+$0x50 ss:$0x1] =	vst.idx.msk $0xffff, v24  }
0x20f: {  	v27 =	vor.u32 v7, v11;
	[tilespmem:v1+s10+$0x20 ss:$0x1] =	vst.idx.msk $0xffff, v32;
	v21 =	vld.idx.msk [tilespmem:v22+s18+$0x0], $0xffff  }
0x210: {  	v28 =	vor.u32 v7, v2;
	v24 =	vld.idx.msk [tilespmem:v36+s18+$0x0], $0xffff;
	[tilespmem:v1+s25+$0x50 ss:$0x1] =	vst.idx.msk $0xffff, v19  }
0x211: {  	s7 =	sadd.s32 $0x4, s7;
	s12 =	sadd.s32 $0x3, s11;
	v19 =	vor.u32 v16, v3;
	v3 =	vmov v17;
	v17 =	vmov v37;
	[tilespmem:v1+s0+$0x20 ss:$0x1] =	vst.idx.msk $0xffff, v35;
	v22 =	vld.idx.msk [tilespmem:v38+s18+$0x0], $0xffff  }
0x212: {  	_ =	sdelay $0x3  }
0x213: {  	[tilespmem:v1+s6+$0x70 ss:$0x1] =	vst.idx.msk $0xffff, v29  }
0x214: {  	[tilespmem:v1+s26+$0x20 ss:$0x1] =	vst.idx.msk $0xffff, v26  }
0x215: {  	v30 =	vld.idx.msk [tilespmem:v30+s18+$0x0], $0xffff;
	[tilespmem:v1+s23+$0x60 ss:$0x1] =	vst.idx.msk $0xffff, v20  }
0x216: {  	v34 =	vmov s12;
	v31 =	vor.u32 v6, v13;
	s14 =	sadd.s32 $0x2, s11;
	[tilespmem:v1+s22+$0x20 ss:$0x1] =	vst.idx.msk $0xffff, v25;
	v38 =	vld.idx.msk [tilespmem:v27+s18+$0x0], $0xffff  }
0x217: {  	v36 =	vor.u32 v16, v15;
	v35 =	vand.u32 $0x1F, v34;
	v39 =	vmov s14;
	v19 =	vld.idx.msk [tilespmem:v19+s18+$0x0], $0xffff;
	[tilespmem:v1+s24+$0x60 ss:$0x1] =	vst.idx.msk $0xffff, v21  }
0x218: {  	v41 =	vor.u32 v16, v14;
	v15 =	vbroadcast v35, $0x0;
	v40 =	vld.idx.msk [tilespmem:v28+s18+$0x0], $0xffff;
	v42 =	vand.u32 $0x1E, v39;
	[tilespmem:v1+s10+$0x30 ss:$0x1] =	vst.idx.msk $0xffff, v24  }
0x219: {  	v37 =	vor.u32 v6, v3;
	v51 =	vld.idx.msk [tilespmem:v23+s18+$0x0], $0xffff;
	v14 =	vbroadcast v42, $0x0;
	[tilespmem:v1+s25+$0x60 ss:$0x1] =	vst.idx.msk $0xffff, v22  }
0x21a: {  	s1 =	sadd.s32 $0x1000, s1;
	s15 =	sadd.s32 $0x200, s15;
	v43 =	vor.u32 v9, v15;
	[tilespmem:v1+s0+$0x30 ss:$0x1] =	vst.idx.msk $0xffff, v30  }
0x21b: {  	s1 =	sand.u32 $0x6000, s1;
	s7 =	sadd.s32 $0xFFFFFF00, s15;
	v44 =	vld.idx.msk [tilespmem:v31+s18+$0x0], $0xffff;
	v46 =	vor.u32 v9, v14;
	[tilespmem:v1+s26+$0x30 ss:$0x1] =	vst.idx.msk $0xffff, v38  }
0x21c: {  	v48 =	vor.u32 v6, v11;
	s13 =	sadd.s32 $0xFFFFFE80, s15;
	s7 =	sand.u32 $0x280, s7;
	v45 =	vld.idx.msk [tilespmem:v36+s18+$0x0], $0xffff;
	[tilespmem:v1+s23+$0x70 ss:$0x1] =	vst.idx.msk $0xffff, v19;
	s23 =	sor.u32 $0x10800, s1  }
0x21d: {  	v57 =	vor.u32 v6, v2;
	s13 =	sand.u32 $0x200, s13;
	v49 =	vld.idx.msk [tilespmem:v41+s18+$0x0], $0xffff;
	[tilespmem:v1+s22+$0x30 ss:$0x1] =	vst.idx.msk $0xffff, v40;
	s29 =	sor.u32 s7, s23  }
0x21e: {  	v53 =	vor.u32 v5, v17;
	v47 =	vld.idx.msk [tilespmem:v37+s18+$0x0], $0xffff;
	s11 =	sor.u32 s13, s23;
	[tilespmem:v1+s29+$0x0 ss:$0x1] =	vst.idx.msk $0xffff, v51  }
0x21f: {  	v56 =	vor.u32 v5, v10;
	[tilespmem:v1+s11+$0x0 ss:$0x1] =	vst.idx.msk $0xffff, v18;
	v20 =	vld.idx.msk [tilespmem:v43+s18+$0x0], $0xffff  }
0x220: {  	v52 =	vor.u32 v5, v15;
	[tilespmem:v1+s10+$0x40 ss:$0x1] =	vst.idx.msk $0xffff, v44;
	v9 =	vld.idx.msk [tilespmem:v46+s18+$0x0], $0xffff  }
0x221: {  	v54 =	vor.u32 v5, v14;
	v55 =	vld.idx.msk [tilespmem:v48+s18+$0x0], $0xffff;
	[tilespmem:v1+s24+$0x70 ss:$0x1] =	vst.idx.msk $0xffff, v45  }
0x222: {  	v50 =	vor.u32 v8, v13;
	s28 =	sadd.s32 $0xFFFFFF80, s15;
	v28 =	vld.idx.msk [tilespmem:v57+s18+$0x0], $0xffff;
	s24 =	sand.u32 $0x380, s15;
	[tilespmem:v1+s25+$0x70 ss:$0x1] =	vst.idx.msk $0xffff, v49  }
0x223: {  	v59 =	vor.u32 v8, v3;
	s12 =	sand.u32 $0x300, s28;
	v19 =	vld.idx.msk [tilespmem:v53+s18+$0x0], $0xffff;
	[tilespmem:v1+s0+$0x40 ss:$0x1] =	vst.idx.msk $0xffff, v47;
	s1 =	sor.u32 s24, s23  }
0x224: {  	v61 =	vor.u32 v4, v17;
	s30 =	sor.u32 s12, s23;
	v5 =	vld.idx.msk [tilespmem:v56+s18+$0x0], $0xffff;
	[tilespmem:v1+s1+$0x0 ss:$0x1] =	vst.idx.msk $0xffff, v20  }
0x225: {  	v29 =	vor.u32 v4, v10;
	v23 =	vld.idx.msk [tilespmem:v52+s18+$0x0], $0xffff;
	[tilespmem:v1+s30+$0x0 ss:$0x1] =	vst.idx.msk $0xffff, v9  }
0x226: {  	v60 =	vor.u32 v4, v15;
	[tilespmem:v1+s26+$0x40 ss:$0x1] =	vst.idx.msk $0xffff, v55;
	v62 =	vld.idx.msk [tilespmem:v54+s18+$0x0], $0xffff  }
0x227: {  	v63 =	vor.u32 v4, v14;
	v58 =	vld.idx.msk [tilespmem:v50+s18+$0x0], $0xffff;
	[tilespmem:v1+s22+$0x40 ss:$0x1] =	vst.idx.msk $0xffff, v28  }
0x228: {  	v30 =	vor.u32 v12, v13;
	v20 =	vld.idx.msk [tilespmem:v59+s18+$0x0], $0xffff;
	[tilespmem:v1+s29+$0x10 ss:$0x1] =	vst.idx.msk $0xffff, v19  }
0x229: {  	v37 =	vor.u32 v8, v2;
	[tilespmem:v1+s11+$0x10 ss:$0x1] =	vst.idx.msk $0xffff, v5;
	v9 =	vld.idx.msk [tilespmem:v61+s18+$0x0], $0xffff  }
0x22a: {  	v33 =	vor.u32 v7, v17;
	v4 =	vld.idx.msk [tilespmem:v29+s18+$0x0], $0xffff;
	[tilespmem:v1+s1+$0x10 ss:$0x1] =	vst.idx.msk $0xffff, v23  }
0x22b: {  	v36 =	vor.u32 v7, v10;
	v21 =	vld.idx.msk [tilespmem:v60+s18+$0x0], $0xffff;
	[tilespmem:v1+s30+$0x10 ss:$0x1] =	vst.idx.msk $0xffff, v62  }
0x22c: {  	v32 =	vor.u32 v7, v15;
	[tilespmem:v1+s10+$0x50 ss:$0x1] =	vst.idx.msk $0xffff, v58;
	v18 =	vld.idx.msk [tilespmem:v63+s18+$0x0], $0xffff  }
0x22d: {  	v34 =	vor.u32 v7, v14;
	v35 =	vld.idx.msk [tilespmem:v30+s18+$0x0], $0xffff;
	[tilespmem:v1+s0+$0x50 ss:$0x1] =	vst.idx.msk $0xffff, v20  }
0x22e: {  	v31 =	vor.u32 v8, v11;
	v20 =	vld.idx.msk [tilespmem:v37+s18+$0x0], $0xffff;
	[tilespmem:v1+s29+$0x20 ss:$0x1] =	vst.idx.msk $0xffff, v9  }
0x22f: {  	v43 =	vor.u32 v12, v3;
	[tilespmem:v1+s11+$0x20 ss:$0x1] =	vst.idx.msk $0xffff, v4;
	v5 =	vld.idx.msk [tilespmem:v33+s18+$0x0], $0xffff  }
0x230: {  	v40 =	vor.u32 v6, v17;
	v7 =	vld.idx.msk [tilespmem:v36+s18+$0x0], $0xffff;
	[tilespmem:v1+s1+$0x20 ss:$0x1] =	vst.idx.msk $0xffff, v21  }
0x231: {  	v42 =	vor.u32 v6, v10;
	v19 =	vld.idx.msk [tilespmem:v32+s18+$0x0], $0xffff;
	[tilespmem:v1+s30+$0x20 ss:$0x1] =	vst.idx.msk $0xffff, v18  }
0x232: {  	v39 =	vor.u32 v6, v15;
	[tilespmem:v1+s10+$0x60 ss:$0x1] =	vst.idx.msk $0xffff, v35;
	v18 =	vld.idx.msk [tilespmem:v34+s18+$0x0], $0xffff  }
0x233: {  	v41 =	vor.u32 v6, v14;
	v23 =	vld.idx.msk [tilespmem:v31+s18+$0x0], $0xffff;
	[tilespmem:v1+s22+$0x50 ss:$0x1] =	vst.idx.msk $0xffff, v20  }
0x234: {  	v38 =	vor.u32 v16, v13;
	v48 =	vld.idx.msk [tilespmem:v43+s18+$0x0], $0xffff;
	[tilespmem:v1+s29+$0x30 ss:$0x1] =	vst.idx.msk $0xffff, v5  }
0x235: {  	v3 =	vor.u32 v16, v3;
	[tilespmem:v1+s11+$0x30 ss:$0x1] =	vst.idx.msk $0xffff, v7;
	v4 =	vld.idx.msk [tilespmem:v40+s18+$0x0], $0xffff  }
0x236: {  	v46 =	vor.u32 v8, v17;
	v6 =	vld.idx.msk [tilespmem:v42+s18+$0x0], $0xffff;
	[tilespmem:v1+s1+$0x30 ss:$0x1] =	vst.idx.msk $0xffff, v19  }
0x237: {  	v49 =	vor.u32 v8, v10;
	v9 =	vld.idx.msk [tilespmem:v39+s18+$0x0], $0xffff;
	[tilespmem:v1+s30+$0x30 ss:$0x1] =	vst.idx.msk $0xffff, v18  }
0x238: {  	v45 =	vor.u32 v8, v15;
	[tilespmem:v1+s26+$0x50 ss:$0x1] =	vst.idx.msk $0xffff, v23;
	v18 =	vld.idx.msk [tilespmem:v41+s18+$0x0], $0xffff  }
0x239: {  	v47 =	vor.u32 v8, v14;
	v13 =	vld.idx.msk [tilespmem:v38+s18+$0x0], $0xffff;
	[tilespmem:v1+s0+$0x60 ss:$0x1] =	vst.idx.msk $0xffff, v48  }
0x23a: {  	v50 =	vor.u32 v12, v2;
	v3 =	vld.idx.msk [tilespmem:v3+s18+$0x0], $0xffff;
	[tilespmem:v1+s29+$0x40 ss:$0x1] =	vst.idx.msk $0xffff, v4  }
0x23b: {  	v44 =	vor.u32 v12, v11;
	[tilespmem:v1+s11+$0x40 ss:$0x1] =	vst.idx.msk $0xffff, v6;
	v4 =	vld.idx.msk [tilespmem:v46+s18+$0x0], $0xffff  }
0x23c: {  	v53 =	vor.u32 v12, v17;
	v6 =	vld.idx.msk [tilespmem:v49+s18+$0x0], $0xffff;
	[tilespmem:v1+s1+$0x40 ss:$0x1] =	vst.idx.msk $0xffff, v9  }
0x23d: {  	v55 =	vor.u32 v12, v10;
	v5 =	vld.idx.msk [tilespmem:v45+s18+$0x0], $0xffff;
	[tilespmem:v1+s30+$0x40 ss:$0x1] =	vst.idx.msk $0xffff, v18  }
0x23e: {  	v51 =	vor.u32 v12, v15;
	[tilespmem:v1+s10+$0x70 ss:$0x1] =	vst.idx.msk $0xffff, v13;
	v52 =	vld.idx.msk [tilespmem:v47+s18+$0x0], $0xffff  }
0x23f: {  	v54 =	vor.u32 v12, v14;
	v13 =	vld.idx.msk [tilespmem:v50+s18+$0x0], $0xffff;
	[tilespmem:v1+s0+$0x70 ss:$0x1] =	vst.idx.msk $0xffff, v3  }
0x240: {  	v2 =	vor.u32 v16, v2;
	v19 =	vld.idx.msk [tilespmem:v44+s18+$0x0], $0xffff;
	[tilespmem:v1+s29+$0x50 ss:$0x1] =	vst.idx.msk $0xffff, v4  }
0x241: {  	v56 =	vor.u32 v16, v11;
	[tilespmem:v1+s11+$0x50 ss:$0x1] =	vst.idx.msk $0xffff, v6;
	v58 =	vld.idx.msk [tilespmem:v53+s18+$0x0], $0xffff  }
0x242: {  	v59 =	vor.u32 v16, v17;
	v60 =	vld.idx.msk [tilespmem:v55+s18+$0x0], $0xffff;
	[tilespmem:v1+s1+$0x50 ss:$0x1] =	vst.idx.msk $0xffff, v5  }
0x243: {  	v3 =	vor.u32 v16, v10;
	v5 =	vld.idx.msk [tilespmem:v51+s18+$0x0], $0xffff;
	[tilespmem:v1+s30+$0x50 ss:$0x1] =	vst.idx.msk $0xffff, v52  }
0x244: {  	v57 =	vor.u32 v16, v15;
	[tilespmem:v1+s22+$0x60 ss:$0x1] =	vst.idx.msk $0xffff, v13;
	v8 =	vld.idx.msk [tilespmem:v54+s18+$0x0], $0xffff  }
0x245: {  	v61 =	vor.u32 v16, v14;
	v2 =	vld.idx.msk [tilespmem:v2+s18+$0x0], $0xffff;
	[tilespmem:v1+s26+$0x60 ss:$0x1] =	vst.idx.msk $0xffff, v19  }
0x246: {  	v11 =	vld.idx.msk [tilespmem:v56+s18+$0x0], $0xffff;
	[tilespmem:v1+s29+$0x60 ss:$0x1] =	vst.idx.msk $0xffff, v58  }
0x247: {  	[tilespmem:v1+s11+$0x60 ss:$0x1] =	vst.idx.msk $0xffff, v60;
	v62 =	vld.idx.msk [tilespmem:v59+s18+$0x0], $0xffff  }
0x248: {  	v3 =	vld.idx.msk [tilespmem:v3+s18+$0x0], $0xffff;
	[tilespmem:v1+s1+$0x60 ss:$0x1] =	vst.idx.msk $0xffff, v5  }
0x249: {  	s21 =	sadd.s32 $0x1, s21;
	v4 =	vld.idx.msk [tilespmem:v57+s18+$0x0], $0xffff;
	[tilespmem:v1+s30+$0x60 ss:$0x1] =	vst.idx.msk $0xffff, v8  }
0x24a: {  	p0 =	sne.s32 s21, $0x8;
	[tilespmem:v1+s22+$0x70 ss:$0x1] =	vst.idx.msk $0xffff, v2;
	v63 =	vld.idx.msk [tilespmem:v61+s18+$0x0], $0xffff  }
.Ltmp6:
0x24b: {  	[tilespmem:v1+s26+$0x70 ss:$0x1] =	vst.idx.msk $0xffff, v11;
	(pc) =	sbr.rel @p0 .LBB2_12-.Ltmp6, $4  }
0x24c: {  	[tilespmem:v1+s29+$0x70 ss:$0x1] =	vst.idx.msk $0xffff, v62  }
0x24d: {  	[tilespmem:v1+s11+$0x70 ss:$0x1] =	vst.idx.msk $0xffff, v3  }
0x24e: {  	[tilespmem:v1+s1+$0x70 ss:$0x1] =	vst.idx.msk $0xffff, v4  }
0x24f: {  	[tilespmem:v1+s30+$0x70 ss:$0x1] =	vst.idx.msk $0xffff, v63  }
0x250: {  	s0 =	rddreg [dreg:$0x6]  }
0x251: {  	[hbm4b:s0+s3] =	stream.linear.scatter [tilespmem:s31], [sflag:$0x3], $0x2000, $0x38;
	[tilespmem:$0x18800] =	vst v63  }
0x252: {  	s24 =	rddreg [dreg:$0x7];
	s1 =	simm.s32 $0x12800  }
0x253: {  	[hbm4b:s24+s3] =	stream.linear.scatter [tilespmem:s1], [sflag:$0x3], $0x2000, $0x38;
	[tilespmem:$0x18800] =	vst v63  }
0x254: {  	s25 =	rddreg [dreg:$0x8];
	s26 =	simm.s32 $0x14800  }
0x255: {  	[hbm4b:s25+s3] =	stream.linear.scatter [tilespmem:s26], [sflag:$0x3], $0x2000, $0x38;
	[tilespmem:$0x18800] =	vst v63  }
0x256: {  	s28 =	rddreg [dreg:$0x9];
	s29 =	simm.s32 $0x16800  }
0x257: {  	[hbm4b:s28+s3] =	stream.linear.scatter [tilespmem:s29], [sflag:$0x3], $0x2000, $0x38;
	[tilespmem:$0x18800] =	vst v63  }
0x258: {  	_ =	swait.ge [sflag:s19], $0x8000  }
0x259: {  	s30 =	rddreg [dreg:$0xb]  }
0x25a: {  	s31 =	rddreg [dreg:$0xa];
	s1 =	sadd.s32 $0x1, s30  }
0x25b: {  	p0 =	sne.s32 s1, s31  }
.Ltmp7:
0x25c: {  	_ = 	snop;
	(pc) =	sbr.rel @p0 .LBB2_1-.Ltmp7, $3  }
0x25d: {  	_ =	sdelay $0x1  }
0x25e: {  	[sflag:s19] =	ssyncset.done $0x0  }
0x25f: {  	[sflag:s19] =	ssyncadd.s32 $0xFFFF8000  }
0x260: {  	_ =	sfence.sel $0x180000  }
0x261: {  	[bflag:$0x0] =	sbarrier.arrive $0xFFFF  }
0x262: {  	_ =	strace $0x9000004A  }
0x263: {  	s0 =	stileid.u32;
	[bflag:$0x2] =	sbarrier.arrive $0xFFFF  }
0x264: {  	p0 =	sne.s32 s0, $0x0;
	s0 =	rddreg [dreg:$0x2]  }
0x265: {  	s0 =	sadd.s32 @!p0 $0x100000, s0  }
0x266: {  	[sflag:s0] =	ssyncadd.tile.s32 @!p0 $0x1;
	_ =	shalt  }
.Lfunc_end2:
_tile_overlayer_lowered:
.L_overlay_start_2:
0x267: {  	(tag) =	ssettag $0x2  }
0x268: {  	s0 =	rddreg [dreg:$0x0];
	s2 =	stileid.u32  }
0x269: {  	s1 =	rddreg [dreg:$0x1];
	p0 =	sne.s32 s2, $0x0  }
0x26a: {  	s3 =	rddreg [dreg:$0x2];
	[bflag:$0x3] =	sbarrier.arrive $0xFFFF;
	s2 =	simm.s32 @!p0 $0x1C04  }
0x26b: {  	[timem:s3], [sflag:s2] =	dma.local @!p0 [hbm:s0], s1  }
0x26c: {  	s0 =	simm.s32 @!p0 $0x4  }
0x26d: {  	_ =	swait.ge @!p0 [sflag:s0], s1  }
0x26e: {  	s1 =	ssub.s32 @!p0 $0x0, s1;
	[sflag:s0] =	ssyncset.done @!p0 $0x0  }
0x26f: {  	[sflag:s0] =	ssyncadd.s32 @!p0 s1  }
0x270: {  	[bflag:$0x3] =	sbarrier.arrive $0xFFFF  }
0x271: {  	_ =	shalt  }

</sc_bundles>
